<compile_context>
chip_gen: v7x
topology: tpu7x:2x2x1
jax: 0.10.2.dev20260603
libtpu: 0.0.44.dev20260713+nightly
codegen_flags: <defaults>
</compile_context>

<pallas_src>
import functools

import jax
import jax.numpy as jnp
from jax import lax
from jax.experimental import pallas as pl
from jax.experimental.pallas import tpu as pltpu
from jax.experimental.pallas import tpu_sc as plsc

N = 50000
E = 800000
H = 64
G = 64

N_PAD = 51200
E_W = 25088
E_PAD = 32 * E_W
C = 3584
DUMMY = N_PAD - 1
U = 8

_mesh = plsc.VectorSubcoreMesh(core_axis_name="c", subcore_axis_name="s")
_sc_params = pltpu.CompilerParams(needs_layout_passes=False)
_f32 = jnp.float32


def _zero_acc(acc_v):
    z = jnp.zeros((16,), _f32)

    @plsc.parallel_loop(0, N_PAD, step=16, unroll=8)
    def _(i):
        acc_v[pl.ds(i, 16)] = z


def _edge_sweep(src_v, dst_v, tab_v, acc_v, slot, nvec):
    @plsc.parallel_loop(0, nvec * 16, step=16, unroll=U)
    def _(off):
        d = dst_v[slot, pl.ds(off, 16)]
        if tab_v is None:
            v = jnp.ones((16,), _f32)
        else:
            s = src_v[slot, pl.ds(off, 16)]
            v = plsc.load_gather(tab_v, [s])
        plsc.addupdate_scatter(acc_v, [d], v)


@functools.partial(
    pl.kernel,
    out_type=jax.ShapeDtypeStruct((32, N_PAD), _f32),
    mesh=_mesh,
    compiler_params=_sc_params,
    scratch_types=[
        pltpu.VMEM((2, C), jnp.int32),
        pltpu.VMEM((N_PAD,), _f32),
        pltpu.SemaphoreType.DMA,
        pltpu.SemaphoreType.DMA,
    ],
)
def _sc_deg(dst_hbm, out_hbm, dst_v, acc_v, sem0, sem1):
    cid = lax.axis_index("c")
    sid = lax.axis_index("s")
    wid = cid * 16 + sid
    base = wid * E_W
    sems = (sem0, sem1)

    def fire(k):
        b = k % 2
        return pltpu.async_copy(
            dst_hbm.at[pl.ds(base + k * C, C)], dst_v.at[b], sems[b])

    nch = E_W // C
    h = fire(0)
    _zero_acc(acc_v)
    for k in range(nch):
        nh = fire(k + 1) if k + 1 < nch else None
        h.wait()
        _edge_sweep(None, dst_v, None, acc_v, k % 2, C // 16)
        h = nh
    pltpu.sync_copy(acc_v, out_hbm.at[wid])


def _mk_gather_pass(split_channels):
    def body(*refs):
        src_hbm, dst_hbm, t0_hbm, out_hbm = refs[:4]
        tab_v, src_v, dst_v, acc_v, sem_t, ss0, ss1, sd0, sd1 = refs[4:]
        cid = lax.axis_index("c")
        sid = lax.axis_index("s")
        wid = cid * 16 + sid
        if split_channels:
            ew = E_PAD // 16
            base = sid * ew
        else:
            ew = E_W
            base = wid * ew
        ssem = (ss0, ss1)
        dsem = (sd0, sd1)

        def fire(k):
            b = k % 2
            return (
                pltpu.async_copy(
                    src_hbm.at[pl.ds(base + k * C, C)], src_v.at[b], ssem[b]),
                pltpu.async_copy(
                    dst_hbm.at[pl.ds(base + k * C, C)], dst_v.at[b], dsem[b]),
            )

        nch = ew // C
        h = fire(0)
        if split_channels:
            th = pltpu.async_copy(t0_hbm.at[cid], tab_v, sem_t)
        else:
            th = pltpu.async_copy(t0_hbm, tab_v, sem_t)
        _zero_acc(acc_v)
        th.wait()
        for k in range(nch):
            nh = fire(k + 1) if k + 1 < nch else None
            h[0].wait()
            h[1].wait()
            _edge_sweep(src_v, dst_v, tab_v, acc_v, k % 2, C // 16)
            h = nh
        pltpu.sync_copy(acc_v, out_hbm.at[wid])

    return pl.kernel(
        body,
        out_type=jax.ShapeDtypeStruct((32, N_PAD), _f32),
        mesh=_mesh,
        compiler_params=_sc_params,
        scratch_types=[
            pltpu.VMEM((N_PAD,), _f32),
            pltpu.VMEM((2, C), jnp.int32),
            pltpu.VMEM((2, C), jnp.int32),
            pltpu.VMEM((N_PAD,), _f32),
            pltpu.SemaphoreType.DMA,
            pltpu.SemaphoreType.DMA,
            pltpu.SemaphoreType.DMA,
            pltpu.SemaphoreType.DMA,
            pltpu.SemaphoreType.DMA,
        ],
    )


_sc_s1 = _mk_gather_pass(split_channels=False)
_sc_spq = _mk_gather_pass(split_channels=True)


def _prep1_body(degp_ref, x_ref, dinv_ref, a0_ref):
    deg = jnp.sum(degp_ref[...], axis=0, keepdims=True) + 1.0
    dinv = lax.rsqrt(deg)
    dinv_ref[...] = dinv
    a0_ref[...] = x_ref[...] * dinv


def _prep2_body(s1p_ref, dinv_ref, a0_ref, ap_ref, aq_ref):
    s1 = jnp.sum(s1p_ref[...], axis=0, keepdims=True)
    dinv = dinv_ref[...]
    c1 = dinv * s1 + dinv * a0_ref[...]
    ap_ref[...] = dinv * jnp.maximum(c1, 0.0)
    aq_ref[...] = dinv * jnp.maximum(-c1, 0.0)


_B = N_PAD // 8


def _final_body(pqp_ref, dinv_ref, ap_ref, aq_ref, batch_ref, w1_ref, w2_ref,
                b2_ref, fc1w_ref, fc1b_ref, fc2w_ref, fc2b_ref, out_ref, acc):
    i = pl.program_id(0)

    @pl.when(i == 0)
    def _():
        acc[...] = jnp.zeros_like(acc)

    pq = pqp_ref[...]
    sp = jnp.sum(pq[0:16], axis=0, keepdims=True)
    sq = jnp.sum(pq[16:32], axis=0, keepdims=True)
    dinv = dinv_ref[...]
    alpha = dinv * sp + dinv * ap_ref[...]
    beta = dinv * sq + dinv * aq_ref[...]
    a2 = jnp.concatenate([alpha, beta], axis=0)
    w1 = w1_ref[...]
    ustk = jnp.concatenate(
        [jnp.maximum(w1, 0.0), jnp.maximum(-w1, 0.0)], axis=0) @ w2_ref[...]
    h2 = lax.dot_general(a2, ustk, (((0,), (0,)), ((), ())),
                         preferred_element_type=_f32)
    h2 = jnp.maximum(h2 + b2_ref[...], 0.0)
    bb = batch_ref[...]
    ot = (lax.broadcasted_iota(jnp.int32, (64, _B), 0) == bb).astype(_f32)
    h2a = jnp.concatenate([h2, jnp.ones((_B, 64), _f32)], axis=1)
    acc[...] += lax.dot_general(ot.astype(jnp.bfloat16), h2a.astype(jnp.bfloat16),
                                (((1,), (0,)), ((), ())),
                                preferred_element_type=_f32)

    @pl.when(i == pl.num_programs(0) - 1)
    def _():
        sums = acc[:, 0:64]
        counts = acc[:, 64:65]
        pooled = sums / jnp.maximum(counts, 1.0)
        z = jnp.maximum(pooled @ fc1w_ref[...] + fc1b_ref[...], 0.0)
        res = z @ fc2w_ref[...] + fc2b_ref[...]
        out_ref[...] = jnp.broadcast_to(res, (64, 128))


def kernel(x, edge_index, edge_attr, batch, W1, b1, W2, b2,
           fc1_w, fc1_b, fc2_w, fc2_b):
    del edge_attr, b1
    src = edge_index[0].astype(jnp.int32)
    dst = edge_index[1].astype(jnp.int32)
    pad_e = jnp.full((E_PAD - E,), DUMMY, dtype=jnp.int32)
    src_p = jnp.concatenate([src, pad_e])
    dst_p = jnp.concatenate([dst, pad_e])
    x_p = jnp.concatenate([x[:, 0], jnp.zeros((N_PAD - N,), _f32)])
    batch_p = jnp.concatenate(
        [batch.astype(jnp.int32), jnp.full((N_PAD - N,), G, jnp.int32)]
    ).reshape(1, N_PAD)

    degp = _sc_deg(dst_p)

    dinv, a0 = pl.pallas_call(
        _prep1_body,
        out_shape=(jax.ShapeDtypeStruct((1, N_PAD), _f32),
                   jax.ShapeDtypeStruct((1, N_PAD), _f32)),
    )(degp, x_p.reshape(1, N_PAD))

    s1p = _sc_s1(src_p, dst_p, a0.reshape(N_PAD))

    ap, aq = pl.pallas_call(
        _prep2_body,
        out_shape=(jax.ShapeDtypeStruct((1, N_PAD), _f32),
                   jax.ShapeDtypeStruct((1, N_PAD), _f32)),
    )(s1p, dinv, a0)

    apq = jnp.concatenate([ap, aq], axis=0)
    pqp = _sc_spq(src_p, dst_p, apq)

    nb = N_PAD // _B
    out128 = pl.pallas_call(
        _final_body,
        grid=(nb,),
        in_specs=[
            pl.BlockSpec((32, _B), lambda i: (0, i)),
            pl.BlockSpec((1, _B), lambda i: (0, i)),
            pl.BlockSpec((1, _B), lambda i: (0, i)),
            pl.BlockSpec((1, _B), lambda i: (0, i)),
            pl.BlockSpec((1, _B), lambda i: (0, i)),
            pl.BlockSpec((1, H), lambda i: (0, 0)),
            pl.BlockSpec((H, H), lambda i: (0, 0)),
            pl.BlockSpec((1, H), lambda i: (0, 0)),
            pl.BlockSpec((H, 32), lambda i: (0, 0)),
            pl.BlockSpec((1, 32), lambda i: (0, 0)),
            pl.BlockSpec((32, 1), lambda i: (0, 0)),
            pl.BlockSpec((1, 1), lambda i: (0, 0)),
        ],
        out_specs=pl.BlockSpec((64, 128), lambda i: (0, 0)),
        out_shape=jax.ShapeDtypeStruct((64, 128), _f32),
        scratch_shapes=[pltpu.VMEM((64, 128), _f32)],
    )(pqp, dinv, ap, aq, batch_p, W1, W2, b2.reshape(1, H),
      fc1_w, fc1_b.reshape(1, 32), fc2_w, fc2_b.reshape(1, 1))

    return out128[:, 0]

# --- scband reference (transcript-rebuilt; emitter-appended) ---
"""Pipeline reference for scband-gnnmodel-68083821576362 (READ-ONLY COPY).

The authoritative reference and input builder live on the scoring server;
editing this copy changes nothing except your own understanding.
"""

import jax, jax.numpy as jnp
import numpy as np

N_NODES = 50000
N_EDGES = 800000
HIDDEN = 64
NUM_GRAPHS = 64


def gcn_conv(x, W, b, src, dst, num_nodes):
    # x' = D^{-1/2} (A + I) D^{-1/2} (x W) + b  (PyG GCNConv default)
    h = x @ W
    loop = jnp.arange(num_nodes, dtype=src.dtype)
    src2 = jnp.concatenate([src, loop])
    dst2 = jnp.concatenate([dst, loop])
    deg = jnp.zeros((num_nodes,), dtype=h.dtype).at[dst2].add(1.0)
    dinv = 1.0 / jnp.sqrt(jnp.clip(deg, 1.0))
    norm = dinv[src2] * dinv[dst2]
    msg = h[src2] * norm[:, None]
    out = jax.ops.segment_sum(msg, dst2, num_segments=num_nodes)
    return out + b


def setup_inputs(seed: int = 0) -> dict:
    key = jax.random.key(seed)
    ks = jax.random.split(key, 12)
    x = jax.random.normal(ks[0], (N_NODES, 1), dtype=jnp.float32)
    edge_index = jax.random.randint(ks[1], (2, N_EDGES), 0, N_NODES, dtype=jnp.int64) if jax.config.read('jax_enable_x64') else jax.random.randint(ks[1], (2, N_EDGES), 0, N_NODES, dtype=jnp.int32)
    edge_attr = jax.random.normal(ks[2], (N_EDGES, 4), dtype=jnp.float32)
    batch = jnp.sort(jax.random.randint(ks[3], (N_NODES,), 0, NUM_GRAPHS))
    s1 = 1.0 / np.sqrt(1.0)
    W1 = jax.random.uniform(ks[4], (1, HIDDEN), minval=-s1, maxval=s1, dtype=jnp.float32)
    b1 = jnp.zeros((HIDDEN,), dtype=jnp.float32)
    s2 = 1.0 / np.sqrt(HIDDEN)
    W2 = jax.random.uniform(ks[5], (HIDDEN, HIDDEN), minval=-s2, maxval=s2, dtype=jnp.float32)
    b2 = jnp.zeros((HIDDEN,), dtype=jnp.float32)
    fc1_w = jax.random.uniform(ks[6], (HIDDEN, 32), minval=-s2, maxval=s2, dtype=jnp.float32)
    fc1_b = jax.random.uniform(ks[7], (32,), minval=-s2, maxval=s2, dtype=jnp.float32)
    s3 = 1.0 / np.sqrt(32.0)
    fc2_w = jax.random.uniform(ks[8], (32, 1), minval=-s3, maxval=s3, dtype=jnp.float32)
    fc2_b = jax.random.uniform(ks[9], (1,), minval=-s3, maxval=s3, dtype=jnp.float32)
    return {"x": x, "edge_index": edge_index, "edge_attr": edge_attr, "batch": batch,
            "W1": W1, "b1": b1, "W2": W2, "b2": b2,
            "fc1_w": fc1_w, "fc1_b": fc1_b, "fc2_w": fc2_w, "fc2_b": fc2_b}


def reference(x, edge_index, edge_attr, batch, W1, b1, W2, b2, fc1_w, fc1_b, fc2_w, fc2_b):
    src, dst = edge_index[0], edge_index[1]
    h = gcn_conv(x, W1, b1, src, dst, N_NODES)
    h = jax.nn.relu(h)
    h = gcn_conv(h, W2, b2, src, dst, N_NODES)
    h = jax.nn.relu(h)
    # global_mean_pool over batch ids
    sums = jax.ops.segment_sum(h, batch, num_segments=NUM_GRAPHS)
    counts = jax.ops.segment_sum(jnp.ones((N_NODES,), dtype=h.dtype), batch, num_segments=NUM_GRAPHS)
    pooled = sums / jnp.clip(counts, 1.0)[:, None]
    out = jax.nn.relu(pooled @ fc1_w + fc1_b)
    out = out @ fc2_w + fc2_b
    return out.reshape(-1)

if __name__ == "__main__":
    import jax
    _d = setup_inputs()
    print(jax.jit(kernel)(*tuple(_d.values())))

</pallas_src>

<mosaic_0001>
#map = affine_map<(d0, d1) -> (0)>
#map1 = affine_map<(d0, d1) -> (0, 0)>
module attributes {stable_mosaic.version = 14 : i64} {
  func.func @body(%arg0: i32, %arg1: i32, %arg2: memref<802816xi32, #tpu.memory_space<hbm>>, %arg3: memref<802816xi32, #tpu.memory_space<hbm>>, %arg4: memref<2x51200xf32, #tpu.memory_space<hbm>>, %arg5: memref<32x51200xf32, #tpu.memory_space<hbm>>, %arg6: memref<51200xf32, #tpu.memory_space<vmem>>, %arg7: memref<2x3584xi32, #tpu.memory_space<vmem>>, %arg8: memref<2x3584xi32, #tpu.memory_space<vmem>>, %arg9: memref<51200xf32, #tpu.memory_space<vmem>>, %arg10: memref<!tpu.dma_semaphore, #tpu.memory_space<semaphore_mem>>, %arg11: memref<!tpu.dma_semaphore, #tpu.memory_space<semaphore_mem>>, %arg12: memref<!tpu.dma_semaphore, #tpu.memory_space<semaphore_mem>>, %arg13: memref<!tpu.dma_semaphore, #tpu.memory_space<semaphore_mem>>, %arg14: memref<!tpu.dma_semaphore, #tpu.memory_space<semaphore_mem>>) attributes {dimension_semantics = [#tpu.dimension_semantics<core_parallel>, #tpu.dimension_semantics<subcore_parallel>], iteration_bounds = array<i64: 2, 16>, scalar_prefetch = 0 : i64, scratch_operands = 9 : i64, tpu.core_type = #tpu.core_type<sc_vector_subcore>, window_params = [{transform_indices = #map}, {transform_indices = #map}, {transform_indices = #map1}, {transform_indices = #map1}]} {
    %mul3A = arith.constant 16 : i32
    %mul3A_0 = arith.muli %arg0, %mul3A : i32
    %add3A = arith.addi %mul3A_0, %arg1 : i32
    %mul3A_1 = arith.constant 50176 : i32
    %mul3A_2 = arith.muli %arg1, %mul3A_1 : i32
    %add3A_3 = arith.constant 0 : i32
    %add3A_4 = arith.addi %mul3A_2, %add3A_3 : i32
    %dma_start3A = arith.constant 0 : i32
    %dma_start3A_5 = arith.constant 0 : i32
    %dma_start3A_6 = tpu.memref_slice %arg7[%dma_start3A, %dma_start3A_5] : memref<2x3584xi32, #tpu.memory_space<vmem>> -> memref<1x3584xi32, #tpu.memory_space<vmem>>
    %dma_start3A_7 = tpu.memref_squeeze %dma_start3A_6 : memref<1x3584xi32, #tpu.memory_space<vmem>> -> memref<3584xi32, #tpu.memory_space<vmem>>
    %dma_start3A_8 = tpu.memref_slice %arg2[%add3A_4] : memref<802816xi32, #tpu.memory_space<hbm>> -> memref<3584xi32, #tpu.memory_space<hbm>>
    %dma_start3A_9 = arith.constant 0 : i32
    %dma_start3A_10 = tpu.memref_slice %arg7[%dma_start3A, %dma_start3A_9] : memref<2x3584xi32, #tpu.memory_space<vmem>> -> memref<1x3584xi32, #tpu.memory_space<vmem>>
    %dma_start3A_11 = tpu.memref_squeeze %dma_start3A_10 : memref<1x3584xi32, #tpu.memory_space<vmem>> -> memref<3584xi32, #tpu.memory_space<vmem>>
    %dma_start3A_12 = tpu.memref_slice %arg2[%add3A_4] : memref<802816xi32, #tpu.memory_space<hbm>> -> memref<3584xi32, #tpu.memory_space<hbm>>
    tpu.enqueue_dma source(%dma_start3A_12 : memref<3584xi32, #tpu.memory_space<hbm>>) target(%dma_start3A_11 : memref<3584xi32, #tpu.memory_space<vmem>>) target_semaphore(%arg11 : memref<!tpu.dma_semaphore, #tpu.memory_space<semaphore_mem>>)
    %add3A_13 = arith.constant 0 : i32
    %add3A_14 = arith.addi %mul3A_2, %add3A_13 : i32
    %dma_start3A_15 = arith.constant 0 : i32
    %dma_start3A_16 = arith.constant 0 : i32
    %dma_start3A_17 = tpu.memref_slice %arg8[%dma_start3A_15, %dma_start3A_16] : memref<2x3584xi32, #tpu.memory_space<vmem>> -> memref<1x3584xi32, #tpu.memory_space<vmem>>
    %dma_start3A_18 = tpu.memref_squeeze %dma_start3A_17 : memref<1x3584xi32, #tpu.memory_space<vmem>> -> memref<3584xi32, #tpu.memory_space<vmem>>
    %dma_start3A_19 = tpu.memref_slice %arg3[%add3A_14] : memref<802816xi32, #tpu.memory_space<hbm>> -> memref<3584xi32, #tpu.memory_space<hbm>>
    %dma_start3A_20 = arith.constant 0 : i32
    %dma_start3A_21 = tpu.memref_slice %arg8[%dma_start3A_15, %dma_start3A_20] : memref<2x3584xi32, #tpu.memory_space<vmem>> -> memref<1x3584xi32, #tpu.memory_space<vmem>>
    %dma_start3A_22 = tpu.memref_squeeze %dma_start3A_21 : memref<1x3584xi32, #tpu.memory_space<vmem>> -> memref<3584xi32, #tpu.memory_space<vmem>>
    %dma_start3A_23 = tpu.memref_slice %arg3[%add3A_14] : memref<802816xi32, #tpu.memory_space<hbm>> -> memref<3584xi32, #tpu.memory_space<hbm>>
    tpu.enqueue_dma source(%dma_start3A_23 : memref<3584xi32, #tpu.memory_space<hbm>>) target(%dma_start3A_22 : memref<3584xi32, #tpu.memory_space<vmem>>) target_semaphore(%arg13 : memref<!tpu.dma_semaphore, #tpu.memory_space<semaphore_mem>>)
    %dma_start3A_24 = arith.constant 0 : i32
    %dma_start3A_25 = tpu.memref_slice %arg4[%arg0, %dma_start3A_24] : memref<2x51200xf32, #tpu.memory_space<hbm>> -> memref<1x51200xf32, #tpu.memory_space<hbm>>
    %dma_start3A_26 = tpu.memref_squeeze %dma_start3A_25 : memref<1x51200xf32, #tpu.memory_space<hbm>> -> memref<51200xf32, #tpu.memory_space<hbm>>
    %dma_start3A_27 = arith.constant 0 : i32
    %dma_start3A_28 = tpu.memref_slice %arg4[%arg0, %dma_start3A_27] : memref<2x51200xf32, #tpu.memory_space<hbm>> -> memref<1x51200xf32, #tpu.memory_space<hbm>>
    %dma_start3A_29 = tpu.memref_squeeze %dma_start3A_28 : memref<1x51200xf32, #tpu.memory_space<hbm>> -> memref<51200xf32, #tpu.memory_space<hbm>>
    tpu.enqueue_dma source(%dma_start3A_29 : memref<51200xf32, #tpu.memory_space<hbm>>) target(%arg6 : memref<51200xf32, #tpu.memory_space<vmem>>) target_semaphore(%arg10 : memref<!tpu.dma_semaphore, #tpu.memory_space<semaphore_mem>>)
    %broadcast_in_dim3A = arith.constant 0.000000e+00 : f32
    %broadcast_in_dim3A_30 = vector.broadcast %broadcast_in_dim3A : f32 to vector<16xf32>
    %parallel_loop3A = arith.constant 0 : i32
    %parallel_loop3A_31 = arith.constant 51200 : i32
    %parallel_loop3A_32 = arith.constant 16 : i32
    scf.for %parallel_loop3A_618 = %parallel_loop3A to %parallel_loop3A_31 step %parallel_loop3A_32  : i32 {
      %parallel_loop3A_619 = arith.index_cast %parallel_loop3A_618 : i32 to index
      %parallel_loop3A_620 = tpu.vector_load %arg9[%parallel_loop3A_619] {strides = array<i32>} : memref<51200xf32, #tpu.memory_space<vmem>>, vector<16xf32>,
      tpu.vector_store %arg9[%parallel_loop3A_619], %broadcast_in_dim3A_30 {strides = array<i32>} : memref<51200xf32, #tpu.memory_space<vmem>>, vector<16xf32>,
    } {sc.loop_unroll_factor = 8 : i64, sc.parallel_access}
    %dma_wait3A = arith.constant 0 : i32
    %dma_wait3A_33 = tpu.memref_slice %arg4[%arg0, %dma_wait3A] : memref<2x51200xf32, #tpu.memory_space<hbm>> -> memref<1x51200xf32, #tpu.memory_space<hbm>>
    %dma_wait3A_34 = tpu.memref_squeeze %dma_wait3A_33 : memref<1x51200xf32, #tpu.memory_space<hbm>> -> memref<51200xf32, #tpu.memory_space<hbm>>
    %dma_wait3A_35 = arith.constant 0 : i32
    %dma_wait3A_36 = tpu.memref_slice %arg4[%arg0, %dma_wait3A_35] : memref<2x51200xf32, #tpu.memory_space<hbm>> -> memref<1x51200xf32, #tpu.memory_space<hbm>>
    %dma_wait3A_37 = tpu.memref_squeeze %dma_wait3A_36 : memref<1x51200xf32, #tpu.memory_space<hbm>> -> memref<51200xf32, #tpu.memory_space<hbm>>
    tpu.wait_dma2 semaphore(%arg10 : memref<!tpu.dma_semaphore, #tpu.memory_space<semaphore_mem>>) src(%dma_wait3A_37 : memref<51200xf32, #tpu.memory_space<hbm>>) dst(%arg6 : memref<51200xf32, #tpu.memory_space<vmem>>)
    %add3A_38 = arith.constant 3584 : i32
    %add3A_39 = arith.addi %mul3A_2, %add3A_38 : i32
    %dma_start3A_40 = arith.constant 1 : i32
    %dma_start3A_41 = arith.constant 0 : i32
    %dma_start3A_42 = tpu.memref_slice %arg7[%dma_start3A_40, %dma_start3A_41] : memref<2x3584xi32, #tpu.memory_space<vmem>> -> memref<1x3584xi32, #tpu.memory_space<vmem>>
    %dma_start3A_43 = tpu.memref_squeeze %dma_start3A_42 : memref<1x3584xi32, #tpu.memory_space<vmem>> -> memref<3584xi32, #tpu.memory_space<vmem>>
    %dma_start3A_44 = tpu.memref_slice %arg2[%add3A_39] : memref<802816xi32, #tpu.memory_space<hbm>> -> memref<3584xi32, #tpu.memory_space<hbm>>
    %dma_start3A_45 = arith.constant 0 : i32
    %dma_start3A_46 = tpu.memref_slice %arg7[%dma_start3A_40, %dma_start3A_45] : memref<2x3584xi32, #tpu.memory_space<vmem>> -> memref<1x3584xi32, #tpu.memory_space<vmem>>
    %dma_start3A_47 = tpu.memref_squeeze %dma_start3A_46 : memref<1x3584xi32, #tpu.memory_space<vmem>> -> memref<3584xi32, #tpu.memory_space<vmem>>
    %dma_start3A_48 = tpu.memref_slice %arg2[%add3A_39] : memref<802816xi32, #tpu.memory_space<hbm>> -> memref<3584xi32, #tpu.memory_space<hbm>>
    tpu.enqueue_dma source(%dma_start3A_48 : memref<3584xi32, #tpu.memory_space<hbm>>) target(%dma_start3A_47 : memref<3584xi32, #tpu.memory_space<vmem>>) target_semaphore(%arg12 : memref<!tpu.dma_semaphore, #tpu.memory_space<semaphore_mem>>)
    %add3A_49 = arith.constant 3584 : i32
    %add3A_50 = arith.addi %mul3A_2, %add3A_49 : i32
    %dma_start3A_51 = arith.constant 1 : i32
    %dma_start3A_52 = arith.constant 0 : i32
    %dma_start3A_53 = tpu.memref_slice %arg8[%dma_start3A_51, %dma_start3A_52] : memref<2x3584xi32, #tpu.memory_space<vmem>> -> memref<1x3584xi32, #tpu.memory_space<vmem>>
    %dma_start3A_54 = tpu.memref_squeeze %dma_start3A_53 : memref<1x3584xi32, #tpu.memory_space<vmem>> -> memref<3584xi32, #tpu.memory_space<vmem>>
    %dma_start3A_55 = tpu.memref_slice %arg3[%add3A_50] : memref<802816xi32, #tpu.memory_space<hbm>> -> memref<3584xi32, #tpu.memory_space<hbm>>
    %dma_start3A_56 = arith.constant 0 : i32
    %dma_start3A_57 = tpu.memref_slice %arg8[%dma_start3A_51, %dma_start3A_56] : memref<2x3584xi32, #tpu.memory_space<vmem>> -> memref<1x3584xi32, #tpu.memory_space<vmem>>
    %dma_start3A_58 = tpu.memref_squeeze %dma_start3A_57 : memref<1x3584xi32, #tpu.memory_space<vmem>> -> memref<3584xi32, #tpu.memory_space<vmem>>
    %dma_start3A_59 = tpu.memref_slice %arg3[%add3A_50] : memref<802816xi32, #tpu.memory_space<hbm>> -> memref<3584xi32, #tpu.memory_space<hbm>>
    tpu.enqueue_dma source(%dma_start3A_59 : memref<3584xi32, #tpu.memory_space<hbm>>) target(%dma_start3A_58 : memref<3584xi32, #tpu.memory_space<vmem>>) target_semaphore(%arg14 : memref<!tpu.dma_semaphore, #tpu.memory_space<semaphore_mem>>)
    %dma_wait3A_60 = arith.constant 0 : i32
    %dma_wait3A_61 = arith.constant 0 : i32
    %dma_wait3A_62 = tpu.memref_slice %arg7[%dma_wait3A_60, %dma_wait3A_61] : memref<2x3584xi32, #tpu.memory_space<vmem>> -> memref<1x3584xi32, #tpu.memory_space<vmem>>
    %dma_wait3A_63 = tpu.memref_squeeze %dma_wait3A_62 : memref<1x3584xi32, #tpu.memory_space<vmem>> -> memref<3584xi32, #tpu.memory_space<vmem>>
    %dma_wait3A_64 = tpu.memref_slice %arg2[%add3A_4] : memref<802816xi32, #tpu.memory_space<hbm>> -> memref<3584xi32, #tpu.memory_space<hbm>>
    %dma_wait3A_65 = arith.constant 0 : i32
    %dma_wait3A_66 = tpu.memref_slice %arg7[%dma_wait3A_60, %dma_wait3A_65] : memref<2x3584xi32, #tpu.memory_space<vmem>> -> memref<1x3584xi32, #tpu.memory_space<vmem>>
    %dma_wait3A_67 = tpu.memref_squeeze %dma_wait3A_66 : memref<1x3584xi32, #tpu.memory_space<vmem>> -> memref<3584xi32, #tpu.memory_space<vmem>>
    %dma_wait3A_68 = tpu.memref_slice %arg2[%add3A_4] : memref<802816xi32, #tpu.memory_space<hbm>> -> memref<3584xi32, #tpu.memory_space<hbm>>
    tpu.wait_dma2 semaphore(%arg11 : memref<!tpu.dma_semaphore, #tpu.memory_space<semaphore_mem>>) src(%dma_wait3A_68 : memref<3584xi32, #tpu.memory_space<hbm>>) dst(%dma_wait3A_67 : memref<3584xi32, #tpu.memory_space<vmem>>)
    %dma_wait3A_69 = arith.constant 0 : i32
    %dma_wait3A_70 = arith.constant 0 : i32
    %dma_wait3A_71 = tpu.memref_slice %arg8[%dma_wait3A_69, %dma_wait3A_70] : memref<2x3584xi32, #tpu.memory_space<vmem>> -> memref<1x3584xi32, #tpu.memory_space<vmem>>
    %dma_wait3A_72 = tpu.memref_squeeze %dma_wait3A_71 : memref<1x3584xi32, #tpu.memory_space<vmem>> -> memref<3584xi32, #tpu.memory_space<vmem>>
    %dma_wait3A_73 = tpu.memref_slice %arg3[%add3A_14] : memref<802816xi32, #tpu.memory_space<hbm>> -> memref<3584xi32, #tpu.memory_space<hbm>>
    %dma_wait3A_74 = arith.constant 0 : i32
    %dma_wait3A_75 = tpu.memref_slice %arg8[%dma_wait3A_69, %dma_wait3A_74] : memref<2x3584xi32, #tpu.memory_space<vmem>> -> memref<1x3584xi32, #tpu.memory_space<vmem>>
    %dma_wait3A_76 = tpu.memref_squeeze %dma_wait3A_75 : memref<1x3584xi32, #tpu.memory_space<vmem>> -> memref<3584xi32, #tpu.memory_space<vmem>>
    %dma_wait3A_77 = tpu.memref_slice %arg3[%add3A_14] : memref<802816xi32, #tpu.memory_space<hbm>> -> memref<3584xi32, #tpu.memory_space<hbm>>
    tpu.wait_dma2 semaphore(%arg13 : memref<!tpu.dma_semaphore, #tpu.memory_space<semaphore_mem>>) src(%dma_wait3A_77 : memref<3584xi32, #tpu.memory_space<hbm>>) dst(%dma_wait3A_76 : memref<3584xi32, #tpu.memory_space<vmem>>)
    %parallel_loop3A_78 = arith.constant 0 : i32
    %parallel_loop3A_79 = arith.constant 3584 : i32
    %parallel_loop3A_80 = arith.constant 16 : i32
    scf.for %parallel_loop3A_618 = %parallel_loop3A_78 to %parallel_loop3A_79 step %parallel_loop3A_80  : i32 {
      %parallel_loop3A_619 = arith.constant 0 : i32
      %parallel_loop3A_620 = arith.index_cast %parallel_loop3A_619 : i32 to index
      %parallel_loop3A_621 = arith.index_cast %parallel_loop3A_618 : i32 to index
      %parallel_loop3A_622 = tpu.vector_load %arg8[%parallel_loop3A_620, %parallel_loop3A_621] {strides = array<i32>} : memref<2x3584xi32, #tpu.memory_space<vmem>>, vector<16xi32>,
      %parallel_loop3A_623 = arith.constant 0 : i32
      %parallel_loop3A_624 = arith.index_cast %parallel_loop3A_623 : i32 to index
      %parallel_loop3A_625 = arith.index_cast %parallel_loop3A_618 : i32 to index
      %parallel_loop3A_626 = tpu.vector_load %arg7[%parallel_loop3A_624, %parallel_loop3A_625] {strides = array<i32>} : memref<2x3584xi32, #tpu.memory_space<vmem>>, vector<16xi32>,
      %parallel_loop3A_627 = tpu.vector_load_idx %arg6[%parallel_loop3A_626] : memref<51200xf32, #tpu.memory_space<vmem>>[vector<16xi32>], vector<16xf32>,
      tpu.vector_store_idx %arg9[%parallel_loop3A_622], %parallel_loop3A_627 {add = true} : memref<51200xf32, #tpu.memory_space<vmem>>[vector<16xi32>], vector<16xf32>,
    } {sc.loop_unroll_factor = 8 : i64, sc.parallel_access}
    %add3A_81 = arith.constant 7168 : i32
    %add3A_82 = arith.addi %mul3A_2, %add3A_81 : i32
    %dma_start3A_83 = arith.constant 0 : i32
    %dma_start3A_84 = arith.constant 0 : i32
    %dma_start3A_85 = tpu.memref_slice %arg7[%dma_start3A_83, %dma_start3A_84] : memref<2x3584xi32, #tpu.memory_space<vmem>> -> memref<1x3584xi32, #tpu.memory_space<vmem>>
    %dma_start3A_86 = tpu.memref_squeeze %dma_start3A_85 : memref<1x3584xi32, #tpu.memory_space<vmem>> -> memref<3584xi32, #tpu.memory_space<vmem>>
    %dma_start3A_87 = tpu.memref_slice %arg2[%add3A_82] : memref<802816xi32, #tpu.memory_space<hbm>> -> memref<3584xi32, #tpu.memory_space<hbm>>
    %dma_start3A_88 = arith.constant 0 : i32
    %dma_start3A_89 = tpu.memref_slice %arg7[%dma_start3A_83, %dma_start3A_88] : memref<2x3584xi32, #tpu.memory_space<vmem>> -> memref<1x3584xi32, #tpu.memory_space<vmem>>
    %dma_start3A_90 = tpu.memref_squeeze %dma_start3A_89 : memref<1x3584xi32, #tpu.memory_space<vmem>> -> memref<3584xi32, #tpu.memory_space<vmem>>
    %dma_start3A_91 = tpu.memref_slice %arg2[%add3A_82] : memref<802816xi32, #tpu.memory_space<hbm>> -> memref<3584xi32, #tpu.memory_space<hbm>>
    tpu.enqueue_dma source(%dma_start3A_91 : memref<3584xi32, #tpu.memory_space<hbm>>) target(%dma_start3A_90 : memref<3584xi32, #tpu.memory_space<vmem>>) target_semaphore(%arg11 : memref<!tpu.dma_semaphore, #tpu.memory_space<semaphore_mem>>)
    %add3A_92 = arith.constant 7168 : i32
    %add3A_93 = arith.addi %mul3A_2, %add3A_92 : i32
    %dma_start3A_94 = arith.constant 0 : i32
    %dma_start3A_95 = arith.constant 0 : i32
    %dma_start3A_96 = tpu.memref_slice %arg8[%dma_start3A_94, %dma_start3A_95] : memref<2x3584xi32, #tpu.memory_space<vmem>> -> memref<1x3584xi32, #tpu.memory_space<vmem>>
    %dma_start3A_97 = tpu.memref_squeeze %dma_start3A_96 : memref<1x3584xi32, #tpu.memory_space<vmem>> -> memref<3584xi32, #tpu.memory_space<vmem>>
    %dma_start3A_98 = tpu.memref_slice %arg3[%add3A_93] : memref<802816xi32, #tpu.memory_space<hbm>> -> memref<3584xi32, #tpu.memory_space<hbm>>
    %dma_start3A_99 = arith.constant 0 : i32
    %dma_start3A_100 = tpu.memref_slice %arg8[%dma_start3A_94, %dma_start3A_99] : memref<2x3584xi32, #tpu.memory_space<vmem>> -> memref<1x3584xi32, #tpu.memory_space<vmem>>
    %dma_start3A_101 = tpu.memref_squeeze %dma_start3A_100 : memref<1x3584xi32, #tpu.memory_space<vmem>> -> memref<3584xi32, #tpu.memory_space<vmem>>
    %dma_start3A_102 = tpu.memref_slice %arg3[%add3A_93] : memref<802816xi32, #tpu.memory_space<hbm>> -> memref<3584xi32, #tpu.memory_space<hbm>>
    tpu.enqueue_dma source(%dma_start3A_102 : memref<3584xi32, #tpu.memory_space<hbm>>) target(%dma_start3A_101 : memref<3584xi32, #tpu.memory_space<vmem>>) target_semaphore(%arg13 : memref<!tpu.dma_semaphore, #tpu.memory_space<semaphore_mem>>)
    %dma_wait3A_103 = arith.constant 1 : i32
    %dma_wait3A_104 = arith.constant 0 : i32
    %dma_wait3A_105 = tpu.memref_slice %arg7[%dma_wait3A_103, %dma_wait3A_104] : memref<2x3584xi32, #tpu.memory_space<vmem>> -> memref<1x3584xi32, #tpu.memory_space<vmem>>
    %dma_wait3A_106 = tpu.memref_squeeze %dma_wait3A_105 : memref<1x3584xi32, #tpu.memory_space<vmem>> -> memref<3584xi32, #tpu.memory_space<vmem>>
    %dma_wait3A_107 = tpu.memref_slice %arg2[%add3A_39] : memref<802816xi32, #tpu.memory_space<hbm>> -> memref<3584xi32, #tpu.memory_space<hbm>>
    %dma_wait3A_108 = arith.constant 0 : i32
    %dma_wait3A_109 = tpu.memref_slice %arg7[%dma_wait3A_103, %dma_wait3A_108] : memref<2x3584xi32, #tpu.memory_space<vmem>> -> memref<1x3584xi32, #tpu.memory_space<vmem>>
    %dma_wait3A_110 = tpu.memref_squeeze %dma_wait3A_109 : memref<1x3584xi32, #tpu.memory_space<vmem>> -> memref<3584xi32, #tpu.memory_space<vmem>>
    %dma_wait3A_111 = tpu.memref_slice %arg2[%add3A_39] : memref<802816xi32, #tpu.memory_space<hbm>> -> memref<3584xi32, #tpu.memory_space<hbm>>
    tpu.wait_dma2 semaphore(%arg12 : memref<!tpu.dma_semaphore, #tpu.memory_space<semaphore_mem>>) src(%dma_wait3A_111 : memref<3584xi32, #tpu.memory_space<hbm>>) dst(%dma_wait3A_110 : memref<3584xi32, #tpu.memory_space<vmem>>)
    %dma_wait3A_112 = arith.constant 1 : i32
    %dma_wait3A_113 = arith.constant 0 : i32
    %dma_wait3A_114 = tpu.memref_slice %arg8[%dma_wait3A_112, %dma_wait3A_113] : memref<2x3584xi32, #tpu.memory_space<vmem>> -> memref<1x3584xi32, #tpu.memory_space<vmem>>
    %dma_wait3A_115 = tpu.memref_squeeze %dma_wait3A_114 : memref<1x3584xi32, #tpu.memory_space<vmem>> -> memref<3584xi32, #tpu.memory_space<vmem>>
    %dma_wait3A_116 = tpu.memref_slice %arg3[%add3A_50] : memref<802816xi32, #tpu.memory_space<hbm>> -> memref<3584xi32, #tpu.memory_space<hbm>>
    %dma_wait3A_117 = arith.constant 0 : i32
    %dma_wait3A_118 = tpu.memref_slice %arg8[%dma_wait3A_112, %dma_wait3A_117] : memref<2x3584xi32, #tpu.memory_space<vmem>> -> memref<1x3584xi32, #tpu.memory_space<vmem>>
    %dma_wait3A_119 = tpu.memref_squeeze %dma_wait3A_118 : memref<1x3584xi32, #tpu.memory_space<vmem>> -> memref<3584xi32, #tpu.memory_space<vmem>>
    %dma_wait3A_120 = tpu.memref_slice %arg3[%add3A_50] : memref<802816xi32, #tpu.memory_space<hbm>> -> memref<3584xi32, #tpu.memory_space<hbm>>
    tpu.wait_dma2 semaphore(%arg14 : memref<!tpu.dma_semaphore, #tpu.memory_space<semaphore_mem>>) src(%dma_wait3A_120 : memref<3584xi32, #tpu.memory_space<hbm>>) dst(%dma_wait3A_119 : memref<3584xi32, #tpu.memory_space<vmem>>)
    %parallel_loop3A_121 = arith.constant 0 : i32
    %parallel_loop3A_122 = arith.constant 3584 : i32
    %parallel_loop3A_123 = arith.constant 16 : i32
    scf.for %parallel_loop3A_618 = %parallel_loop3A_121 to %parallel_loop3A_122 step %parallel_loop3A_123  : i32 {
      %parallel_loop3A_619 = arith.constant 1 : i32
      %parallel_loop3A_620 = arith.index_cast %parallel_loop3A_619 : i32 to index
      %parallel_loop3A_621 = arith.index_cast %parallel_loop3A_618 : i32 to index
      %parallel_loop3A_622 = tpu.vector_load %arg8[%parallel_loop3A_620, %parallel_loop3A_621] {strides = array<i32>} : memref<2x3584xi32, #tpu.memory_space<vmem>>, vector<16xi32>,
      %parallel_loop3A_623 = arith.constant 1 : i32
      %parallel_loop3A_624 = arith.index_cast %parallel_loop3A_623 : i32 to index
      %parallel_loop3A_625 = arith.index_cast %parallel_loop3A_618 : i32 to index
      %parallel_loop3A_626 = tpu.vector_load %arg7[%parallel_loop3A_624, %parallel_loop3A_625] {strides = array<i32>} : memref<2x3584xi32, #tpu.memory_space<vmem>>, vector<16xi32>,
      %parallel_loop3A_627 = tpu.vector_load_idx %arg6[%parallel_loop3A_626] : memref<51200xf32, #tpu.memory_space<vmem>>[vector<16xi32>], vector<16xf32>,
      tpu.vector_store_idx %arg9[%parallel_loop3A_622], %parallel_loop3A_627 {add = true} : memref<51200xf32, #tpu.memory_space<vmem>>[vector<16xi32>], vector<16xf32>,
    } {sc.loop_unroll_factor = 8 : i64, sc.parallel_access}
    %add3A_124 = arith.constant 10752 : i32
    %add3A_125 = arith.addi %mul3A_2, %add3A_124 : i32
    %dma_start3A_126 = arith.constant 1 : i32
    %dma_start3A_127 = arith.constant 0 : i32
    %dma_start3A_128 = tpu.memref_slice %arg7[%dma_start3A_126, %dma_start3A_127] : memref<2x3584xi32, #tpu.memory_space<vmem>> -> memref<1x3584xi32, #tpu.memory_space<vmem>>
    %dma_start3A_129 = tpu.memref_squeeze %dma_start3A_128 : memref<1x3584xi32, #tpu.memory_space<vmem>> -> memref<3584xi32, #tpu.memory_space<vmem>>
    %dma_start3A_130 = tpu.memref_slice %arg2[%add3A_125] : memref<802816xi32, #tpu.memory_space<hbm>> -> memref<3584xi32, #tpu.memory_space<hbm>>
    %dma_start3A_131 = arith.constant 0 : i32
    %dma_start3A_132 = tpu.memref_slice %arg7[%dma_start3A_126, %dma_start3A_131] : memref<2x3584xi32, #tpu.memory_space<vmem>> -> memref<1x3584xi32, #tpu.memory_space<vmem>>
    %dma_start3A_133 = tpu.memref_squeeze %dma_start3A_132 : memref<1x3584xi32, #tpu.memory_space<vmem>> -> memref<3584xi32, #tpu.memory_space<vmem>>
    %dma_start3A_134 = tpu.memref_slice %arg2[%add3A_125] : memref<802816xi32, #tpu.memory_space<hbm>> -> memref<3584xi32, #tpu.memory_space<hbm>>
    tpu.enqueue_dma source(%dma_start3A_134 : memref<3584xi32, #tpu.memory_space<hbm>>) target(%dma_start3A_133 : memref<3584xi32, #tpu.memory_space<vmem>>) target_semaphore(%arg12 : memref<!tpu.dma_semaphore, #tpu.memory_space<semaphore_mem>>)
    %add3A_135 = arith.constant 10752 : i32
    %add3A_136 = arith.addi %mul3A_2, %add3A_135 : i32
    %dma_start3A_137 = arith.constant 1 : i32
    %dma_start3A_138 = arith.constant 0 : i32
    %dma_start3A_139 = tpu.memref_slice %arg8[%dma_start3A_137, %dma_start3A_138] : memref<2x3584xi32, #tpu.memory_space<vmem>> -> memref<1x3584xi32, #tpu.memory_space<vmem>>
    %dma_start3A_140 = tpu.memref_squeeze %dma_start3A_139 : memref<1x3584xi32, #tpu.memory_space<vmem>> -> memref<3584xi32, #tpu.memory_space<vmem>>
    %dma_start3A_141 = tpu.memref_slice %arg3[%add3A_136] : memref<802816xi32, #tpu.memory_space<hbm>> -> memref<3584xi32, #tpu.memory_space<hbm>>
    %dma_start3A_142 = arith.constant 0 : i32
    %dma_start3A_143 = tpu.memref_slice %arg8[%dma_start3A_137, %dma_start3A_142] : memref<2x3584xi32, #tpu.memory_space<vmem>> -> memref<1x3584xi32, #tpu.memory_space<vmem>>
    %dma_start3A_144 = tpu.memref_squeeze %dma_start3A_143 : memref<1x3584xi32, #tpu.memory_space<vmem>> -> memref<3584xi32, #tpu.memory_space<vmem>>
    %dma_start3A_145 = tpu.memref_slice %arg3[%add3A_136] : memref<802816xi32, #tpu.memory_space<hbm>> -> memref<3584xi32, #tpu.memory_space<hbm>>
    tpu.enqueue_dma source(%dma_start3A_145 : memref<3584xi32, #tpu.memory_space<hbm>>) target(%dma_start3A_144 : memref<3584xi32, #tpu.memory_space<vmem>>) target_semaphore(%arg14 : memref<!tpu.dma_semaphore, #tpu.memory_space<semaphore_mem>>)
    %dma_wait3A_146 = arith.constant 0 : i32
    %dma_wait3A_147 = arith.constant 0 : i32
    %dma_wait3A_148 = tpu.memref_slice %arg7[%dma_wait3A_146, %dma_wait3A_147] : memref<2x3584xi32, #tpu.memory_space<vmem>> -> memref<1x3584xi32, #tpu.memory_space<vmem>>
    %dma_wait3A_149 = tpu.memref_squeeze %dma_wait3A_148 : memref<1x3584xi32, #tpu.memory_space<vmem>> -> memref<3584xi32, #tpu.memory_space<vmem>>
    %dma_wait3A_150 = tpu.memref_slice %arg2[%add3A_82] : memref<802816xi32, #tpu.memory_space<hbm>> -> memref<3584xi32, #tpu.memory_space<hbm>>
    %dma_wait3A_151 = arith.constant 0 : i32
    %dma_wait3A_152 = tpu.memref_slice %arg7[%dma_wait3A_146, %dma_wait3A_151] : memref<2x3584xi32, #tpu.memory_space<vmem>> -> memref<1x3584xi32, #tpu.memory_space<vmem>>
    %dma_wait3A_153 = tpu.memref_squeeze %dma_wait3A_152 : memref<1x3584xi32, #tpu.memory_space<vmem>> -> memref<3584xi32, #tpu.memory_space<vmem>>
    %dma_wait3A_154 = tpu.memref_slice %arg2[%add3A_82] : memref<802816xi32, #tpu.memory_space<hbm>> -> memref<3584xi32, #tpu.memory_space<hbm>>
    tpu.wait_dma2 semaphore(%arg11 : memref<!tpu.dma_semaphore, #tpu.memory_space<semaphore_mem>>) src(%dma_wait3A_154 : memref<3584xi32, #tpu.memory_space<hbm>>) dst(%dma_wait3A_153 : memref<3584xi32, #tpu.memory_space<vmem>>)
    %dma_wait3A_155 = arith.constant 0 : i32
    %dma_wait3A_156 = arith.constant 0 : i32
    %dma_wait3A_157 = tpu.memref_slice %arg8[%dma_wait3A_155, %dma_wait3A_156] : memref<2x3584xi32, #tpu.memory_space<vmem>> -> memref<1x3584xi32, #tpu.memory_space<vmem>>
    %dma_wait3A_158 = tpu.memref_squeeze %dma_wait3A_157 : memref<1x3584xi32, #tpu.memory_space<vmem>> -> memref<3584xi32, #tpu.memory_space<vmem>>
    %dma_wait3A_159 = tpu.memref_slice %arg3[%add3A_93] : memref<802816xi32, #tpu.memory_space<hbm>> -> memref<3584xi32, #tpu.memory_space<hbm>>
    %dma_wait3A_160 = arith.constant 0 : i32
    %dma_wait3A_161 = tpu.memref_slice %arg8[%dma_wait3A_155, %dma_wait3A_160] : memref<2x3584xi32, #tpu.memory_space<vmem>> -> memref<1x3584xi32, #tpu.memory_space<vmem>>
    %dma_wait3A_162 = tpu.memref_squeeze %dma_wait3A_161 : memref<1x3584xi32, #tpu.memory_space<vmem>> -> memref<3584xi32, #tpu.memory_space<vmem>>
    %dma_wait3A_163 = tpu.memref_slice %arg3[%add3A_93] : memref<802816xi32, #tpu.memory_space<hbm>> -> memref<3584xi32, #tpu.memory_space<hbm>>
    tpu.wait_dma2 semaphore(%arg13 : memref<!tpu.dma_semaphore, #tpu.memory_space<semaphore_mem>>) src(%dma_wait3A_163 : memref<3584xi32, #tpu.memory_space<hbm>>) dst(%dma_wait3A_162 : memref<3584xi32, #tpu.memory_space<vmem>>)
    %parallel_loop3A_164 = arith.constant 0 : i32
    %parallel_loop3A_165 = arith.constant 3584 : i32
    %parallel_loop3A_166 = arith.constant 16 : i32
    scf.for %parallel_loop3A_618 = %parallel_loop3A_164 to %parallel_loop3A_165 step %parallel_loop3A_166  : i32 {
      %parallel_loop3A_619 = arith.constant 0 : i32
      %parallel_loop3A_620 = arith.index_cast %parallel_loop3A_619 : i32 to index
      %parallel_loop3A_621 = arith.index_cast %parallel_loop3A_618 : i32 to index
      %parallel_loop3A_622 = tpu.vector_load %arg8[%parallel_loop3A_620, %parallel_loop3A_621] {strides = array<i32>} : memref<2x3584xi32, #tpu.memory_space<vmem>>, vector<16xi32>,
      %parallel_loop3A_623 = arith.constant 0 : i32
      %parallel_loop3A_624 = arith.index_cast %parallel_loop3A_623 : i32 to index
      %parallel_loop3A_625 = arith.index_cast %parallel_loop3A_618 : i32 to index
      %parallel_loop3A_626 = tpu.vector_load %arg7[%parallel_loop3A_624, %parallel_loop3A_625] {strides = array<i32>} : memref<2x3584xi32, #tpu.memory_space<vmem>>, vector<16xi32>,
      %parallel_loop3A_627 = tpu.vector_load_idx %arg6[%parallel_loop3A_626] : memref<51200xf32, #tpu.memory_space<vmem>>[vector<16xi32>], vector<16xf32>,
      tpu.vector_store_idx %arg9[%parallel_loop3A_622], %parallel_loop3A_627 {add = true} : memref<51200xf32, #tpu.memory_space<vmem>>[vector<16xi32>], vector<16xf32>,
    } {sc.loop_unroll_factor = 8 : i64, sc.parallel_access}
    %add3A_167 = arith.constant 14336 : i32
    %add3A_168 = arith.addi %mul3A_2, %add3A_167 : i32
    %dma_start3A_169 = arith.constant 0 : i32
    %dma_start3A_170 = arith.constant 0 : i32
    %dma_start3A_171 = tpu.memref_slice %arg7[%dma_start3A_169, %dma_start3A_170] : memref<2x3584xi32, #tpu.memory_space<vmem>> -> memref<1x3584xi32, #tpu.memory_space<vmem>>
    %dma_start3A_172 = tpu.memref_squeeze %dma_start3A_171 : memref<1x3584xi32, #tpu.memory_space<vmem>> -> memref<3584xi32, #tpu.memory_space<vmem>>
    %dma_start3A_173 = tpu.memref_slice %arg2[%add3A_168] : memref<802816xi32, #tpu.memory_space<hbm>> -> memref<3584xi32, #tpu.memory_space<hbm>>
    %dma_start3A_174 = arith.constant 0 : i32
    %dma_start3A_175 = tpu.memref_slice %arg7[%dma_start3A_169, %dma_start3A_174] : memref<2x3584xi32, #tpu.memory_space<vmem>> -> memref<1x3584xi32, #tpu.memory_space<vmem>>
    %dma_start3A_176 = tpu.memref_squeeze %dma_start3A_175 : memref<1x3584xi32, #tpu.memory_space<vmem>> -> memref<3584xi32, #tpu.memory_space<vmem>>
    %dma_start3A_177 = tpu.memref_slice %arg2[%add3A_168] : memref<802816xi32, #tpu.memory_space<hbm>> -> memref<3584xi32, #tpu.memory_space<hbm>>
    tpu.enqueue_dma source(%dma_start3A_177 : memref<3584xi32, #tpu.memory_space<hbm>>) target(%dma_start3A_176 : memref<3584xi32, #tpu.memory_space<vmem>>) target_semaphore(%arg11 : memref<!tpu.dma_semaphore, #tpu.memory_space<semaphore_mem>>)
    %add3A_178 = arith.constant 14336 : i32
    %add3A_179 = arith.addi %mul3A_2, %add3A_178 : i32
    %dma_start3A_180 = arith.constant 0 : i32
    %dma_start3A_181 = arith.constant 0 : i32
    %dma_start3A_182 = tpu.memref_slice %arg8[%dma_start3A_180, %dma_start3A_181] : memref<2x3584xi32, #tpu.memory_space<vmem>> -> memref<1x3584xi32, #tpu.memory_space<vmem>>
    %dma_start3A_183 = tpu.memref_squeeze %dma_start3A_182 : memref<1x3584xi32, #tpu.memory_space<vmem>> -> memref<3584xi32, #tpu.memory_space<vmem>>
    %dma_start3A_184 = tpu.memref_slice %arg3[%add3A_179] : memref<802816xi32, #tpu.memory_space<hbm>> -> memref<3584xi32, #tpu.memory_space<hbm>>
    %dma_start3A_185 = arith.constant 0 : i32
    %dma_start3A_186 = tpu.memref_slice %arg8[%dma_start3A_180, %dma_start3A_185] : memref<2x3584xi32, #tpu.memory_space<vmem>> -> memref<1x3584xi32, #tpu.memory_space<vmem>>
    %dma_start3A_187 = tpu.memref_squeeze %dma_start3A_186 : memref<1x3584xi32, #tpu.memory_space<vmem>> -> memref<3584xi32, #tpu.memory_space<vmem>>
    %dma_start3A_188 = tpu.memref_slice %arg3[%add3A_179] : memref<802816xi32, #tpu.memory_space<hbm>> -> memref<3584xi32, #tpu.memory_space<hbm>>
    tpu.enqueue_dma source(%dma_start3A_188 : memref<3584xi32, #tpu.memory_space<hbm>>) target(%dma_start3A_187 : memref<3584xi32, #tpu.memory_space<vmem>>) target_semaphore(%arg13 : memref<!tpu.dma_semaphore, #tpu.memory_space<semaphore_mem>>)
    %dma_wait3A_189 = arith.constant 1 : i32
    %dma_wait3A_190 = arith.constant 0 : i32
    %dma_wait3A_191 = tpu.memref_slice %arg7[%dma_wait3A_189, %dma_wait3A_190] : memref<2x3584xi32, #tpu.memory_space<vmem>> -> memref<1x3584xi32, #tpu.memory_space<vmem>>
    %dma_wait3A_192 = tpu.memref_squeeze %dma_wait3A_191 : memref<1x3584xi32, #tpu.memory_space<vmem>> -> memref<3584xi32, #tpu.memory_space<vmem>>
    %dma_wait3A_193 = tpu.memref_slice %arg2[%add3A_125] : memref<802816xi32, #tpu.memory_space<hbm>> -> memref<3584xi32, #tpu.memory_space<hbm>>
    %dma_wait3A_194 = arith.constant 0 : i32
    %dma_wait3A_195 = tpu.memref_slice %arg7[%dma_wait3A_189, %dma_wait3A_194] : memref<2x3584xi32, #tpu.memory_space<vmem>> -> memref<1x3584xi32, #tpu.memory_space<vmem>>
    %dma_wait3A_196 = tpu.memref_squeeze %dma_wait3A_195 : memref<1x3584xi32, #tpu.memory_space<vmem>> -> memref<3584xi32, #tpu.memory_space<vmem>>
    %dma_wait3A_197 = tpu.memref_slice %arg2[%add3A_125] : memref<802816xi32, #tpu.memory_space<hbm>> -> memref<3584xi32, #tpu.memory_space<hbm>>
    tpu.wait_dma2 semaphore(%arg12 : memref<!tpu.dma_semaphore, #tpu.memory_space<semaphore_mem>>) src(%dma_wait3A_197 : memref<3584xi32, #tpu.memory_space<hbm>>) dst(%dma_wait3A_196 : memref<3584xi32, #tpu.memory_space<vmem>>)
    %dma_wait3A_198 = arith.constant 1 : i32
    %dma_wait3A_199 = arith.constant 0 : i32
    %dma_wait3A_200 = tpu.memref_slice %arg8[%dma_wait3A_198, %dma_wait3A_199] : memref<2x3584xi32, #tpu.memory_space<vmem>> -> memref<1x3584xi32, #tpu.memory_space<vmem>>
    %dma_wait3A_201 = tpu.memref_squeeze %dma_wait3A_200 : memref<1x3584xi32, #tpu.memory_space<vmem>> -> memref<3584xi32, #tpu.memory_space<vmem>>
    %dma_wait3A_202 = tpu.memref_slice %arg3[%add3A_136] : memref<802816xi32, #tpu.memory_space<hbm>> -> memref<3584xi32, #tpu.memory_space<hbm>>
    %dma_wait3A_203 = arith.constant 0 : i32
    %dma_wait3A_204 = tpu.memref_slice %arg8[%dma_wait3A_198, %dma_wait3A_203] : memref<2x3584xi32, #tpu.memory_space<vmem>> -> memref<1x3584xi32, #tpu.memory_space<vmem>>
    %dma_wait3A_205 = tpu.memref_squeeze %dma_wait3A_204 : memref<1x3584xi32, #tpu.memory_space<vmem>> -> memref<3584xi32, #tpu.memory_space<vmem>>
    %dma_wait3A_206 = tpu.memref_slice %arg3[%add3A_136] : memref<802816xi32, #tpu.memory_space<hbm>> -> memref<3584xi32, #tpu.memory_space<hbm>>
    tpu.wait_dma2 semaphore(%arg14 : memref<!tpu.dma_semaphore, #tpu.memory_space<semaphore_mem>>) src(%dma_wait3A_206 : memref<3584xi32, #tpu.memory_space<hbm>>) dst(%dma_wait3A_205 : memref<3584xi32, #tpu.memory_space<vmem>>)
    %parallel_loop3A_207 = arith.constant 0 : i32
    %parallel_loop3A_208 = arith.constant 3584 : i32
    %parallel_loop3A_209 = arith.constant 16 : i32
    scf.for %parallel_loop3A_618 = %parallel_loop3A_207 to %parallel_loop3A_208 step %parallel_loop3A_209  : i32 {
      %parallel_loop3A_619 = arith.constant 1 : i32
      %parallel_loop3A_620 = arith.index_cast %parallel_loop3A_619 : i32 to index
      %parallel_loop3A_621 = arith.index_cast %parallel_loop3A_618 : i32 to index
      %parallel_loop3A_622 = tpu.vector_load %arg8[%parallel_loop3A_620, %parallel_loop3A_621] {strides = array<i32>} : memref<2x3584xi32, #tpu.memory_space<vmem>>, vector<16xi32>,
      %parallel_loop3A_623 = arith.constant 1 : i32
      %parallel_loop3A_624 = arith.index_cast %parallel_loop3A_623 : i32 to index
      %parallel_loop3A_625 = arith.index_cast %parallel_loop3A_618 : i32 to index
      %parallel_loop3A_626 = tpu.vector_load %arg7[%parallel_loop3A_624, %parallel_loop3A_625] {strides = array<i32>} : memref<2x3584xi32, #tpu.memory_space<vmem>>, vector<16xi32>,
      %parallel_loop3A_627 = tpu.vector_load_idx %arg6[%parallel_loop3A_626] : memref<51200xf32, #tpu.memory_space<vmem>>[vector<16xi32>], vector<16xf32>,
      tpu.vector_store_idx %arg9[%parallel_loop3A_622], %parallel_loop3A_627 {add = true} : memref<51200xf32, #tpu.memory_space<vmem>>[vector<16xi32>], vector<16xf32>,
    } {sc.loop_unroll_factor = 8 : i64, sc.parallel_access}
    %add3A_210 = arith.constant 17920 : i32
    %add3A_211 = arith.addi %mul3A_2, %add3A_210 : i32
    %dma_start3A_212 = arith.constant 1 : i32
    %dma_start3A_213 = arith.constant 0 : i32
    %dma_start3A_214 = tpu.memref_slice %arg7[%dma_start3A_212, %dma_start3A_213] : memref<2x3584xi32, #tpu.memory_space<vmem>> -> memref<1x3584xi32, #tpu.memory_space<vmem>>
    %dma_start3A_215 = tpu.memref_squeeze %dma_start3A_214 : memref<1x3584xi32, #tpu.memory_space<vmem>> -> memref<3584xi32, #tpu.memory_space<vmem>>
    %dma_start3A_216 = tpu.memref_slice %arg2[%add3A_211] : memref<802816xi32, #tpu.memory_space<hbm>> -> memref<3584xi32, #tpu.memory_space<hbm>>
    %dma_start3A_217 = arith.constant 0 : i32
    %dma_start3A_218 = tpu.memref_slice %arg7[%dma_start3A_212, %dma_start3A_217] : memref<2x3584xi32, #tpu.memory_space<vmem>> -> memref<1x3584xi32, #tpu.memory_space<vmem>>
    %dma_start3A_219 = tpu.memref_squeeze %dma_start3A_218 : memref<1x3584xi32, #tpu.memory_space<vmem>> -> memref<3584xi32, #tpu.memory_space<vmem>>
    %dma_start3A_220 = tpu.memref_slice %arg2[%add3A_211] : memref<802816xi32, #tpu.memory_space<hbm>> -> memref<3584xi32, #tpu.memory_space<hbm>>
    tpu.enqueue_dma source(%dma_start3A_220 : memref<3584xi32, #tpu.memory_space<hbm>>) target(%dma_start3A_219 : memref<3584xi32, #tpu.memory_space<vmem>>) target_semaphore(%arg12 : memref<!tpu.dma_semaphore, #tpu.memory_space<semaphore_mem>>)
    %add3A_221 = arith.constant 17920 : i32
    %add3A_222 = arith.addi %mul3A_2, %add3A_221 : i32
    %dma_start3A_223 = arith.constant 1 : i32
    %dma_start3A_224 = arith.constant 0 : i32
    %dma_start3A_225 = tpu.memref_slice %arg8[%dma_start3A_223, %dma_start3A_224] : memref<2x3584xi32, #tpu.memory_space<vmem>> -> memref<1x3584xi32, #tpu.memory_space<vmem>>
    %dma_start3A_226 = tpu.memref_squeeze %dma_start3A_225 : memref<1x3584xi32, #tpu.memory_space<vmem>> -> memref<3584xi32, #tpu.memory_space<vmem>>
    %dma_start3A_227 = tpu.memref_slice %arg3[%add3A_222] : memref<802816xi32, #tpu.memory_space<hbm>> -> memref<3584xi32, #tpu.memory_space<hbm>>
    %dma_start3A_228 = arith.constant 0 : i32
    %dma_start3A_229 = tpu.memref_slice %arg8[%dma_start3A_223, %dma_start3A_228] : memref<2x3584xi32, #tpu.memory_space<vmem>> -> memref<1x3584xi32, #tpu.memory_space<vmem>>
    %dma_start3A_230 = tpu.memref_squeeze %dma_start3A_229 : memref<1x3584xi32, #tpu.memory_space<vmem>> -> memref<3584xi32, #tpu.memory_space<vmem>>
    %dma_start3A_231 = tpu.memref_slice %arg3[%add3A_222] : memref<802816xi32, #tpu.memory_space<hbm>> -> memref<3584xi32, #tpu.memory_space<hbm>>
    tpu.enqueue_dma source(%dma_start3A_231 : memref<3584xi32, #tpu.memory_space<hbm>>) target(%dma_start3A_230 : memref<3584xi32, #tpu.memory_space<vmem>>) target_semaphore(%arg14 : memref<!tpu.dma_semaphore, #tpu.memory_space<semaphore_mem>>)
    %dma_wait3A_232 = arith.constant 0 : i32
    %dma_wait3A_233 = arith.constant 0 : i32
    %dma_wait3A_234 = tpu.memref_slice %arg7[%dma_wait3A_232, %dma_wait3A_233] : memref<2x3584xi32, #tpu.memory_space<vmem>> -> memref<1x3584xi32, #tpu.memory_space<vmem>>
    %dma_wait3A_235 = tpu.memref_squeeze %dma_wait3A_234 : memref<1x3584xi32, #tpu.memory_space<vmem>> -> memref<3584xi32, #tpu.memory_space<vmem>>
    %dma_wait3A_236 = tpu.memref_slice %arg2[%add3A_168] : memref<802816xi32, #tpu.memory_space<hbm>> -> memref<3584xi32, #tpu.memory_space<hbm>>
    %dma_wait3A_237 = arith.constant 0 : i32
    %dma_wait3A_238 = tpu.memref_slice %arg7[%dma_wait3A_232, %dma_wait3A_237] : memref<2x3584xi32, #tpu.memory_space<vmem>> -> memref<1x3584xi32, #tpu.memory_space<vmem>>
    %dma_wait3A_239 = tpu.memref_squeeze %dma_wait3A_238 : memref<1x3584xi32, #tpu.memory_space<vmem>> -> memref<3584xi32, #tpu.memory_space<vmem>>
    %dma_wait3A_240 = tpu.memref_slice %arg2[%add3A_168] : memref<802816xi32, #tpu.memory_space<hbm>> -> memref<3584xi32, #tpu.memory_space<hbm>>
    tpu.wait_dma2 semaphore(%arg11 : memref<!tpu.dma_semaphore, #tpu.memory_space<semaphore_mem>>) src(%dma_wait3A_240 : memref<3584xi32, #tpu.memory_space<hbm>>) dst(%dma_wait3A_239 : memref<3584xi32, #tpu.memory_space<vmem>>)
    %dma_wait3A_241 = arith.constant 0 : i32
    %dma_wait3A_242 = arith.constant 0 : i32
    %dma_wait3A_243 = tpu.memref_slice %arg8[%dma_wait3A_241, %dma_wait3A_242] : memref<2x3584xi32, #tpu.memory_space<vmem>> -> memref<1x3584xi32, #tpu.memory_space<vmem>>
    %dma_wait3A_244 = tpu.memref_squeeze %dma_wait3A_243 : memref<1x3584xi32, #tpu.memory_space<vmem>> -> memref<3584xi32, #tpu.memory_space<vmem>>
    %dma_wait3A_245 = tpu.memref_slice %arg3[%add3A_179] : memref<802816xi32, #tpu.memory_space<hbm>> -> memref<3584xi32, #tpu.memory_space<hbm>>
    %dma_wait3A_246 = arith.constant 0 : i32
    %dma_wait3A_247 = tpu.memref_slice %arg8[%dma_wait3A_241, %dma_wait3A_246] : memref<2x3584xi32, #tpu.memory_space<vmem>> -> memref<1x3584xi32, #tpu.memory_space<vmem>>
    %dma_wait3A_248 = tpu.memref_squeeze %dma_wait3A_247 : memref<1x3584xi32, #tpu.memory_space<vmem>> -> memref<3584xi32, #tpu.memory_space<vmem>>
    %dma_wait3A_249 = tpu.memref_slice %arg3[%add3A_179] : memref<802816xi32, #tpu.memory_space<hbm>> -> memref<3584xi32, #tpu.memory_space<hbm>>
    tpu.wait_dma2 semaphore(%arg13 : memref<!tpu.dma_semaphore, #tpu.memory_space<semaphore_mem>>) src(%dma_wait3A_249 : memref<3584xi32, #tpu.memory_space<hbm>>) dst(%dma_wait3A_248 : memref<3584xi32, #tpu.memory_space<vmem>>)
    %parallel_loop3A_250 = arith.constant 0 : i32
    %parallel_loop3A_251 = arith.constant 3584 : i32
    %parallel_loop3A_252 = arith.constant 16 : i32
    scf.for %parallel_loop3A_618 = %parallel_loop3A_250 to %parallel_loop3A_251 step %parallel_loop3A_252  : i32 {
      %parallel_loop3A_619 = arith.constant 0 : i32
      %parallel_loop3A_620 = arith.index_cast %parallel_loop3A_619 : i32 to index
      %parallel_loop3A_621 = arith.index_cast %parallel_loop3A_618 : i32 to index
      %parallel_loop3A_622 = tpu.vector_load %arg8[%parallel_loop3A_620, %parallel_loop3A_621] {strides = array<i32>} : memref<2x3584xi32, #tpu.memory_space<vmem>>, vector<16xi32>,
      %parallel_loop3A_623 = arith.constant 0 : i32
      %parallel_loop3A_624 = arith.index_cast %parallel_loop3A_623 : i32 to index
      %parallel_loop3A_625 = arith.index_cast %parallel_loop3A_618 : i32 to index
      %parallel_loop3A_626 = tpu.vector_load %arg7[%parallel_loop3A_624, %parallel_loop3A_625] {strides = array<i32>} : memref<2x3584xi32, #tpu.memory_space<vmem>>, vector<16xi32>,
      %parallel_loop3A_627 = tpu.vector_load_idx %arg6[%parallel_loop3A_626] : memref<51200xf32, #tpu.memory_space<vmem>>[vector<16xi32>], vector<16xf32>,
      tpu.vector_store_idx %arg9[%parallel_loop3A_622], %parallel_loop3A_627 {add = true} : memref<51200xf32, #tpu.memory_space<vmem>>[vector<16xi32>], vector<16xf32>,
    } {sc.loop_unroll_factor = 8 : i64, sc.parallel_access}
    %add3A_253 = arith.constant 21504 : i32
    %add3A_254 = arith.addi %mul3A_2, %add3A_253 : i32
    %dma_start3A_255 = arith.constant 0 : i32
    %dma_start3A_256 = arith.constant 0 : i32
    %dma_start3A_257 = tpu.memref_slice %arg7[%dma_start3A_255, %dma_start3A_256] : memref<2x3584xi32, #tpu.memory_space<vmem>> -> memref<1x3584xi32, #tpu.memory_space<vmem>>
    %dma_start3A_258 = tpu.memref_squeeze %dma_start3A_257 : memref<1x3584xi32, #tpu.memory_space<vmem>> -> memref<3584xi32, #tpu.memory_space<vmem>>
    %dma_start3A_259 = tpu.memref_slice %arg2[%add3A_254] : memref<802816xi32, #tpu.memory_space<hbm>> -> memref<3584xi32, #tpu.memory_space<hbm>>
    %dma_start3A_260 = arith.constant 0 : i32
    %dma_start3A_261 = tpu.memref_slice %arg7[%dma_start3A_255, %dma_start3A_260] : memref<2x3584xi32, #tpu.memory_space<vmem>> -> memref<1x3584xi32, #tpu.memory_space<vmem>>
    %dma_start3A_262 = tpu.memref_squeeze %dma_start3A_261 : memref<1x3584xi32, #tpu.memory_space<vmem>> -> memref<3584xi32, #tpu.memory_space<vmem>>
    %dma_start3A_263 = tpu.memref_slice %arg2[%add3A_254] : memref<802816xi32, #tpu.memory_space<hbm>> -> memref<3584xi32, #tpu.memory_space<hbm>>
    tpu.enqueue_dma source(%dma_start3A_263 : memref<3584xi32, #tpu.memory_space<hbm>>) target(%dma_start3A_262 : memref<3584xi32, #tpu.memory_space<vmem>>) target_semaphore(%arg11 : memref<!tpu.dma_semaphore, #tpu.memory_space<semaphore_mem>>)
    %add3A_264 = arith.constant 21504 : i32
    %add3A_265 = arith.addi %mul3A_2, %add3A_264 : i32
    %dma_start3A_266 = arith.constant 0 : i32
    %dma_start3A_267 = arith.constant 0 : i32
    %dma_start3A_268 = tpu.memref_slice %arg8[%dma_start3A_266, %dma_start3A_267] : memref<2x3584xi32, #tpu.memory_space<vmem>> -> memref<1x3584xi32, #tpu.memory_space<vmem>>
    %dma_start3A_269 = tpu.memref_squeeze %dma_start3A_268 : memref<1x3584xi32, #tpu.memory_space<vmem>> -> memref<3584xi32, #tpu.memory_space<vmem>>
    %dma_start3A_270 = tpu.memref_slice %arg3[%add3A_265] : memref<802816xi32, #tpu.memory_space<hbm>> -> memref<3584xi32, #tpu.memory_space<hbm>>
    %dma_start3A_271 = arith.constant 0 : i32
    %dma_start3A_272 = tpu.memref_slice %arg8[%dma_start3A_266, %dma_start3A_271] : memref<2x3584xi32, #tpu.memory_space<vmem>> -> memref<1x3584xi32, #tpu.memory_space<vmem>>
    %dma_start3A_273 = tpu.memref_squeeze %dma_start3A_272 : memref<1x3584xi32, #tpu.memory_space<vmem>> -> memref<3584xi32, #tpu.memory_space<vmem>>
    %dma_start3A_274 = tpu.memref_slice %arg3[%add3A_265] : memref<802816xi32, #tpu.memory_space<hbm>> -> memref<3584xi32, #tpu.memory_space<hbm>>
    tpu.enqueue_dma source(%dma_start3A_274 : memref<3584xi32, #tpu.memory_space<hbm>>) target(%dma_start3A_273 : memref<3584xi32, #tpu.memory_space<vmem>>) target_semaphore(%arg13 : memref<!tpu.dma_semaphore, #tpu.memory_space<semaphore_mem>>)
    %dma_wait3A_275 = arith.constant 1 : i32
    %dma_wait3A_276 = arith.constant 0 : i32
    %dma_wait3A_277 = tpu.memref_slice %arg7[%dma_wait3A_275, %dma_wait3A_276] : memref<2x3584xi32, #tpu.memory_space<vmem>> -> memref<1x3584xi32, #tpu.memory_space<vmem>>
    %dma_wait3A_278 = tpu.memref_squeeze %dma_wait3A_277 : memref<1x3584xi32, #tpu.memory_space<vmem>> -> memref<3584xi32, #tpu.memory_space<vmem>>
    %dma_wait3A_279 = tpu.memref_slice %arg2[%add3A_211] : memref<802816xi32, #tpu.memory_space<hbm>> -> memref<3584xi32, #tpu.memory_space<hbm>>
    %dma_wait3A_280 = arith.constant 0 : i32
    %dma_wait3A_281 = tpu.memref_slice %arg7[%dma_wait3A_275, %dma_wait3A_280] : memref<2x3584xi32, #tpu.memory_space<vmem>> -> memref<1x3584xi32, #tpu.memory_space<vmem>>
    %dma_wait3A_282 = tpu.memref_squeeze %dma_wait3A_281 : memref<1x3584xi32, #tpu.memory_space<vmem>> -> memref<3584xi32, #tpu.memory_space<vmem>>
    %dma_wait3A_283 = tpu.memref_slice %arg2[%add3A_211] : memref<802816xi32, #tpu.memory_space<hbm>> -> memref<3584xi32, #tpu.memory_space<hbm>>
    tpu.wait_dma2 semaphore(%arg12 : memref<!tpu.dma_semaphore, #tpu.memory_space<semaphore_mem>>) src(%dma_wait3A_283 : memref<3584xi32, #tpu.memory_space<hbm>>) dst(%dma_wait3A_282 : memref<3584xi32, #tpu.memory_space<vmem>>)
    %dma_wait3A_284 = arith.constant 1 : i32
    %dma_wait3A_285 = arith.constant 0 : i32
    %dma_wait3A_286 = tpu.memref_slice %arg8[%dma_wait3A_284, %dma_wait3A_285] : memref<2x3584xi32, #tpu.memory_space<vmem>> -> memref<1x3584xi32, #tpu.memory_space<vmem>>
    %dma_wait3A_287 = tpu.memref_squeeze %dma_wait3A_286 : memref<1x3584xi32, #tpu.memory_space<vmem>> -> memref<3584xi32, #tpu.memory_space<vmem>>
    %dma_wait3A_288 = tpu.memref_slice %arg3[%add3A_222] : memref<802816xi32, #tpu.memory_space<hbm>> -> memref<3584xi32, #tpu.memory_space<hbm>>
    %dma_wait3A_289 = arith.constant 0 : i32
    %dma_wait3A_290 = tpu.memref_slice %arg8[%dma_wait3A_284, %dma_wait3A_289] : memref<2x3584xi32, #tpu.memory_space<vmem>> -> memref<1x3584xi32, #tpu.memory_space<vmem>>
    %dma_wait3A_291 = tpu.memref_squeeze %dma_wait3A_290 : memref<1x3584xi32, #tpu.memory_space<vmem>> -> memref<3584xi32, #tpu.memory_space<vmem>>
    %dma_wait3A_292 = tpu.memref_slice %arg3[%add3A_222] : memref<802816xi32, #tpu.memory_space<hbm>> -> memref<3584xi32, #tpu.memory_space<hbm>>
    tpu.wait_dma2 semaphore(%arg14 : memref<!tpu.dma_semaphore, #tpu.memory_space<semaphore_mem>>) src(%dma_wait3A_292 : memref<3584xi32, #tpu.memory_space<hbm>>) dst(%dma_wait3A_291 : memref<3584xi32, #tpu.memory_space<vmem>>)
    %parallel_loop3A_293 = arith.constant 0 : i32
    %parallel_loop3A_294 = arith.constant 3584 : i32
    %parallel_loop3A_295 = arith.constant 16 : i32
    scf.for %parallel_loop3A_618 = %parallel_loop3A_293 to %parallel_loop3A_294 step %parallel_loop3A_295  : i32 {
      %parallel_loop3A_619 = arith.constant 1 : i32
      %parallel_loop3A_620 = arith.index_cast %parallel_loop3A_619 : i32 to index
      %parallel_loop3A_621 = arith.index_cast %parallel_loop3A_618 : i32 to index
      %parallel_loop3A_622 = tpu.vector_load %arg8[%parallel_loop3A_620, %parallel_loop3A_621] {strides = array<i32>} : memref<2x3584xi32, #tpu.memory_space<vmem>>, vector<16xi32>,
      %parallel_loop3A_623 = arith.constant 1 : i32
      %parallel_loop3A_624 = arith.index_cast %parallel_loop3A_623 : i32 to index
      %parallel_loop3A_625 = arith.index_cast %parallel_loop3A_618 : i32 to index
      %parallel_loop3A_626 = tpu.vector_load %arg7[%parallel_loop3A_624, %parallel_loop3A_625] {strides = array<i32>} : memref<2x3584xi32, #tpu.memory_space<vmem>>, vector<16xi32>,
      %parallel_loop3A_627 = tpu.vector_load_idx %arg6[%parallel_loop3A_626] : memref<51200xf32, #tpu.memory_space<vmem>>[vector<16xi32>], vector<16xf32>,
      tpu.vector_store_idx %arg9[%parallel_loop3A_622], %parallel_loop3A_627 {add = true} : memref<51200xf32, #tpu.memory_space<vmem>>[vector<16xi32>], vector<16xf32>,
    } {sc.loop_unroll_factor = 8 : i64, sc.parallel_access}
    %add3A_296 = arith.constant 25088 : i32
    %add3A_297 = arith.addi %mul3A_2, %add3A_296 : i32
    %dma_start3A_298 = arith.constant 1 : i32
    %dma_start3A_299 = arith.constant 0 : i32
    %dma_start3A_300 = tpu.memref_slice %arg7[%dma_start3A_298, %dma_start3A_299] : memref<2x3584xi32, #tpu.memory_space<vmem>> -> memref<1x3584xi32, #tpu.memory_space<vmem>>
    %dma_start3A_301 = tpu.memref_squeeze %dma_start3A_300 : memref<1x3584xi32, #tpu.memory_space<vmem>> -> memref<3584xi32, #tpu.memory_space<vmem>>
    %dma_start3A_302 = tpu.memref_slice %arg2[%add3A_297] : memref<802816xi32, #tpu.memory_space<hbm>> -> memref<3584xi32, #tpu.memory_space<hbm>>
    %dma_start3A_303 = arith.constant 0 : i32
    %dma_start3A_304 = tpu.memref_slice %arg7[%dma_start3A_298, %dma_start3A_303] : memref<2x3584xi32, #tpu.memory_space<vmem>> -> memref<1x3584xi32, #tpu.memory_space<vmem>>
    %dma_start3A_305 = tpu.memref_squeeze %dma_start3A_304 : memref<1x3584xi32, #tpu.memory_space<vmem>> -> memref<3584xi32, #tpu.memory_space<vmem>>
    %dma_start3A_306 = tpu.memref_slice %arg2[%add3A_297] : memref<802816xi32, #tpu.memory_space<hbm>> -> memref<3584xi32, #tpu.memory_space<hbm>>
    tpu.enqueue_dma source(%dma_start3A_306 : memref<3584xi32, #tpu.memory_space<hbm>>) target(%dma_start3A_305 : memref<3584xi32, #tpu.memory_space<vmem>>) target_semaphore(%arg12 : memref<!tpu.dma_semaphore, #tpu.memory_space<semaphore_mem>>)
    %add3A_307 = arith.constant 25088 : i32
    %add3A_308 = arith.addi %mul3A_2, %add3A_307 : i32
    %dma_start3A_309 = arith.constant 1 : i32
    %dma_start3A_310 = arith.constant 0 : i32
    %dma_start3A_311 = tpu.memref_slice %arg8[%dma_start3A_309, %dma_start3A_310] : memref<2x3584xi32, #tpu.memory_space<vmem>> -> memref<1x3584xi32, #tpu.memory_space<vmem>>
    %dma_start3A_312 = tpu.memref_squeeze %dma_start3A_311 : memref<1x3584xi32, #tpu.memory_space<vmem>> -> memref<3584xi32, #tpu.memory_space<vmem>>
    %dma_start3A_313 = tpu.memref_slice %arg3[%add3A_308] : memref<802816xi32, #tpu.memory_space<hbm>> -> memref<3584xi32, #tpu.memory_space<hbm>>
    %dma_start3A_314 = arith.constant 0 : i32
    %dma_start3A_315 = tpu.memref_slice %arg8[%dma_start3A_309, %dma_start3A_314] : memref<2x3584xi32, #tpu.memory_space<vmem>> -> memref<1x3584xi32, #tpu.memory_space<vmem>>
    %dma_start3A_316 = tpu.memref_squeeze %dma_start3A_315 : memref<1x3584xi32, #tpu.memory_space<vmem>> -> memref<3584xi32, #tpu.memory_space<vmem>>
    %dma_start3A_317 = tpu.memref_slice %arg3[%add3A_308] : memref<802816xi32, #tpu.memory_space<hbm>> -> memref<3584xi32, #tpu.memory_space<hbm>>
    tpu.enqueue_dma source(%dma_start3A_317 : memref<3584xi32, #tpu.memory_space<hbm>>) target(%dma_start3A_316 : memref<3584xi32, #tpu.memory_space<vmem>>) target_semaphore(%arg14 : memref<!tpu.dma_semaphore, #tpu.memory_space<semaphore_mem>>)
    %dma_wait3A_318 = arith.constant 0 : i32
    %dma_wait3A_319 = arith.constant 0 : i32
    %dma_wait3A_320 = tpu.memref_slice %arg7[%dma_wait3A_318, %dma_wait3A_319] : memref<2x3584xi32, #tpu.memory_space<vmem>> -> memref<1x3584xi32, #tpu.memory_space<vmem>>
    %dma_wait3A_321 = tpu.memref_squeeze %dma_wait3A_320 : memref<1x3584xi32, #tpu.memory_space<vmem>> -> memref<3584xi32, #tpu.memory_space<vmem>>
    %dma_wait3A_322 = tpu.memref_slice %arg2[%add3A_254] : memref<802816xi32, #tpu.memory_space<hbm>> -> memref<3584xi32, #tpu.memory_space<hbm>>
    %dma_wait3A_323 = arith.constant 0 : i32
    %dma_wait3A_324 = tpu.memref_slice %arg7[%dma_wait3A_318, %dma_wait3A_323] : memref<2x3584xi32, #tpu.memory_space<vmem>> -> memref<1x3584xi32, #tpu.memory_space<vmem>>
    %dma_wait3A_325 = tpu.memref_squeeze %dma_wait3A_324 : memref<1x3584xi32, #tpu.memory_space<vmem>> -> memref<3584xi32, #tpu.memory_space<vmem>>
    %dma_wait3A_326 = tpu.memref_slice %arg2[%add3A_254] : memref<802816xi32, #tpu.memory_space<hbm>> -> memref<3584xi32, #tpu.memory_space<hbm>>
    tpu.wait_dma2 semaphore(%arg11 : memref<!tpu.dma_semaphore, #tpu.memory_space<semaphore_mem>>) src(%dma_wait3A_326 : memref<3584xi32, #tpu.memory_space<hbm>>) dst(%dma_wait3A_325 : memref<3584xi32, #tpu.memory_space<vmem>>)
    %dma_wait3A_327 = arith.constant 0 : i32
    %dma_wait3A_328 = arith.constant 0 : i32
    %dma_wait3A_329 = tpu.memref_slice %arg8[%dma_wait3A_327, %dma_wait3A_328] : memref<2x3584xi32, #tpu.memory_space<vmem>> -> memref<1x3584xi32, #tpu.memory_space<vmem>>
    %dma_wait3A_330 = tpu.memref_squeeze %dma_wait3A_329 : memref<1x3584xi32, #tpu.memory_space<vmem>> -> memref<3584xi32, #tpu.memory_space<vmem>>
    %dma_wait3A_331 = tpu.memref_slice %arg3[%add3A_265] : memref<802816xi32, #tpu.memory_space<hbm>> -> memref<3584xi32, #tpu.memory_space<hbm>>
    %dma_wait3A_332 = arith.constant 0 : i32
    %dma_wait3A_333 = tpu.memref_slice %arg8[%dma_wait3A_327, %dma_wait3A_332] : memref<2x3584xi32, #tpu.memory_space<vmem>> -> memref<1x3584xi32, #tpu.memory_space<vmem>>
    %dma_wait3A_334 = tpu.memref_squeeze %dma_wait3A_333 : memref<1x3584xi32, #tpu.memory_space<vmem>> -> memref<3584xi32, #tpu.memory_space<vmem>>
    %dma_wait3A_335 = tpu.memref_slice %arg3[%add3A_265] : memref<802816xi32, #tpu.memory_space<hbm>> -> memref<3584xi32, #tpu.memory_space<hbm>>
    tpu.wait_dma2 semaphore(%arg13 : memref<!tpu.dma_semaphore, #tpu.memory_space<semaphore_mem>>) src(%dma_wait3A_335 : memref<3584xi32, #tpu.memory_space<hbm>>) dst(%dma_wait3A_334 : memref<3584xi32, #tpu.memory_space<vmem>>)
    %parallel_loop3A_336 = arith.constant 0 : i32
    %parallel_loop3A_337 = arith.constant 3584 : i32
    %parallel_loop3A_338 = arith.constant 16 : i32
    scf.for %parallel_loop3A_618 = %parallel_loop3A_336 to %parallel_loop3A_337 step %parallel_loop3A_338  : i32 {
      %parallel_loop3A_619 = arith.constant 0 : i32
      %parallel_loop3A_620 = arith.index_cast %parallel_loop3A_619 : i32 to index
      %parallel_loop3A_621 = arith.index_cast %parallel_loop3A_618 : i32 to index
      %parallel_loop3A_622 = tpu.vector_load %arg8[%parallel_loop3A_620, %parallel_loop3A_621] {strides = array<i32>} : memref<2x3584xi32, #tpu.memory_space<vmem>>, vector<16xi32>,
      %parallel_loop3A_623 = arith.constant 0 : i32
      %parallel_loop3A_624 = arith.index_cast %parallel_loop3A_623 : i32 to index
      %parallel_loop3A_625 = arith.index_cast %parallel_loop3A_618 : i32 to index
      %parallel_loop3A_626 = tpu.vector_load %arg7[%parallel_loop3A_624, %parallel_loop3A_625] {strides = array<i32>} : memref<2x3584xi32, #tpu.memory_space<vmem>>, vector<16xi32>,
      %parallel_loop3A_627 = tpu.vector_load_idx %arg6[%parallel_loop3A_626] : memref<51200xf32, #tpu.memory_space<vmem>>[vector<16xi32>], vector<16xf32>,
      tpu.vector_store_idx %arg9[%parallel_loop3A_622], %parallel_loop3A_627 {add = true} : memref<51200xf32, #tpu.memory_space<vmem>>[vector<16xi32>], vector<16xf32>,
    } {sc.loop_unroll_factor = 8 : i64, sc.parallel_access}
    %add3A_339 = arith.constant 28672 : i32
    %add3A_340 = arith.addi %mul3A_2, %add3A_339 : i32
    %dma_start3A_341 = arith.constant 0 : i32
    %dma_start3A_342 = arith.constant 0 : i32
    %dma_start3A_343 = tpu.memref_slice %arg7[%dma_start3A_341, %dma_start3A_342] : memref<2x3584xi32, #tpu.memory_space<vmem>> -> memref<1x3584xi32, #tpu.memory_space<vmem>>
    %dma_start3A_344 = tpu.memref_squeeze %dma_start3A_343 : memref<1x3584xi32, #tpu.memory_space<vmem>> -> memref<3584xi32, #tpu.memory_space<vmem>>
    %dma_start3A_345 = tpu.memref_slice %arg2[%add3A_340] : memref<802816xi32, #tpu.memory_space<hbm>> -> memref<3584xi32, #tpu.memory_space<hbm>>
    %dma_start3A_346 = arith.constant 0 : i32
    %dma_start3A_347 = tpu.memref_slice %arg7[%dma_start3A_341, %dma_start3A_346] : memref<2x3584xi32, #tpu.memory_space<vmem>> -> memref<1x3584xi32, #tpu.memory_space<vmem>>
    %dma_start3A_348 = tpu.memref_squeeze %dma_start3A_347 : memref<1x3584xi32, #tpu.memory_space<vmem>> -> memref<3584xi32, #tpu.memory_space<vmem>>
    %dma_start3A_349 = tpu.memref_slice %arg2[%add3A_340] : memref<802816xi32, #tpu.memory_space<hbm>> -> memref<3584xi32, #tpu.memory_space<hbm>>
    tpu.enqueue_dma source(%dma_start3A_349 : memref<3584xi32, #tpu.memory_space<hbm>>) target(%dma_start3A_348 : memref<3584xi32, #tpu.memory_space<vmem>>) target_semaphore(%arg11 : memref<!tpu.dma_semaphore, #tpu.memory_space<semaphore_mem>>)
    %add3A_350 = arith.constant 28672 : i32
    %add3A_351 = arith.addi %mul3A_2, %add3A_350 : i32
    %dma_start3A_352 = arith.constant 0 : i32
    %dma_start3A_353 = arith.constant 0 : i32
    %dma_start3A_354 = tpu.memref_slice %arg8[%dma_start3A_352, %dma_start3A_353] : memref<2x3584xi32, #tpu.memory_space<vmem>> -> memref<1x3584xi32, #tpu.memory_space<vmem>>
    %dma_start3A_355 = tpu.memref_squeeze %dma_start3A_354 : memref<1x3584xi32, #tpu.memory_space<vmem>> -> memref<3584xi32, #tpu.memory_space<vmem>>
    %dma_start3A_356 = tpu.memref_slice %arg3[%add3A_351] : memref<802816xi32, #tpu.memory_space<hbm>> -> memref<3584xi32, #tpu.memory_space<hbm>>
    %dma_start3A_357 = arith.constant 0 : i32
    %dma_start3A_358 = tpu.memref_slice %arg8[%dma_start3A_352, %dma_start3A_357] : memref<2x3584xi32, #tpu.memory_space<vmem>> -> memref<1x3584xi32, #tpu.memory_space<vmem>>
    %dma_start3A_359 = tpu.memref_squeeze %dma_start3A_358 : memref<1x3584xi32, #tpu.memory_space<vmem>> -> memref<3584xi32, #tpu.memory_space<vmem>>
    %dma_start3A_360 = tpu.memref_slice %arg3[%add3A_351] : memref<802816xi32, #tpu.memory_space<hbm>> -> memref<3584xi32, #tpu.memory_space<hbm>>
    tpu.enqueue_dma source(%dma_start3A_360 : memref<3584xi32, #tpu.memory_space<hbm>>) target(%dma_start3A_359 : memref<3584xi32, #tpu.memory_space<vmem>>) target_semaphore(%arg13 : memref<!tpu.dma_semaphore, #tpu.memory_space<semaphore_mem>>)
    %dma_wait3A_361 = arith.constant 1 : i32
    %dma_wait3A_362 = arith.constant 0 : i32
    %dma_wait3A_363 = tpu.memref_slice %arg7[%dma_wait3A_361, %dma_wait3A_362] : memref<2x3584xi32, #tpu.memory_space<vmem>> -> memref<1x3584xi32, #tpu.memory_space<vmem>>
    %dma_wait3A_364 = tpu.memref_squeeze %dma_wait3A_363 : memref<1x3584xi32, #tpu.memory_space<vmem>> -> memref<3584xi32, #tpu.memory_space<vmem>>
    %dma_wait3A_365 = tpu.memref_slice %arg2[%add3A_297] : memref<802816xi32, #tpu.memory_space<hbm>> -> memref<3584xi32, #tpu.memory_space<hbm>>
    %dma_wait3A_366 = arith.constant 0 : i32
    %dma_wait3A_367 = tpu.memref_slice %arg7[%dma_wait3A_361, %dma_wait3A_366] : memref<2x3584xi32, #tpu.memory_space<vmem>> -> memref<1x3584xi32, #tpu.memory_space<vmem>>
    %dma_wait3A_368 = tpu.memref_squeeze %dma_wait3A_367 : memref<1x3584xi32, #tpu.memory_space<vmem>> -> memref<3584xi32, #tpu.memory_space<vmem>>
    %dma_wait3A_369 = tpu.memref_slice %arg2[%add3A_297] : memref<802816xi32, #tpu.memory_space<hbm>> -> memref<3584xi32, #tpu.memory_space<hbm>>
    tpu.wait_dma2 semaphore(%arg12 : memref<!tpu.dma_semaphore, #tpu.memory_space<semaphore_mem>>) src(%dma_wait3A_369 : memref<3584xi32, #tpu.memory_space<hbm>>) dst(%dma_wait3A_368 : memref<3584xi32, #tpu.memory_space<vmem>>)
    %dma_wait3A_370 = arith.constant 1 : i32
    %dma_wait3A_371 = arith.constant 0 : i32
    %dma_wait3A_372 = tpu.memref_slice %arg8[%dma_wait3A_370, %dma_wait3A_371] : memref<2x3584xi32, #tpu.memory_space<vmem>> -> memref<1x3584xi32, #tpu.memory_space<vmem>>
    %dma_wait3A_373 = tpu.memref_squeeze %dma_wait3A_372 : memref<1x3584xi32, #tpu.memory_space<vmem>> -> memref<3584xi32, #tpu.memory_space<vmem>>
    %dma_wait3A_374 = tpu.memref_slice %arg3[%add3A_308] : memref<802816xi32, #tpu.memory_space<hbm>> -> memref<3584xi32, #tpu.memory_space<hbm>>
    %dma_wait3A_375 = arith.constant 0 : i32
    %dma_wait3A_376 = tpu.memref_slice %arg8[%dma_wait3A_370, %dma_wait3A_375] : memref<2x3584xi32, #tpu.memory_space<vmem>> -> memref<1x3584xi32, #tpu.memory_space<vmem>>
    %dma_wait3A_377 = tpu.memref_squeeze %dma_wait3A_376 : memref<1x3584xi32, #tpu.memory_space<vmem>> -> memref<3584xi32, #tpu.memory_space<vmem>>
    %dma_wait3A_378 = tpu.memref_slice %arg3[%add3A_308] : memref<802816xi32, #tpu.memory_space<hbm>> -> memref<3584xi32, #tpu.memory_space<hbm>>
    tpu.wait_dma2 semaphore(%arg14 : memref<!tpu.dma_semaphore, #tpu.memory_space<semaphore_mem>>) src(%dma_wait3A_378 : memref<3584xi32, #tpu.memory_space<hbm>>) dst(%dma_wait3A_377 : memref<3584xi32, #tpu.memory_space<vmem>>)
    %parallel_loop3A_379 = arith.constant 0 : i32
    %parallel_loop3A_380 = arith.constant 3584 : i32
    %parallel_loop3A_381 = arith.constant 16 : i32
    scf.for %parallel_loop3A_618 = %parallel_loop3A_379 to %parallel_loop3A_380 step %parallel_loop3A_381  : i32 {
      %parallel_loop3A_619 = arith.constant 1 : i32
      %parallel_loop3A_620 = arith.index_cast %parallel_loop3A_619 : i32 to index
      %parallel_loop3A_621 = arith.index_cast %parallel_loop3A_618 : i32 to index
      %parallel_loop3A_622 = tpu.vector_load %arg8[%parallel_loop3A_620, %parallel_loop3A_621] {strides = array<i32>} : memref<2x3584xi32, #tpu.memory_space<vmem>>, vector<16xi32>,
      %parallel_loop3A_623 = arith.constant 1 : i32
      %parallel_loop3A_624 = arith.index_cast %parallel_loop3A_623 : i32 to index
      %parallel_loop3A_625 = arith.index_cast %parallel_loop3A_618 : i32 to index
      %parallel_loop3A_626 = tpu.vector_load %arg7[%parallel_loop3A_624, %parallel_loop3A_625] {strides = array<i32>} : memref<2x3584xi32, #tpu.memory_space<vmem>>, vector<16xi32>,
      %parallel_loop3A_627 = tpu.vector_load_idx %arg6[%parallel_loop3A_626] : memref<51200xf32, #tpu.memory_space<vmem>>[vector<16xi32>], vector<16xf32>,
      tpu.vector_store_idx %arg9[%parallel_loop3A_622], %parallel_loop3A_627 {add = true} : memref<51200xf32, #tpu.memory_space<vmem>>[vector<16xi32>], vector<16xf32>,
    } {sc.loop_unroll_factor = 8 : i64, sc.parallel_access}
    %add3A_382 = arith.constant 32256 : i32
    %add3A_383 = arith.addi %mul3A_2, %add3A_382 : i32
    %dma_start3A_384 = arith.constant 1 : i32
    %dma_start3A_385 = arith.constant 0 : i32
    %dma_start3A_386 = tpu.memref_slice %arg7[%dma_start3A_384, %dma_start3A_385] : memref<2x3584xi32, #tpu.memory_space<vmem>> -> memref<1x3584xi32, #tpu.memory_space<vmem>>
    %dma_start3A_387 = tpu.memref_squeeze %dma_start3A_386 : memref<1x3584xi32, #tpu.memory_space<vmem>> -> memref<3584xi32, #tpu.memory_space<vmem>>
    %dma_start3A_388 = tpu.memref_slice %arg2[%add3A_383] : memref<802816xi32, #tpu.memory_space<hbm>> -> memref<3584xi32, #tpu.memory_space<hbm>>
    %dma_start3A_389 = arith.constant 0 : i32
    %dma_start3A_390 = tpu.memref_slice %arg7[%dma_start3A_384, %dma_start3A_389] : memref<2x3584xi32, #tpu.memory_space<vmem>> -> memref<1x3584xi32, #tpu.memory_space<vmem>>
    %dma_start3A_391 = tpu.memref_squeeze %dma_start3A_390 : memref<1x3584xi32, #tpu.memory_space<vmem>> -> memref<3584xi32, #tpu.memory_space<vmem>>
    %dma_start3A_392 = tpu.memref_slice %arg2[%add3A_383] : memref<802816xi32, #tpu.memory_space<hbm>> -> memref<3584xi32, #tpu.memory_space<hbm>>
    tpu.enqueue_dma source(%dma_start3A_392 : memref<3584xi32, #tpu.memory_space<hbm>>) target(%dma_start3A_391 : memref<3584xi32, #tpu.memory_space<vmem>>) target_semaphore(%arg12 : memref<!tpu.dma_semaphore, #tpu.memory_space<semaphore_mem>>)
    %add3A_393 = arith.constant 32256 : i32
    %add3A_394 = arith.addi %mul3A_2, %add3A_393 : i32
    %dma_start3A_395 = arith.constant 1 : i32
    %dma_start3A_396 = arith.constant 0 : i32
    %dma_start3A_397 = tpu.memref_slice %arg8[%dma_start3A_395, %dma_start3A_396] : memref<2x3584xi32, #tpu.memory_space<vmem>> -> memref<1x3584xi32, #tpu.memory_space<vmem>>
    %dma_start3A_398 = tpu.memref_squeeze %dma_start3A_397 : memref<1x3584xi32, #tpu.memory_space<vmem>> -> memref<3584xi32, #tpu.memory_space<vmem>>
    %dma_start3A_399 = tpu.memref_slice %arg3[%add3A_394] : memref<802816xi32, #tpu.memory_space<hbm>> -> memref<3584xi32, #tpu.memory_space<hbm>>
    %dma_start3A_400 = arith.constant 0 : i32
    %dma_start3A_401 = tpu.memref_slice %arg8[%dma_start3A_395, %dma_start3A_400] : memref<2x3584xi32, #tpu.memory_space<vmem>> -> memref<1x3584xi32, #tpu.memory_space<vmem>>
    %dma_start3A_402 = tpu.memref_squeeze %dma_start3A_401 : memref<1x3584xi32, #tpu.memory_space<vmem>> -> memref<3584xi32, #tpu.memory_space<vmem>>
    %dma_start3A_403 = tpu.memref_slice %arg3[%add3A_394] : memref<802816xi32, #tpu.memory_space<hbm>> -> memref<3584xi32, #tpu.memory_space<hbm>>
    tpu.enqueue_dma source(%dma_start3A_403 : memref<3584xi32, #tpu.memory_space<hbm>>) target(%dma_start3A_402 : memref<3584xi32, #tpu.memory_space<vmem>>) target_semaphore(%arg14 : memref<!tpu.dma_semaphore, #tpu.memory_space<semaphore_mem>>)
    %dma_wait3A_404 = arith.constant 0 : i32
    %dma_wait3A_405 = arith.constant 0 : i32
    %dma_wait3A_406 = tpu.memref_slice %arg7[%dma_wait3A_404, %dma_wait3A_405] : memref<2x3584xi32, #tpu.memory_space<vmem>> -> memref<1x3584xi32, #tpu.memory_space<vmem>>
    %dma_wait3A_407 = tpu.memref_squeeze %dma_wait3A_406 : memref<1x3584xi32, #tpu.memory_space<vmem>> -> memref<3584xi32, #tpu.memory_space<vmem>>
    %dma_wait3A_408 = tpu.memref_slice %arg2[%add3A_340] : memref<802816xi32, #tpu.memory_space<hbm>> -> memref<3584xi32, #tpu.memory_space<hbm>>
    %dma_wait3A_409 = arith.constant 0 : i32
    %dma_wait3A_410 = tpu.memref_slice %arg7[%dma_wait3A_404, %dma_wait3A_409] : memref<2x3584xi32, #tpu.memory_space<vmem>> -> memref<1x3584xi32, #tpu.memory_space<vmem>>
    %dma_wait3A_411 = tpu.memref_squeeze %dma_wait3A_410 : memref<1x3584xi32, #tpu.memory_space<vmem>> -> memref<3584xi32, #tpu.memory_space<vmem>>
    %dma_wait3A_412 = tpu.memref_slice %arg2[%add3A_340] : memref<802816xi32, #tpu.memory_space<hbm>> -> memref<3584xi32, #tpu.memory_space<hbm>>
    tpu.wait_dma2 semaphore(%arg11 : memref<!tpu.dma_semaphore, #tpu.memory_space<semaphore_mem>>) src(%dma_wait3A_412 : memref<3584xi32, #tpu.memory_space<hbm>>) dst(%dma_wait3A_411 : memref<3584xi32, #tpu.memory_space<vmem>>)
    %dma_wait3A_413 = arith.constant 0 : i32
    %dma_wait3A_414 = arith.constant 0 : i32
    %dma_wait3A_415 = tpu.memref_slice %arg8[%dma_wait3A_413, %dma_wait3A_414] : memref<2x3584xi32, #tpu.memory_space<vmem>> -> memref<1x3584xi32, #tpu.memory_space<vmem>>
    %dma_wait3A_416 = tpu.memref_squeeze %dma_wait3A_415 : memref<1x3584xi32, #tpu.memory_space<vmem>> -> memref<3584xi32, #tpu.memory_space<vmem>>
    %dma_wait3A_417 = tpu.memref_slice %arg3[%add3A_351] : memref<802816xi32, #tpu.memory_space<hbm>> -> memref<3584xi32, #tpu.memory_space<hbm>>
    %dma_wait3A_418 = arith.constant 0 : i32
    %dma_wait3A_419 = tpu.memref_slice %arg8[%dma_wait3A_413, %dma_wait3A_418] : memref<2x3584xi32, #tpu.memory_space<vmem>> -> memref<1x3584xi32, #tpu.memory_space<vmem>>
    %dma_wait3A_420 = tpu.memref_squeeze %dma_wait3A_419 : memref<1x3584xi32, #tpu.memory_space<vmem>> -> memref<3584xi32, #tpu.memory_space<vmem>>
    %dma_wait3A_421 = tpu.memref_slice %arg3[%add3A_351] : memref<802816xi32, #tpu.memory_space<hbm>> -> memref<3584xi32, #tpu.memory_space<hbm>>
    tpu.wait_dma2 semaphore(%arg13 : memref<!tpu.dma_semaphore, #tpu.memory_space<semaphore_mem>>) src(%dma_wait3A_421 : memref<3584xi32, #tpu.memory_space<hbm>>) dst(%dma_wait3A_420 : memref<3584xi32, #tpu.memory_space<vmem>>)
    %parallel_loop3A_422 = arith.constant 0 : i32
    %parallel_loop3A_423 = arith.constant 3584 : i32
    %parallel_loop3A_424 = arith.constant 16 : i32
    scf.for %parallel_loop3A_618 = %parallel_loop3A_422 to %parallel_loop3A_423 step %parallel_loop3A_424  : i32 {
      %parallel_loop3A_619 = arith.constant 0 : i32
      %parallel_loop3A_620 = arith.index_cast %parallel_loop3A_619 : i32 to index
      %parallel_loop3A_621 = arith.index_cast %parallel_loop3A_618 : i32 to index
      %parallel_loop3A_622 = tpu.vector_load %arg8[%parallel_loop3A_620, %parallel_loop3A_621] {strides = array<i32>} : memref<2x3584xi32, #tpu.memory_space<vmem>>, vector<16xi32>,
      %parallel_loop3A_623 = arith.constant 0 : i32
      %parallel_loop3A_624 = arith.index_cast %parallel_loop3A_623 : i32 to index
      %parallel_loop3A_625 = arith.index_cast %parallel_loop3A_618 : i32 to index
      %parallel_loop3A_626 = tpu.vector_load %arg7[%parallel_loop3A_624, %parallel_loop3A_625] {strides = array<i32>} : memref<2x3584xi32, #tpu.memory_space<vmem>>, vector<16xi32>,
      %parallel_loop3A_627 = tpu.vector_load_idx %arg6[%parallel_loop3A_626] : memref<51200xf32, #tpu.memory_space<vmem>>[vector<16xi32>], vector<16xf32>,
      tpu.vector_store_idx %arg9[%parallel_loop3A_622], %parallel_loop3A_627 {add = true} : memref<51200xf32, #tpu.memory_space<vmem>>[vector<16xi32>], vector<16xf32>,
    } {sc.loop_unroll_factor = 8 : i64, sc.parallel_access}
    %add3A_425 = arith.constant 35840 : i32
    %add3A_426 = arith.addi %mul3A_2, %add3A_425 : i32
    %dma_start3A_427 = arith.constant 0 : i32
    %dma_start3A_428 = arith.constant 0 : i32
    %dma_start3A_429 = tpu.memref_slice %arg7[%dma_start3A_427, %dma_start3A_428] : memref<2x3584xi32, #tpu.memory_space<vmem>> -> memref<1x3584xi32, #tpu.memory_space<vmem>>
    %dma_start3A_430 = tpu.memref_squeeze %dma_start3A_429 : memref<1x3584xi32, #tpu.memory_space<vmem>> -> memref<3584xi32, #tpu.memory_space<vmem>>
    %dma_start3A_431 = tpu.memref_slice %arg2[%add3A_426] : memref<802816xi32, #tpu.memory_space<hbm>> -> memref<3584xi32, #tpu.memory_space<hbm>>
    %dma_start3A_432 = arith.constant 0 : i32
    %dma_start3A_433 = tpu.memref_slice %arg7[%dma_start3A_427, %dma_start3A_432] : memref<2x3584xi32, #tpu.memory_space<vmem>> -> memref<1x3584xi32, #tpu.memory_space<vmem>>
    %dma_start3A_434 = tpu.memref_squeeze %dma_start3A_433 : memref<1x3584xi32, #tpu.memory_space<vmem>> -> memref<3584xi32, #tpu.memory_space<vmem>>
    %dma_start3A_435 = tpu.memref_slice %arg2[%add3A_426] : memref<802816xi32, #tpu.memory_space<hbm>> -> memref<3584xi32, #tpu.memory_space<hbm>>
    tpu.enqueue_dma source(%dma_start3A_435 : memref<3584xi32, #tpu.memory_space<hbm>>) target(%dma_start3A_434 : memref<3584xi32, #tpu.memory_space<vmem>>) target_semaphore(%arg11 : memref<!tpu.dma_semaphore, #tpu.memory_space<semaphore_mem>>)
    %add3A_436 = arith.constant 35840 : i32
    %add3A_437 = arith.addi %mul3A_2, %add3A_436 : i32
    %dma_start3A_438 = arith.constant 0 : i32
    %dma_start3A_439 = arith.constant 0 : i32
    %dma_start3A_440 = tpu.memref_slice %arg8[%dma_start3A_438, %dma_start3A_439] : memref<2x3584xi32, #tpu.memory_space<vmem>> -> memref<1x3584xi32, #tpu.memory_space<vmem>>
    %dma_start3A_441 = tpu.memref_squeeze %dma_start3A_440 : memref<1x3584xi32, #tpu.memory_space<vmem>> -> memref<3584xi32, #tpu.memory_space<vmem>>
    %dma_start3A_442 = tpu.memref_slice %arg3[%add3A_437] : memref<802816xi32, #tpu.memory_space<hbm>> -> memref<3584xi32, #tpu.memory_space<hbm>>
    %dma_start3A_443 = arith.constant 0 : i32
    %dma_start3A_444 = tpu.memref_slice %arg8[%dma_start3A_438, %dma_start3A_443] : memref<2x3584xi32, #tpu.memory_space<vmem>> -> memref<1x3584xi32, #tpu.memory_space<vmem>>
    %dma_start3A_445 = tpu.memref_squeeze %dma_start3A_444 : memref<1x3584xi32, #tpu.memory_space<vmem>> -> memref<3584xi32, #tpu.memory_space<vmem>>
    %dma_start3A_446 = tpu.memref_slice %arg3[%add3A_437] : memref<802816xi32, #tpu.memory_space<hbm>> -> memref<3584xi32, #tpu.memory_space<hbm>>
    tpu.enqueue_dma source(%dma_start3A_446 : memref<3584xi32, #tpu.memory_space<hbm>>) target(%dma_start3A_445 : memref<3584xi32, #tpu.memory_space<vmem>>) target_semaphore(%arg13 : memref<!tpu.dma_semaphore, #tpu.memory_space<semaphore_mem>>)
    %dma_wait3A_447 = arith.constant 1 : i32
    %dma_wait3A_448 = arith.constant 0 : i32
    %dma_wait3A_449 = tpu.memref_slice %arg7[%dma_wait3A_447, %dma_wait3A_448] : memref<2x3584xi32, #tpu.memory_space<vmem>> -> memref<1x3584xi32, #tpu.memory_space<vmem>>
    %dma_wait3A_450 = tpu.memref_squeeze %dma_wait3A_449 : memref<1x3584xi32, #tpu.memory_space<vmem>> -> memref<3584xi32, #tpu.memory_space<vmem>>
    %dma_wait3A_451 = tpu.memref_slice %arg2[%add3A_383] : memref<802816xi32, #tpu.memory_space<hbm>> -> memref<3584xi32, #tpu.memory_space<hbm>>
    %dma_wait3A_452 = arith.constant 0 : i32
    %dma_wait3A_453 = tpu.memref_slice %arg7[%dma_wait3A_447, %dma_wait3A_452] : memref<2x3584xi32, #tpu.memory_space<vmem>> -> memref<1x3584xi32, #tpu.memory_space<vmem>>
    %dma_wait3A_454 = tpu.memref_squeeze %dma_wait3A_453 : memref<1x3584xi32, #tpu.memory_space<vmem>> -> memref<3584xi32, #tpu.memory_space<vmem>>
    %dma_wait3A_455 = tpu.memref_slice %arg2[%add3A_383] : memref<802816xi32, #tpu.memory_space<hbm>> -> memref<3584xi32, #tpu.memory_space<hbm>>
    tpu.wait_dma2 semaphore(%arg12 : memref<!tpu.dma_semaphore, #tpu.memory_space<semaphore_mem>>) src(%dma_wait3A_455 : memref<3584xi32, #tpu.memory_space<hbm>>) dst(%dma_wait3A_454 : memref<3584xi32, #tpu.memory_space<vmem>>)
    %dma_wait3A_456 = arith.constant 1 : i32
    %dma_wait3A_457 = arith.constant 0 : i32
    %dma_wait3A_458 = tpu.memref_slice %arg8[%dma_wait3A_456, %dma_wait3A_457] : memref<2x3584xi32, #tpu.memory_space<vmem>> -> memref<1x3584xi32, #tpu.memory_space<vmem>>
    %dma_wait3A_459 = tpu.memref_squeeze %dma_wait3A_458 : memref<1x3584xi32, #tpu.memory_space<vmem>> -> memref<3584xi32, #tpu.memory_space<vmem>>
    %dma_wait3A_460 = tpu.memref_slice %arg3[%add3A_394] : memref<802816xi32, #tpu.memory_space<hbm>> -> memref<3584xi32, #tpu.memory_space<hbm>>
    %dma_wait3A_461 = arith.constant 0 : i32
    %dma_wait3A_462 = tpu.memref_slice %arg8[%dma_wait3A_456, %dma_wait3A_461] : memref<2x3584xi32, #tpu.memory_space<vmem>> -> memref<1x3584xi32, #tpu.memory_space<vmem>>
    %dma_wait3A_463 = tpu.memref_squeeze %dma_wait3A_462 : memref<1x3584xi32, #tpu.memory_space<vmem>> -> memref<3584xi32, #tpu.memory_space<vmem>>
    %dma_wait3A_464 = tpu.memref_slice %arg3[%add3A_394] : memref<802816xi32, #tpu.memory_space<hbm>> -> memref<3584xi32, #tpu.memory_space<hbm>>
    tpu.wait_dma2 semaphore(%arg14 : memref<!tpu.dma_semaphore, #tpu.memory_space<semaphore_mem>>) src(%dma_wait3A_464 : memref<3584xi32, #tpu.memory_space<hbm>>) dst(%dma_wait3A_463 : memref<3584xi32, #tpu.memory_space<vmem>>)
    %parallel_loop3A_465 = arith.constant 0 : i32
    %parallel_loop3A_466 = arith.constant 3584 : i32
    %parallel_loop3A_467 = arith.constant 16 : i32
    scf.for %parallel_loop3A_618 = %parallel_loop3A_465 to %parallel_loop3A_466 step %parallel_loop3A_467  : i32 {
      %parallel_loop3A_619 = arith.constant 1 : i32
      %parallel_loop3A_620 = arith.index_cast %parallel_loop3A_619 : i32 to index
      %parallel_loop3A_621 = arith.index_cast %parallel_loop3A_618 : i32 to index
      %parallel_loop3A_622 = tpu.vector_load %arg8[%parallel_loop3A_620, %parallel_loop3A_621] {strides = array<i32>} : memref<2x3584xi32, #tpu.memory_space<vmem>>, vector<16xi32>,
      %parallel_loop3A_623 = arith.constant 1 : i32
      %parallel_loop3A_624 = arith.index_cast %parallel_loop3A_623 : i32 to index
      %parallel_loop3A_625 = arith.index_cast %parallel_loop3A_618 : i32 to index
      %parallel_loop3A_626 = tpu.vector_load %arg7[%parallel_loop3A_624, %parallel_loop3A_625] {strides = array<i32>} : memref<2x3584xi32, #tpu.memory_space<vmem>>, vector<16xi32>,
      %parallel_loop3A_627 = tpu.vector_load_idx %arg6[%parallel_loop3A_626] : memref<51200xf32, #tpu.memory_space<vmem>>[vector<16xi32>], vector<16xf32>,
      tpu.vector_store_idx %arg9[%parallel_loop3A_622], %parallel_loop3A_627 {add = true} : memref<51200xf32, #tpu.memory_space<vmem>>[vector<16xi32>], vector<16xf32>,
    } {sc.loop_unroll_factor = 8 : i64, sc.parallel_access}
    %add3A_468 = arith.constant 39424 : i32
    %add3A_469 = arith.addi %mul3A_2, %add3A_468 : i32
    %dma_start3A_470 = arith.constant 1 : i32
    %dma_start3A_471 = arith.constant 0 : i32
    %dma_start3A_472 = tpu.memref_slice %arg7[%dma_start3A_470, %dma_start3A_471] : memref<2x3584xi32, #tpu.memory_space<vmem>> -> memref<1x3584xi32, #tpu.memory_space<vmem>>
    %dma_start3A_473 = tpu.memref_squeeze %dma_start3A_472 : memref<1x3584xi32, #tpu.memory_space<vmem>> -> memref<3584xi32, #tpu.memory_space<vmem>>
    %dma_start3A_474 = tpu.memref_slice %arg2[%add3A_469] : memref<802816xi32, #tpu.memory_space<hbm>> -> memref<3584xi32, #tpu.memory_space<hbm>>
    %dma_start3A_475 = arith.constant 0 : i32
    %dma_start3A_476 = tpu.memref_slice %arg7[%dma_start3A_470, %dma_start3A_475] : memref<2x3584xi32, #tpu.memory_space<vmem>> -> memref<1x3584xi32, #tpu.memory_space<vmem>>
    %dma_start3A_477 = tpu.memref_squeeze %dma_start3A_476 : memref<1x3584xi32, #tpu.memory_space<vmem>> -> memref<3584xi32, #tpu.memory_space<vmem>>
    %dma_start3A_478 = tpu.memref_slice %arg2[%add3A_469] : memref<802816xi32, #tpu.memory_space<hbm>> -> memref<3584xi32, #tpu.memory_space<hbm>>
    tpu.enqueue_dma source(%dma_start3A_478 : memref<3584xi32, #tpu.memory_space<hbm>>) target(%dma_start3A_477 : memref<3584xi32, #tpu.memory_space<vmem>>) target_semaphore(%arg12 : memref<!tpu.dma_semaphore, #tpu.memory_space<semaphore_mem>>)
    %add3A_479 = arith.constant 39424 : i32
    %add3A_480 = arith.addi %mul3A_2, %add3A_479 : i32
    %dma_start3A_481 = arith.constant 1 : i32
    %dma_start3A_482 = arith.constant 0 : i32
    %dma_start3A_483 = tpu.memref_slice %arg8[%dma_start3A_481, %dma_start3A_482] : memref<2x3584xi32, #tpu.memory_space<vmem>> -> memref<1x3584xi32, #tpu.memory_space<vmem>>
    %dma_start3A_484 = tpu.memref_squeeze %dma_start3A_483 : memref<1x3584xi32, #tpu.memory_space<vmem>> -> memref<3584xi32, #tpu.memory_space<vmem>>
    %dma_start3A_485 = tpu.memref_slice %arg3[%add3A_480] : memref<802816xi32, #tpu.memory_space<hbm>> -> memref<3584xi32, #tpu.memory_space<hbm>>
    %dma_start3A_486 = arith.constant 0 : i32
    %dma_start3A_487 = tpu.memref_slice %arg8[%dma_start3A_481, %dma_start3A_486] : memref<2x3584xi32, #tpu.memory_space<vmem>> -> memref<1x3584xi32, #tpu.memory_space<vmem>>
    %dma_start3A_488 = tpu.memref_squeeze %dma_start3A_487 : memref<1x3584xi32, #tpu.memory_space<vmem>> -> memref<3584xi32, #tpu.memory_space<vmem>>
    %dma_start3A_489 = tpu.memref_slice %arg3[%add3A_480] : memref<802816xi32, #tpu.memory_space<hbm>> -> memref<3584xi32, #tpu.memory_space<hbm>>
    tpu.enqueue_dma source(%dma_start3A_489 : memref<3584xi32, #tpu.memory_space<hbm>>) target(%dma_start3A_488 : memref<3584xi32, #tpu.memory_space<vmem>>) target_semaphore(%arg14 : memref<!tpu.dma_semaphore, #tpu.memory_space<semaphore_mem>>)
    %dma_wait3A_490 = arith.constant 0 : i32
    %dma_wait3A_491 = arith.constant 0 : i32
    %dma_wait3A_492 = tpu.memref_slice %arg7[%dma_wait3A_490, %dma_wait3A_491] : memref<2x3584xi32, #tpu.memory_space<vmem>> -> memref<1x3584xi32, #tpu.memory_space<vmem>>
    %dma_wait3A_493 = tpu.memref_squeeze %dma_wait3A_492 : memref<1x3584xi32, #tpu.memory_space<vmem>> -> memref<3584xi32, #tpu.memory_space<vmem>>
    %dma_wait3A_494 = tpu.memref_slice %arg2[%add3A_426] : memref<802816xi32, #tpu.memory_space<hbm>> -> memref<3584xi32, #tpu.memory_space<hbm>>
    %dma_wait3A_495 = arith.constant 0 : i32
    %dma_wait3A_496 = tpu.memref_slice %arg7[%dma_wait3A_490, %dma_wait3A_495] : memref<2x3584xi32, #tpu.memory_space<vmem>> -> memref<1x3584xi32, #tpu.memory_space<vmem>>
    %dma_wait3A_497 = tpu.memref_squeeze %dma_wait3A_496 : memref<1x3584xi32, #tpu.memory_space<vmem>> -> memref<3584xi32, #tpu.memory_space<vmem>>
    %dma_wait3A_498 = tpu.memref_slice %arg2[%add3A_426] : memref<802816xi32, #tpu.memory_space<hbm>> -> memref<3584xi32, #tpu.memory_space<hbm>>
    tpu.wait_dma2 semaphore(%arg11 : memref<!tpu.dma_semaphore, #tpu.memory_space<semaphore_mem>>) src(%dma_wait3A_498 : memref<3584xi32, #tpu.memory_space<hbm>>) dst(%dma_wait3A_497 : memref<3584xi32, #tpu.memory_space<vmem>>)
    %dma_wait3A_499 = arith.constant 0 : i32
    %dma_wait3A_500 = arith.constant 0 : i32
    %dma_wait3A_501 = tpu.memref_slice %arg8[%dma_wait3A_499, %dma_wait3A_500] : memref<2x3584xi32, #tpu.memory_space<vmem>> -> memref<1x3584xi32, #tpu.memory_space<vmem>>
    %dma_wait3A_502 = tpu.memref_squeeze %dma_wait3A_501 : memref<1x3584xi32, #tpu.memory_space<vmem>> -> memref<3584xi32, #tpu.memory_space<vmem>>
    %dma_wait3A_503 = tpu.memref_slice %arg3[%add3A_437] : memref<802816xi32, #tpu.memory_space<hbm>> -> memref<3584xi32, #tpu.memory_space<hbm>>
    %dma_wait3A_504 = arith.constant 0 : i32
    %dma_wait3A_505 = tpu.memref_slice %arg8[%dma_wait3A_499, %dma_wait3A_504] : memref<2x3584xi32, #tpu.memory_space<vmem>> -> memref<1x3584xi32, #tpu.memory_space<vmem>>
    %dma_wait3A_506 = tpu.memref_squeeze %dma_wait3A_505 : memref<1x3584xi32, #tpu.memory_space<vmem>> -> memref<3584xi32, #tpu.memory_space<vmem>>
    %dma_wait3A_507 = tpu.memref_slice %arg3[%add3A_437] : memref<802816xi32, #tpu.memory_space<hbm>> -> memref<3584xi32, #tpu.memory_space<hbm>>
    tpu.wait_dma2 semaphore(%arg13 : memref<!tpu.dma_semaphore, #tpu.memory_space<semaphore_mem>>) src(%dma_wait3A_507 : memref<3584xi32, #tpu.memory_space<hbm>>) dst(%dma_wait3A_506 : memref<3584xi32, #tpu.memory_space<vmem>>)
    %parallel_loop3A_508 = arith.constant 0 : i32
    %parallel_loop3A_509 = arith.constant 3584 : i32
    %parallel_loop3A_510 = arith.constant 16 : i32
    scf.for %parallel_loop3A_618 = %parallel_loop3A_508 to %parallel_loop3A_509 step %parallel_loop3A_510  : i32 {
      %parallel_loop3A_619 = arith.constant 0 : i32
      %parallel_loop3A_620 = arith.index_cast %parallel_loop3A_619 : i32 to index
      %parallel_loop3A_621 = arith.index_cast %parallel_loop3A_618 : i32 to index
      %parallel_loop3A_622 = tpu.vector_load %arg8[%parallel_loop3A_620, %parallel_loop3A_621] {strides = array<i32>} : memref<2x3584xi32, #tpu.memory_space<vmem>>, vector<16xi32>,
      %parallel_loop3A_623 = arith.constant 0 : i32
      %parallel_loop3A_624 = arith.index_cast %parallel_loop3A_623 : i32 to index
      %parallel_loop3A_625 = arith.index_cast %parallel_loop3A_618 : i32 to index
      %parallel_loop3A_626 = tpu.vector_load %arg7[%parallel_loop3A_624, %parallel_loop3A_625] {strides = array<i32>} : memref<2x3584xi32, #tpu.memory_space<vmem>>, vector<16xi32>,
      %parallel_loop3A_627 = tpu.vector_load_idx %arg6[%parallel_loop3A_626] : memref<51200xf32, #tpu.memory_space<vmem>>[vector<16xi32>], vector<16xf32>,
      tpu.vector_store_idx %arg9[%parallel_loop3A_622], %parallel_loop3A_627 {add = true} : memref<51200xf32, #tpu.memory_space<vmem>>[vector<16xi32>], vector<16xf32>,
    } {sc.loop_unroll_factor = 8 : i64, sc.parallel_access}
    %add3A_511 = arith.constant 43008 : i32
    %add3A_512 = arith.addi %mul3A_2, %add3A_511 : i32
    %dma_start3A_513 = arith.constant 0 : i32
    %dma_start3A_514 = arith.constant 0 : i32
    %dma_start3A_515 = tpu.memref_slice %arg7[%dma_start3A_513, %dma_start3A_514] : memref<2x3584xi32, #tpu.memory_space<vmem>> -> memref<1x3584xi32, #tpu.memory_space<vmem>>
    %dma_start3A_516 = tpu.memref_squeeze %dma_start3A_515 : memref<1x3584xi32, #tpu.memory_space<vmem>> -> memref<3584xi32, #tpu.memory_space<vmem>>
    %dma_start3A_517 = tpu.memref_slice %arg2[%add3A_512] : memref<802816xi32, #tpu.memory_space<hbm>> -> memref<3584xi32, #tpu.memory_space<hbm>>
    %dma_start3A_518 = arith.constant 0 : i32
    %dma_start3A_519 = tpu.memref_slice %arg7[%dma_start3A_513, %dma_start3A_518] : memref<2x3584xi32, #tpu.memory_space<vmem>> -> memref<1x3584xi32, #tpu.memory_space<vmem>>
    %dma_start3A_520 = tpu.memref_squeeze %dma_start3A_519 : memref<1x3584xi32, #tpu.memory_space<vmem>> -> memref<3584xi32, #tpu.memory_space<vmem>>
    %dma_start3A_521 = tpu.memref_slice %arg2[%add3A_512] : memref<802816xi32, #tpu.memory_space<hbm>> -> memref<3584xi32, #tpu.memory_space<hbm>>
    tpu.enqueue_dma source(%dma_start3A_521 : memref<3584xi32, #tpu.memory_space<hbm>>) target(%dma_start3A_520 : memref<3584xi32, #tpu.memory_space<vmem>>) target_semaphore(%arg11 : memref<!tpu.dma_semaphore, #tpu.memory_space<semaphore_mem>>)
    %add3A_522 = arith.constant 43008 : i32
    %add3A_523 = arith.addi %mul3A_2, %add3A_522 : i32
    %dma_start3A_524 = arith.constant 0 : i32
    %dma_start3A_525 = arith.constant 0 : i32
    %dma_start3A_526 = tpu.memref_slice %arg8[%dma_start3A_524, %dma_start3A_525] : memref<2x3584xi32, #tpu.memory_space<vmem>> -> memref<1x3584xi32, #tpu.memory_space<vmem>>
    %dma_start3A_527 = tpu.memref_squeeze %dma_start3A_526 : memref<1x3584xi32, #tpu.memory_space<vmem>> -> memref<3584xi32, #tpu.memory_space<vmem>>
    %dma_start3A_528 = tpu.memref_slice %arg3[%add3A_523] : memref<802816xi32, #tpu.memory_space<hbm>> -> memref<3584xi32, #tpu.memory_space<hbm>>
    %dma_start3A_529 = arith.constant 0 : i32
    %dma_start3A_530 = tpu.memref_slice %arg8[%dma_start3A_524, %dma_start3A_529] : memref<2x3584xi32, #tpu.memory_space<vmem>> -> memref<1x3584xi32, #tpu.memory_space<vmem>>
    %dma_start3A_531 = tpu.memref_squeeze %dma_start3A_530 : memref<1x3584xi32, #tpu.memory_space<vmem>> -> memref<3584xi32, #tpu.memory_space<vmem>>
    %dma_start3A_532 = tpu.memref_slice %arg3[%add3A_523] : memref<802816xi32, #tpu.memory_space<hbm>> -> memref<3584xi32, #tpu.memory_space<hbm>>
    tpu.enqueue_dma source(%dma_start3A_532 : memref<3584xi32, #tpu.memory_space<hbm>>) target(%dma_start3A_531 : memref<3584xi32, #tpu.memory_space<vmem>>) target_semaphore(%arg13 : memref<!tpu.dma_semaphore, #tpu.memory_space<semaphore_mem>>)
    %dma_wait3A_533 = arith.constant 1 : i32
    %dma_wait3A_534 = arith.constant 0 : i32
    %dma_wait3A_535 = tpu.memref_slice %arg7[%dma_wait3A_533, %dma_wait3A_534] : memref<2x3584xi32, #tpu.memory_space<vmem>> -> memref<1x3584xi32, #tpu.memory_space<vmem>>
    %dma_wait3A_536 = tpu.memref_squeeze %dma_wait3A_535 : memref<1x3584xi32, #tpu.memory_space<vmem>> -> memref<3584xi32, #tpu.memory_space<vmem>>
    %dma_wait3A_537 = tpu.memref_slice %arg2[%add3A_469] : memref<802816xi32, #tpu.memory_space<hbm>> -> memref<3584xi32, #tpu.memory_space<hbm>>
    %dma_wait3A_538 = arith.constant 0 : i32
    %dma_wait3A_539 = tpu.memref_slice %arg7[%dma_wait3A_533, %dma_wait3A_538] : memref<2x3584xi32, #tpu.memory_space<vmem>> -> memref<1x3584xi32, #tpu.memory_space<vmem>>
    %dma_wait3A_540 = tpu.memref_squeeze %dma_wait3A_539 : memref<1x3584xi32, #tpu.memory_space<vmem>> -> memref<3584xi32, #tpu.memory_space<vmem>>
    %dma_wait3A_541 = tpu.memref_slice %arg2[%add3A_469] : memref<802816xi32, #tpu.memory_space<hbm>> -> memref<3584xi32, #tpu.memory_space<hbm>>
    tpu.wait_dma2 semaphore(%arg12 : memref<!tpu.dma_semaphore, #tpu.memory_space<semaphore_mem>>) src(%dma_wait3A_541 : memref<3584xi32, #tpu.memory_space<hbm>>) dst(%dma_wait3A_540 : memref<3584xi32, #tpu.memory_space<vmem>>)
    %dma_wait3A_542 = arith.constant 1 : i32
    %dma_wait3A_543 = arith.constant 0 : i32
    %dma_wait3A_544 = tpu.memref_slice %arg8[%dma_wait3A_542, %dma_wait3A_543] : memref<2x3584xi32, #tpu.memory_space<vmem>> -> memref<1x3584xi32, #tpu.memory_space<vmem>>
    %dma_wait3A_545 = tpu.memref_squeeze %dma_wait3A_544 : memref<1x3584xi32, #tpu.memory_space<vmem>> -> memref<3584xi32, #tpu.memory_space<vmem>>
    %dma_wait3A_546 = tpu.memref_slice %arg3[%add3A_480] : memref<802816xi32, #tpu.memory_space<hbm>> -> memref<3584xi32, #tpu.memory_space<hbm>>
    %dma_wait3A_547 = arith.constant 0 : i32
    %dma_wait3A_548 = tpu.memref_slice %arg8[%dma_wait3A_542, %dma_wait3A_547] : memref<2x3584xi32, #tpu.memory_space<vmem>> -> memref<1x3584xi32, #tpu.memory_space<vmem>>
    %dma_wait3A_549 = tpu.memref_squeeze %dma_wait3A_548 : memref<1x3584xi32, #tpu.memory_space<vmem>> -> memref<3584xi32, #tpu.memory_space<vmem>>
    %dma_wait3A_550 = tpu.memref_slice %arg3[%add3A_480] : memref<802816xi32, #tpu.memory_space<hbm>> -> memref<3584xi32, #tpu.memory_space<hbm>>
    tpu.wait_dma2 semaphore(%arg14 : memref<!tpu.dma_semaphore, #tpu.memory_space<semaphore_mem>>) src(%dma_wait3A_550 : memref<3584xi32, #tpu.memory_space<hbm>>) dst(%dma_wait3A_549 : memref<3584xi32, #tpu.memory_space<vmem>>)
    %parallel_loop3A_551 = arith.constant 0 : i32
    %parallel_loop3A_552 = arith.constant 3584 : i32
    %parallel_loop3A_553 = arith.constant 16 : i32
    scf.for %parallel_loop3A_618 = %parallel_loop3A_551 to %parallel_loop3A_552 step %parallel_loop3A_553  : i32 {
      %parallel_loop3A_619 = arith.constant 1 : i32
      %parallel_loop3A_620 = arith.index_cast %parallel_loop3A_619 : i32 to index
      %parallel_loop3A_621 = arith.index_cast %parallel_loop3A_618 : i32 to index
      %parallel_loop3A_622 = tpu.vector_load %arg8[%parallel_loop3A_620, %parallel_loop3A_621] {strides = array<i32>} : memref<2x3584xi32, #tpu.memory_space<vmem>>, vector<16xi32>,
      %parallel_loop3A_623 = arith.constant 1 : i32
      %parallel_loop3A_624 = arith.index_cast %parallel_loop3A_623 : i32 to index
      %parallel_loop3A_625 = arith.index_cast %parallel_loop3A_618 : i32 to index
      %parallel_loop3A_626 = tpu.vector_load %arg7[%parallel_loop3A_624, %parallel_loop3A_625] {strides = array<i32>} : memref<2x3584xi32, #tpu.memory_space<vmem>>, vector<16xi32>,
      %parallel_loop3A_627 = tpu.vector_load_idx %arg6[%parallel_loop3A_626] : memref<51200xf32, #tpu.memory_space<vmem>>[vector<16xi32>], vector<16xf32>,
      tpu.vector_store_idx %arg9[%parallel_loop3A_622], %parallel_loop3A_627 {add = true} : memref<51200xf32, #tpu.memory_space<vmem>>[vector<16xi32>], vector<16xf32>,
    } {sc.loop_unroll_factor = 8 : i64, sc.parallel_access}
    %add3A_554 = arith.constant 46592 : i32
    %add3A_555 = arith.addi %mul3A_2, %add3A_554 : i32
    %dma_start3A_556 = arith.constant 1 : i32
    %dma_start3A_557 = arith.constant 0 : i32
    %dma_start3A_558 = tpu.memref_slice %arg7[%dma_start3A_556, %dma_start3A_557] : memref<2x3584xi32, #tpu.memory_space<vmem>> -> memref<1x3584xi32, #tpu.memory_space<vmem>>
    %dma_start3A_559 = tpu.memref_squeeze %dma_start3A_558 : memref<1x3584xi32, #tpu.memory_space<vmem>> -> memref<3584xi32, #tpu.memory_space<vmem>>
    %dma_start3A_560 = tpu.memref_slice %arg2[%add3A_555] : memref<802816xi32, #tpu.memory_space<hbm>> -> memref<3584xi32, #tpu.memory_space<hbm>>
    %dma_start3A_561 = arith.constant 0 : i32
    %dma_start3A_562 = tpu.memref_slice %arg7[%dma_start3A_556, %dma_start3A_561] : memref<2x3584xi32, #tpu.memory_space<vmem>> -> memref<1x3584xi32, #tpu.memory_space<vmem>>
    %dma_start3A_563 = tpu.memref_squeeze %dma_start3A_562 : memref<1x3584xi32, #tpu.memory_space<vmem>> -> memref<3584xi32, #tpu.memory_space<vmem>>
    %dma_start3A_564 = tpu.memref_slice %arg2[%add3A_555] : memref<802816xi32, #tpu.memory_space<hbm>> -> memref<3584xi32, #tpu.memory_space<hbm>>
    tpu.enqueue_dma source(%dma_start3A_564 : memref<3584xi32, #tpu.memory_space<hbm>>) target(%dma_start3A_563 : memref<3584xi32, #tpu.memory_space<vmem>>) target_semaphore(%arg12 : memref<!tpu.dma_semaphore, #tpu.memory_space<semaphore_mem>>)
    %add3A_565 = arith.constant 46592 : i32
    %add3A_566 = arith.addi %mul3A_2, %add3A_565 : i32
    %dma_start3A_567 = arith.constant 1 : i32
    %dma_start3A_568 = arith.constant 0 : i32
    %dma_start3A_569 = tpu.memref_slice %arg8[%dma_start3A_567, %dma_start3A_568] : memref<2x3584xi32, #tpu.memory_space<vmem>> -> memref<1x3584xi32, #tpu.memory_space<vmem>>
    %dma_start3A_570 = tpu.memref_squeeze %dma_start3A_569 : memref<1x3584xi32, #tpu.memory_space<vmem>> -> memref<3584xi32, #tpu.memory_space<vmem>>
    %dma_start3A_571 = tpu.memref_slice %arg3[%add3A_566] : memref<802816xi32, #tpu.memory_space<hbm>> -> memref<3584xi32, #tpu.memory_space<hbm>>
    %dma_start3A_572 = arith.constant 0 : i32
    %dma_start3A_573 = tpu.memref_slice %arg8[%dma_start3A_567, %dma_start3A_572] : memref<2x3584xi32, #tpu.memory_space<vmem>> -> memref<1x3584xi32, #tpu.memory_space<vmem>>
    %dma_start3A_574 = tpu.memref_squeeze %dma_start3A_573 : memref<1x3584xi32, #tpu.memory_space<vmem>> -> memref<3584xi32, #tpu.memory_space<vmem>>
    %dma_start3A_575 = tpu.memref_slice %arg3[%add3A_566] : memref<802816xi32, #tpu.memory_space<hbm>> -> memref<3584xi32, #tpu.memory_space<hbm>>
    tpu.enqueue_dma source(%dma_start3A_575 : memref<3584xi32, #tpu.memory_space<hbm>>) target(%dma_start3A_574 : memref<3584xi32, #tpu.memory_space<vmem>>) target_semaphore(%arg14 : memref<!tpu.dma_semaphore, #tpu.memory_space<semaphore_mem>>)
    %dma_wait3A_576 = arith.constant 0 : i32
    %dma_wait3A_577 = arith.constant 0 : i32
    %dma_wait3A_578 = tpu.memref_slice %arg7[%dma_wait3A_576, %dma_wait3A_577] : memref<2x3584xi32, #tpu.memory_space<vmem>> -> memref<1x3584xi32, #tpu.memory_space<vmem>>
    %dma_wait3A_579 = tpu.memref_squeeze %dma_wait3A_578 : memref<1x3584xi32, #tpu.memory_space<vmem>> -> memref<3584xi32, #tpu.memory_space<vmem>>
    %dma_wait3A_580 = tpu.memref_slice %arg2[%add3A_512] : memref<802816xi32, #tpu.memory_space<hbm>> -> memref<3584xi32, #tpu.memory_space<hbm>>
    %dma_wait3A_581 = arith.constant 0 : i32
    %dma_wait3A_582 = tpu.memref_slice %arg7[%dma_wait3A_576, %dma_wait3A_581] : memref<2x3584xi32, #tpu.memory_space<vmem>> -> memref<1x3584xi32, #tpu.memory_space<vmem>>
    %dma_wait3A_583 = tpu.memref_squeeze %dma_wait3A_582 : memref<1x3584xi32, #tpu.memory_space<vmem>> -> memref<3584xi32, #tpu.memory_space<vmem>>
    %dma_wait3A_584 = tpu.memref_slice %arg2[%add3A_512] : memref<802816xi32, #tpu.memory_space<hbm>> -> memref<3584xi32, #tpu.memory_space<hbm>>
    tpu.wait_dma2 semaphore(%arg11 : memref<!tpu.dma_semaphore, #tpu.memory_space<semaphore_mem>>) src(%dma_wait3A_584 : memref<3584xi32, #tpu.memory_space<hbm>>) dst(%dma_wait3A_583 : memref<3584xi32, #tpu.memory_space<vmem>>)
    %dma_wait3A_585 = arith.constant 0 : i32
    %dma_wait3A_586 = arith.constant 0 : i32
    %dma_wait3A_587 = tpu.memref_slice %arg8[%dma_wait3A_585, %dma_wait3A_586] : memref<2x3584xi32, #tpu.memory_space<vmem>> -> memref<1x3584xi32, #tpu.memory_space<vmem>>
    %dma_wait3A_588 = tpu.memref_squeeze %dma_wait3A_587 : memref<1x3584xi32, #tpu.memory_space<vmem>> -> memref<3584xi32, #tpu.memory_space<vmem>>
    %dma_wait3A_589 = tpu.memref_slice %arg3[%add3A_523] : memref<802816xi32, #tpu.memory_space<hbm>> -> memref<3584xi32, #tpu.memory_space<hbm>>
    %dma_wait3A_590 = arith.constant 0 : i32
    %dma_wait3A_591 = tpu.memref_slice %arg8[%dma_wait3A_585, %dma_wait3A_590] : memref<2x3584xi32, #tpu.memory_space<vmem>> -> memref<1x3584xi32, #tpu.memory_space<vmem>>
    %dma_wait3A_592 = tpu.memref_squeeze %dma_wait3A_591 : memref<1x3584xi32, #tpu.memory_space<vmem>> -> memref<3584xi32, #tpu.memory_space<vmem>>
    %dma_wait3A_593 = tpu.memref_slice %arg3[%add3A_523] : memref<802816xi32, #tpu.memory_space<hbm>> -> memref<3584xi32, #tpu.memory_space<hbm>>
    tpu.wait_dma2 semaphore(%arg13 : memref<!tpu.dma_semaphore, #tpu.memory_space<semaphore_mem>>) src(%dma_wait3A_593 : memref<3584xi32, #tpu.memory_space<hbm>>) dst(%dma_wait3A_592 : memref<3584xi32, #tpu.memory_space<vmem>>)
    %parallel_loop3A_594 = arith.constant 0 : i32
    %parallel_loop3A_595 = arith.constant 3584 : i32
    %parallel_loop3A_596 = arith.constant 16 : i32
    scf.for %parallel_loop3A_618 = %parallel_loop3A_594 to %parallel_loop3A_595 step %parallel_loop3A_596  : i32 {
      %parallel_loop3A_619 = arith.constant 0 : i32
      %parallel_loop3A_620 = arith.index_cast %parallel_loop3A_619 : i32 to index
      %parallel_loop3A_621 = arith.index_cast %parallel_loop3A_618 : i32 to index
      %parallel_loop3A_622 = tpu.vector_load %arg8[%parallel_loop3A_620, %parallel_loop3A_621] {strides = array<i32>} : memref<2x3584xi32, #tpu.memory_space<vmem>>, vector<16xi32>,
      %parallel_loop3A_623 = arith.constant 0 : i32
      %parallel_loop3A_624 = arith.index_cast %parallel_loop3A_623 : i32 to index
      %parallel_loop3A_625 = arith.index_cast %parallel_loop3A_618 : i32 to index
      %parallel_loop3A_626 = tpu.vector_load %arg7[%parallel_loop3A_624, %parallel_loop3A_625] {strides = array<i32>} : memref<2x3584xi32, #tpu.memory_space<vmem>>, vector<16xi32>,
      %parallel_loop3A_627 = tpu.vector_load_idx %arg6[%parallel_loop3A_626] : memref<51200xf32, #tpu.memory_space<vmem>>[vector<16xi32>], vector<16xf32>,
      tpu.vector_store_idx %arg9[%parallel_loop3A_622], %parallel_loop3A_627 {add = true} : memref<51200xf32, #tpu.memory_space<vmem>>[vector<16xi32>], vector<16xf32>,
    } {sc.loop_unroll_factor = 8 : i64, sc.parallel_access}
    %dma_wait3A_597 = arith.constant 1 : i32
    %dma_wait3A_598 = arith.constant 0 : i32
    %dma_wait3A_599 = tpu.memref_slice %arg7[%dma_wait3A_597, %dma_wait3A_598] : memref<2x3584xi32, #tpu.memory_space<vmem>> -> memref<1x3584xi32, #tpu.memory_space<vmem>>
    %dma_wait3A_600 = tpu.memref_squeeze %dma_wait3A_599 : memref<1x3584xi32, #tpu.memory_space<vmem>> -> memref<3584xi32, #tpu.memory_space<vmem>>
    %dma_wait3A_601 = tpu.memref_slice %arg2[%add3A_555] : memref<802816xi32, #tpu.memory_space<hbm>> -> memref<3584xi32, #tpu.memory_space<hbm>>
    %dma_wait3A_602 = arith.constant 0 : i32
    %dma_wait3A_603 = tpu.memref_slice %arg7[%dma_wait3A_597, %dma_wait3A_602] : memref<2x3584xi32, #tpu.memory_space<vmem>> -> memref<1x3584xi32, #tpu.memory_space<vmem>>
    %dma_wait3A_604 = tpu.memref_squeeze %dma_wait3A_603 : memref<1x3584xi32, #tpu.memory_space<vmem>> -> memref<3584xi32, #tpu.memory_space<vmem>>
    %dma_wait3A_605 = tpu.memref_slice %arg2[%add3A_555] : memref<802816xi32, #tpu.memory_space<hbm>> -> memref<3584xi32, #tpu.memory_space<hbm>>
    tpu.wait_dma2 semaphore(%arg12 : memref<!tpu.dma_semaphore, #tpu.memory_space<semaphore_mem>>) src(%dma_wait3A_605 : memref<3584xi32, #tpu.memory_space<hbm>>) dst(%dma_wait3A_604 : memref<3584xi32, #tpu.memory_space<vmem>>)
    %dma_wait3A_606 = arith.constant 1 : i32
    %dma_wait3A_607 = arith.constant 0 : i32
    %dma_wait3A_608 = tpu.memref_slice %arg8[%dma_wait3A_606, %dma_wait3A_607] : memref<2x3584xi32, #tpu.memory_space<vmem>> -> memref<1x3584xi32, #tpu.memory_space<vmem>>
    %dma_wait3A_609 = tpu.memref_squeeze %dma_wait3A_608 : memref<1x3584xi32, #tpu.memory_space<vmem>> -> memref<3584xi32, #tpu.memory_space<vmem>>
    %dma_wait3A_610 = tpu.memref_slice %arg3[%add3A_566] : memref<802816xi32, #tpu.memory_space<hbm>> -> memref<3584xi32, #tpu.memory_space<hbm>>
    %dma_wait3A_611 = arith.constant 0 : i32
    %dma_wait3A_612 = tpu.memref_slice %arg8[%dma_wait3A_606, %dma_wait3A_611] : memref<2x3584xi32, #tpu.memory_space<vmem>> -> memref<1x3584xi32, #tpu.memory_space<vmem>>
    %dma_wait3A_613 = tpu.memref_squeeze %dma_wait3A_612 : memref<1x3584xi32, #tpu.memory_space<vmem>> -> memref<3584xi32, #tpu.memory_space<vmem>>
    %dma_wait3A_614 = tpu.memref_slice %arg3[%add3A_566] : memref<802816xi32, #tpu.memory_space<hbm>> -> memref<3584xi32, #tpu.memory_space<hbm>>
    tpu.wait_dma2 semaphore(%arg14 : memref<!tpu.dma_semaphore, #tpu.memory_space<semaphore_mem>>) src(%dma_wait3A_614 : memref<3584xi32, #tpu.memory_space<hbm>>) dst(%dma_wait3A_613 : memref<3584xi32, #tpu.memory_space<vmem>>)
    %parallel_loop3A_615 = arith.constant 0 : i32
    %parallel_loop3A_616 = arith.constant 3584 : i32
    %parallel_loop3A_617 = arith.constant 16 : i32
    scf.for %parallel_loop3A_618 = %parallel_loop3A_615 to %parallel_loop3A_616 step %parallel_loop3A_617  : i32 {
      %parallel_loop3A_619 = arith.constant 1 : i32
      %parallel_loop3A_620 = arith.index_cast %parallel_loop3A_619 : i32 to index
      %parallel_loop3A_621 = arith.index_cast %parallel_loop3A_618 : i32 to index
      %parallel_loop3A_622 = tpu.vector_load %arg8[%parallel_loop3A_620, %parallel_loop3A_621] {strides = array<i32>} : memref<2x3584xi32, #tpu.memory_space<vmem>>, vector<16xi32>,
      %parallel_loop3A_623 = arith.constant 1 : i32
      %parallel_loop3A_624 = arith.index_cast %parallel_loop3A_623 : i32 to index
      %parallel_loop3A_625 = arith.index_cast %parallel_loop3A_618 : i32 to index
      %parallel_loop3A_626 = tpu.vector_load %arg7[%parallel_loop3A_624, %parallel_loop3A_625] {strides = array<i32>} : memref<2x3584xi32, #tpu.memory_space<vmem>>, vector<16xi32>,
      %parallel_loop3A_627 = tpu.vector_load_idx %arg6[%parallel_loop3A_626] : memref<51200xf32, #tpu.memory_space<vmem>>[vector<16xi32>], vector<16xf32>,
      tpu.vector_store_idx %arg9[%parallel_loop3A_622], %parallel_loop3A_627 {add = true} : memref<51200xf32, #tpu.memory_space<vmem>>[vector<16xi32>], vector<16xf32>,
    } {sc.loop_unroll_factor = 8 : i64, sc.parallel_access}
    "tpu.region"() ({
      %run_scoped3A = tpu.sem_alloc : memref<!tpu.dma_semaphore, #tpu.memory_space<semaphore_mem>>
      %dma_start3A_618 = arith.constant 0 : i32
      %dma_start3A_619 = tpu.memref_slice %arg5[%add3A, %dma_start3A_618] : memref<32x51200xf32, #tpu.memory_space<hbm>> -> memref<1x51200xf32, #tpu.memory_space<hbm>>
      %dma_start3A_620 = tpu.memref_squeeze %dma_start3A_619 : memref<1x51200xf32, #tpu.memory_space<hbm>> -> memref<51200xf32, #tpu.memory_space<hbm>>
      %dma_start3A_621 = arith.constant 0 : i32
      %dma_start3A_622 = tpu.memref_slice %arg5[%add3A, %dma_start3A_621] : memref<32x51200xf32, #tpu.memory_space<hbm>> -> memref<1x51200xf32, #tpu.memory_space<hbm>>
      %dma_start3A_623 = tpu.memref_squeeze %dma_start3A_622 : memref<1x51200xf32, #tpu.memory_space<hbm>> -> memref<51200xf32, #tpu.memory_space<hbm>>
      tpu.enqueue_dma source(%arg9 : memref<51200xf32, #tpu.memory_space<vmem>>) target(%dma_start3A_623 : memref<51200xf32, #tpu.memory_space<hbm>>) target_semaphore(%run_scoped3A : memref<!tpu.dma_semaphore, #tpu.memory_space<semaphore_mem>>)
      %dma_wait3A_624 = arith.constant 0 : i32
      %dma_wait3A_625 = tpu.memref_slice %arg5[%add3A, %dma_wait3A_624] : memref<32x51200xf32, #tpu.memory_space<hbm>> -> memref<1x51200xf32, #tpu.memory_space<hbm>>
      %dma_wait3A_626 = tpu.memref_squeeze %dma_wait3A_625 : memref<1x51200xf32, #tpu.memory_space<hbm>> -> memref<51200xf32, #tpu.memory_space<hbm>>
      %dma_wait3A_627 = arith.constant 0 : i32
      %dma_wait3A_628 = tpu.memref_slice %arg5[%add3A, %dma_wait3A_627] : memref<32x51200xf32, #tpu.memory_space<hbm>> -> memref<1x51200xf32, #tpu.memory_space<hbm>>
      %dma_wait3A_629 = tpu.memref_squeeze %dma_wait3A_628 : memref<1x51200xf32, #tpu.memory_space<hbm>> -> memref<51200xf32, #tpu.memory_space<hbm>>
      tpu.wait_dma2 semaphore(%run_scoped3A : memref<!tpu.dma_semaphore, #tpu.memory_space<semaphore_mem>>) src(%arg9 : memref<51200xf32, #tpu.memory_space<vmem>>) dst(%dma_wait3A_629 : memref<51200xf32, #tpu.memory_space<hbm>>)
      tpu.yield
    }) : () -> ()
    return
  }
}

#map = affine_map<(d0, d1) -> (0)>
#map1 = affine_map<(d0, d1) -> (0, 0)>
module attributes {stable_mosaic.version = 14 : i64} {
  func.func @_sc_deg(%arg0: i32, %arg1: i32, %arg2: memref<802816xi32, #tpu.memory_space<hbm>>, %arg3: memref<32x51200xf32, #tpu.memory_space<hbm>>, %arg4: memref<2x3584xi32, #tpu.memory_space<vmem>>, %arg5: memref<51200xf32, #tpu.memory_space<vmem>>, %arg6: memref<!tpu.dma_semaphore, #tpu.memory_space<semaphore_mem>>, %arg7: memref<!tpu.dma_semaphore, #tpu.memory_space<semaphore_mem>>) attributes {dimension_semantics = [#tpu.dimension_semantics<core_parallel>, #tpu.dimension_semantics<subcore_parallel>], iteration_bounds = array<i64: 2, 16>, scalar_prefetch = 0 : i64, scratch_operands = 4 : i64, tpu.core_type = #tpu.core_type<sc_vector_subcore>, window_params = [{transform_indices = #map}, {transform_indices = #map1}]} {
    %mul3A = arith.constant 16 : i32
    %mul3A_0 = arith.muli %arg0, %mul3A : i32
    %add3A = arith.addi %mul3A_0, %arg1 : i32
    %mul3A_1 = arith.constant 25088 : i32
    %mul3A_2 = arith.muli %add3A, %mul3A_1 : i32
    %add3A_3 = arith.constant 0 : i32
    %add3A_4 = arith.addi %mul3A_2, %add3A_3 : i32
    %dma_start3A = arith.constant 0 : i32
    %dma_start3A_5 = arith.constant 0 : i32
    %dma_start3A_6 = tpu.memref_slice %arg4[%dma_start3A, %dma_start3A_5] : memref<2x3584xi32, #tpu.memory_space<vmem>> -> memref<1x3584xi32, #tpu.memory_space<vmem>>
    %dma_start3A_7 = tpu.memref_squeeze %dma_start3A_6 : memref<1x3584xi32, #tpu.memory_space<vmem>> -> memref<3584xi32, #tpu.memory_space<vmem>>
    %dma_start3A_8 = tpu.memref_slice %arg2[%add3A_4] : memref<802816xi32, #tpu.memory_space<hbm>> -> memref<3584xi32, #tpu.memory_space<hbm>>
    %dma_start3A_9 = arith.constant 0 : i32
    %dma_start3A_10 = tpu.memref_slice %arg4[%dma_start3A, %dma_start3A_9] : memref<2x3584xi32, #tpu.memory_space<vmem>> -> memref<1x3584xi32, #tpu.memory_space<vmem>>
    %dma_start3A_11 = tpu.memref_squeeze %dma_start3A_10 : memref<1x3584xi32, #tpu.memory_space<vmem>> -> memref<3584xi32, #tpu.memory_space<vmem>>
    %dma_start3A_12 = tpu.memref_slice %arg2[%add3A_4] : memref<802816xi32, #tpu.memory_space<hbm>> -> memref<3584xi32, #tpu.memory_space<hbm>>
    tpu.enqueue_dma source(%dma_start3A_12 : memref<3584xi32, #tpu.memory_space<hbm>>) target(%dma_start3A_11 : memref<3584xi32, #tpu.memory_space<vmem>>) target_semaphore(%arg6 : memref<!tpu.dma_semaphore, #tpu.memory_space<semaphore_mem>>)
    %broadcast_in_dim3A = arith.constant 0.000000e+00 : f32
    %broadcast_in_dim3A_13 = vector.broadcast %broadcast_in_dim3A : f32 to vector<16xf32>
    %parallel_loop3A = arith.constant 0 : i32
    %parallel_loop3A_14 = arith.constant 51200 : i32
    %parallel_loop3A_15 = arith.constant 16 : i32
    scf.for %parallel_loop3A_165 = %parallel_loop3A to %parallel_loop3A_14 step %parallel_loop3A_15  : i32 {
      %parallel_loop3A_166 = arith.index_cast %parallel_loop3A_165 : i32 to index
      %parallel_loop3A_167 = tpu.vector_load %arg5[%parallel_loop3A_166] {strides = array<i32>} : memref<51200xf32, #tpu.memory_space<vmem>>, vector<16xf32>,
      tpu.vector_store %arg5[%parallel_loop3A_166], %broadcast_in_dim3A_13 {strides = array<i32>} : memref<51200xf32, #tpu.memory_space<vmem>>, vector<16xf32>,
    } {sc.loop_unroll_factor = 8 : i64, sc.parallel_access}
    %add3A_16 = arith.constant 3584 : i32
    %add3A_17 = arith.addi %mul3A_2, %add3A_16 : i32
    %dma_start3A_18 = arith.constant 1 : i32
    %dma_start3A_19 = arith.constant 0 : i32
    %dma_start3A_20 = tpu.memref_slice %arg4[%dma_start3A_18, %dma_start3A_19] : memref<2x3584xi32, #tpu.memory_space<vmem>> -> memref<1x3584xi32, #tpu.memory_space<vmem>>
    %dma_start3A_21 = tpu.memref_squeeze %dma_start3A_20 : memref<1x3584xi32, #tpu.memory_space<vmem>> -> memref<3584xi32, #tpu.memory_space<vmem>>
    %dma_start3A_22 = tpu.memref_slice %arg2[%add3A_17] : memref<802816xi32, #tpu.memory_space<hbm>> -> memref<3584xi32, #tpu.memory_space<hbm>>
    %dma_start3A_23 = arith.constant 0 : i32
    %dma_start3A_24 = tpu.memref_slice %arg4[%dma_start3A_18, %dma_start3A_23] : memref<2x3584xi32, #tpu.memory_space<vmem>> -> memref<1x3584xi32, #tpu.memory_space<vmem>>
    %dma_start3A_25 = tpu.memref_squeeze %dma_start3A_24 : memref<1x3584xi32, #tpu.memory_space<vmem>> -> memref<3584xi32, #tpu.memory_space<vmem>>
    %dma_start3A_26 = tpu.memref_slice %arg2[%add3A_17] : memref<802816xi32, #tpu.memory_space<hbm>> -> memref<3584xi32, #tpu.memory_space<hbm>>
    tpu.enqueue_dma source(%dma_start3A_26 : memref<3584xi32, #tpu.memory_space<hbm>>) target(%dma_start3A_25 : memref<3584xi32, #tpu.memory_space<vmem>>) target_semaphore(%arg7 : memref<!tpu.dma_semaphore, #tpu.memory_space<semaphore_mem>>)
    %dma_wait3A = arith.constant 0 : i32
    %dma_wait3A_27 = arith.constant 0 : i32
    %dma_wait3A_28 = tpu.memref_slice %arg4[%dma_wait3A, %dma_wait3A_27] : memref<2x3584xi32, #tpu.memory_space<vmem>> -> memref<1x3584xi32, #tpu.memory_space<vmem>>
    %dma_wait3A_29 = tpu.memref_squeeze %dma_wait3A_28 : memref<1x3584xi32, #tpu.memory_space<vmem>> -> memref<3584xi32, #tpu.memory_space<vmem>>
    %dma_wait3A_30 = tpu.memref_slice %arg2[%add3A_4] : memref<802816xi32, #tpu.memory_space<hbm>> -> memref<3584xi32, #tpu.memory_space<hbm>>
    %dma_wait3A_31 = arith.constant 0 : i32
    %dma_wait3A_32 = tpu.memref_slice %arg4[%dma_wait3A, %dma_wait3A_31] : memref<2x3584xi32, #tpu.memory_space<vmem>> -> memref<1x3584xi32, #tpu.memory_space<vmem>>
    %dma_wait3A_33 = tpu.memref_squeeze %dma_wait3A_32 : memref<1x3584xi32, #tpu.memory_space<vmem>> -> memref<3584xi32, #tpu.memory_space<vmem>>
    %dma_wait3A_34 = tpu.memref_slice %arg2[%add3A_4] : memref<802816xi32, #tpu.memory_space<hbm>> -> memref<3584xi32, #tpu.memory_space<hbm>>
    tpu.wait_dma2 semaphore(%arg6 : memref<!tpu.dma_semaphore, #tpu.memory_space<semaphore_mem>>) src(%dma_wait3A_34 : memref<3584xi32, #tpu.memory_space<hbm>>) dst(%dma_wait3A_33 : memref<3584xi32, #tpu.memory_space<vmem>>)
    %parallel_loop3A_35 = arith.constant 0 : i32
    %parallel_loop3A_36 = arith.constant 3584 : i32
    %parallel_loop3A_37 = arith.constant 16 : i32
    scf.for %parallel_loop3A_165 = %parallel_loop3A_35 to %parallel_loop3A_36 step %parallel_loop3A_37  : i32 {
      %parallel_loop3A_166 = arith.constant 0 : i32
      %parallel_loop3A_167 = arith.index_cast %parallel_loop3A_166 : i32 to index
      %parallel_loop3A_168 = arith.index_cast %parallel_loop3A_165 : i32 to index
      %parallel_loop3A_169 = tpu.vector_load %arg4[%parallel_loop3A_167, %parallel_loop3A_168] {strides = array<i32>} : memref<2x3584xi32, #tpu.memory_space<vmem>>, vector<16xi32>,
      %parallel_loop3A_170 = arith.constant 1.000000e+00 : f32
      %parallel_loop3A_171 = vector.broadcast %parallel_loop3A_170 : f32 to vector<16xf32>
      tpu.vector_store_idx %arg5[%parallel_loop3A_169], %parallel_loop3A_171 {add = true} : memref<51200xf32, #tpu.memory_space<vmem>>[vector<16xi32>], vector<16xf32>,
    } {sc.loop_unroll_factor = 8 : i64, sc.parallel_access}
    %add3A_38 = arith.constant 7168 : i32
    %add3A_39 = arith.addi %mul3A_2, %add3A_38 : i32
    %dma_start3A_40 = arith.constant 0 : i32
    %dma_start3A_41 = arith.constant 0 : i32
    %dma_start3A_42 = tpu.memref_slice %arg4[%dma_start3A_40, %dma_start3A_41] : memref<2x3584xi32, #tpu.memory_space<vmem>> -> memref<1x3584xi32, #tpu.memory_space<vmem>>
    %dma_start3A_43 = tpu.memref_squeeze %dma_start3A_42 : memref<1x3584xi32, #tpu.memory_space<vmem>> -> memref<3584xi32, #tpu.memory_space<vmem>>
    %dma_start3A_44 = tpu.memref_slice %arg2[%add3A_39] : memref<802816xi32, #tpu.memory_space<hbm>> -> memref<3584xi32, #tpu.memory_space<hbm>>
    %dma_start3A_45 = arith.constant 0 : i32
    %dma_start3A_46 = tpu.memref_slice %arg4[%dma_start3A_40, %dma_start3A_45] : memref<2x3584xi32, #tpu.memory_space<vmem>> -> memref<1x3584xi32, #tpu.memory_space<vmem>>
    %dma_start3A_47 = tpu.memref_squeeze %dma_start3A_46 : memref<1x3584xi32, #tpu.memory_space<vmem>> -> memref<3584xi32, #tpu.memory_space<vmem>>
    %dma_start3A_48 = tpu.memref_slice %arg2[%add3A_39] : memref<802816xi32, #tpu.memory_space<hbm>> -> memref<3584xi32, #tpu.memory_space<hbm>>
    tpu.enqueue_dma source(%dma_start3A_48 : memref<3584xi32, #tpu.memory_space<hbm>>) target(%dma_start3A_47 : memref<3584xi32, #tpu.memory_space<vmem>>) target_semaphore(%arg6 : memref<!tpu.dma_semaphore, #tpu.memory_space<semaphore_mem>>)
    %dma_wait3A_49 = arith.constant 1 : i32
    %dma_wait3A_50 = arith.constant 0 : i32
    %dma_wait3A_51 = tpu.memref_slice %arg4[%dma_wait3A_49, %dma_wait3A_50] : memref<2x3584xi32, #tpu.memory_space<vmem>> -> memref<1x3584xi32, #tpu.memory_space<vmem>>
    %dma_wait3A_52 = tpu.memref_squeeze %dma_wait3A_51 : memref<1x3584xi32, #tpu.memory_space<vmem>> -> memref<3584xi32, #tpu.memory_space<vmem>>
    %dma_wait3A_53 = tpu.memref_slice %arg2[%add3A_17] : memref<802816xi32, #tpu.memory_space<hbm>> -> memref<3584xi32, #tpu.memory_space<hbm>>
    %dma_wait3A_54 = arith.constant 0 : i32
    %dma_wait3A_55 = tpu.memref_slice %arg4[%dma_wait3A_49, %dma_wait3A_54] : memref<2x3584xi32, #tpu.memory_space<vmem>> -> memref<1x3584xi32, #tpu.memory_space<vmem>>
    %dma_wait3A_56 = tpu.memref_squeeze %dma_wait3A_55 : memref<1x3584xi32, #tpu.memory_space<vmem>> -> memref<3584xi32, #tpu.memory_space<vmem>>
    %dma_wait3A_57 = tpu.memref_slice %arg2[%add3A_17] : memref<802816xi32, #tpu.memory_space<hbm>> -> memref<3584xi32, #tpu.memory_space<hbm>>
    tpu.wait_dma2 semaphore(%arg7 : memref<!tpu.dma_semaphore, #tpu.memory_space<semaphore_mem>>) src(%dma_wait3A_57 : memref<3584xi32, #tpu.memory_space<hbm>>) dst(%dma_wait3A_56 : memref<3584xi32, #tpu.memory_space<vmem>>)
    %parallel_loop3A_58 = arith.constant 0 : i32
    %parallel_loop3A_59 = arith.constant 3584 : i32
    %parallel_loop3A_60 = arith.constant 16 : i32
    scf.for %parallel_loop3A_165 = %parallel_loop3A_58 to %parallel_loop3A_59 step %parallel_loop3A_60  : i32 {
      %parallel_loop3A_166 = arith.constant 1 : i32
      %parallel_loop3A_167 = arith.index_cast %parallel_loop3A_166 : i32 to index
      %parallel_loop3A_168 = arith.index_cast %parallel_loop3A_165 : i32 to index
      %parallel_loop3A_169 = tpu.vector_load %arg4[%parallel_loop3A_167, %parallel_loop3A_168] {strides = array<i32>} : memref<2x3584xi32, #tpu.memory_space<vmem>>, vector<16xi32>,
      %parallel_loop3A_170 = arith.constant 1.000000e+00 : f32
      %parallel_loop3A_171 = vector.broadcast %parallel_loop3A_170 : f32 to vector<16xf32>
      tpu.vector_store_idx %arg5[%parallel_loop3A_169], %parallel_loop3A_171 {add = true} : memref<51200xf32, #tpu.memory_space<vmem>>[vector<16xi32>], vector<16xf32>,
    } {sc.loop_unroll_factor = 8 : i64, sc.parallel_access}
    %add3A_61 = arith.constant 10752 : i32
    %add3A_62 = arith.addi %mul3A_2, %add3A_61 : i32
    %dma_start3A_63 = arith.constant 1 : i32
    %dma_start3A_64 = arith.constant 0 : i32
    %dma_start3A_65 = tpu.memref_slice %arg4[%dma_start3A_63, %dma_start3A_64] : memref<2x3584xi32, #tpu.memory_space<vmem>> -> memref<1x3584xi32, #tpu.memory_space<vmem>>
    %dma_start3A_66 = tpu.memref_squeeze %dma_start3A_65 : memref<1x3584xi32, #tpu.memory_space<vmem>> -> memref<3584xi32, #tpu.memory_space<vmem>>
    %dma_start3A_67 = tpu.memref_slice %arg2[%add3A_62] : memref<802816xi32, #tpu.memory_space<hbm>> -> memref<3584xi32, #tpu.memory_space<hbm>>
    %dma_start3A_68 = arith.constant 0 : i32
    %dma_start3A_69 = tpu.memref_slice %arg4[%dma_start3A_63, %dma_start3A_68] : memref<2x3584xi32, #tpu.memory_space<vmem>> -> memref<1x3584xi32, #tpu.memory_space<vmem>>
    %dma_start3A_70 = tpu.memref_squeeze %dma_start3A_69 : memref<1x3584xi32, #tpu.memory_space<vmem>> -> memref<3584xi32, #tpu.memory_space<vmem>>
    %dma_start3A_71 = tpu.memref_slice %arg2[%add3A_62] : memref<802816xi32, #tpu.memory_space<hbm>> -> memref<3584xi32, #tpu.memory_space<hbm>>
    tpu.enqueue_dma source(%dma_start3A_71 : memref<3584xi32, #tpu.memory_space<hbm>>) target(%dma_start3A_70 : memref<3584xi32, #tpu.memory_space<vmem>>) target_semaphore(%arg7 : memref<!tpu.dma_semaphore, #tpu.memory_space<semaphore_mem>>)
    %dma_wait3A_72 = arith.constant 0 : i32
    %dma_wait3A_73 = arith.constant 0 : i32
    %dma_wait3A_74 = tpu.memref_slice %arg4[%dma_wait3A_72, %dma_wait3A_73] : memref<2x3584xi32, #tpu.memory_space<vmem>> -> memref<1x3584xi32, #tpu.memory_space<vmem>>
    %dma_wait3A_75 = tpu.memref_squeeze %dma_wait3A_74 : memref<1x3584xi32, #tpu.memory_space<vmem>> -> memref<3584xi32, #tpu.memory_space<vmem>>
    %dma_wait3A_76 = tpu.memref_slice %arg2[%add3A_39] : memref<802816xi32, #tpu.memory_space<hbm>> -> memref<3584xi32, #tpu.memory_space<hbm>>
    %dma_wait3A_77 = arith.constant 0 : i32
    %dma_wait3A_78 = tpu.memref_slice %arg4[%dma_wait3A_72, %dma_wait3A_77] : memref<2x3584xi32, #tpu.memory_space<vmem>> -> memref<1x3584xi32, #tpu.memory_space<vmem>>
    %dma_wait3A_79 = tpu.memref_squeeze %dma_wait3A_78 : memref<1x3584xi32, #tpu.memory_space<vmem>> -> memref<3584xi32, #tpu.memory_space<vmem>>
    %dma_wait3A_80 = tpu.memref_slice %arg2[%add3A_39] : memref<802816xi32, #tpu.memory_space<hbm>> -> memref<3584xi32, #tpu.memory_space<hbm>>
    tpu.wait_dma2 semaphore(%arg6 : memref<!tpu.dma_semaphore, #tpu.memory_space<semaphore_mem>>) src(%dma_wait3A_80 : memref<3584xi32, #tpu.memory_space<hbm>>) dst(%dma_wait3A_79 : memref<3584xi32, #tpu.memory_space<vmem>>)
    %parallel_loop3A_81 = arith.constant 0 : i32
    %parallel_loop3A_82 = arith.constant 3584 : i32
    %parallel_loop3A_83 = arith.constant 16 : i32
    scf.for %parallel_loop3A_165 = %parallel_loop3A_81 to %parallel_loop3A_82 step %parallel_loop3A_83  : i32 {
      %parallel_loop3A_166 = arith.constant 0 : i32
      %parallel_loop3A_167 = arith.index_cast %parallel_loop3A_166 : i32 to index
      %parallel_loop3A_168 = arith.index_cast %parallel_loop3A_165 : i32 to index
      %parallel_loop3A_169 = tpu.vector_load %arg4[%parallel_loop3A_167, %parallel_loop3A_168] {strides = array<i32>} : memref<2x3584xi32, #tpu.memory_space<vmem>>, vector<16xi32>,
      %parallel_loop3A_170 = arith.constant 1.000000e+00 : f32
      %parallel_loop3A_171 = vector.broadcast %parallel_loop3A_170 : f32 to vector<16xf32>
      tpu.vector_store_idx %arg5[%parallel_loop3A_169], %parallel_loop3A_171 {add = true} : memref<51200xf32, #tpu.memory_space<vmem>>[vector<16xi32>], vector<16xf32>,
    } {sc.loop_unroll_factor = 8 : i64, sc.parallel_access}
    %add3A_84 = arith.constant 14336 : i32
    %add3A_85 = arith.addi %mul3A_2, %add3A_84 : i32
    %dma_start3A_86 = arith.constant 0 : i32
    %dma_start3A_87 = arith.constant 0 : i32
    %dma_start3A_88 = tpu.memref_slice %arg4[%dma_start3A_86, %dma_start3A_87] : memref<2x3584xi32, #tpu.memory_space<vmem>> -> memref<1x3584xi32, #tpu.memory_space<vmem>>
    %dma_start3A_89 = tpu.memref_squeeze %dma_start3A_88 : memref<1x3584xi32, #tpu.memory_space<vmem>> -> memref<3584xi32, #tpu.memory_space<vmem>>
    %dma_start3A_90 = tpu.memref_slice %arg2[%add3A_85] : memref<802816xi32, #tpu.memory_space<hbm>> -> memref<3584xi32, #tpu.memory_space<hbm>>
    %dma_start3A_91 = arith.constant 0 : i32
    %dma_start3A_92 = tpu.memref_slice %arg4[%dma_start3A_86, %dma_start3A_91] : memref<2x3584xi32, #tpu.memory_space<vmem>> -> memref<1x3584xi32, #tpu.memory_space<vmem>>
    %dma_start3A_93 = tpu.memref_squeeze %dma_start3A_92 : memref<1x3584xi32, #tpu.memory_space<vmem>> -> memref<3584xi32, #tpu.memory_space<vmem>>
    %dma_start3A_94 = tpu.memref_slice %arg2[%add3A_85] : memref<802816xi32, #tpu.memory_space<hbm>> -> memref<3584xi32, #tpu.memory_space<hbm>>
    tpu.enqueue_dma source(%dma_start3A_94 : memref<3584xi32, #tpu.memory_space<hbm>>) target(%dma_start3A_93 : memref<3584xi32, #tpu.memory_space<vmem>>) target_semaphore(%arg6 : memref<!tpu.dma_semaphore, #tpu.memory_space<semaphore_mem>>)
    %dma_wait3A_95 = arith.constant 1 : i32
    %dma_wait3A_96 = arith.constant 0 : i32
    %dma_wait3A_97 = tpu.memref_slice %arg4[%dma_wait3A_95, %dma_wait3A_96] : memref<2x3584xi32, #tpu.memory_space<vmem>> -> memref<1x3584xi32, #tpu.memory_space<vmem>>
    %dma_wait3A_98 = tpu.memref_squeeze %dma_wait3A_97 : memref<1x3584xi32, #tpu.memory_space<vmem>> -> memref<3584xi32, #tpu.memory_space<vmem>>
    %dma_wait3A_99 = tpu.memref_slice %arg2[%add3A_62] : memref<802816xi32, #tpu.memory_space<hbm>> -> memref<3584xi32, #tpu.memory_space<hbm>>
    %dma_wait3A_100 = arith.constant 0 : i32
    %dma_wait3A_101 = tpu.memref_slice %arg4[%dma_wait3A_95, %dma_wait3A_100] : memref<2x3584xi32, #tpu.memory_space<vmem>> -> memref<1x3584xi32, #tpu.memory_space<vmem>>
    %dma_wait3A_102 = tpu.memref_squeeze %dma_wait3A_101 : memref<1x3584xi32, #tpu.memory_space<vmem>> -> memref<3584xi32, #tpu.memory_space<vmem>>
    %dma_wait3A_103 = tpu.memref_slice %arg2[%add3A_62] : memref<802816xi32, #tpu.memory_space<hbm>> -> memref<3584xi32, #tpu.memory_space<hbm>>
    tpu.wait_dma2 semaphore(%arg7 : memref<!tpu.dma_semaphore, #tpu.memory_space<semaphore_mem>>) src(%dma_wait3A_103 : memref<3584xi32, #tpu.memory_space<hbm>>) dst(%dma_wait3A_102 : memref<3584xi32, #tpu.memory_space<vmem>>)
    %parallel_loop3A_104 = arith.constant 0 : i32
    %parallel_loop3A_105 = arith.constant 3584 : i32
    %parallel_loop3A_106 = arith.constant 16 : i32
    scf.for %parallel_loop3A_165 = %parallel_loop3A_104 to %parallel_loop3A_105 step %parallel_loop3A_106  : i32 {
      %parallel_loop3A_166 = arith.constant 1 : i32
      %parallel_loop3A_167 = arith.index_cast %parallel_loop3A_166 : i32 to index
      %parallel_loop3A_168 = arith.index_cast %parallel_loop3A_165 : i32 to index
      %parallel_loop3A_169 = tpu.vector_load %arg4[%parallel_loop3A_167, %parallel_loop3A_168] {strides = array<i32>} : memref<2x3584xi32, #tpu.memory_space<vmem>>, vector<16xi32>,
      %parallel_loop3A_170 = arith.constant 1.000000e+00 : f32
      %parallel_loop3A_171 = vector.broadcast %parallel_loop3A_170 : f32 to vector<16xf32>
      tpu.vector_store_idx %arg5[%parallel_loop3A_169], %parallel_loop3A_171 {add = true} : memref<51200xf32, #tpu.memory_space<vmem>>[vector<16xi32>], vector<16xf32>,
    } {sc.loop_unroll_factor = 8 : i64, sc.parallel_access}
    %add3A_107 = arith.constant 17920 : i32
    %add3A_108 = arith.addi %mul3A_2, %add3A_107 : i32
    %dma_start3A_109 = arith.constant 1 : i32
    %dma_start3A_110 = arith.constant 0 : i32
    %dma_start3A_111 = tpu.memref_slice %arg4[%dma_start3A_109, %dma_start3A_110] : memref<2x3584xi32, #tpu.memory_space<vmem>> -> memref<1x3584xi32, #tpu.memory_space<vmem>>
    %dma_start3A_112 = tpu.memref_squeeze %dma_start3A_111 : memref<1x3584xi32, #tpu.memory_space<vmem>> -> memref<3584xi32, #tpu.memory_space<vmem>>
    %dma_start3A_113 = tpu.memref_slice %arg2[%add3A_108] : memref<802816xi32, #tpu.memory_space<hbm>> -> memref<3584xi32, #tpu.memory_space<hbm>>
    %dma_start3A_114 = arith.constant 0 : i32
    %dma_start3A_115 = tpu.memref_slice %arg4[%dma_start3A_109, %dma_start3A_114] : memref<2x3584xi32, #tpu.memory_space<vmem>> -> memref<1x3584xi32, #tpu.memory_space<vmem>>
    %dma_start3A_116 = tpu.memref_squeeze %dma_start3A_115 : memref<1x3584xi32, #tpu.memory_space<vmem>> -> memref<3584xi32, #tpu.memory_space<vmem>>
    %dma_start3A_117 = tpu.memref_slice %arg2[%add3A_108] : memref<802816xi32, #tpu.memory_space<hbm>> -> memref<3584xi32, #tpu.memory_space<hbm>>
    tpu.enqueue_dma source(%dma_start3A_117 : memref<3584xi32, #tpu.memory_space<hbm>>) target(%dma_start3A_116 : memref<3584xi32, #tpu.memory_space<vmem>>) target_semaphore(%arg7 : memref<!tpu.dma_semaphore, #tpu.memory_space<semaphore_mem>>)
    %dma_wait3A_118 = arith.constant 0 : i32
    %dma_wait3A_119 = arith.constant 0 : i32
    %dma_wait3A_120 = tpu.memref_slice %arg4[%dma_wait3A_118, %dma_wait3A_119] : memref<2x3584xi32, #tpu.memory_space<vmem>> -> memref<1x3584xi32, #tpu.memory_space<vmem>>
    %dma_wait3A_121 = tpu.memref_squeeze %dma_wait3A_120 : memref<1x3584xi32, #tpu.memory_space<vmem>> -> memref<3584xi32, #tpu.memory_space<vmem>>
    %dma_wait3A_122 = tpu.memref_slice %arg2[%add3A_85] : memref<802816xi32, #tpu.memory_space<hbm>> -> memref<3584xi32, #tpu.memory_space<hbm>>
    %dma_wait3A_123 = arith.constant 0 : i32
    %dma_wait3A_124 = tpu.memref_slice %arg4[%dma_wait3A_118, %dma_wait3A_123] : memref<2x3584xi32, #tpu.memory_space<vmem>> -> memref<1x3584xi32, #tpu.memory_space<vmem>>
    %dma_wait3A_125 = tpu.memref_squeeze %dma_wait3A_124 : memref<1x3584xi32, #tpu.memory_space<vmem>> -> memref<3584xi32, #tpu.memory_space<vmem>>
    %dma_wait3A_126 = tpu.memref_slice %arg2[%add3A_85] : memref<802816xi32, #tpu.memory_space<hbm>> -> memref<3584xi32, #tpu.memory_space<hbm>>
    tpu.wait_dma2 semaphore(%arg6 : memref<!tpu.dma_semaphore, #tpu.memory_space<semaphore_mem>>) src(%dma_wait3A_126 : memref<3584xi32, #tpu.memory_space<hbm>>) dst(%dma_wait3A_125 : memref<3584xi32, #tpu.memory_space<vmem>>)
    %parallel_loop3A_127 = arith.constant 0 : i32
    %parallel_loop3A_128 = arith.constant 3584 : i32
    %parallel_loop3A_129 = arith.constant 16 : i32
    scf.for %parallel_loop3A_165 = %parallel_loop3A_127 to %parallel_loop3A_128 step %parallel_loop3A_129  : i32 {
      %parallel_loop3A_166 = arith.constant 0 : i32
      %parallel_loop3A_167 = arith.index_cast %parallel_loop3A_166 : i32 to index
      %parallel_loop3A_168 = arith.index_cast %parallel_loop3A_165 : i32 to index
      %parallel_loop3A_169 = tpu.vector_load %arg4[%parallel_loop3A_167, %parallel_loop3A_168] {strides = array<i32>} : memref<2x3584xi32, #tpu.memory_space<vmem>>, vector<16xi32>,
      %parallel_loop3A_170 = arith.constant 1.000000e+00 : f32
      %parallel_loop3A_171 = vector.broadcast %parallel_loop3A_170 : f32 to vector<16xf32>
      tpu.vector_store_idx %arg5[%parallel_loop3A_169], %parallel_loop3A_171 {add = true} : memref<51200xf32, #tpu.memory_space<vmem>>[vector<16xi32>], vector<16xf32>,
    } {sc.loop_unroll_factor = 8 : i64, sc.parallel_access}
    %add3A_130 = arith.constant 21504 : i32
    %add3A_131 = arith.addi %mul3A_2, %add3A_130 : i32
    %dma_start3A_132 = arith.constant 0 : i32
    %dma_start3A_133 = arith.constant 0 : i32
    %dma_start3A_134 = tpu.memref_slice %arg4[%dma_start3A_132, %dma_start3A_133] : memref<2x3584xi32, #tpu.memory_space<vmem>> -> memref<1x3584xi32, #tpu.memory_space<vmem>>
    %dma_start3A_135 = tpu.memref_squeeze %dma_start3A_134 : memref<1x3584xi32, #tpu.memory_space<vmem>> -> memref<3584xi32, #tpu.memory_space<vmem>>
    %dma_start3A_136 = tpu.memref_slice %arg2[%add3A_131] : memref<802816xi32, #tpu.memory_space<hbm>> -> memref<3584xi32, #tpu.memory_space<hbm>>
    %dma_start3A_137 = arith.constant 0 : i32
    %dma_start3A_138 = tpu.memref_slice %arg4[%dma_start3A_132, %dma_start3A_137] : memref<2x3584xi32, #tpu.memory_space<vmem>> -> memref<1x3584xi32, #tpu.memory_space<vmem>>
    %dma_start3A_139 = tpu.memref_squeeze %dma_start3A_138 : memref<1x3584xi32, #tpu.memory_space<vmem>> -> memref<3584xi32, #tpu.memory_space<vmem>>
    %dma_start3A_140 = tpu.memref_slice %arg2[%add3A_131] : memref<802816xi32, #tpu.memory_space<hbm>> -> memref<3584xi32, #tpu.memory_space<hbm>>
    tpu.enqueue_dma source(%dma_start3A_140 : memref<3584xi32, #tpu.memory_space<hbm>>) target(%dma_start3A_139 : memref<3584xi32, #tpu.memory_space<vmem>>) target_semaphore(%arg6 : memref<!tpu.dma_semaphore, #tpu.memory_space<semaphore_mem>>)
    %dma_wait3A_141 = arith.constant 1 : i32
    %dma_wait3A_142 = arith.constant 0 : i32
    %dma_wait3A_143 = tpu.memref_slice %arg4[%dma_wait3A_141, %dma_wait3A_142] : memref<2x3584xi32, #tpu.memory_space<vmem>> -> memref<1x3584xi32, #tpu.memory_space<vmem>>
    %dma_wait3A_144 = tpu.memref_squeeze %dma_wait3A_143 : memref<1x3584xi32, #tpu.memory_space<vmem>> -> memref<3584xi32, #tpu.memory_space<vmem>>
    %dma_wait3A_145 = tpu.memref_slice %arg2[%add3A_108] : memref<802816xi32, #tpu.memory_space<hbm>> -> memref<3584xi32, #tpu.memory_space<hbm>>
    %dma_wait3A_146 = arith.constant 0 : i32
    %dma_wait3A_147 = tpu.memref_slice %arg4[%dma_wait3A_141, %dma_wait3A_146] : memref<2x3584xi32, #tpu.memory_space<vmem>> -> memref<1x3584xi32, #tpu.memory_space<vmem>>
    %dma_wait3A_148 = tpu.memref_squeeze %dma_wait3A_147 : memref<1x3584xi32, #tpu.memory_space<vmem>> -> memref<3584xi32, #tpu.memory_space<vmem>>
    %dma_wait3A_149 = tpu.memref_slice %arg2[%add3A_108] : memref<802816xi32, #tpu.memory_space<hbm>> -> memref<3584xi32, #tpu.memory_space<hbm>>
    tpu.wait_dma2 semaphore(%arg7 : memref<!tpu.dma_semaphore, #tpu.memory_space<semaphore_mem>>) src(%dma_wait3A_149 : memref<3584xi32, #tpu.memory_space<hbm>>) dst(%dma_wait3A_148 : memref<3584xi32, #tpu.memory_space<vmem>>)
    %parallel_loop3A_150 = arith.constant 0 : i32
    %parallel_loop3A_151 = arith.constant 3584 : i32
    %parallel_loop3A_152 = arith.constant 16 : i32
    scf.for %parallel_loop3A_165 = %parallel_loop3A_150 to %parallel_loop3A_151 step %parallel_loop3A_152  : i32 {
      %parallel_loop3A_166 = arith.constant 1 : i32
      %parallel_loop3A_167 = arith.index_cast %parallel_loop3A_166 : i32 to index
      %parallel_loop3A_168 = arith.index_cast %parallel_loop3A_165 : i32 to index
      %parallel_loop3A_169 = tpu.vector_load %arg4[%parallel_loop3A_167, %parallel_loop3A_168] {strides = array<i32>} : memref<2x3584xi32, #tpu.memory_space<vmem>>, vector<16xi32>,
      %parallel_loop3A_170 = arith.constant 1.000000e+00 : f32
      %parallel_loop3A_171 = vector.broadcast %parallel_loop3A_170 : f32 to vector<16xf32>
      tpu.vector_store_idx %arg5[%parallel_loop3A_169], %parallel_loop3A_171 {add = true} : memref<51200xf32, #tpu.memory_space<vmem>>[vector<16xi32>], vector<16xf32>,
    } {sc.loop_unroll_factor = 8 : i64, sc.parallel_access}
    %dma_wait3A_153 = arith.constant 0 : i32
    %dma_wait3A_154 = arith.constant 0 : i32
    %dma_wait3A_155 = tpu.memref_slice %arg4[%dma_wait3A_153, %dma_wait3A_154] : memref<2x3584xi32, #tpu.memory_space<vmem>> -> memref<1x3584xi32, #tpu.memory_space<vmem>>
    %dma_wait3A_156 = tpu.memref_squeeze %dma_wait3A_155 : memref<1x3584xi32, #tpu.memory_space<vmem>> -> memref<3584xi32, #tpu.memory_space<vmem>>
    %dma_wait3A_157 = tpu.memref_slice %arg2[%add3A_131] : memref<802816xi32, #tpu.memory_space<hbm>> -> memref<3584xi32, #tpu.memory_space<hbm>>
    %dma_wait3A_158 = arith.constant 0 : i32
    %dma_wait3A_159 = tpu.memref_slice %arg4[%dma_wait3A_153, %dma_wait3A_158] : memref<2x3584xi32, #tpu.memory_space<vmem>> -> memref<1x3584xi32, #tpu.memory_space<vmem>>
    %dma_wait3A_160 = tpu.memref_squeeze %dma_wait3A_159 : memref<1x3584xi32, #tpu.memory_space<vmem>> -> memref<3584xi32, #tpu.memory_space<vmem>>
    %dma_wait3A_161 = tpu.memref_slice %arg2[%add3A_131] : memref<802816xi32, #tpu.memory_space<hbm>> -> memref<3584xi32, #tpu.memory_space<hbm>>
    tpu.wait_dma2 semaphore(%arg6 : memref<!tpu.dma_semaphore, #tpu.memory_space<semaphore_mem>>) src(%dma_wait3A_161 : memref<3584xi32, #tpu.memory_space<hbm>>) dst(%dma_wait3A_160 : memref<3584xi32, #tpu.memory_space<vmem>>)
    %parallel_loop3A_162 = arith.constant 0 : i32
    %parallel_loop3A_163 = arith.constant 3584 : i32
    %parallel_loop3A_164 = arith.constant 16 : i32
    scf.for %parallel_loop3A_165 = %parallel_loop3A_162 to %parallel_loop3A_163 step %parallel_loop3A_164  : i32 {
      %parallel_loop3A_166 = arith.constant 0 : i32
      %parallel_loop3A_167 = arith.index_cast %parallel_loop3A_166 : i32 to index
      %parallel_loop3A_168 = arith.index_cast %parallel_loop3A_165 : i32 to index
      %parallel_loop3A_169 = tpu.vector_load %arg4[%parallel_loop3A_167, %parallel_loop3A_168] {strides = array<i32>} : memref<2x3584xi32, #tpu.memory_space<vmem>>, vector<16xi32>,
      %parallel_loop3A_170 = arith.constant 1.000000e+00 : f32
      %parallel_loop3A_171 = vector.broadcast %parallel_loop3A_170 : f32 to vector<16xf32>
      tpu.vector_store_idx %arg5[%parallel_loop3A_169], %parallel_loop3A_171 {add = true} : memref<51200xf32, #tpu.memory_space<vmem>>[vector<16xi32>], vector<16xf32>,
    } {sc.loop_unroll_factor = 8 : i64, sc.parallel_access}
    "tpu.region"() ({
      %run_scoped3A = tpu.sem_alloc : memref<!tpu.dma_semaphore, #tpu.memory_space<semaphore_mem>>
      %dma_start3A_165 = arith.constant 0 : i32
      %dma_start3A_166 = tpu.memref_slice %arg3[%add3A, %dma_start3A_165] : memref<32x51200xf32, #tpu.memory_space<hbm>> -> memref<1x51200xf32, #tpu.memory_space<hbm>>
      %dma_start3A_167 = tpu.memref_squeeze %dma_start3A_166 : memref<1x51200xf32, #tpu.memory_space<hbm>> -> memref<51200xf32, #tpu.memory_space<hbm>>
      %dma_start3A_168 = arith.constant 0 : i32
      %dma_start3A_169 = tpu.memref_slice %arg3[%add3A, %dma_start3A_168] : memref<32x51200xf32, #tpu.memory_space<hbm>> -> memref<1x51200xf32, #tpu.memory_space<hbm>>
      %dma_start3A_170 = tpu.memref_squeeze %dma_start3A_169 : memref<1x51200xf32, #tpu.memory_space<hbm>> -> memref<51200xf32, #tpu.memory_space<hbm>>
      tpu.enqueue_dma source(%arg5 : memref<51200xf32, #tpu.memory_space<vmem>>) target(%dma_start3A_170 : memref<51200xf32, #tpu.memory_space<hbm>>) target_semaphore(%run_scoped3A : memref<!tpu.dma_semaphore, #tpu.memory_space<semaphore_mem>>)
      %dma_wait3A_171 = arith.constant 0 : i32
      %dma_wait3A_172 = tpu.memref_slice %arg3[%add3A, %dma_wait3A_171] : memref<32x51200xf32, #tpu.memory_space<hbm>> -> memref<1x51200xf32, #tpu.memory_space<hbm>>
      %dma_wait3A_173 = tpu.memref_squeeze %dma_wait3A_172 : memref<1x51200xf32, #tpu.memory_space<hbm>> -> memref<51200xf32, #tpu.memory_space<hbm>>
      %dma_wait3A_174 = arith.constant 0 : i32
      %dma_wait3A_175 = tpu.memref_slice %arg3[%add3A, %dma_wait3A_174] : memref<32x51200xf32, #tpu.memory_space<hbm>> -> memref<1x51200xf32, #tpu.memory_space<hbm>>
      %dma_wait3A_176 = tpu.memref_squeeze %dma_wait3A_175 : memref<1x51200xf32, #tpu.memory_space<hbm>> -> memref<51200xf32, #tpu.memory_space<hbm>>
      tpu.wait_dma2 semaphore(%run_scoped3A : memref<!tpu.dma_semaphore, #tpu.memory_space<semaphore_mem>>) src(%arg5 : memref<51200xf32, #tpu.memory_space<vmem>>) dst(%dma_wait3A_176 : memref<51200xf32, #tpu.memory_space<hbm>>)
      tpu.yield
    }) : () -> ()
    return
  }
}

#map = affine_map<(d0, d1) -> (0)>
#map1 = affine_map<(d0, d1) -> (0, 0)>
module attributes {stable_mosaic.version = 14 : i64} {
  func.func @body(%arg0: i32, %arg1: i32, %arg2: memref<802816xi32, #tpu.memory_space<hbm>>, %arg3: memref<802816xi32, #tpu.memory_space<hbm>>, %arg4: memref<51200xf32, #tpu.memory_space<hbm>>, %arg5: memref<32x51200xf32, #tpu.memory_space<hbm>>, %arg6: memref<51200xf32, #tpu.memory_space<vmem>>, %arg7: memref<2x3584xi32, #tpu.memory_space<vmem>>, %arg8: memref<2x3584xi32, #tpu.memory_space<vmem>>, %arg9: memref<51200xf32, #tpu.memory_space<vmem>>, %arg10: memref<!tpu.dma_semaphore, #tpu.memory_space<semaphore_mem>>, %arg11: memref<!tpu.dma_semaphore, #tpu.memory_space<semaphore_mem>>, %arg12: memref<!tpu.dma_semaphore, #tpu.memory_space<semaphore_mem>>, %arg13: memref<!tpu.dma_semaphore, #tpu.memory_space<semaphore_mem>>, %arg14: memref<!tpu.dma_semaphore, #tpu.memory_space<semaphore_mem>>) attributes {dimension_semantics = [#tpu.dimension_semantics<core_parallel>, #tpu.dimension_semantics<subcore_parallel>], iteration_bounds = array<i64: 2, 16>, scalar_prefetch = 0 : i64, scratch_operands = 9 : i64, tpu.core_type = #tpu.core_type<sc_vector_subcore>, window_params = [{transform_indices = #map}, {transform_indices = #map}, {transform_indices = #map}, {transform_indices = #map1}]} {
    %mul3A = arith.constant 16 : i32
    %mul3A_0 = arith.muli %arg0, %mul3A : i32
    %add3A = arith.addi %mul3A_0, %arg1 : i32
    %mul3A_1 = arith.constant 25088 : i32
    %mul3A_2 = arith.muli %add3A, %mul3A_1 : i32
    %add3A_3 = arith.constant 0 : i32
    %add3A_4 = arith.addi %mul3A_2, %add3A_3 : i32
    %dma_start3A = arith.constant 0 : i32
    %dma_start3A_5 = arith.constant 0 : i32
    %dma_start3A_6 = tpu.memref_slice %arg7[%dma_start3A, %dma_start3A_5] : memref<2x3584xi32, #tpu.memory_space<vmem>> -> memref<1x3584xi32, #tpu.memory_space<vmem>>
    %dma_start3A_7 = tpu.memref_squeeze %dma_start3A_6 : memref<1x3584xi32, #tpu.memory_space<vmem>> -> memref<3584xi32, #tpu.memory_space<vmem>>
    %dma_start3A_8 = tpu.memref_slice %arg2[%add3A_4] : memref<802816xi32, #tpu.memory_space<hbm>> -> memref<3584xi32, #tpu.memory_space<hbm>>
    %dma_start3A_9 = arith.constant 0 : i32
    %dma_start3A_10 = tpu.memref_slice %arg7[%dma_start3A, %dma_start3A_9] : memref<2x3584xi32, #tpu.memory_space<vmem>> -> memref<1x3584xi32, #tpu.memory_space<vmem>>
    %dma_start3A_11 = tpu.memref_squeeze %dma_start3A_10 : memref<1x3584xi32, #tpu.memory_space<vmem>> -> memref<3584xi32, #tpu.memory_space<vmem>>
    %dma_start3A_12 = tpu.memref_slice %arg2[%add3A_4] : memref<802816xi32, #tpu.memory_space<hbm>> -> memref<3584xi32, #tpu.memory_space<hbm>>
    tpu.enqueue_dma source(%dma_start3A_12 : memref<3584xi32, #tpu.memory_space<hbm>>) target(%dma_start3A_11 : memref<3584xi32, #tpu.memory_space<vmem>>) target_semaphore(%arg11 : memref<!tpu.dma_semaphore, #tpu.memory_space<semaphore_mem>>)
    %add3A_13 = arith.constant 0 : i32
    %add3A_14 = arith.addi %mul3A_2, %add3A_13 : i32
    %dma_start3A_15 = arith.constant 0 : i32
    %dma_start3A_16 = arith.constant 0 : i32
    %dma_start3A_17 = tpu.memref_slice %arg8[%dma_start3A_15, %dma_start3A_16] : memref<2x3584xi32, #tpu.memory_space<vmem>> -> memref<1x3584xi32, #tpu.memory_space<vmem>>
    %dma_start3A_18 = tpu.memref_squeeze %dma_start3A_17 : memref<1x3584xi32, #tpu.memory_space<vmem>> -> memref<3584xi32, #tpu.memory_space<vmem>>
    %dma_start3A_19 = tpu.memref_slice %arg3[%add3A_14] : memref<802816xi32, #tpu.memory_space<hbm>> -> memref<3584xi32, #tpu.memory_space<hbm>>
    %dma_start3A_20 = arith.constant 0 : i32
    %dma_start3A_21 = tpu.memref_slice %arg8[%dma_start3A_15, %dma_start3A_20] : memref<2x3584xi32, #tpu.memory_space<vmem>> -> memref<1x3584xi32, #tpu.memory_space<vmem>>
    %dma_start3A_22 = tpu.memref_squeeze %dma_start3A_21 : memref<1x3584xi32, #tpu.memory_space<vmem>> -> memref<3584xi32, #tpu.memory_space<vmem>>
    %dma_start3A_23 = tpu.memref_slice %arg3[%add3A_14] : memref<802816xi32, #tpu.memory_space<hbm>> -> memref<3584xi32, #tpu.memory_space<hbm>>
    tpu.enqueue_dma source(%dma_start3A_23 : memref<3584xi32, #tpu.memory_space<hbm>>) target(%dma_start3A_22 : memref<3584xi32, #tpu.memory_space<vmem>>) target_semaphore(%arg13 : memref<!tpu.dma_semaphore, #tpu.memory_space<semaphore_mem>>)
    tpu.enqueue_dma source(%arg4 : memref<51200xf32, #tpu.memory_space<hbm>>) target(%arg6 : memref<51200xf32, #tpu.memory_space<vmem>>) target_semaphore(%arg10 : memref<!tpu.dma_semaphore, #tpu.memory_space<semaphore_mem>>)
    %broadcast_in_dim3A = arith.constant 0.000000e+00 : f32
    %broadcast_in_dim3A_24 = vector.broadcast %broadcast_in_dim3A : f32 to vector<16xf32>
    %parallel_loop3A = arith.constant 0 : i32
    %parallel_loop3A_25 = arith.constant 51200 : i32
    %parallel_loop3A_26 = arith.constant 16 : i32
    scf.for %parallel_loop3A_305 = %parallel_loop3A to %parallel_loop3A_25 step %parallel_loop3A_26  : i32 {
      %parallel_loop3A_306 = arith.index_cast %parallel_loop3A_305 : i32 to index
      %parallel_loop3A_307 = tpu.vector_load %arg9[%parallel_loop3A_306] {strides = array<i32>} : memref<51200xf32, #tpu.memory_space<vmem>>, vector<16xf32>,
      tpu.vector_store %arg9[%parallel_loop3A_306], %broadcast_in_dim3A_24 {strides = array<i32>} : memref<51200xf32, #tpu.memory_space<vmem>>, vector<16xf32>,
    } {sc.loop_unroll_factor = 8 : i64, sc.parallel_access}
    tpu.wait_dma2 semaphore(%arg10 : memref<!tpu.dma_semaphore, #tpu.memory_space<semaphore_mem>>) src(%arg4 : memref<51200xf32, #tpu.memory_space<hbm>>) dst(%arg6 : memref<51200xf32, #tpu.memory_space<vmem>>)
    %add3A_27 = arith.constant 3584 : i32
    %add3A_28 = arith.addi %mul3A_2, %add3A_27 : i32
    %dma_start3A_29 = arith.constant 1 : i32
    %dma_start3A_30 = arith.constant 0 : i32
    %dma_start3A_31 = tpu.memref_slice %arg7[%dma_start3A_29, %dma_start3A_30] : memref<2x3584xi32, #tpu.memory_space<vmem>> -> memref<1x3584xi32, #tpu.memory_space<vmem>>
    %dma_start3A_32 = tpu.memref_squeeze %dma_start3A_31 : memref<1x3584xi32, #tpu.memory_space<vmem>> -> memref<3584xi32, #tpu.memory_space<vmem>>
    %dma_start3A_33 = tpu.memref_slice %arg2[%add3A_28] : memref<802816xi32, #tpu.memory_space<hbm>> -> memref<3584xi32, #tpu.memory_space<hbm>>
    %dma_start3A_34 = arith.constant 0 : i32
    %dma_start3A_35 = tpu.memref_slice %arg7[%dma_start3A_29, %dma_start3A_34] : memref<2x3584xi32, #tpu.memory_space<vmem>> -> memref<1x3584xi32, #tpu.memory_space<vmem>>
    %dma_start3A_36 = tpu.memref_squeeze %dma_start3A_35 : memref<1x3584xi32, #tpu.memory_space<vmem>> -> memref<3584xi32, #tpu.memory_space<vmem>>
    %dma_start3A_37 = tpu.memref_slice %arg2[%add3A_28] : memref<802816xi32, #tpu.memory_space<hbm>> -> memref<3584xi32, #tpu.memory_space<hbm>>
    tpu.enqueue_dma source(%dma_start3A_37 : memref<3584xi32, #tpu.memory_space<hbm>>) target(%dma_start3A_36 : memref<3584xi32, #tpu.memory_space<vmem>>) target_semaphore(%arg12 : memref<!tpu.dma_semaphore, #tpu.memory_space<semaphore_mem>>)
    %add3A_38 = arith.constant 3584 : i32
    %add3A_39 = arith.addi %mul3A_2, %add3A_38 : i32
    %dma_start3A_40 = arith.constant 1 : i32
    %dma_start3A_41 = arith.constant 0 : i32
    %dma_start3A_42 = tpu.memref_slice %arg8[%dma_start3A_40, %dma_start3A_41] : memref<2x3584xi32, #tpu.memory_space<vmem>> -> memref<1x3584xi32, #tpu.memory_space<vmem>>
    %dma_start3A_43 = tpu.memref_squeeze %dma_start3A_42 : memref<1x3584xi32, #tpu.memory_space<vmem>> -> memref<3584xi32, #tpu.memory_space<vmem>>
    %dma_start3A_44 = tpu.memref_slice %arg3[%add3A_39] : memref<802816xi32, #tpu.memory_space<hbm>> -> memref<3584xi32, #tpu.memory_space<hbm>>
    %dma_start3A_45 = arith.constant 0 : i32
    %dma_start3A_46 = tpu.memref_slice %arg8[%dma_start3A_40, %dma_start3A_45] : memref<2x3584xi32, #tpu.memory_space<vmem>> -> memref<1x3584xi32, #tpu.memory_space<vmem>>
    %dma_start3A_47 = tpu.memref_squeeze %dma_start3A_46 : memref<1x3584xi32, #tpu.memory_space<vmem>> -> memref<3584xi32, #tpu.memory_space<vmem>>
    %dma_start3A_48 = tpu.memref_slice %arg3[%add3A_39] : memref<802816xi32, #tpu.memory_space<hbm>> -> memref<3584xi32, #tpu.memory_space<hbm>>
    tpu.enqueue_dma source(%dma_start3A_48 : memref<3584xi32, #tpu.memory_space<hbm>>) target(%dma_start3A_47 : memref<3584xi32, #tpu.memory_space<vmem>>) target_semaphore(%arg14 : memref<!tpu.dma_semaphore, #tpu.memory_space<semaphore_mem>>)
    %dma_wait3A = arith.constant 0 : i32
    %dma_wait3A_49 = arith.constant 0 : i32
    %dma_wait3A_50 = tpu.memref_slice %arg7[%dma_wait3A, %dma_wait3A_49] : memref<2x3584xi32, #tpu.memory_space<vmem>> -> memref<1x3584xi32, #tpu.memory_space<vmem>>
    %dma_wait3A_51 = tpu.memref_squeeze %dma_wait3A_50 : memref<1x3584xi32, #tpu.memory_space<vmem>> -> memref<3584xi32, #tpu.memory_space<vmem>>
    %dma_wait3A_52 = tpu.memref_slice %arg2[%add3A_4] : memref<802816xi32, #tpu.memory_space<hbm>> -> memref<3584xi32, #tpu.memory_space<hbm>>
    %dma_wait3A_53 = arith.constant 0 : i32
    %dma_wait3A_54 = tpu.memref_slice %arg7[%dma_wait3A, %dma_wait3A_53] : memref<2x3584xi32, #tpu.memory_space<vmem>> -> memref<1x3584xi32, #tpu.memory_space<vmem>>
    %dma_wait3A_55 = tpu.memref_squeeze %dma_wait3A_54 : memref<1x3584xi32, #tpu.memory_space<vmem>> -> memref<3584xi32, #tpu.memory_space<vmem>>
    %dma_wait3A_56 = tpu.memref_slice %arg2[%add3A_4] : memref<802816xi32, #tpu.memory_space<hbm>> -> memref<3584xi32, #tpu.memory_space<hbm>>
    tpu.wait_dma2 semaphore(%arg11 : memref<!tpu.dma_semaphore, #tpu.memory_space<semaphore_mem>>) src(%dma_wait3A_56 : memref<3584xi32, #tpu.memory_space<hbm>>) dst(%dma_wait3A_55 : memref<3584xi32, #tpu.memory_space<vmem>>)
    %dma_wait3A_57 = arith.constant 0 : i32
    %dma_wait3A_58 = arith.constant 0 : i32
    %dma_wait3A_59 = tpu.memref_slice %arg8[%dma_wait3A_57, %dma_wait3A_58] : memref<2x3584xi32, #tpu.memory_space<vmem>> -> memref<1x3584xi32, #tpu.memory_space<vmem>>
    %dma_wait3A_60 = tpu.memref_squeeze %dma_wait3A_59 : memref<1x3584xi32, #tpu.memory_space<vmem>> -> memref<3584xi32, #tpu.memory_space<vmem>>
    %dma_wait3A_61 = tpu.memref_slice %arg3[%add3A_14] : memref<802816xi32, #tpu.memory_space<hbm>> -> memref<3584xi32, #tpu.memory_space<hbm>>
    %dma_wait3A_62 = arith.constant 0 : i32
    %dma_wait3A_63 = tpu.memref_slice %arg8[%dma_wait3A_57, %dma_wait3A_62] : memref<2x3584xi32, #tpu.memory_space<vmem>> -> memref<1x3584xi32, #tpu.memory_space<vmem>>
    %dma_wait3A_64 = tpu.memref_squeeze %dma_wait3A_63 : memref<1x3584xi32, #tpu.memory_space<vmem>> -> memref<3584xi32, #tpu.memory_space<vmem>>
    %dma_wait3A_65 = tpu.memref_slice %arg3[%add3A_14] : memref<802816xi32, #tpu.memory_space<hbm>> -> memref<3584xi32, #tpu.memory_space<hbm>>
    tpu.wait_dma2 semaphore(%arg13 : memref<!tpu.dma_semaphore, #tpu.memory_space<semaphore_mem>>) src(%dma_wait3A_65 : memref<3584xi32, #tpu.memory_space<hbm>>) dst(%dma_wait3A_64 : memref<3584xi32, #tpu.memory_space<vmem>>)
    %parallel_loop3A_66 = arith.constant 0 : i32
    %parallel_loop3A_67 = arith.constant 3584 : i32
    %parallel_loop3A_68 = arith.constant 16 : i32
    scf.for %parallel_loop3A_305 = %parallel_loop3A_66 to %parallel_loop3A_67 step %parallel_loop3A_68  : i32 {
      %parallel_loop3A_306 = arith.constant 0 : i32
      %parallel_loop3A_307 = arith.index_cast %parallel_loop3A_306 : i32 to index
      %parallel_loop3A_308 = arith.index_cast %parallel_loop3A_305 : i32 to index
      %parallel_loop3A_309 = tpu.vector_load %arg8[%parallel_loop3A_307, %parallel_loop3A_308] {strides = array<i32>} : memref<2x3584xi32, #tpu.memory_space<vmem>>, vector<16xi32>,
      %parallel_loop3A_310 = arith.constant 0 : i32
      %parallel_loop3A_311 = arith.index_cast %parallel_loop3A_310 : i32 to index
      %parallel_loop3A_312 = arith.index_cast %parallel_loop3A_305 : i32 to index
      %parallel_loop3A_313 = tpu.vector_load %arg7[%parallel_loop3A_311, %parallel_loop3A_312] {strides = array<i32>} : memref<2x3584xi32, #tpu.memory_space<vmem>>, vector<16xi32>,
      %parallel_loop3A_314 = tpu.vector_load_idx %arg6[%parallel_loop3A_313] : memref<51200xf32, #tpu.memory_space<vmem>>[vector<16xi32>], vector<16xf32>,
      tpu.vector_store_idx %arg9[%parallel_loop3A_309], %parallel_loop3A_314 {add = true} : memref<51200xf32, #tpu.memory_space<vmem>>[vector<16xi32>], vector<16xf32>,
    } {sc.loop_unroll_factor = 8 : i64, sc.parallel_access}
    %add3A_69 = arith.constant 7168 : i32
    %add3A_70 = arith.addi %mul3A_2, %add3A_69 : i32
    %dma_start3A_71 = arith.constant 0 : i32
    %dma_start3A_72 = arith.constant 0 : i32
    %dma_start3A_73 = tpu.memref_slice %arg7[%dma_start3A_71, %dma_start3A_72] : memref<2x3584xi32, #tpu.memory_space<vmem>> -> memref<1x3584xi32, #tpu.memory_space<vmem>>
    %dma_start3A_74 = tpu.memref_squeeze %dma_start3A_73 : memref<1x3584xi32, #tpu.memory_space<vmem>> -> memref<3584xi32, #tpu.memory_space<vmem>>
    %dma_start3A_75 = tpu.memref_slice %arg2[%add3A_70] : memref<802816xi32, #tpu.memory_space<hbm>> -> memref<3584xi32, #tpu.memory_space<hbm>>
    %dma_start3A_76 = arith.constant 0 : i32
    %dma_start3A_77 = tpu.memref_slice %arg7[%dma_start3A_71, %dma_start3A_76] : memref<2x3584xi32, #tpu.memory_space<vmem>> -> memref<1x3584xi32, #tpu.memory_space<vmem>>
    %dma_start3A_78 = tpu.memref_squeeze %dma_start3A_77 : memref<1x3584xi32, #tpu.memory_space<vmem>> -> memref<3584xi32, #tpu.memory_space<vmem>>
    %dma_start3A_79 = tpu.memref_slice %arg2[%add3A_70] : memref<802816xi32, #tpu.memory_space<hbm>> -> memref<3584xi32, #tpu.memory_space<hbm>>
    tpu.enqueue_dma source(%dma_start3A_79 : memref<3584xi32, #tpu.memory_space<hbm>>) target(%dma_start3A_78 : memref<3584xi32, #tpu.memory_space<vmem>>) target_semaphore(%arg11 : memref<!tpu.dma_semaphore, #tpu.memory_space<semaphore_mem>>)
    %add3A_80 = arith.constant 7168 : i32
    %add3A_81 = arith.addi %mul3A_2, %add3A_80 : i32
    %dma_start3A_82 = arith.constant 0 : i32
    %dma_start3A_83 = arith.constant 0 : i32
    %dma_start3A_84 = tpu.memref_slice %arg8[%dma_start3A_82, %dma_start3A_83] : memref<2x3584xi32, #tpu.memory_space<vmem>> -> memref<1x3584xi32, #tpu.memory_space<vmem>>
    %dma_start3A_85 = tpu.memref_squeeze %dma_start3A_84 : memref<1x3584xi32, #tpu.memory_space<vmem>> -> memref<3584xi32, #tpu.memory_space<vmem>>
    %dma_start3A_86 = tpu.memref_slice %arg3[%add3A_81] : memref<802816xi32, #tpu.memory_space<hbm>> -> memref<3584xi32, #tpu.memory_space<hbm>>
    %dma_start3A_87 = arith.constant 0 : i32
    %dma_start3A_88 = tpu.memref_slice %arg8[%dma_start3A_82, %dma_start3A_87] : memref<2x3584xi32, #tpu.memory_space<vmem>> -> memref<1x3584xi32, #tpu.memory_space<vmem>>
    %dma_start3A_89 = tpu.memref_squeeze %dma_start3A_88 : memref<1x3584xi32, #tpu.memory_space<vmem>> -> memref<3584xi32, #tpu.memory_space<vmem>>
    %dma_start3A_90 = tpu.memref_slice %arg3[%add3A_81] : memref<802816xi32, #tpu.memory_space<hbm>> -> memref<3584xi32, #tpu.memory_space<hbm>>
    tpu.enqueue_dma source(%dma_start3A_90 : memref<3584xi32, #tpu.memory_space<hbm>>) target(%dma_start3A_89 : memref<3584xi32, #tpu.memory_space<vmem>>) target_semaphore(%arg13 : memref<!tpu.dma_semaphore, #tpu.memory_space<semaphore_mem>>)
    %dma_wait3A_91 = arith.constant 1 : i32
    %dma_wait3A_92 = arith.constant 0 : i32
    %dma_wait3A_93 = tpu.memref_slice %arg7[%dma_wait3A_91, %dma_wait3A_92] : memref<2x3584xi32, #tpu.memory_space<vmem>> -> memref<1x3584xi32, #tpu.memory_space<vmem>>
    %dma_wait3A_94 = tpu.memref_squeeze %dma_wait3A_93 : memref<1x3584xi32, #tpu.memory_space<vmem>> -> memref<3584xi32, #tpu.memory_space<vmem>>
    %dma_wait3A_95 = tpu.memref_slice %arg2[%add3A_28] : memref<802816xi32, #tpu.memory_space<hbm>> -> memref<3584xi32, #tpu.memory_space<hbm>>
    %dma_wait3A_96 = arith.constant 0 : i32
    %dma_wait3A_97 = tpu.memref_slice %arg7[%dma_wait3A_91, %dma_wait3A_96] : memref<2x3584xi32, #tpu.memory_space<vmem>> -> memref<1x3584xi32, #tpu.memory_space<vmem>>
    %dma_wait3A_98 = tpu.memref_squeeze %dma_wait3A_97 : memref<1x3584xi32, #tpu.memory_space<vmem>> -> memref<3584xi32, #tpu.memory_space<vmem>>
    %dma_wait3A_99 = tpu.memref_slice %arg2[%add3A_28] : memref<802816xi32, #tpu.memory_space<hbm>> -> memref<3584xi32, #tpu.memory_space<hbm>>
    tpu.wait_dma2 semaphore(%arg12 : memref<!tpu.dma_semaphore, #tpu.memory_space<semaphore_mem>>) src(%dma_wait3A_99 : memref<3584xi32, #tpu.memory_space<hbm>>) dst(%dma_wait3A_98 : memref<3584xi32, #tpu.memory_space<vmem>>)
    %dma_wait3A_100 = arith.constant 1 : i32
    %dma_wait3A_101 = arith.constant 0 : i32
    %dma_wait3A_102 = tpu.memref_slice %arg8[%dma_wait3A_100, %dma_wait3A_101] : memref<2x3584xi32, #tpu.memory_space<vmem>> -> memref<1x3584xi32, #tpu.memory_space<vmem>>
    %dma_wait3A_103 = tpu.memref_squeeze %dma_wait3A_102 : memref<1x3584xi32, #tpu.memory_space<vmem>> -> memref<3584xi32, #tpu.memory_space<vmem>>
    %dma_wait3A_104 = tpu.memref_slice %arg3[%add3A_39] : memref<802816xi32, #tpu.memory_space<hbm>> -> memref<3584xi32, #tpu.memory_space<hbm>>
    %dma_wait3A_105 = arith.constant 0 : i32
    %dma_wait3A_106 = tpu.memref_slice %arg8[%dma_wait3A_100, %dma_wait3A_105] : memref<2x3584xi32, #tpu.memory_space<vmem>> -> memref<1x3584xi32, #tpu.memory_space<vmem>>
    %dma_wait3A_107 = tpu.memref_squeeze %dma_wait3A_106 : memref<1x3584xi32, #tpu.memory_space<vmem>> -> memref<3584xi32, #tpu.memory_space<vmem>>
    %dma_wait3A_108 = tpu.memref_slice %arg3[%add3A_39] : memref<802816xi32, #tpu.memory_space<hbm>> -> memref<3584xi32, #tpu.memory_space<hbm>>
    tpu.wait_dma2 semaphore(%arg14 : memref<!tpu.dma_semaphore, #tpu.memory_space<semaphore_mem>>) src(%dma_wait3A_108 : memref<3584xi32, #tpu.memory_space<hbm>>) dst(%dma_wait3A_107 : memref<3584xi32, #tpu.memory_space<vmem>>)
    %parallel_loop3A_109 = arith.constant 0 : i32
    %parallel_loop3A_110 = arith.constant 3584 : i32
    %parallel_loop3A_111 = arith.constant 16 : i32
    scf.for %parallel_loop3A_305 = %parallel_loop3A_109 to %parallel_loop3A_110 step %parallel_loop3A_111  : i32 {
      %parallel_loop3A_306 = arith.constant 1 : i32
      %parallel_loop3A_307 = arith.index_cast %parallel_loop3A_306 : i32 to index
      %parallel_loop3A_308 = arith.index_cast %parallel_loop3A_305 : i32 to index
      %parallel_loop3A_309 = tpu.vector_load %arg8[%parallel_loop3A_307, %parallel_loop3A_308] {strides = array<i32>} : memref<2x3584xi32, #tpu.memory_space<vmem>>, vector<16xi32>,
      %parallel_loop3A_310 = arith.constant 1 : i32
      %parallel_loop3A_311 = arith.index_cast %parallel_loop3A_310 : i32 to index
      %parallel_loop3A_312 = arith.index_cast %parallel_loop3A_305 : i32 to index
      %parallel_loop3A_313 = tpu.vector_load %arg7[%parallel_loop3A_311, %parallel_loop3A_312] {strides = array<i32>} : memref<2x3584xi32, #tpu.memory_space<vmem>>, vector<16xi32>,
      %parallel_loop3A_314 = tpu.vector_load_idx %arg6[%parallel_loop3A_313] : memref<51200xf32, #tpu.memory_space<vmem>>[vector<16xi32>], vector<16xf32>,
      tpu.vector_store_idx %arg9[%parallel_loop3A_309], %parallel_loop3A_314 {add = true} : memref<51200xf32, #tpu.memory_space<vmem>>[vector<16xi32>], vector<16xf32>,
    } {sc.loop_unroll_factor = 8 : i64, sc.parallel_access}
    %add3A_112 = arith.constant 10752 : i32
    %add3A_113 = arith.addi %mul3A_2, %add3A_112 : i32
    %dma_start3A_114 = arith.constant 1 : i32
    %dma_start3A_115 = arith.constant 0 : i32
    %dma_start3A_116 = tpu.memref_slice %arg7[%dma_start3A_114, %dma_start3A_115] : memref<2x3584xi32, #tpu.memory_space<vmem>> -> memref<1x3584xi32, #tpu.memory_space<vmem>>
    %dma_start3A_117 = tpu.memref_squeeze %dma_start3A_116 : memref<1x3584xi32, #tpu.memory_space<vmem>> -> memref<3584xi32, #tpu.memory_space<vmem>>
    %dma_start3A_118 = tpu.memref_slice %arg2[%add3A_113] : memref<802816xi32, #tpu.memory_space<hbm>> -> memref<3584xi32, #tpu.memory_space<hbm>>
    %dma_start3A_119 = arith.constant 0 : i32
    %dma_start3A_120 = tpu.memref_slice %arg7[%dma_start3A_114, %dma_start3A_119] : memref<2x3584xi32, #tpu.memory_space<vmem>> -> memref<1x3584xi32, #tpu.memory_space<vmem>>
    %dma_start3A_121 = tpu.memref_squeeze %dma_start3A_120 : memref<1x3584xi32, #tpu.memory_space<vmem>> -> memref<3584xi32, #tpu.memory_space<vmem>>
    %dma_start3A_122 = tpu.memref_slice %arg2[%add3A_113] : memref<802816xi32, #tpu.memory_space<hbm>> -> memref<3584xi32, #tpu.memory_space<hbm>>
    tpu.enqueue_dma source(%dma_start3A_122 : memref<3584xi32, #tpu.memory_space<hbm>>) target(%dma_start3A_121 : memref<3584xi32, #tpu.memory_space<vmem>>) target_semaphore(%arg12 : memref<!tpu.dma_semaphore, #tpu.memory_space<semaphore_mem>>)
    %add3A_123 = arith.constant 10752 : i32
    %add3A_124 = arith.addi %mul3A_2, %add3A_123 : i32
    %dma_start3A_125 = arith.constant 1 : i32
    %dma_start3A_126 = arith.constant 0 : i32
    %dma_start3A_127 = tpu.memref_slice %arg8[%dma_start3A_125, %dma_start3A_126] : memref<2x3584xi32, #tpu.memory_space<vmem>> -> memref<1x3584xi32, #tpu.memory_space<vmem>>
    %dma_start3A_128 = tpu.memref_squeeze %dma_start3A_127 : memref<1x3584xi32, #tpu.memory_space<vmem>> -> memref<3584xi32, #tpu.memory_space<vmem>>
    %dma_start3A_129 = tpu.memref_slice %arg3[%add3A_124] : memref<802816xi32, #tpu.memory_space<hbm>> -> memref<3584xi32, #tpu.memory_space<hbm>>
    %dma_start3A_130 = arith.constant 0 : i32
    %dma_start3A_131 = tpu.memref_slice %arg8[%dma_start3A_125, %dma_start3A_130] : memref<2x3584xi32, #tpu.memory_space<vmem>> -> memref<1x3584xi32, #tpu.memory_space<vmem>>
    %dma_start3A_132 = tpu.memref_squeeze %dma_start3A_131 : memref<1x3584xi32, #tpu.memory_space<vmem>> -> memref<3584xi32, #tpu.memory_space<vmem>>
    %dma_start3A_133 = tpu.memref_slice %arg3[%add3A_124] : memref<802816xi32, #tpu.memory_space<hbm>> -> memref<3584xi32, #tpu.memory_space<hbm>>
    tpu.enqueue_dma source(%dma_start3A_133 : memref<3584xi32, #tpu.memory_space<hbm>>) target(%dma_start3A_132 : memref<3584xi32, #tpu.memory_space<vmem>>) target_semaphore(%arg14 : memref<!tpu.dma_semaphore, #tpu.memory_space<semaphore_mem>>)
    %dma_wait3A_134 = arith.constant 0 : i32
    %dma_wait3A_135 = arith.constant 0 : i32
    %dma_wait3A_136 = tpu.memref_slice %arg7[%dma_wait3A_134, %dma_wait3A_135] : memref<2x3584xi32, #tpu.memory_space<vmem>> -> memref<1x3584xi32, #tpu.memory_space<vmem>>
    %dma_wait3A_137 = tpu.memref_squeeze %dma_wait3A_136 : memref<1x3584xi32, #tpu.memory_space<vmem>> -> memref<3584xi32, #tpu.memory_space<vmem>>
    %dma_wait3A_138 = tpu.memref_slice %arg2[%add3A_70] : memref<802816xi32, #tpu.memory_space<hbm>> -> memref<3584xi32, #tpu.memory_space<hbm>>
    %dma_wait3A_139 = arith.constant 0 : i32
    %dma_wait3A_140 = tpu.memref_slice %arg7[%dma_wait3A_134, %dma_wait3A_139] : memref<2x3584xi32, #tpu.memory_space<vmem>> -> memref<1x3584xi32, #tpu.memory_space<vmem>>
    %dma_wait3A_141 = tpu.memref_squeeze %dma_wait3A_140 : memref<1x3584xi32, #tpu.memory_space<vmem>> -> memref<3584xi32, #tpu.memory_space<vmem>>
    %dma_wait3A_142 = tpu.memref_slice %arg2[%add3A_70] : memref<802816xi32, #tpu.memory_space<hbm>> -> memref<3584xi32, #tpu.memory_space<hbm>>
    tpu.wait_dma2 semaphore(%arg11 : memref<!tpu.dma_semaphore, #tpu.memory_space<semaphore_mem>>) src(%dma_wait3A_142 : memref<3584xi32, #tpu.memory_space<hbm>>) dst(%dma_wait3A_141 : memref<3584xi32, #tpu.memory_space<vmem>>)
    %dma_wait3A_143 = arith.constant 0 : i32
    %dma_wait3A_144 = arith.constant 0 : i32
    %dma_wait3A_145 = tpu.memref_slice %arg8[%dma_wait3A_143, %dma_wait3A_144] : memref<2x3584xi32, #tpu.memory_space<vmem>> -> memref<1x3584xi32, #tpu.memory_space<vmem>>
    %dma_wait3A_146 = tpu.memref_squeeze %dma_wait3A_145 : memref<1x3584xi32, #tpu.memory_space<vmem>> -> memref<3584xi32, #tpu.memory_space<vmem>>
    %dma_wait3A_147 = tpu.memref_slice %arg3[%add3A_81] : memref<802816xi32, #tpu.memory_space<hbm>> -> memref<3584xi32, #tpu.memory_space<hbm>>
    %dma_wait3A_148 = arith.constant 0 : i32
    %dma_wait3A_149 = tpu.memref_slice %arg8[%dma_wait3A_143, %dma_wait3A_148] : memref<2x3584xi32, #tpu.memory_space<vmem>> -> memref<1x3584xi32, #tpu.memory_space<vmem>>
    %dma_wait3A_150 = tpu.memref_squeeze %dma_wait3A_149 : memref<1x3584xi32, #tpu.memory_space<vmem>> -> memref<3584xi32, #tpu.memory_space<vmem>>
    %dma_wait3A_151 = tpu.memref_slice %arg3[%add3A_81] : memref<802816xi32, #tpu.memory_space<hbm>> -> memref<3584xi32, #tpu.memory_space<hbm>>
    tpu.wait_dma2 semaphore(%arg13 : memref<!tpu.dma_semaphore, #tpu.memory_space<semaphore_mem>>) src(%dma_wait3A_151 : memref<3584xi32, #tpu.memory_space<hbm>>) dst(%dma_wait3A_150 : memref<3584xi32, #tpu.memory_space<vmem>>)
    %parallel_loop3A_152 = arith.constant 0 : i32
    %parallel_loop3A_153 = arith.constant 3584 : i32
    %parallel_loop3A_154 = arith.constant 16 : i32
    scf.for %parallel_loop3A_305 = %parallel_loop3A_152 to %parallel_loop3A_153 step %parallel_loop3A_154  : i32 {
      %parallel_loop3A_306 = arith.constant 0 : i32
      %parallel_loop3A_307 = arith.index_cast %parallel_loop3A_306 : i32 to index
      %parallel_loop3A_308 = arith.index_cast %parallel_loop3A_305 : i32 to index
      %parallel_loop3A_309 = tpu.vector_load %arg8[%parallel_loop3A_307, %parallel_loop3A_308] {strides = array<i32>} : memref<2x3584xi32, #tpu.memory_space<vmem>>, vector<16xi32>,
      %parallel_loop3A_310 = arith.constant 0 : i32
      %parallel_loop3A_311 = arith.index_cast %parallel_loop3A_310 : i32 to index
      %parallel_loop3A_312 = arith.index_cast %parallel_loop3A_305 : i32 to index
      %parallel_loop3A_313 = tpu.vector_load %arg7[%parallel_loop3A_311, %parallel_loop3A_312] {strides = array<i32>} : memref<2x3584xi32, #tpu.memory_space<vmem>>, vector<16xi32>,
      %parallel_loop3A_314 = tpu.vector_load_idx %arg6[%parallel_loop3A_313] : memref<51200xf32, #tpu.memory_space<vmem>>[vector<16xi32>], vector<16xf32>,
      tpu.vector_store_idx %arg9[%parallel_loop3A_309], %parallel_loop3A_314 {add = true} : memref<51200xf32, #tpu.memory_space<vmem>>[vector<16xi32>], vector<16xf32>,
    } {sc.loop_unroll_factor = 8 : i64, sc.parallel_access}
    %add3A_155 = arith.constant 14336 : i32
    %add3A_156 = arith.addi %mul3A_2, %add3A_155 : i32
    %dma_start3A_157 = arith.constant 0 : i32
    %dma_start3A_158 = arith.constant 0 : i32
    %dma_start3A_159 = tpu.memref_slice %arg7[%dma_start3A_157, %dma_start3A_158] : memref<2x3584xi32, #tpu.memory_space<vmem>> -> memref<1x3584xi32, #tpu.memory_space<vmem>>
    %dma_start3A_160 = tpu.memref_squeeze %dma_start3A_159 : memref<1x3584xi32, #tpu.memory_space<vmem>> -> memref<3584xi32, #tpu.memory_space<vmem>>
    %dma_start3A_161 = tpu.memref_slice %arg2[%add3A_156] : memref<802816xi32, #tpu.memory_space<hbm>> -> memref<3584xi32, #tpu.memory_space<hbm>>
    %dma_start3A_162 = arith.constant 0 : i32
    %dma_start3A_163 = tpu.memref_slice %arg7[%dma_start3A_157, %dma_start3A_162] : memref<2x3584xi32, #tpu.memory_space<vmem>> -> memref<1x3584xi32, #tpu.memory_space<vmem>>
    %dma_start3A_164 = tpu.memref_squeeze %dma_start3A_163 : memref<1x3584xi32, #tpu.memory_space<vmem>> -> memref<3584xi32, #tpu.memory_space<vmem>>
    %dma_start3A_165 = tpu.memref_slice %arg2[%add3A_156] : memref<802816xi32, #tpu.memory_space<hbm>> -> memref<3584xi32, #tpu.memory_space<hbm>>
    tpu.enqueue_dma source(%dma_start3A_165 : memref<3584xi32, #tpu.memory_space<hbm>>) target(%dma_start3A_164 : memref<3584xi32, #tpu.memory_space<vmem>>) target_semaphore(%arg11 : memref<!tpu.dma_semaphore, #tpu.memory_space<semaphore_mem>>)
    %add3A_166 = arith.constant 14336 : i32
    %add3A_167 = arith.addi %mul3A_2, %add3A_166 : i32
    %dma_start3A_168 = arith.constant 0 : i32
    %dma_start3A_169 = arith.constant 0 : i32
    %dma_start3A_170 = tpu.memref_slice %arg8[%dma_start3A_168, %dma_start3A_169] : memref<2x3584xi32, #tpu.memory_space<vmem>> -> memref<1x3584xi32, #tpu.memory_space<vmem>>
    %dma_start3A_171 = tpu.memref_squeeze %dma_start3A_170 : memref<1x3584xi32, #tpu.memory_space<vmem>> -> memref<3584xi32, #tpu.memory_space<vmem>>
    %dma_start3A_172 = tpu.memref_slice %arg3[%add3A_167] : memref<802816xi32, #tpu.memory_space<hbm>> -> memref<3584xi32, #tpu.memory_space<hbm>>
    %dma_start3A_173 = arith.constant 0 : i32
    %dma_start3A_174 = tpu.memref_slice %arg8[%dma_start3A_168, %dma_start3A_173] : memref<2x3584xi32, #tpu.memory_space<vmem>> -> memref<1x3584xi32, #tpu.memory_space<vmem>>
    %dma_start3A_175 = tpu.memref_squeeze %dma_start3A_174 : memref<1x3584xi32, #tpu.memory_space<vmem>> -> memref<3584xi32, #tpu.memory_space<vmem>>
    %dma_start3A_176 = tpu.memref_slice %arg3[%add3A_167] : memref<802816xi32, #tpu.memory_space<hbm>> -> memref<3584xi32, #tpu.memory_space<hbm>>
    tpu.enqueue_dma source(%dma_start3A_176 : memref<3584xi32, #tpu.memory_space<hbm>>) target(%dma_start3A_175 : memref<3584xi32, #tpu.memory_space<vmem>>) target_semaphore(%arg13 : memref<!tpu.dma_semaphore, #tpu.memory_space<semaphore_mem>>)
    %dma_wait3A_177 = arith.constant 1 : i32
    %dma_wait3A_178 = arith.constant 0 : i32
    %dma_wait3A_179 = tpu.memref_slice %arg7[%dma_wait3A_177, %dma_wait3A_178] : memref<2x3584xi32, #tpu.memory_space<vmem>> -> memref<1x3584xi32, #tpu.memory_space<vmem>>
    %dma_wait3A_180 = tpu.memref_squeeze %dma_wait3A_179 : memref<1x3584xi32, #tpu.memory_space<vmem>> -> memref<3584xi32, #tpu.memory_space<vmem>>
    %dma_wait3A_181 = tpu.memref_slice %arg2[%add3A_113] : memref<802816xi32, #tpu.memory_space<hbm>> -> memref<3584xi32, #tpu.memory_space<hbm>>
    %dma_wait3A_182 = arith.constant 0 : i32
    %dma_wait3A_183 = tpu.memref_slice %arg7[%dma_wait3A_177, %dma_wait3A_182] : memref<2x3584xi32, #tpu.memory_space<vmem>> -> memref<1x3584xi32, #tpu.memory_space<vmem>>
    %dma_wait3A_184 = tpu.memref_squeeze %dma_wait3A_183 : memref<1x3584xi32, #tpu.memory_space<vmem>> -> memref<3584xi32, #tpu.memory_space<vmem>>
    %dma_wait3A_185 = tpu.memref_slice %arg2[%add3A_113] : memref<802816xi32, #tpu.memory_space<hbm>> -> memref<3584xi32, #tpu.memory_space<hbm>>
    tpu.wait_dma2 semaphore(%arg12 : memref<!tpu.dma_semaphore, #tpu.memory_space<semaphore_mem>>) src(%dma_wait3A_185 : memref<3584xi32, #tpu.memory_space<hbm>>) dst(%dma_wait3A_184 : memref<3584xi32, #tpu.memory_space<vmem>>)
    %dma_wait3A_186 = arith.constant 1 : i32
    %dma_wait3A_187 = arith.constant 0 : i32
    %dma_wait3A_188 = tpu.memref_slice %arg8[%dma_wait3A_186, %dma_wait3A_187] : memref<2x3584xi32, #tpu.memory_space<vmem>> -> memref<1x3584xi32, #tpu.memory_space<vmem>>
    %dma_wait3A_189 = tpu.memref_squeeze %dma_wait3A_188 : memref<1x3584xi32, #tpu.memory_space<vmem>> -> memref<3584xi32, #tpu.memory_space<vmem>>
    %dma_wait3A_190 = tpu.memref_slice %arg3[%add3A_124] : memref<802816xi32, #tpu.memory_space<hbm>> -> memref<3584xi32, #tpu.memory_space<hbm>>
    %dma_wait3A_191 = arith.constant 0 : i32
    %dma_wait3A_192 = tpu.memref_slice %arg8[%dma_wait3A_186, %dma_wait3A_191] : memref<2x3584xi32, #tpu.memory_space<vmem>> -> memref<1x3584xi32, #tpu.memory_space<vmem>>
    %dma_wait3A_193 = tpu.memref_squeeze %dma_wait3A_192 : memref<1x3584xi32, #tpu.memory_space<vmem>> -> memref<3584xi32, #tpu.memory_space<vmem>>
    %dma_wait3A_194 = tpu.memref_slice %arg3[%add3A_124] : memref<802816xi32, #tpu.memory_space<hbm>> -> memref<3584xi32, #tpu.memory_space<hbm>>
    tpu.wait_dma2 semaphore(%arg14 : memref<!tpu.dma_semaphore, #tpu.memory_space<semaphore_mem>>) src(%dma_wait3A_194 : memref<3584xi32, #tpu.memory_space<hbm>>) dst(%dma_wait3A_193 : memref<3584xi32, #tpu.memory_space<vmem>>)
    %parallel_loop3A_195 = arith.constant 0 : i32
    %parallel_loop3A_196 = arith.constant 3584 : i32
    %parallel_loop3A_197 = arith.constant 16 : i32
    scf.for %parallel_loop3A_305 = %parallel_loop3A_195 to %parallel_loop3A_196 step %parallel_loop3A_197  : i32 {
      %parallel_loop3A_306 = arith.constant 1 : i32
      %parallel_loop3A_307 = arith.index_cast %parallel_loop3A_306 : i32 to index
      %parallel_loop3A_308 = arith.index_cast %parallel_loop3A_305 : i32 to index
      %parallel_loop3A_309 = tpu.vector_load %arg8[%parallel_loop3A_307, %parallel_loop3A_308] {strides = array<i32>} : memref<2x3584xi32, #tpu.memory_space<vmem>>, vector<16xi32>,
      %parallel_loop3A_310 = arith.constant 1 : i32
      %parallel_loop3A_311 = arith.index_cast %parallel_loop3A_310 : i32 to index
      %parallel_loop3A_312 = arith.index_cast %parallel_loop3A_305 : i32 to index
      %parallel_loop3A_313 = tpu.vector_load %arg7[%parallel_loop3A_311, %parallel_loop3A_312] {strides = array<i32>} : memref<2x3584xi32, #tpu.memory_space<vmem>>, vector<16xi32>,
      %parallel_loop3A_314 = tpu.vector_load_idx %arg6[%parallel_loop3A_313] : memref<51200xf32, #tpu.memory_space<vmem>>[vector<16xi32>], vector<16xf32>,
      tpu.vector_store_idx %arg9[%parallel_loop3A_309], %parallel_loop3A_314 {add = true} : memref<51200xf32, #tpu.memory_space<vmem>>[vector<16xi32>], vector<16xf32>,
    } {sc.loop_unroll_factor = 8 : i64, sc.parallel_access}
    %add3A_198 = arith.constant 17920 : i32
    %add3A_199 = arith.addi %mul3A_2, %add3A_198 : i32
    %dma_start3A_200 = arith.constant 1 : i32
    %dma_start3A_201 = arith.constant 0 : i32
    %dma_start3A_202 = tpu.memref_slice %arg7[%dma_start3A_200, %dma_start3A_201] : memref<2x3584xi32, #tpu.memory_space<vmem>> -> memref<1x3584xi32, #tpu.memory_space<vmem>>
    %dma_start3A_203 = tpu.memref_squeeze %dma_start3A_202 : memref<1x3584xi32, #tpu.memory_space<vmem>> -> memref<3584xi32, #tpu.memory_space<vmem>>
    %dma_start3A_204 = tpu.memref_slice %arg2[%add3A_199] : memref<802816xi32, #tpu.memory_space<hbm>> -> memref<3584xi32, #tpu.memory_space<hbm>>
    %dma_start3A_205 = arith.constant 0 : i32
    %dma_start3A_206 = tpu.memref_slice %arg7[%dma_start3A_200, %dma_start3A_205] : memref<2x3584xi32, #tpu.memory_space<vmem>> -> memref<1x3584xi32, #tpu.memory_space<vmem>>
    %dma_start3A_207 = tpu.memref_squeeze %dma_start3A_206 : memref<1x3584xi32, #tpu.memory_space<vmem>> -> memref<3584xi32, #tpu.memory_space<vmem>>
    %dma_start3A_208 = tpu.memref_slice %arg2[%add3A_199] : memref<802816xi32, #tpu.memory_space<hbm>> -> memref<3584xi32, #tpu.memory_space<hbm>>
    tpu.enqueue_dma source(%dma_start3A_208 : memref<3584xi32, #tpu.memory_space<hbm>>) target(%dma_start3A_207 : memref<3584xi32, #tpu.memory_space<vmem>>) target_semaphore(%arg12 : memref<!tpu.dma_semaphore, #tpu.memory_space<semaphore_mem>>)
    %add3A_209 = arith.constant 17920 : i32
    %add3A_210 = arith.addi %mul3A_2, %add3A_209 : i32
    %dma_start3A_211 = arith.constant 1 : i32
    %dma_start3A_212 = arith.constant 0 : i32
    %dma_start3A_213 = tpu.memref_slice %arg8[%dma_start3A_211, %dma_start3A_212] : memref<2x3584xi32, #tpu.memory_space<vmem>> -> memref<1x3584xi32, #tpu.memory_space<vmem>>
    %dma_start3A_214 = tpu.memref_squeeze %dma_start3A_213 : memref<1x3584xi32, #tpu.memory_space<vmem>> -> memref<3584xi32, #tpu.memory_space<vmem>>
    %dma_start3A_215 = tpu.memref_slice %arg3[%add3A_210] : memref<802816xi32, #tpu.memory_space<hbm>> -> memref<3584xi32, #tpu.memory_space<hbm>>
    %dma_start3A_216 = arith.constant 0 : i32
    %dma_start3A_217 = tpu.memref_slice %arg8[%dma_start3A_211, %dma_start3A_216] : memref<2x3584xi32, #tpu.memory_space<vmem>> -> memref<1x3584xi32, #tpu.memory_space<vmem>>
    %dma_start3A_218 = tpu.memref_squeeze %dma_start3A_217 : memref<1x3584xi32, #tpu.memory_space<vmem>> -> memref<3584xi32, #tpu.memory_space<vmem>>
    %dma_start3A_219 = tpu.memref_slice %arg3[%add3A_210] : memref<802816xi32, #tpu.memory_space<hbm>> -> memref<3584xi32, #tpu.memory_space<hbm>>
    tpu.enqueue_dma source(%dma_start3A_219 : memref<3584xi32, #tpu.memory_space<hbm>>) target(%dma_start3A_218 : memref<3584xi32, #tpu.memory_space<vmem>>) target_semaphore(%arg14 : memref<!tpu.dma_semaphore, #tpu.memory_space<semaphore_mem>>)
    %dma_wait3A_220 = arith.constant 0 : i32
    %dma_wait3A_221 = arith.constant 0 : i32
    %dma_wait3A_222 = tpu.memref_slice %arg7[%dma_wait3A_220, %dma_wait3A_221] : memref<2x3584xi32, #tpu.memory_space<vmem>> -> memref<1x3584xi32, #tpu.memory_space<vmem>>
    %dma_wait3A_223 = tpu.memref_squeeze %dma_wait3A_222 : memref<1x3584xi32, #tpu.memory_space<vmem>> -> memref<3584xi32, #tpu.memory_space<vmem>>
    %dma_wait3A_224 = tpu.memref_slice %arg2[%add3A_156] : memref<802816xi32, #tpu.memory_space<hbm>> -> memref<3584xi32, #tpu.memory_space<hbm>>
    %dma_wait3A_225 = arith.constant 0 : i32
    %dma_wait3A_226 = tpu.memref_slice %arg7[%dma_wait3A_220, %dma_wait3A_225] : memref<2x3584xi32, #tpu.memory_space<vmem>> -> memref<1x3584xi32, #tpu.memory_space<vmem>>
    %dma_wait3A_227 = tpu.memref_squeeze %dma_wait3A_226 : memref<1x3584xi32, #tpu.memory_space<vmem>> -> memref<3584xi32, #tpu.memory_space<vmem>>
    %dma_wait3A_228 = tpu.memref_slice %arg2[%add3A_156] : memref<802816xi32, #tpu.memory_space<hbm>> -> memref<3584xi32, #tpu.memory_space<hbm>>
    tpu.wait_dma2 semaphore(%arg11 : memref<!tpu.dma_semaphore, #tpu.memory_space<semaphore_mem>>) src(%dma_wait3A_228 : memref<3584xi32, #tpu.memory_space<hbm>>) dst(%dma_wait3A_227 : memref<3584xi32, #tpu.memory_space<vmem>>)
    %dma_wait3A_229 = arith.constant 0 : i32
    %dma_wait3A_230 = arith.constant 0 : i32
    %dma_wait3A_231 = tpu.memref_slice %arg8[%dma_wait3A_229, %dma_wait3A_230] : memref<2x3584xi32, #tpu.memory_space<vmem>> -> memref<1x3584xi32, #tpu.memory_space<vmem>>
    %dma_wait3A_232 = tpu.memref_squeeze %dma_wait3A_231 : memref<1x3584xi32, #tpu.memory_space<vmem>> -> memref<3584xi32, #tpu.memory_space<vmem>>
    %dma_wait3A_233 = tpu.memref_slice %arg3[%add3A_167] : memref<802816xi32, #tpu.memory_space<hbm>> -> memref<3584xi32, #tpu.memory_space<hbm>>
    %dma_wait3A_234 = arith.constant 0 : i32
    %dma_wait3A_235 = tpu.memref_slice %arg8[%dma_wait3A_229, %dma_wait3A_234] : memref<2x3584xi32, #tpu.memory_space<vmem>> -> memref<1x3584xi32, #tpu.memory_space<vmem>>
    %dma_wait3A_236 = tpu.memref_squeeze %dma_wait3A_235 : memref<1x3584xi32, #tpu.memory_space<vmem>> -> memref<3584xi32, #tpu.memory_space<vmem>>
    %dma_wait3A_237 = tpu.memref_slice %arg3[%add3A_167] : memref<802816xi32, #tpu.memory_space<hbm>> -> memref<3584xi32, #tpu.memory_space<hbm>>
    tpu.wait_dma2 semaphore(%arg13 : memref<!tpu.dma_semaphore, #tpu.memory_space<semaphore_mem>>) src(%dma_wait3A_237 : memref<3584xi32, #tpu.memory_space<hbm>>) dst(%dma_wait3A_236 : memref<3584xi32, #tpu.memory_space<vmem>>)
    %parallel_loop3A_238 = arith.constant 0 : i32
    %parallel_loop3A_239 = arith.constant 3584 : i32
    %parallel_loop3A_240 = arith.constant 16 : i32
    scf.for %parallel_loop3A_305 = %parallel_loop3A_238 to %parallel_loop3A_239 step %parallel_loop3A_240  : i32 {
      %parallel_loop3A_306 = arith.constant 0 : i32
      %parallel_loop3A_307 = arith.index_cast %parallel_loop3A_306 : i32 to index
      %parallel_loop3A_308 = arith.index_cast %parallel_loop3A_305 : i32 to index
      %parallel_loop3A_309 = tpu.vector_load %arg8[%parallel_loop3A_307, %parallel_loop3A_308] {strides = array<i32>} : memref<2x3584xi32, #tpu.memory_space<vmem>>, vector<16xi32>,
      %parallel_loop3A_310 = arith.constant 0 : i32
      %parallel_loop3A_311 = arith.index_cast %parallel_loop3A_310 : i32 to index
      %parallel_loop3A_312 = arith.index_cast %parallel_loop3A_305 : i32 to index
      %parallel_loop3A_313 = tpu.vector_load %arg7[%parallel_loop3A_311, %parallel_loop3A_312] {strides = array<i32>} : memref<2x3584xi32, #tpu.memory_space<vmem>>, vector<16xi32>,
      %parallel_loop3A_314 = tpu.vector_load_idx %arg6[%parallel_loop3A_313] : memref<51200xf32, #tpu.memory_space<vmem>>[vector<16xi32>], vector<16xf32>,
      tpu.vector_store_idx %arg9[%parallel_loop3A_309], %parallel_loop3A_314 {add = true} : memref<51200xf32, #tpu.memory_space<vmem>>[vector<16xi32>], vector<16xf32>,
    } {sc.loop_unroll_factor = 8 : i64, sc.parallel_access}
    %add3A_241 = arith.constant 21504 : i32
    %add3A_242 = arith.addi %mul3A_2, %add3A_241 : i32
    %dma_start3A_243 = arith.constant 0 : i32
    %dma_start3A_244 = arith.constant 0 : i32
    %dma_start3A_245 = tpu.memref_slice %arg7[%dma_start3A_243, %dma_start3A_244] : memref<2x3584xi32, #tpu.memory_space<vmem>> -> memref<1x3584xi32, #tpu.memory_space<vmem>>
    %dma_start3A_246 = tpu.memref_squeeze %dma_start3A_245 : memref<1x3584xi32, #tpu.memory_space<vmem>> -> memref<3584xi32, #tpu.memory_space<vmem>>
    %dma_start3A_247 = tpu.memref_slice %arg2[%add3A_242] : memref<802816xi32, #tpu.memory_space<hbm>> -> memref<3584xi32, #tpu.memory_space<hbm>>
    %dma_start3A_248 = arith.constant 0 : i32
    %dma_start3A_249 = tpu.memref_slice %arg7[%dma_start3A_243, %dma_start3A_248] : memref<2x3584xi32, #tpu.memory_space<vmem>> -> memref<1x3584xi32, #tpu.memory_space<vmem>>
    %dma_start3A_250 = tpu.memref_squeeze %dma_start3A_249 : memref<1x3584xi32, #tpu.memory_space<vmem>> -> memref<3584xi32, #tpu.memory_space<vmem>>
    %dma_start3A_251 = tpu.memref_slice %arg2[%add3A_242] : memref<802816xi32, #tpu.memory_space<hbm>> -> memref<3584xi32, #tpu.memory_space<hbm>>
    tpu.enqueue_dma source(%dma_start3A_251 : memref<3584xi32, #tpu.memory_space<hbm>>) target(%dma_start3A_250 : memref<3584xi32, #tpu.memory_space<vmem>>) target_semaphore(%arg11 : memref<!tpu.dma_semaphore, #tpu.memory_space<semaphore_mem>>)
    %add3A_252 = arith.constant 21504 : i32
    %add3A_253 = arith.addi %mul3A_2, %add3A_252 : i32
    %dma_start3A_254 = arith.constant 0 : i32
    %dma_start3A_255 = arith.constant 0 : i32
    %dma_start3A_256 = tpu.memref_slice %arg8[%dma_start3A_254, %dma_start3A_255] : memref<2x3584xi32, #tpu.memory_space<vmem>> -> memref<1x3584xi32, #tpu.memory_space<vmem>>
    %dma_start3A_257 = tpu.memref_squeeze %dma_start3A_256 : memref<1x3584xi32, #tpu.memory_space<vmem>> -> memref<3584xi32, #tpu.memory_space<vmem>>
    %dma_start3A_258 = tpu.memref_slice %arg3[%add3A_253] : memref<802816xi32, #tpu.memory_space<hbm>> -> memref<3584xi32, #tpu.memory_space<hbm>>
    %dma_start3A_259 = arith.constant 0 : i32
    %dma_start3A_260 = tpu.memref_slice %arg8[%dma_start3A_254, %dma_start3A_259] : memref<2x3584xi32, #tpu.memory_space<vmem>> -> memref<1x3584xi32, #tpu.memory_space<vmem>>
    %dma_start3A_261 = tpu.memref_squeeze %dma_start3A_260 : memref<1x3584xi32, #tpu.memory_space<vmem>> -> memref<3584xi32, #tpu.memory_space<vmem>>
    %dma_start3A_262 = tpu.memref_slice %arg3[%add3A_253] : memref<802816xi32, #tpu.memory_space<hbm>> -> memref<3584xi32, #tpu.memory_space<hbm>>
    tpu.enqueue_dma source(%dma_start3A_262 : memref<3584xi32, #tpu.memory_space<hbm>>) target(%dma_start3A_261 : memref<3584xi32, #tpu.memory_space<vmem>>) target_semaphore(%arg13 : memref<!tpu.dma_semaphore, #tpu.memory_space<semaphore_mem>>)
    %dma_wait3A_263 = arith.constant 1 : i32
    %dma_wait3A_264 = arith.constant 0 : i32
    %dma_wait3A_265 = tpu.memref_slice %arg7[%dma_wait3A_263, %dma_wait3A_264] : memref<2x3584xi32, #tpu.memory_space<vmem>> -> memref<1x3584xi32, #tpu.memory_space<vmem>>
    %dma_wait3A_266 = tpu.memref_squeeze %dma_wait3A_265 : memref<1x3584xi32, #tpu.memory_space<vmem>> -> memref<3584xi32, #tpu.memory_space<vmem>>
    %dma_wait3A_267 = tpu.memref_slice %arg2[%add3A_199] : memref<802816xi32, #tpu.memory_space<hbm>> -> memref<3584xi32, #tpu.memory_space<hbm>>
    %dma_wait3A_268 = arith.constant 0 : i32
    %dma_wait3A_269 = tpu.memref_slice %arg7[%dma_wait3A_263, %dma_wait3A_268] : memref<2x3584xi32, #tpu.memory_space<vmem>> -> memref<1x3584xi32, #tpu.memory_space<vmem>>
    %dma_wait3A_270 = tpu.memref_squeeze %dma_wait3A_269 : memref<1x3584xi32, #tpu.memory_space<vmem>> -> memref<3584xi32, #tpu.memory_space<vmem>>
    %dma_wait3A_271 = tpu.memref_slice %arg2[%add3A_199] : memref<802816xi32, #tpu.memory_space<hbm>> -> memref<3584xi32, #tpu.memory_space<hbm>>
    tpu.wait_dma2 semaphore(%arg12 : memref<!tpu.dma_semaphore, #tpu.memory_space<semaphore_mem>>) src(%dma_wait3A_271 : memref<3584xi32, #tpu.memory_space<hbm>>) dst(%dma_wait3A_270 : memref<3584xi32, #tpu.memory_space<vmem>>)
    %dma_wait3A_272 = arith.constant 1 : i32
    %dma_wait3A_273 = arith.constant 0 : i32
    %dma_wait3A_274 = tpu.memref_slice %arg8[%dma_wait3A_272, %dma_wait3A_273] : memref<2x3584xi32, #tpu.memory_space<vmem>> -> memref<1x3584xi32, #tpu.memory_space<vmem>>
    %dma_wait3A_275 = tpu.memref_squeeze %dma_wait3A_274 : memref<1x3584xi32, #tpu.memory_space<vmem>> -> memref<3584xi32, #tpu.memory_space<vmem>>
    %dma_wait3A_276 = tpu.memref_slice %arg3[%add3A_210] : memref<802816xi32, #tpu.memory_space<hbm>> -> memref<3584xi32, #tpu.memory_space<hbm>>
    %dma_wait3A_277 = arith.constant 0 : i32
    %dma_wait3A_278 = tpu.memref_slice %arg8[%dma_wait3A_272, %dma_wait3A_277] : memref<2x3584xi32, #tpu.memory_space<vmem>> -> memref<1x3584xi32, #tpu.memory_space<vmem>>
    %dma_wait3A_279 = tpu.memref_squeeze %dma_wait3A_278 : memref<1x3584xi32, #tpu.memory_space<vmem>> -> memref<3584xi32, #tpu.memory_space<vmem>>
    %dma_wait3A_280 = tpu.memref_slice %arg3[%add3A_210] : memref<802816xi32, #tpu.memory_space<hbm>> -> memref<3584xi32, #tpu.memory_space<hbm>>
    tpu.wait_dma2 semaphore(%arg14 : memref<!tpu.dma_semaphore, #tpu.memory_space<semaphore_mem>>) src(%dma_wait3A_280 : memref<3584xi32, #tpu.memory_space<hbm>>) dst(%dma_wait3A_279 : memref<3584xi32, #tpu.memory_space<vmem>>)
    %parallel_loop3A_281 = arith.constant 0 : i32
    %parallel_loop3A_282 = arith.constant 3584 : i32
    %parallel_loop3A_283 = arith.constant 16 : i32
    scf.for %parallel_loop3A_305 = %parallel_loop3A_281 to %parallel_loop3A_282 step %parallel_loop3A_283  : i32 {
      %parallel_loop3A_306 = arith.constant 1 : i32
      %parallel_loop3A_307 = arith.index_cast %parallel_loop3A_306 : i32 to index
      %parallel_loop3A_308 = arith.index_cast %parallel_loop3A_305 : i32 to index
      %parallel_loop3A_309 = tpu.vector_load %arg8[%parallel_loop3A_307, %parallel_loop3A_308] {strides = array<i32>} : memref<2x3584xi32, #tpu.memory_space<vmem>>, vector<16xi32>,
      %parallel_loop3A_310 = arith.constant 1 : i32
      %parallel_loop3A_311 = arith.index_cast %parallel_loop3A_310 : i32 to index
      %parallel_loop3A_312 = arith.index_cast %parallel_loop3A_305 : i32 to index
      %parallel_loop3A_313 = tpu.vector_load %arg7[%parallel_loop3A_311, %parallel_loop3A_312] {strides = array<i32>} : memref<2x3584xi32, #tpu.memory_space<vmem>>, vector<16xi32>,
      %parallel_loop3A_314 = tpu.vector_load_idx %arg6[%parallel_loop3A_313] : memref<51200xf32, #tpu.memory_space<vmem>>[vector<16xi32>], vector<16xf32>,
      tpu.vector_store_idx %arg9[%parallel_loop3A_309], %parallel_loop3A_314 {add = true} : memref<51200xf32, #tpu.memory_space<vmem>>[vector<16xi32>], vector<16xf32>,
    } {sc.loop_unroll_factor = 8 : i64, sc.parallel_access}
    %dma_wait3A_284 = arith.constant 0 : i32
    %dma_wait3A_285 = arith.constant 0 : i32
    %dma_wait3A_286 = tpu.memref_slice %arg7[%dma_wait3A_284, %dma_wait3A_285] : memref<2x3584xi32, #tpu.memory_space<vmem>> -> memref<1x3584xi32, #tpu.memory_space<vmem>>
    %dma_wait3A_287 = tpu.memref_squeeze %dma_wait3A_286 : memref<1x3584xi32, #tpu.memory_space<vmem>> -> memref<3584xi32, #tpu.memory_space<vmem>>
    %dma_wait3A_288 = tpu.memref_slice %arg2[%add3A_242] : memref<802816xi32, #tpu.memory_space<hbm>> -> memref<3584xi32, #tpu.memory_space<hbm>>
    %dma_wait3A_289 = arith.constant 0 : i32
    %dma_wait3A_290 = tpu.memref_slice %arg7[%dma_wait3A_284, %dma_wait3A_289] : memref<2x3584xi32, #tpu.memory_space<vmem>> -> memref<1x3584xi32, #tpu.memory_space<vmem>>
    %dma_wait3A_291 = tpu.memref_squeeze %dma_wait3A_290 : memref<1x3584xi32, #tpu.memory_space<vmem>> -> memref<3584xi32, #tpu.memory_space<vmem>>
    %dma_wait3A_292 = tpu.memref_slice %arg2[%add3A_242] : memref<802816xi32, #tpu.memory_space<hbm>> -> memref<3584xi32, #tpu.memory_space<hbm>>
    tpu.wait_dma2 semaphore(%arg11 : memref<!tpu.dma_semaphore, #tpu.memory_space<semaphore_mem>>) src(%dma_wait3A_292 : memref<3584xi32, #tpu.memory_space<hbm>>) dst(%dma_wait3A_291 : memref<3584xi32, #tpu.memory_space<vmem>>)
    %dma_wait3A_293 = arith.constant 0 : i32
    %dma_wait3A_294 = arith.constant 0 : i32
    %dma_wait3A_295 = tpu.memref_slice %arg8[%dma_wait3A_293, %dma_wait3A_294] : memref<2x3584xi32, #tpu.memory_space<vmem>> -> memref<1x3584xi32, #tpu.memory_space<vmem>>
    %dma_wait3A_296 = tpu.memref_squeeze %dma_wait3A_295 : memref<1x3584xi32, #tpu.memory_space<vmem>> -> memref<3584xi32, #tpu.memory_space<vmem>>
    %dma_wait3A_297 = tpu.memref_slice %arg3[%add3A_253] : memref<802816xi32, #tpu.memory_space<hbm>> -> memref<3584xi32, #tpu.memory_space<hbm>>
    %dma_wait3A_298 = arith.constant 0 : i32
    %dma_wait3A_299 = tpu.memref_slice %arg8[%dma_wait3A_293, %dma_wait3A_298] : memref<2x3584xi32, #tpu.memory_space<vmem>> -> memref<1x3584xi32, #tpu.memory_space<vmem>>
    %dma_wait3A_300 = tpu.memref_squeeze %dma_wait3A_299 : memref<1x3584xi32, #tpu.memory_space<vmem>> -> memref<3584xi32, #tpu.memory_space<vmem>>
    %dma_wait3A_301 = tpu.memref_slice %arg3[%add3A_253] : memref<802816xi32, #tpu.memory_space<hbm>> -> memref<3584xi32, #tpu.memory_space<hbm>>
    tpu.wait_dma2 semaphore(%arg13 : memref<!tpu.dma_semaphore, #tpu.memory_space<semaphore_mem>>) src(%dma_wait3A_301 : memref<3584xi32, #tpu.memory_space<hbm>>) dst(%dma_wait3A_300 : memref<3584xi32, #tpu.memory_space<vmem>>)
    %parallel_loop3A_302 = arith.constant 0 : i32
    %parallel_loop3A_303 = arith.constant 3584 : i32
    %parallel_loop3A_304 = arith.constant 16 : i32
    scf.for %parallel_loop3A_305 = %parallel_loop3A_302 to %parallel_loop3A_303 step %parallel_loop3A_304  : i32 {
      %parallel_loop3A_306 = arith.constant 0 : i32
      %parallel_loop3A_307 = arith.index_cast %parallel_loop3A_306 : i32 to index
      %parallel_loop3A_308 = arith.index_cast %parallel_loop3A_305 : i32 to index
      %parallel_loop3A_309 = tpu.vector_load %arg8[%parallel_loop3A_307, %parallel_loop3A_308] {strides = array<i32>} : memref<2x3584xi32, #tpu.memory_space<vmem>>, vector<16xi32>,
      %parallel_loop3A_310 = arith.constant 0 : i32
      %parallel_loop3A_311 = arith.index_cast %parallel_loop3A_310 : i32 to index
      %parallel_loop3A_312 = arith.index_cast %parallel_loop3A_305 : i32 to index
      %parallel_loop3A_313 = tpu.vector_load %arg7[%parallel_loop3A_311, %parallel_loop3A_312] {strides = array<i32>} : memref<2x3584xi32, #tpu.memory_space<vmem>>, vector<16xi32>,
      %parallel_loop3A_314 = tpu.vector_load_idx %arg6[%parallel_loop3A_313] : memref<51200xf32, #tpu.memory_space<vmem>>[vector<16xi32>], vector<16xf32>,
      tpu.vector_store_idx %arg9[%parallel_loop3A_309], %parallel_loop3A_314 {add = true} : memref<51200xf32, #tpu.memory_space<vmem>>[vector<16xi32>], vector<16xf32>,
    } {sc.loop_unroll_factor = 8 : i64, sc.parallel_access}
    "tpu.region"() ({
      %run_scoped3A = tpu.sem_alloc : memref<!tpu.dma_semaphore, #tpu.memory_space<semaphore_mem>>
      %dma_start3A_305 = arith.constant 0 : i32
      %dma_start3A_306 = tpu.memref_slice %arg5[%add3A, %dma_start3A_305] : memref<32x51200xf32, #tpu.memory_space<hbm>> -> memref<1x51200xf32, #tpu.memory_space<hbm>>
      %dma_start3A_307 = tpu.memref_squeeze %dma_start3A_306 : memref<1x51200xf32, #tpu.memory_space<hbm>> -> memref<51200xf32, #tpu.memory_space<hbm>>
      %dma_start3A_308 = arith.constant 0 : i32
      %dma_start3A_309 = tpu.memref_slice %arg5[%add3A, %dma_start3A_308] : memref<32x51200xf32, #tpu.memory_space<hbm>> -> memref<1x51200xf32, #tpu.memory_space<hbm>>
      %dma_start3A_310 = tpu.memref_squeeze %dma_start3A_309 : memref<1x51200xf32, #tpu.memory_space<hbm>> -> memref<51200xf32, #tpu.memory_space<hbm>>
      tpu.enqueue_dma source(%arg9 : memref<51200xf32, #tpu.memory_space<vmem>>) target(%dma_start3A_310 : memref<51200xf32, #tpu.memory_space<hbm>>) target_semaphore(%run_scoped3A : memref<!tpu.dma_semaphore, #tpu.memory_space<semaphore_mem>>)
      %dma_wait3A_311 = arith.constant 0 : i32
      %dma_wait3A_312 = tpu.memref_slice %arg5[%add3A, %dma_wait3A_311] : memref<32x51200xf32, #tpu.memory_space<hbm>> -> memref<1x51200xf32, #tpu.memory_space<hbm>>
      %dma_wait3A_313 = tpu.memref_squeeze %dma_wait3A_312 : memref<1x51200xf32, #tpu.memory_space<hbm>> -> memref<51200xf32, #tpu.memory_space<hbm>>
      %dma_wait3A_314 = arith.constant 0 : i32
      %dma_wait3A_315 = tpu.memref_slice %arg5[%add3A, %dma_wait3A_314] : memref<32x51200xf32, #tpu.memory_space<hbm>> -> memref<1x51200xf32, #tpu.memory_space<hbm>>
      %dma_wait3A_316 = tpu.memref_squeeze %dma_wait3A_315 : memref<1x51200xf32, #tpu.memory_space<hbm>> -> memref<51200xf32, #tpu.memory_space<hbm>>
      tpu.wait_dma2 semaphore(%run_scoped3A : memref<!tpu.dma_semaphore, #tpu.memory_space<semaphore_mem>>) src(%arg9 : memref<51200xf32, #tpu.memory_space<vmem>>) dst(%dma_wait3A_316 : memref<51200xf32, #tpu.memory_space<hbm>>)
      tpu.yield
    }) : () -> ()
    return
  }
}

module attributes {stable_mosaic.version = 14 : i64} {
  func.func @_prep1_body(%arg0: memref<32x51200xf32, #tpu.memory_space<vmem>>, %arg1: memref<1x51200xf32, #tpu.memory_space<vmem>>, %arg2: memref<1x51200xf32, #tpu.memory_space<vmem>>, %arg3: memref<1x51200xf32, #tpu.memory_space<vmem>>) attributes {dimension_semantics = [], scalar_prefetch = 0 : i64, scratch_operands = 0 : i64, tpu.core_type = #tpu.core_type<tc>} {
    %get3A = arith.constant 0 : index
    %get3A_0 = arith.constant 0 : index
    %get3A_1 = vector.load %arg0[%get3A, %get3A_0] : memref<32x51200xf32, #tpu.memory_space<vmem>>, vector<32x51200xf32>
    %reduce_sum3A = arith.constant dense<0.000000e+00> : vector<51200xf32>
    %reduce_sum3A_2 = vector.multi_reduction <add>, %get3A_1, %reduce_sum3A [0] : vector<32x51200xf32> to vector<51200xf32>
    %broadcast_in_dim3A = vector.shape_cast %reduce_sum3A_2 : vector<51200xf32> to vector<1x51200xf32>
    %add3A = arith.constant 1.000000e+00 : f32
    %add3A_3 = vector.broadcast %add3A : f32 to vector<1x51200xf32>
    %add3A_4 = arith.addf %broadcast_in_dim3A, %add3A_3 : vector<1x51200xf32>
    %rsqrt3A = math.rsqrt %add3A_4 : vector<1x51200xf32>
    %swap3A = arith.constant 0 : index
    %swap3A_5 = arith.constant 0 : index
    %swap3A_6 = vector.load %arg2[%swap3A, %swap3A_5] : memref<1x51200xf32, #tpu.memory_space<vmem>>, vector<1x51200xf32>
    tpu.vector_store %arg2[%swap3A, %swap3A_5], %rsqrt3A {strides = array<i32>} : memref<1x51200xf32, #tpu.memory_space<vmem>>, vector<1x51200xf32>,
    %get3A_7 = arith.constant 0 : index
    %get3A_8 = arith.constant 0 : index
    %get3A_9 = vector.load %arg1[%get3A_7, %get3A_8] : memref<1x51200xf32, #tpu.memory_space<vmem>>, vector<1x51200xf32>
    %mul3A = arith.mulf %get3A_9, %rsqrt3A : vector<1x51200xf32>
    %swap3A_10 = arith.constant 0 : index
    %swap3A_11 = arith.constant 0 : index
    %swap3A_12 = vector.load %arg3[%swap3A_10, %swap3A_11] : memref<1x51200xf32, #tpu.memory_space<vmem>>, vector<1x51200xf32>
    tpu.vector_store %arg3[%swap3A_10, %swap3A_11], %mul3A {strides = array<i32>} : memref<1x51200xf32, #tpu.memory_space<vmem>>, vector<1x51200xf32>,
    return
  }
}

module attributes {stable_mosaic.version = 14 : i64} {
  func.func @_prep2_body(%arg0: memref<32x51200xf32, #tpu.memory_space<vmem>>, %arg1: memref<1x51200xf32, #tpu.memory_space<vmem>>, %arg2: memref<1x51200xf32, #tpu.memory_space<vmem>>, %arg3: memref<1x51200xf32, #tpu.memory_space<vmem>>, %arg4: memref<1x51200xf32, #tpu.memory_space<vmem>>) attributes {dimension_semantics = [], scalar_prefetch = 0 : i64, scratch_operands = 0 : i64, tpu.core_type = #tpu.core_type<tc>} {
    %get3A = arith.constant 0 : index
    %get3A_0 = arith.constant 0 : index
    %get3A_1 = vector.load %arg0[%get3A, %get3A_0] : memref<32x51200xf32, #tpu.memory_space<vmem>>, vector<32x51200xf32>
    %reduce_sum3A = arith.constant dense<0.000000e+00> : vector<51200xf32>
    %reduce_sum3A_2 = vector.multi_reduction <add>, %get3A_1, %reduce_sum3A [0] : vector<32x51200xf32> to vector<51200xf32>
    %broadcast_in_dim3A = vector.shape_cast %reduce_sum3A_2 : vector<51200xf32> to vector<1x51200xf32>
    %get3A_3 = arith.constant 0 : index
    %get3A_4 = arith.constant 0 : index
    %get3A_5 = vector.load %arg1[%get3A_3, %get3A_4] : memref<1x51200xf32, #tpu.memory_space<vmem>>, vector<1x51200xf32>
    %mul3A = arith.mulf %get3A_5, %broadcast_in_dim3A : vector<1x51200xf32>
    %get3A_6 = arith.constant 0 : index
    %get3A_7 = arith.constant 0 : index
    %get3A_8 = vector.load %arg2[%get3A_6, %get3A_7] : memref<1x51200xf32, #tpu.memory_space<vmem>>, vector<1x51200xf32>
    %mul3A_9 = arith.mulf %get3A_5, %get3A_8 : vector<1x51200xf32>
    %add3A = arith.addf %mul3A, %mul3A_9 : vector<1x51200xf32>
    %max3A = arith.constant 0.000000e+00 : f32
    %max3A_10 = vector.broadcast %max3A : f32 to vector<1x51200xf32>
    %max3A_11 = arith.maximumf %add3A, %max3A_10 : vector<1x51200xf32>
    %mul3A_12 = arith.mulf %get3A_5, %max3A_11 : vector<1x51200xf32>
    %swap3A = arith.constant 0 : index
    %swap3A_13 = arith.constant 0 : index
    %swap3A_14 = vector.load %arg3[%swap3A, %swap3A_13] : memref<1x51200xf32, #tpu.memory_space<vmem>>, vector<1x51200xf32>
    tpu.vector_store %arg3[%swap3A, %swap3A_13], %mul3A_12 {strides = array<i32>} : memref<1x51200xf32, #tpu.memory_space<vmem>>, vector<1x51200xf32>,
    %neg3A = arith.constant 0.000000e+00 : f32
    %neg3A_15 = vector.broadcast %neg3A : f32 to vector<1x51200xf32>
    %neg3A_16 = arith.subf %neg3A_15, %add3A : vector<1x51200xf32>
    %max3A_17 = arith.constant 0.000000e+00 : f32
    %max3A_18 = vector.broadcast %max3A_17 : f32 to vector<1x51200xf32>
    %max3A_19 = arith.maximumf %neg3A_16, %max3A_18 : vector<1x51200xf32>
    %mul3A_20 = arith.mulf %get3A_5, %max3A_19 : vector<1x51200xf32>
    %swap3A_21 = arith.constant 0 : index
    %swap3A_22 = arith.constant 0 : index
    %swap3A_23 = vector.load %arg4[%swap3A_21, %swap3A_22] : memref<1x51200xf32, #tpu.memory_space<vmem>>, vector<1x51200xf32>
    tpu.vector_store %arg4[%swap3A_21, %swap3A_22], %mul3A_20 {strides = array<i32>} : memref<1x51200xf32, #tpu.memory_space<vmem>>, vector<1x51200xf32>,
    return
  }
}

module attributes {stable_mosaic.version = 14 : i64} {
  func.func @_final_body(%arg0: i32, %arg1: memref<32x6400xf32, #tpu.memory_space<vmem>>, %arg2: memref<1x6400xf32, #tpu.memory_space<vmem>>, %arg3: memref<1x6400xf32, #tpu.memory_space<vmem>>, %arg4: memref<1x6400xf32, #tpu.memory_space<vmem>>, %arg5: memref<1x6400xi32, #tpu.memory_space<vmem>>, %arg6: memref<1x64xf32, #tpu.memory_space<vmem>>, %arg7: memref<64x64xf32, #tpu.memory_space<vmem>>, %arg8: memref<1x64xf32, #tpu.memory_space<vmem>>, %arg9: memref<64x32xf32, #tpu.memory_space<vmem>>, %arg10: memref<1x32xf32, #tpu.memory_space<vmem>>, %arg11: memref<32x1xf32, #tpu.memory_space<vmem>>, %arg12: memref<1x1xf32, #tpu.memory_space<vmem>>, %arg13: memref<64x128xf32, #tpu.memory_space<vmem>>, %arg14: memref<64x128xf32, #tpu.memory_space<vmem>>) attributes {dimension_semantics = [#tpu.dimension_semantics<arbitrary>], iteration_bounds = array<i64: 8>, scalar_prefetch = 0 : i64, scratch_operands = 1 : i64, tpu.core_type = #tpu.core_type<tc>, window_params = [{transform_indices = @transform_0, window_bounds = array<i64: 32, 6400>}, {transform_indices = @transform_1, window_bounds = array<i64: 1, 6400>}, {transform_indices = @transform_2, window_bounds = array<i64: 1, 6400>}, {transform_indices = @transform_3, window_bounds = array<i64: 1, 6400>}, {transform_indices = @transform_4, window_bounds = array<i64: 1, 6400>}, {pipeline_mode = #tpu.pipeline_mode<synchronous>, transform_indices = @transform_5, window_bounds = array<i64: 1, 64>}, {pipeline_mode = #tpu.pipeline_mode<synchronous>, transform_indices = @transform_6, window_bounds = array<i64: 64, 64>}, {pipeline_mode = #tpu.pipeline_mode<synchronous>, transform_indices = @transform_7, window_bounds = array<i64: 1, 64>}, {pipeline_mode = #tpu.pipeline_mode<synchronous>, transform_indices = @transform_8, window_bounds = array<i64: 64, 32>}, {pipeline_mode = #tpu.pipeline_mode<synchronous>, transform_indices = @transform_9, window_bounds = array<i64: 1, 32>}, {pipeline_mode = #tpu.pipeline_mode<synchronous>, transform_indices = @transform_10, window_bounds = array<i64: 32, 1>}, {pipeline_mode = #tpu.pipeline_mode<synchronous>, transform_indices = @transform_11, window_bounds = array<i64: 1, 1>}, {pipeline_mode = #tpu.pipeline_mode<synchronous>, transform_indices = @transform_12, window_bounds = array<i64: 64, 128>}]} {
    %eq3A = arith.constant 0 : i32
    %eq3A_0 = arith.cmpi eq, %arg0, %eq3A : i32
    %convert_element_type3A = arith.extui %eq3A_0 : i1 to i32
    %cond3A = arith.constant 0 : i32
    %cond3A_1 = arith.cmpi ne, %convert_element_type3A, %cond3A : i32
    scf.if %cond3A_1 {
      %broadcast_in_dim3A_72 = arith.constant 0.000000e+00 : f32
      %broadcast_in_dim3A_73 = vector.broadcast %broadcast_in_dim3A_72 : f32 to vector<64x128xf32>
      %swap3A_74 = arith.constant 0 : index
      %swap3A_75 = arith.constant 0 : index
      %swap3A_76 = vector.load %arg14[%swap3A_74, %swap3A_75] : memref<64x128xf32, #tpu.memory_space<vmem>>, vector<64x128xf32>
      tpu.vector_store %arg14[%swap3A_74, %swap3A_75], %broadcast_in_dim3A_73 {strides = array<i32>} : memref<64x128xf32, #tpu.memory_space<vmem>>, vector<64x128xf32>,
    } else {
    }
    %get3A = arith.constant 0 : index
    %get3A_2 = arith.constant 0 : index
    %get3A_3 = vector.load %arg1[%get3A, %get3A_2] : memref<32x6400xf32, #tpu.memory_space<vmem>>, vector<32x6400xf32>
    %slice3A = vector.extract_strided_slice %get3A_3 {offsets = [0, 0], sizes = [16, 6400], strides = [1, 1]} : vector<32x6400xf32> to vector<16x6400xf32>
    %reduce_sum3A = arith.constant dense<0.000000e+00> : vector<6400xf32>
    %reduce_sum3A_4 = vector.multi_reduction <add>, %slice3A, %reduce_sum3A [0] : vector<16x6400xf32> to vector<6400xf32>
    %broadcast_in_dim3A = vector.shape_cast %reduce_sum3A_4 : vector<6400xf32> to vector<1x6400xf32>
    %slice3A_5 = vector.extract_strided_slice %get3A_3 {offsets = [16, 0], sizes = [16, 6400], strides = [1, 1]} : vector<32x6400xf32> to vector<16x6400xf32>
    %reduce_sum3A_6 = arith.constant dense<0.000000e+00> : vector<6400xf32>
    %reduce_sum3A_7 = vector.multi_reduction <add>, %slice3A_5, %reduce_sum3A_6 [0] : vector<16x6400xf32> to vector<6400xf32>
    %broadcast_in_dim3A_8 = vector.shape_cast %reduce_sum3A_7 : vector<6400xf32> to vector<1x6400xf32>
    %get3A_9 = arith.constant 0 : index
    %get3A_10 = arith.constant 0 : index
    %get3A_11 = vector.load %arg2[%get3A_9, %get3A_10] : memref<1x6400xf32, #tpu.memory_space<vmem>>, vector<1x6400xf32>
    %mul3A = arith.mulf %get3A_11, %broadcast_in_dim3A : vector<1x6400xf32>
    %get3A_12 = arith.constant 0 : index
    %get3A_13 = arith.constant 0 : index
    %get3A_14 = vector.load %arg3[%get3A_12, %get3A_13] : memref<1x6400xf32, #tpu.memory_space<vmem>>, vector<1x6400xf32>
    %mul3A_15 = arith.mulf %get3A_11, %get3A_14 : vector<1x6400xf32>
    %add3A = arith.addf %mul3A, %mul3A_15 : vector<1x6400xf32>
    %mul3A_16 = arith.mulf %get3A_11, %broadcast_in_dim3A_8 : vector<1x6400xf32>
    %get3A_17 = arith.constant 0 : index
    %get3A_18 = arith.constant 0 : index
    %get3A_19 = vector.load %arg4[%get3A_17, %get3A_18] : memref<1x6400xf32, #tpu.memory_space<vmem>>, vector<1x6400xf32>
    %mul3A_20 = arith.mulf %get3A_11, %get3A_19 : vector<1x6400xf32>
    %add3A_21 = arith.addf %mul3A_16, %mul3A_20 : vector<1x6400xf32>
    %concatenate3A = tpu.concatenate %add3A, %add3A_21 in 0 : vector<1x6400xf32>, vector<1x6400xf32> -> vector<2x6400xf32>
    %get3A_22 = arith.constant 0 : index
    %get3A_23 = arith.constant 0 : index
    %get3A_24 = vector.load %arg6[%get3A_22, %get3A_23] : memref<1x64xf32, #tpu.memory_space<vmem>>, vector<1x64xf32>
    %max3A = arith.constant 0.000000e+00 : f32
    %max3A_25 = vector.broadcast %max3A : f32 to vector<1x64xf32>
    %max3A_26 = arith.maximumf %get3A_24, %max3A_25 : vector<1x64xf32>
    %neg3A = arith.constant 0.000000e+00 : f32
    %neg3A_27 = vector.broadcast %neg3A : f32 to vector<1x64xf32>
    %neg3A_28 = arith.subf %neg3A_27, %get3A_24 : vector<1x64xf32>
    %max3A_29 = arith.constant 0.000000e+00 : f32
    %max3A_30 = vector.broadcast %max3A_29 : f32 to vector<1x64xf32>
    %max3A_31 = arith.maximumf %neg3A_28, %max3A_30 : vector<1x64xf32>
    %concatenate3A_32 = tpu.concatenate %max3A_26, %max3A_31 in 0 : vector<1x64xf32>, vector<1x64xf32> -> vector<2x64xf32>
    %get3A_33 = arith.constant 0 : index
    %get3A_34 = arith.constant 0 : index
    %get3A_35 = vector.load %arg7[%get3A_33, %get3A_34] : memref<64x64xf32, #tpu.memory_space<vmem>>, vector<64x64xf32>
    %dot_general3A = arith.constant dense<0.000000e+00> : vector<2x64xf32>
    %dot_general3A_36 = tpu.matmul %concatenate3A_32, %get3A_35, %dot_general3A {dimension_numbers = #tpu.dot_dimension_numbers<[1], [0], [0], [1], [0, 0, 1, 1], [], []>, transpose_lhs_hint = false} : vector<2x64xf32>, vector<64x64xf32>, vector<2x64xf32> -> vector<2x64xf32>
    %dot_general3A_37 = arith.constant dense<0.000000e+00> : vector<6400x64xf32>
    %dot_general3A_38 = tpu.matmul %concatenate3A, %dot_general3A_36, %dot_general3A_37 {dimension_numbers = #tpu.dot_dimension_numbers<[0], [0], [1], [1], [0, 1, 1, 1], [], []>, transpose_lhs_hint = false} : vector<2x6400xf32>, vector<2x64xf32>, vector<6400x64xf32> -> vector<6400x64xf32>
    %get3A_39 = arith.constant 0 : index
    %get3A_40 = arith.constant 0 : index
    %get3A_41 = vector.load %arg8[%get3A_39, %get3A_40] : memref<1x64xf32, #tpu.memory_space<vmem>>, vector<1x64xf32>
    %add3A_42 = vector.broadcast %get3A_41 : vector<1x64xf32> to vector<6400x64xf32>
    %add3A_43 = arith.addf %dot_general3A_38, %add3A_42 : vector<6400x64xf32>
    %max3A_44 = arith.constant 0.000000e+00 : f32
    %max3A_45 = vector.broadcast %max3A_44 : f32 to vector<6400x64xf32>
    %max3A_46 = arith.maximumf %add3A_43, %max3A_45 : vector<6400x64xf32>
    %get3A_47 = arith.constant 0 : index
    %get3A_48 = arith.constant 0 : index
    %get3A_49 = vector.load %arg5[%get3A_47, %get3A_48] : memref<1x6400xi32, #tpu.memory_space<vmem>>, vector<1x6400xi32>
    %iota3A = tpu.iota {dimensions = array<i32: 0>} : vector<64x6400xi32>
    %eq3A_50 = vector.broadcast %get3A_49 : vector<1x6400xi32> to vector<64x6400xi32>
    %eq3A_51 = arith.cmpi eq, %iota3A, %eq3A_50 : vector<64x6400xi32>
    %convert_element_type3A_52 = arith.extui %eq3A_51 : vector<64x6400xi1> to vector<64x6400xi32>
    %convert_element_type3A_53 = arith.sitofp %convert_element_type3A_52 : vector<64x6400xi32> to vector<64x6400xf32>
    %broadcast_in_dim3A_54 = arith.constant 1.000000e+00 : f32
    %broadcast_in_dim3A_55 = vector.broadcast %broadcast_in_dim3A_54 : f32 to vector<6400x64xf32>
    %concatenate3A_56 = tpu.concatenate %max3A_46, %broadcast_in_dim3A_55 in 1 : vector<6400x64xf32>, vector<6400x64xf32> -> vector<6400x128xf32>
    %get3A_57 = arith.constant 0 : index
    %get3A_58 = arith.constant 0 : index
    %get3A_59 = vector.load %arg14[%get3A_57, %get3A_58] : memref<64x128xf32, #tpu.memory_space<vmem>>, vector<64x128xf32>
    %convert_element_type3A_60 = arith.truncf %convert_element_type3A_53 : vector<64x6400xf32> to vector<64x6400xbf16>
    %convert_element_type3A_61 = arith.truncf %concatenate3A_56 : vector<6400x128xf32> to vector<6400x128xbf16>
    %dot_general3A_62 = arith.constant dense<0.000000e+00> : vector<64x128xf32>
    %dot_general3A_63 = tpu.matmul %convert_element_type3A_60, %convert_element_type3A_61, %dot_general3A_62 {dimension_numbers = #tpu.dot_dimension_numbers<[1], [0], [0], [1], [0, 0, 1, 1], [], []>, transpose_lhs_hint = false} : vector<64x6400xbf16>, vector<6400x128xbf16>, vector<64x128xf32> -> vector<64x128xf32>
    %add3A_64 = arith.addf %get3A_59, %dot_general3A_63 : vector<64x128xf32>
    %swap3A = arith.constant 0 : index
    %swap3A_65 = arith.constant 0 : index
    %swap3A_66 = vector.load %arg14[%swap3A, %swap3A_65] : memref<64x128xf32, #tpu.memory_space<vmem>>, vector<64x128xf32>
    tpu.vector_store %arg14[%swap3A, %swap3A_65], %add3A_64 {strides = array<i32>} : memref<64x128xf32, #tpu.memory_space<vmem>>, vector<64x128xf32>,
    %eq3A_67 = arith.constant 7 : i32
    %eq3A_68 = arith.cmpi eq, %arg0, %eq3A_67 : i32
    %convert_element_type3A_69 = arith.extui %eq3A_68 : i1 to i32
    %cond3A_70 = arith.constant 0 : i32
    %cond3A_71 = arith.cmpi ne, %convert_element_type3A_69, %cond3A_70 : i32
    scf.if %cond3A_71 {
      %get3A_72 = arith.constant 0 : index
      %get3A_73 = arith.constant 0 : index
      %get3A_74 = vector.load %arg14[%get3A_72, %get3A_73] : memref<64x128xf32, #tpu.memory_space<vmem>>, vector<64x64xf32>
      %get3A_75 = arith.constant 0 : index
      %get3A_76 = arith.constant 64 : index
      %get3A_77 = vector.load %arg14[%get3A_75, %get3A_76] : memref<64x128xf32, #tpu.memory_space<vmem>>, vector<64x1xf32>
      %max3A_78 = arith.constant 1.000000e+00 : f32
      %max3A_79 = vector.broadcast %max3A_78 : f32 to vector<64x1xf32>
      %max3A_80 = arith.maximumf %get3A_77, %max3A_79 : vector<64x1xf32>
      %div3A = vector.broadcast %max3A_80 : vector<64x1xf32> to vector<64x64xf32>
      %div3A_81 = arith.divf %get3A_74, %div3A : vector<64x64xf32>
      %get3A_82 = arith.constant 0 : index
      %get3A_83 = arith.constant 0 : index
      %get3A_84 = vector.load %arg9[%get3A_82, %get3A_83] : memref<64x32xf32, #tpu.memory_space<vmem>>, vector<64x32xf32>
      %dot_general3A_85 = arith.constant dense<0.000000e+00> : vector<64x32xf32>
      %dot_general3A_86 = tpu.matmul %div3A_81, %get3A_84, %dot_general3A_85 {dimension_numbers = #tpu.dot_dimension_numbers<[1], [0], [0], [1], [0, 0, 1, 1], [], []>, transpose_lhs_hint = false} : vector<64x64xf32>, vector<64x32xf32>, vector<64x32xf32> -> vector<64x32xf32>
      %get3A_87 = arith.constant 0 : index
      %get3A_88 = arith.constant 0 : index
      %get3A_89 = vector.load %arg10[%get3A_87, %get3A_88] : memref<1x32xf32, #tpu.memory_space<vmem>>, vector<1x32xf32>
      %add3A_90 = vector.broadcast %get3A_89 : vector<1x32xf32> to vector<64x32xf32>
      %add3A_91 = arith.addf %dot_general3A_86, %add3A_90 : vector<64x32xf32>
      %max3A_92 = arith.constant 0.000000e+00 : f32
      %max3A_93 = vector.broadcast %max3A_92 : f32 to vector<64x32xf32>
      %max3A_94 = arith.maximumf %add3A_91, %max3A_93 : vector<64x32xf32>
      %get3A_95 = arith.constant 0 : index
      %get3A_96 = arith.constant 0 : index
      %get3A_97 = vector.load %arg11[%get3A_95, %get3A_96] : memref<32x1xf32, #tpu.memory_space<vmem>>, vector<32x1xf32>
      %dot_general3A_98 = arith.constant dense<0.000000e+00> : vector<64x1xf32>
      %dot_general3A_99 = tpu.matmul %max3A_94, %get3A_97, %dot_general3A_98 {dimension_numbers = #tpu.dot_dimension_numbers<[1], [0], [0], [1], [0, 0, 1, 1], [], []>, transpose_lhs_hint = false} : vector<64x32xf32>, vector<32x1xf32>, vector<64x1xf32> -> vector<64x1xf32>
      %get3A_100 = arith.constant 0 : index
      %get3A_101 = arith.constant 0 : index
      %get3A_102 = vector.load %arg12[%get3A_100, %get3A_101] : memref<1x1xf32, #tpu.memory_space<vmem>>, vector<1x1xf32>
      %add3A_103 = vector.broadcast %get3A_102 : vector<1x1xf32> to vector<64x1xf32>
      %add3A_104 = arith.addf %dot_general3A_99, %add3A_103 : vector<64x1xf32>
      %broadcast_in_dim3A_105 = vector.shape_cast %add3A_104 : vector<64x1xf32> to vector<64x1xf32>
      %broadcast_in_dim3A_106 = vector.broadcast %broadcast_in_dim3A_105 : vector<64x1xf32> to vector<64x128xf32>
      %swap3A_107 = arith.constant 0 : index
      %swap3A_108 = arith.constant 0 : index
      %swap3A_109 = vector.load %arg13[%swap3A_107, %swap3A_108] : memref<64x128xf32, #tpu.memory_space<vmem>>, vector<64x128xf32>
      tpu.vector_store %arg13[%swap3A_107, %swap3A_108], %broadcast_in_dim3A_106 {strides = array<i32>} : memref<64x128xf32, #tpu.memory_space<vmem>>, vector<64x128xf32>,
    } else {
    }
    return
  }
  func.func @transform_0(%arg0: i32) -> (i32, i32) {
    %c0_i32 = arith.constant 0 : i32
    %c0_i32_0 = arith.constant 0 : i32
    return %c0_i32, %arg0 : i32, i32
  }
  func.func @transform_1(%arg0: i32) -> (i32, i32) {
    %c0_i32 = arith.constant 0 : i32
    %c0_i32_0 = arith.constant 0 : i32
    return %c0_i32, %arg0 : i32, i32
  }
  func.func @transform_2(%arg0: i32) -> (i32, i32) {
    %c0_i32 = arith.constant 0 : i32
    %c0_i32_0 = arith.constant 0 : i32
    return %c0_i32, %arg0 : i32, i32
  }
  func.func @transform_3(%arg0: i32) -> (i32, i32) {
    %c0_i32 = arith.constant 0 : i32
    %c0_i32_0 = arith.constant 0 : i32
    return %c0_i32, %arg0 : i32, i32
  }
  func.func @transform_4(%arg0: i32) -> (i32, i32) {
    %c0_i32 = arith.constant 0 : i32
    %c0_i32_0 = arith.constant 0 : i32
    return %c0_i32, %arg0 : i32, i32
  }
  func.func @transform_5(%arg0: i32) -> (i32, i32) {
    %c0_i32 = arith.constant 0 : i32
    %c0_i32_0 = arith.constant 0 : i32
    %c0_i32_1 = arith.constant 0 : i32
    return %c0_i32, %c0_i32_0 : i32, i32
  }
  func.func @transform_6(%arg0: i32) -> (i32, i32) {
    %c0_i32 = arith.constant 0 : i32
    %c0_i32_0 = arith.constant 0 : i32
    %c0_i32_1 = arith.constant 0 : i32
    return %c0_i32, %c0_i32_0 : i32, i32
  }
  func.func @transform_7(%arg0: i32) -> (i32, i32) {
    %c0_i32 = arith.constant 0 : i32
    %c0_i32_0 = arith.constant 0 : i32
    %c0_i32_1 = arith.constant 0 : i32
    return %c0_i32, %c0_i32_0 : i32, i32
  }
  func.func @transform_8(%arg0: i32) -> (i32, i32) {
    %c0_i32 = arith.constant 0 : i32
    %c0_i32_0 = arith.constant 0 : i32
    %c0_i32_1 = arith.constant 0 : i32
    return %c0_i32, %c0_i32_0 : i32, i32
  }
  func.func @transform_9(%arg0: i32) -> (i32, i32) {
    %c0_i32 = arith.constant 0 : i32
    %c0_i32_0 = arith.constant 0 : i32
    %c0_i32_1 = arith.constant 0 : i32
    return %c0_i32, %c0_i32_0 : i32, i32
  }
  func.func @transform_10(%arg0: i32) -> (i32, i32) {
    %c0_i32 = arith.constant 0 : i32
    %c0_i32_0 = arith.constant 0 : i32
    %c0_i32_1 = arith.constant 0 : i32
    return %c0_i32, %c0_i32_0 : i32, i32
  }
  func.func @transform_11(%arg0: i32) -> (i32, i32) {
    %c0_i32 = arith.constant 0 : i32
    %c0_i32_0 = arith.constant 0 : i32
    %c0_i32_1 = arith.constant 0 : i32
    return %c0_i32, %c0_i32_0 : i32, i32
  }
  func.func @transform_12(%arg0: i32) -> (i32, i32) {
    %c0_i32 = arith.constant 0 : i32
    %c0_i32_0 = arith.constant 0 : i32
    %c0_i32_1 = arith.constant 0 : i32
    return %c0_i32, %c0_i32_0 : i32, i32
  }
}

</mosaic_0001>

<sc_bundles>
// kernel: kernel.11.cloned.1.call-start
scs
__scs_entry_jumppad:
0x0: {  	(pc) =	sbr.rel $0x88, $3  }
0x1: {  	(tag) =	ssettag $0x0;
	lr =	simm.s32 $0x1  }
0x2: {  	[smem:$0x3F97] =	sst lr;
	_ =	strace $0xD0000000  }
0x3: {  	_ = 	snop  }
0x4: {  	_ = 	snop  }
0x5: {  	_ = 	snop  }
0x6: {  	_ = 	snop  }
0x7: {  	_ = 	snop  }
__scs_overlays_trampoline_lowered:
0x8: {  	[smem:$0x3FA6] =	sst s0  }
0x9: {  	[smem:$0x3FA7] =	sst s1  }
0xa: {  	[smem:$0x3FA8] =	sst s2  }
0xb: {  	[smem:$0x3FA9] =	sst s3  }
0xc: {  	[smem:$0x3FAA] =	sst s4  }
0xd: {  	[smem:$0x3FAB] =	sst s5  }
0xe: {  	[smem:$0x3FAC] =	sst s6  }
0xf: {  	[smem:$0x3FAD] =	sst s7  }
0x10: {  	[smem:$0x3FAE] =	sst s8  }
0x11: {  	[smem:$0x3FAF] =	sst s9;
	s0 =	simm.s32 @!p0 $0x0  }
0x12: {  	s1 =	sld [smem:$0x3F95];
	s0 =	simm.s32 @p0 $0x1  }
0x13: {  	[smem:$0x3FB0] =	sst s0;
	s0 =	simm.s32 @!p1 $0x0  }
0x14: {  	s2 =	sld [smem:$0x3F94];
	s0 =	simm.s32 @p1 $0x1  }
0x15: {  	[smem:$0x3FB1] =	sst s0;
	s0 =	simm.s32 @!p2 $0x0  }
0x16: {  	s3 =	sld [smem:$0x3FDB];
	s0 =	simm.s32 @p2 $0x1  }
0x17: {  	s4 =	simm.s32 $0x1BF5;
	[smem:$0x3FB3] =	sst s0  }
0x18: {  	s0 =	sld [smem:$0x3F96];
	_ =	swait.ge [sflag:s4], $0x0  }
0x19: {  	s7 =	sld [smem:$0x3F97]  }
0x1a: {  	s8 =	sadd.s32 $0xFFFFE003, lr  }
0x1b: {  	s9 =	sadd.s32 $0xFFFFFEF7, lr;
	s5 =	simm.s32 $0xFFFFFFFF;
	p2 =	slt.u32 s8, $0xFFFFF086  }
0x1c: {  	p1 =	slt.u32 s9, $0xF7A;
	s5 =	simm.s32 @!p2 $0x0  }
0x1d: {  	s5 =	simm.s32 @p1 $0x1;
	p0 =	seq.s32 s7, s2  }
0x1e: {  	s7 =	smul.u32 @!p0 $0xF7A, s2;
	p2 =	seq.s32 @!p0 s5, $0x0  }
0x1f: {  	s9 =	smul.u32 $0xF7A, s1;
	s8 =	simm.s32 @!p0 $0x1BF5;
	p2 =	por !p2, p0  }
0x20: {  	[sflag:s8] =	ssyncset.s32 @!p0 $0xFFFFF086;
	s6 =	sadd.s32 @!p0 s3, s7;
	s7 =	simm.s32 @!p0 $0x108  }
0x21: {  	s3 =	sadd.s32 s3, s9;
	s6 =	sadd.s32 @!p0 $0x88, s6;
	s7 =	simm.s32 @p2 $0x1082  }
0x22: {  	[simem:s7], [sflag:s8] =	dma.local @!p0 [hbm:s6], $0xF7A  }
0x23: {  	s9 =	sor.u32 $0xD0000000, s2;
	s6 =	simm.s32 $0x108;
	_ =	swait.ge @!p0 [sflag:s8], $0x0  }
0x24: {  	s3 =	sadd.s32 $0x88, s3;
	s6 =	simm.s32 @!p1 $0x1082;
	[sflag:s4] =	ssyncset.s32 $0xFFFFF086  }
0x25: {  	[simem:s6], [sflag:s4] =	dma.local [hbm:s3], $0xF7A  }
0x26: {  	[smem:$0x3F97] =	sst s1;
	(tag) =	ssettag s2;
	_ =	strace s9  }
0x27: {  	s1 =	sld [smem:$0x3FA7]  }
0x28: {  	s2 =	sld [smem:$0x3FA8]  }
0x29: {  	s4 =	sld [smem:$0x3FAA]  }
0x2a: {  	p0 =	seq.s32 s5, $0x0;
	s5 =	sld [smem:$0x3FAB]  }
0x2b: {  	s6 =	sld [smem:$0x3FAC]  }
0x2c: {  	s7 =	sld [smem:$0x3FAD]  }
0x2d: {  	s3 =	simm.s32 $0x108;
	s8 =	sld [smem:$0x3FAE]  }
0x2e: {  	s3 =	simm.s32 @!p0 $0x1082;
	s9 =	sld [smem:$0x3FAF]  }
0x2f: {  	lr =	sadd.s32 s0, s3;
	s0 =	sld [smem:$0x3FA6]  }
0x30: {  	s3 =	sld [smem:$0x3FA9]  }
0x31: {  	[smem:$0x3FB2] =	sst s10  }
0x32: {  	s10 =	sld [smem:$0x3FB0];
	_ =	sdelay $0x3  }
0x33: {  	p0 =	seq.s32 s10, $0x1;
	s10 =	sld [smem:$0x3FB2];
	_ =	sdelay $0x3  }
0x34: {  	[smem:$0x3FB2] =	sst s10  }
0x35: {  	s10 =	sld [smem:$0x3FB1];
	_ =	sdelay $0x3  }
0x36: {  	p1 =	seq.s32 s10, $0x1;
	s10 =	sld [smem:$0x3FB2];
	_ =	sdelay $0x3  }
0x37: {  	[smem:$0x3FB2] =	sst s10  }
0x38: {  	s10 =	sld [smem:$0x3FB3]  }
0x39: {  	_ = 	snop;
	(pc) =	sbr.ind lr, $3  }
0x3a: {  	_ = 	snop  }
0x3b: {  	_ = 	snop  }
0x3c: {  	p2 =	seq.s32 s10, $0x1;
	s10 =	sld [smem:$0x3FB2]  }
0x3d: {  	_ =	shalt  }
0x3e: {  	_ =	shalt  }
0x3f: {  	_ =	shalt  }
0x40: {  	_ =	shalt  }
0x41: {  	_ =	shalt  }
0x42: {  	_ =	shalt  }
0x43: {  	_ =	shalt  }
0x44: {  	_ =	shalt  }
0x45: {  	_ =	shalt  }
0x46: {  	_ =	shalt  }
0x47: {  	_ =	shalt  }
0x48: {  	_ =	shalt  }
0x49: {  	_ =	shalt  }
0x4a: {  	_ =	shalt  }
0x4b: {  	_ =	shalt  }
0x4c: {  	_ =	shalt  }
0x4d: {  	_ =	shalt  }
0x4e: {  	_ =	shalt  }
0x4f: {  	_ =	shalt  }
0x50: {  	_ =	shalt  }
0x51: {  	_ =	shalt  }
0x52: {  	_ =	shalt  }
0x53: {  	_ =	shalt  }
0x54: {  	_ =	shalt  }
0x55: {  	_ =	shalt  }
0x56: {  	_ =	shalt  }
0x57: {  	_ =	shalt  }
0x58: {  	_ =	shalt  }
0x59: {  	_ =	shalt  }
0x5a: {  	_ =	shalt  }
0x5b: {  	_ =	shalt  }
0x5c: {  	_ =	shalt  }
0x5d: {  	_ =	shalt  }
0x5e: {  	_ =	shalt  }
0x5f: {  	_ =	shalt  }
0x60: {  	_ =	shalt  }
0x61: {  	_ =	shalt  }
0x62: {  	_ =	shalt  }
0x63: {  	_ =	shalt  }
0x64: {  	_ =	shalt  }
0x65: {  	_ =	shalt  }
0x66: {  	_ =	shalt  }
0x67: {  	_ =	shalt  }
0x68: {  	_ =	shalt  }
0x69: {  	_ =	shalt  }
0x6a: {  	_ =	shalt  }
0x6b: {  	_ =	shalt  }
0x6c: {  	_ =	shalt  }
0x6d: {  	_ =	shalt  }
0x6e: {  	_ =	shalt  }
0x6f: {  	_ =	shalt  }
0x70: {  	_ =	shalt  }
0x71: {  	_ =	shalt  }
0x72: {  	_ =	shalt  }
0x73: {  	_ =	shalt  }
0x74: {  	_ =	shalt  }
0x75: {  	_ =	shalt  }
0x76: {  	_ =	shalt  }
0x77: {  	_ =	shalt  }
0x78: {  	_ =	shalt  }
0x79: {  	_ =	shalt  }
0x7a: {  	_ =	shalt  }
0x7b: {  	_ =	shalt  }
0x7c: {  	_ =	shalt  }
0x7d: {  	_ =	shalt  }
0x7e: {  	_ =	shalt  }
0x7f: {  	_ =	shalt  }
0x80: {  	_ =	shalt  }
0x81: {  	_ =	shalt  }
0x82: {  	_ =	shalt  }
0x83: {  	_ =	shalt  }
0x84: {  	_ =	shalt  }
0x85: {  	_ =	shalt  }
0x86: {  	_ =	shalt  }
0x87: {  	_ =	shalt  }
.Lfunc_end0:
.L_simem_size_0:
called_computation.1_lowered:
.L_overlay_start_0:
0x88: {  	s2 =	sld [smem:$0x3FD9]  }
0x89: {  	s3 =	sld [smem:$0x3FFE];
	_ =	sdelay $0x1  }
0x8a: {  	s1 =	srdreg.scid  }
0x8b: {  	s0 =	sand.u32 $0x1, s1  }
0x8c: {  	s16 =	sshll.u32 s0, $0xA;
	s2 =	sadd.s32 s3, s2  }
0x8d: {  	s2 =	sadd.s32 s2, s16  }
0x8e: {  	[smem:$0x3FBE] =	sst s2  }
0x8f: {  	_ = 	snop  }
0x90: {  	(tm) =	ssettm $0x1  }
0x91: {  	s17 =	sld [smem:$0x3FFB];
	_ =	sdelay $0x3  }
0x92: {  	_ =	strace s17  }
0x93: {  	s2 =	sld [smem:$0x3FFC];
	_ =	sdelay $0x3  }
0x94: {  	_ =	strace s2  }
0x95: {  	s2 =	sld [smem:$0x3FFD];
	_ =	sdelay $0x3  }
0x96: {  	_ =	strace s2  }
0x97: {  	_ =	strace $0x8FFFFFFF  }
0x98: {  	s18 =	sld [smem:$0x3FDB];
	_ =	sdelay $0x1  }
0x99: {  	s19 =	simm.s32 $_scs_section_size  }
0x9a: {  	s4 =	simm.s32 $_size__tile_overlayer_lowered;
	s5 =	simm.s32 $_tile_overlayer_lowered  }
0x9b: {  	s22 =	simm.s32 $0x1BFF;
	s21 =	sshll.u32 s5, $0x1;
	s2 =	sadd.s32 s19, s18  }
0x9c: {  	s6 =	simm.s32 $0x0;
	s20 =	sshll.u32 s4, $0x1;
	s4 =	sadd.s32 s21, s2  }
0x9d: {  	[timem:s6], [sflag:s22] =	dma.local [hbm:s4], s20  }
0x9e: {  	_ =	swait.ge [sflag:s22], s20  }
0x9f: {  	s3 =	ssub.s32 $0x0, s20;
	[sflag:s22] =	ssyncset.done $0x0  }
0xa0: {  	[sflag:s22] =	ssyncadd.s32 s3;
	_ =	sdelay $0x1  }
0xa1: {  	s23 =	simm.s32 $0x1B8B  }
0xa2: {  	_ =	swait.ge [sflag:s23], $0x1  }
0xa3: {  	[sflag:s23] =	ssyncset.done $0x0  }
0xa4: {  	s25 =	simm.s32 $0x1B8E;
	s24 =	sld [smem:$0x3FFE];
	[sflag:s23] =	ssyncadd.s32 $0xFFFFFFFF  }
0xa5: {  	s26 =	simm.s32 $execute0_lowered;
	[smem:$0x3FD2] =	sst s25  }
0xa6: {  	s4 =	sshll.u32 s26, $0x1;
	_ =	strace $0x80000049;
	[dreg:$0x1] =	wrdreg $0xFFFFFFFF  }
0xa7: {  	s28 =	simm.s32 $_size_execute0_lowered;
	s2 =	sadd.s32 s2, s4;
	[dreg:$0x0] =	wrdreg $0x0  }
0xa8: {  	s4 =	sshll.u32 s28, $0x1;
	[dreg:$0x2] =	wrdreg s2  }
0xa9: {  	[dreg:$0x3] =	wrdreg s4  }
0xaa: {  	[dreg:$0x4] =	wrdreg $0xC0  }
0xab: {  	_ =	task [dreg:s6], $0x5FFFF  }
0xac: {  	[dreg:$0x1] =	wrdreg $0xFFFFFFFF  }
0xad: {  	[dreg:$0x0] =	wrdreg $0x60  }
0xae: {  	[dreg:$0x2] =	wrdreg s24  }
0xaf: {  	[dreg:$0x3] =	wrdreg $0x9  }
0xb0: {  	_ =	task.clear_ibuf [dreg:s6], $0x4FFFF;
	_ =	strace $0x90000049  }
0xb1: {  	s29 =	simm.s32 $0x9;
	_ =	strace $0x8000004B  }
0xb2: {  	_ =	swait.ge [sflag:s29], $0x1  }
0xb3: {  	[sflag:s29] =	ssyncadd.s32 $0xFFFFFFFF  }
0xb4: {  	_ =	strace $0x9000004B  }
0xb5: {  	_ =	sfence  }
0xb6: {  	s30 =	sld [smem:$0x0];
	_ =	sdelay $0x2  }
0xb7: {  	s31 =	sshll.u32 s1, $0xD;
	s1 =	sshrl.u32 s1, $0x2  }
0xb8: {  	s3 =	sand.u32 $0x4000, s31;
	s1 =	sadd.s32 s1, s30  }
0xb9: {  	s0 =	sor.u32 s3, s0;
	s1 =	sshll.u32 s1, $0x11  }
0xba: {  	s0 =	sor.u32 s1, s0  }
0xbb: {  	s0 =	sadd.s32 $0x8F2B, s0  }
0xbc: {  	[sflag:s0] =	ssyncadd.remote.s32 $0x1  }
0xbd: {  	_ =	sfence.sel $0xFFFF  }
0xbe: {  	[dreg:$0x0] =	wrdreg $0xFFFFFFFF;
	(pc) =	sbr.abs _section_cstart, $3  }
0xbf: {  	[dreg:$0x1] =	wrdreg $0xFFFFFFFF  }
0xc0: {  	_ =	task.clear_ibuf [dreg:s6], $0x2FFFF;
	_ =	strace $0x9FFFFFFF  }
0xc1: {  	(tm) =	ssettm $0x7FFFFFFF  }
tec
execute0_lowered:
.L_overlay_start_1:
0x0: {  	(tag) =	ssettag $0x1  }
0x1: {  	s0 =	srdreg.scid  }
0x2: {  	s5 =	stileid.u32;
	s4 =	rddreg [dreg:$0x0];
	s2 =	simm.s32 $0x0  }
0x3: {  	s20 =	simm.s32 $0x1;
	s21 =	simm.s32 $0x2;
	s22 =	simm.s32 $0x4  }
0x4: {  	s23 =	simm.s32 $0x10000;
	s24 =	simm.s32 $0x3;
	s25 =	simm.s32 $0x5  }
0x5: {  	s28 =	simm.s32 $0x400;
	s29 =	simm.s32 $0x6;
	s0 =	sand.u32 $0x1, s0  }
0x6: {  	s30 =	simm.s32 $0x0;
	[smem:$0x7FF] =	sst s2;
	s1 =	sshll.u32 s0, $0x4  }
0x7: {  	s16 =	sadd.s32 $0x4BE00, s4;
	s17 =	sadd.s32 $0x1600, s4;
	s1 =	sor.u32 s5, s1  }
0x8: {  	s0 =	ssub.s32 $0x2, s0;
	s3 =	sshrl.u32 s1, $0x3;
	s1 =	smul.u32 $0x6200, s1  }
0x9: {  	s5 =	sshll.u32 s5, $0x7;
	s31 =	sshrl.u32 s0, $0x1;
	s3 =	smul.u32 $0x64000, s3  }
0xa: {  	_ =	strace $0x8000004A;
	s5 =	sand.u32 $0x380, s5;
	s0 =	ssub.s32 s0, s31  }
0xb: {  	s19 =	smax.u32 s0, $0x1;
	s1 =	sshrl.u32 s1, $0x3;
	s5 =	sor.u32 s5, s3  }
0xc: {  	s3 =	sadd.s32 $0x19E00, s4;
	s7 =	sadd.s32 $0x1C0, s1;
	s9 =	sadd.s32 $0x380, s1  }
0xd: {  	s11 =	sadd.s32 $0x540, s1;
	s13 =	sadd.s32 $0x700, s1;
	s15 =	sadd.s32 $0x8C0, s1  }
0xe: {  	s5 =	sshrl.u32 s5, $0x3;
	s6 =	sadd.s32 s16, s7;
	s7 =	sadd.s32 s17, s7  }
0xf: {  	s8 =	sadd.s32 s16, s9;
	s9 =	sadd.s32 s17, s9;
	s10 =	sadd.s32 s16, s11  }
0x10: {  	s11 =	sadd.s32 s17, s11;
	s12 =	sadd.s32 s16, s13;
	s13 =	sadd.s32 s17, s13  }
0x11: {  	s14 =	sadd.s32 s16, s15;
	s15 =	sadd.s32 s17, s15;
	s18 =	sadd.s32 s5, s4  }
0x12: {  	s4 =	sadd.s32 s16, s1;
	s5 =	sadd.s32 s17, s1;
	s1 =	sadd.s32 $0xA80, s1  }
0x13: {  	v0 =	vimm.f32 $0.0e+00;
	s16 =	sadd.s32 s16, s1;
	s17 =	sadd.s32 s17, s1;
	s18 =	sadd.s32 $0x64600, s18  }
.LBB2_1:
0x14: {  	s0 =	simm.s32 $0xC800  }
0x15: {  	s1 =	simm.s32 $0x10;
	s26 =	sadd.s32 $0x0, s4;
	s31 =	simm.s32 $0xC900  }
.LBB2_2:
0x16: {  	[tilespmem:s0], [sflag:$0x2] =	stream.linear.gather [hbm4b:s26+s2], $0x80, $0x38;
	[tilespmem:$0x1C800] =	vst v63  }
0x17: {  	s26 =	smov.u32 s1;
	s0 =	smov.u32 s31;
	p0 =	sne.s32 s1, $0x1B0  }
.Ltmp0:
0x18: {  	s1 =	sadd.s32 $0x10, s1;
	(pc) =	sbr.rel @p0 .LBB2_2-.Ltmp0, $2  }
0x19: {  	_ =	sdelay $0x2  }
0x1a: {  	s31 =	sadd.s32 $0x100, s31;
	s26 =	sadd.s32 s26, s4  }
0x1b: {  	[tilespmem:s0], [sflag:$0x2] =	stream.linear.gather [hbm4b:s26+s2], $0x80, $0x38;
	[tilespmem:$0x1C800] =	vst v63  }
0x1c: {  	s0 =	simm.s32 $0xE400  }
0x1d: {  	s1 =	simm.s32 $0x10;
	s26 =	sadd.s32 $0x0, s5;
	s31 =	simm.s32 $0xE500  }
.LBB2_4:
0x1e: {  	[tilespmem:s0], [sflag:$0x4] =	stream.linear.gather [hbm4b:s26+s2], $0x80, $0x38;
	[tilespmem:$0x1C800] =	vst v63  }
0x1f: {  	s26 =	smov.u32 s1;
	s0 =	smov.u32 s31;
	p0 =	sne.s32 s1, $0x1B0  }
.Ltmp1:
0x20: {  	s1 =	sadd.s32 $0x10, s1;
	(pc) =	sbr.rel @p0 .LBB2_4-.Ltmp1, $2  }
0x21: {  	_ =	sdelay $0x2  }
0x22: {  	s31 =	sadd.s32 $0x100, s31;
	s26 =	sadd.s32 s26, s5  }
0x23: {  	[tilespmem:s0], [sflag:$0x4] =	stream.linear.gather [hbm4b:s26+s2], $0x80, $0x38;
	[tilespmem:$0x1C800] =	vst v63  }
0x24: {  	s0 =	simm.s32 $0x10040  }
0x25: {  	[tilespmem:s2], [sflag:$0x1] =	stream.linear.gather [hbm4b:s3+s2], $0xC800, $0x38;
	[tilespmem:$0x1C800] =	vst v63  }
0x26: {  	[tilespmem:s0+$0xFFFFFFC0] =	vst v0  }
0x27: {  	[tilespmem:s0+$0x30] =	vst v0  }
0x28: {  	[tilespmem:s0+$0x20] =	vst v0  }
0x29: {  	[tilespmem:s0+$0x10] =	vst v0  }
0x2a: {  	[tilespmem:s0+$0x0] =	vst v0  }
0x2b: {  	[tilespmem:s0+$0xFFFFFFF0] =	vst v0  }
0x2c: {  	s1 =	simm.s32 $0x0;
	[tilespmem:s0+$0xFFFFFFE0] =	vst v0  }
.LBB2_6:
0x2d: {  	s1 =	sadd.s32 $0x80, s1;
	[tilespmem:s0+$0xFFFFFFD0] =	vst v0;
	s0 =	sadd.s32 $0x80, s0  }
0x2e: {  	[tilespmem:s0+$0xFFFFFFC0] =	vst v0;
	p0 =	slt.u32 s1, $0xC780  }
0x2f: {  	[tilespmem:s0+$0x30] =	vst v0  }
.Ltmp2:
0x30: {  	[tilespmem:s0+$0x20] =	vst v0;
	(pc) =	sbr.rel @p0 .LBB2_6-.Ltmp2, $4  }
0x31: {  	[tilespmem:s0+$0x10] =	vst v0  }
0x32: {  	[tilespmem:s0+$0x0] =	vst v0  }
0x33: {  	[tilespmem:s0+$0xFFFFFFF0] =	vst v0  }
0x34: {  	[tilespmem:s0+$0xFFFFFFE0] =	vst v0  }
0x35: {  	[tilespmem:s0+$0xFFFFFFD0] =	vst v0  }
0x36: {  	_ =	swait.ge [sflag:s20], $0xC800  }
0x37: {  	s0 =	simm.s32 $0xC880;
	s1 =	simm.s32 $0x10;
	[sflag:s20] =	ssyncset.done $0x0  }
0x38: {  	s26 =	sadd.s32 $0x0, s6;
	s31 =	simm.s32 $0xC980;
	[sflag:s20] =	ssyncadd.s32 $0xFFFF3800  }
.LBB2_8:
0x39: {  	[tilespmem:s0], [sflag:$0x3] =	stream.linear.gather [hbm4b:s26+s2], $0x80, $0x38;
	[tilespmem:$0x1C800] =	vst v63  }
0x3a: {  	s26 =	smov.u32 s1;
	s0 =	smov.u32 s31;
	p0 =	sne.s32 s1, $0x1B0  }
.Ltmp3:
0x3b: {  	s1 =	sadd.s32 $0x10, s1;
	(pc) =	sbr.rel @p0 .LBB2_8-.Ltmp3, $2  }
0x3c: {  	_ =	sdelay $0x2  }
0x3d: {  	s31 =	sadd.s32 $0x100, s31;
	s26 =	sadd.s32 s26, s6  }
0x3e: {  	[tilespmem:s0], [sflag:$0x3] =	stream.linear.gather [hbm4b:s26+s2], $0x80, $0x38;
	[tilespmem:$0x1C800] =	vst v63  }
0x3f: {  	s0 =	simm.s32 $0xE480  }
0x40: {  	s1 =	simm.s32 $0x10;
	s26 =	sadd.s32 $0x0, s7;
	s31 =	simm.s32 $0xE580  }
.LBB2_10:
0x41: {  	[tilespmem:s0], [sflag:$0x5] =	stream.linear.gather [hbm4b:s26+s2], $0x80, $0x38;
	[tilespmem:$0x1C800] =	vst v63  }
0x42: {  	s26 =	smov.u32 s1;
	s0 =	smov.u32 s31;
	p0 =	sne.s32 s1, $0x1B0  }
.Ltmp4:
0x43: {  	s1 =	sadd.s32 $0x10, s1;
	(pc) =	sbr.rel @p0 .LBB2_10-.Ltmp4, $2  }
0x44: {  	_ =	sdelay $0x2  }
0x45: {  	s31 =	sadd.s32 $0x100, s31;
	s26 =	sadd.s32 s26, s7  }
0x46: {  	[tilespmem:s0], [sflag:$0x5] =	stream.linear.gather [hbm4b:s26+s2], $0x80, $0x38;
	[tilespmem:$0x1C800] =	vst v63  }
0x47: {  	_ =	swait.ge [sflag:s21], $0xE00  }
0x48: {  	[sflag:s21] =	ssyncset.done $0x0  }
0x49: {  	[sflag:s21] =	ssyncadd.s32 $0xFFFFF200  }
0x4a: {  	_ =	swait.ge [sflag:s22], $0xE00  }
0x4b: {  	[sflag:s22] =	ssyncset.done $0x0  }
0x4c: {  	s26 =	simm.s32 $0xC840;
	[sflag:s22] =	ssyncadd.s32 $0xFFFFF200  }
0x4d: {  	v1 =	vld [tilespmem:s26+$0x30]  }
0x4e: {  	v2 =	vld [tilespmem:s26+$0xFFFFFFC0]  }
0x4f: {  	v3 =	vld [tilespmem:s26+$0xFFFFFFD0]  }
0x50: {  	v4 =	vld [tilespmem:s26+$0xFFFFFFE0]  }
0x51: {  	v5 =	vld [tilespmem:s26+$0xFFFFFFF0]  }
0x52: {  	s31 =	simm.s32 $0xE440;
	v6 =	vld [tilespmem:s26+$0x0]  }
0x53: {  	v7 =	vld [tilespmem:s31+$0x30]  }
0x54: {  	v8 =	vld [tilespmem:s26+$0x10]  }
0x55: {  	v10 =	vld [tilespmem:s26+$0x20]  }
0x56: {  	v62 =	vld [tilespmem:s31+$0xFFFFFFD0]  }
0x57: {  	v63 =	vld [tilespmem:s31+$0xFFFFFFE0]  }
0x58: {  	v11 =	vld [tilespmem:s31+$0xFFFFFFF0]  }
0x59: {  	v12 =	vld [tilespmem:s31+$0x0]  }
0x5a: {  	v13 =	vld [tilespmem:s31+$0x10]  }
0x5b: {  	v14 =	vld [tilespmem:s31+$0x20]  }
0x5c: {  	v9 =	vld.idx.msk [tilespmem:v1+s2+$0x0], $0xffff  }
0x5d: {  	v1 =	vld.idx.msk [tilespmem:v2+s2+$0x0], $0xffff  }
0x5e: {  	v3 =	vld.idx.msk [tilespmem:v3+s2+$0x0], $0xffff  }
0x5f: {  	v4 =	vld.idx.msk [tilespmem:v4+s2+$0x0], $0xffff  }
0x60: {  	v5 =	vld.idx.msk [tilespmem:v5+s2+$0x0], $0xffff  }
0x61: {  	v6 =	vld.idx.msk [tilespmem:v6+s2+$0x0], $0xffff  }
0x62: {  	v61 =	vld.idx.msk [tilespmem:v8+s2+$0x0], $0xffff  }
0x63: {  	v10 =	vld.idx.msk [tilespmem:v10+s2+$0x0], $0xffff  }
0x64: {  	v2 =	vld [tilespmem:s31+$0xFFFFFFC0]  }
0x65: {  	[tilespmem:v7+s23+$0x0] =	vst.idx.add.f32.msk $0xffff, v9  }
0x66: {  	[tilespmem:v62+s23+$0x0] =	vst.idx.add.f32.msk $0xffff, v3  }
0x67: {  	[tilespmem:v63+s23+$0x0] =	vst.idx.add.f32.msk $0xffff, v4  }
0x68: {  	[tilespmem:v11+s23+$0x0] =	vst.idx.add.f32.msk $0xffff, v5  }
0x69: {  	[tilespmem:v12+s23+$0x0] =	vst.idx.add.f32.msk $0xffff, v6  }
0x6a: {  	[tilespmem:v13+s23+$0x0] =	vst.idx.add.f32.msk $0xffff, v61  }
0x6b: {  	s1 =	simm.s32 $0x0;
	s0 =	simm.s32 $0xC940;
	[tilespmem:v14+s23+$0x0] =	vst.idx.add.f32.msk $0xffff, v10  }
.LBB2_12:
0x6c: {  	v3 =	vld [tilespmem:s0+$0x30];
	s1 =	sadd.s32 $0x80, s1  }
0x6d: {  	v4 =	vld [tilespmem:s0+$0xFFFFFFC0];
	p0 =	slt.u32 s1, $0xD80  }
0x6e: {  	v5 =	vld [tilespmem:s0+$0xFFFFFFD0]  }
0x6f: {  	v6 =	vld [tilespmem:s0+$0xFFFFFFE0]  }
0x70: {  	v7 =	vld [tilespmem:s0+$0xFFFFFFF0]  }
0x71: {  	s31 =	sadd.s32 $0x100, s31;
	v8 =	vld [tilespmem:s0+$0x0]  }
0x72: {  	v9 =	vld [tilespmem:s31+$0x30]  }
0x73: {  	v10 =	vld [tilespmem:s0+$0x10]  }
0x74: {  	v3 =	vld.idx.msk [tilespmem:v3+s2+$0x0], $0xffff  }
0x75: {  	v11 =	vld [tilespmem:s0+$0x20]  }
0x76: {  	v4 =	vld.idx.msk [tilespmem:v4+s2+$0x0], $0xffff  }
0x77: {  	v5 =	vld.idx.msk [tilespmem:v5+s2+$0x0], $0xffff  }
0x78: {  	v6 =	vld.idx.msk [tilespmem:v6+s2+$0x0], $0xffff  }
0x79: {  	v7 =	vld.idx.msk [tilespmem:v7+s2+$0x0], $0xffff  }
0x7a: {  	[tilespmem:v9+s23+$0x0] =	vst.idx.add.f32.msk $0xffff, v3  }
0x7b: {  	v3 =	vld.idx.msk [tilespmem:v8+s2+$0x0], $0xffff  }
0x7c: {  	v8 =	vld.idx.msk [tilespmem:v10+s2+$0x0], $0xffff  }
0x7d: {  	v9 =	vld.idx.msk [tilespmem:v11+s2+$0x0], $0xffff  }
0x7e: {  	v10 =	vld [tilespmem:s31+$0xFFFFFFD0]  }
0x7f: {  	v11 =	vld [tilespmem:s31+$0xFFFFFFE0]  }
0x80: {  	v12 =	vld [tilespmem:s31+$0xFFFFFFF0]  }
0x81: {  	v13 =	vld [tilespmem:s31+$0x0]  }
0x82: {  	v14 =	vld [tilespmem:s31+$0x10]  }
0x83: {  	v15 =	vld [tilespmem:s31+$0x20]  }
0x84: {  	v16 =	vld [tilespmem:s31+$0xFFFFFFC0]  }
0x85: {  	[tilespmem:v2+s23+$0x0] =	vst.idx.add.f32.msk $0xffff, v1;
	v1 =	vmov v4  }
0x86: {  	[tilespmem:v10+s23+$0x0] =	vst.idx.add.f32.msk $0xffff, v5  }
.Ltmp5:
0x87: {  	[tilespmem:v11+s23+$0x0] =	vst.idx.add.f32.msk $0xffff, v6;
	(pc) =	sbr.rel @p0 .LBB2_12-.Ltmp5, $4  }
0x88: {  	[tilespmem:v12+s23+$0x0] =	vst.idx.add.f32.msk $0xffff, v7  }
0x89: {  	[tilespmem:v13+s23+$0x0] =	vst.idx.add.f32.msk $0xffff, v3;
	v2 =	vmov v16  }
0x8a: {  	[tilespmem:v14+s23+$0x0] =	vst.idx.add.f32.msk $0xffff, v8  }
0x8b: {  	s0 =	sadd.s32 $0x100, s0;
	[tilespmem:v15+s23+$0x0] =	vst.idx.add.f32.msk $0xffff, v9  }
0x8c: {  	_ =	sdelay $0x2  }
0x8d: {  	s0 =	simm.s32 $0xC800  }
0x8e: {  	[tilespmem:v2+s23+$0x0] =	vst.idx.add.f32.msk $0xffff, v1;
	s1 =	simm.s32 $0x10;
	s26 =	sadd.s32 $0x0, s8;
	s31 =	simm.s32 $0xC900  }
.LBB2_14:
0x8f: {  	[tilespmem:s0], [sflag:$0x2] =	stream.linear.gather [hbm4b:s26+s2], $0x80, $0x38;
	[tilespmem:$0x1C800] =	vst v63  }
0x90: {  	s26 =	smov.u32 s1;
	s0 =	smov.u32 s31;
	p0 =	sne.s32 s1, $0x1B0  }
.Ltmp6:
0x91: {  	s1 =	sadd.s32 $0x10, s1;
	(pc) =	sbr.rel @p0 .LBB2_14-.Ltmp6, $2  }
0x92: {  	_ =	sdelay $0x2  }
0x93: {  	s31 =	sadd.s32 $0x100, s31;
	s26 =	sadd.s32 s26, s8  }
0x94: {  	[tilespmem:s0], [sflag:$0x2] =	stream.linear.gather [hbm4b:s26+s2], $0x80, $0x38;
	[tilespmem:$0x1C800] =	vst v63  }
0x95: {  	s0 =	simm.s32 $0xE400  }
0x96: {  	s1 =	simm.s32 $0x10;
	s26 =	sadd.s32 $0x0, s9;
	s31 =	simm.s32 $0xE500  }
.LBB2_16:
0x97: {  	[tilespmem:s0], [sflag:$0x4] =	stream.linear.gather [hbm4b:s26+s2], $0x80, $0x38;
	[tilespmem:$0x1C800] =	vst v63  }
0x98: {  	s26 =	smov.u32 s1;
	s0 =	smov.u32 s31;
	p0 =	sne.s32 s1, $0x1B0  }
.Ltmp7:
0x99: {  	s1 =	sadd.s32 $0x10, s1;
	(pc) =	sbr.rel @p0 .LBB2_16-.Ltmp7, $2  }
0x9a: {  	_ =	sdelay $0x2  }
0x9b: {  	s31 =	sadd.s32 $0x100, s31;
	s26 =	sadd.s32 s26, s9  }
0x9c: {  	[tilespmem:s0], [sflag:$0x4] =	stream.linear.gather [hbm4b:s26+s2], $0x80, $0x38;
	[tilespmem:$0x1C800] =	vst v63  }
0x9d: {  	_ =	swait.ge [sflag:s24], $0xE00  }
0x9e: {  	[sflag:s24] =	ssyncset.done $0x0  }
0x9f: {  	[sflag:s24] =	ssyncadd.s32 $0xFFFFF200  }
0xa0: {  	_ =	swait.ge [sflag:s25], $0xE00  }
0xa1: {  	[sflag:s25] =	ssyncset.done $0x0  }
0xa2: {  	s26 =	simm.s32 $0xC8F0;
	[sflag:s25] =	ssyncadd.s32 $0xFFFFF200  }
0xa3: {  	v1 =	vld [tilespmem:s26+$0x0]  }
0xa4: {  	v2 =	vld [tilespmem:s26+$0xFFFFFF90]  }
0xa5: {  	v3 =	vld [tilespmem:s26+$0xFFFFFFA0]  }
0xa6: {  	v4 =	vld [tilespmem:s26+$0xFFFFFFB0]  }
0xa7: {  	v5 =	vld [tilespmem:s26+$0xFFFFFFC0]  }
0xa8: {  	s31 =	simm.s32 $0xE4F0;
	v6 =	vld [tilespmem:s26+$0xFFFFFFD0]  }
0xa9: {  	v7 =	vld [tilespmem:s31+$0x0]  }
0xaa: {  	v8 =	vld [tilespmem:s26+$0xFFFFFFE0]  }
0xab: {  	v10 =	vld [tilespmem:s26+$0xFFFFFFF0]  }
0xac: {  	v62 =	vld [tilespmem:s31+$0xFFFFFFA0]  }
0xad: {  	v63 =	vld [tilespmem:s31+$0xFFFFFFB0]  }
0xae: {  	v11 =	vld [tilespmem:s31+$0xFFFFFFC0]  }
0xaf: {  	v12 =	vld [tilespmem:s31+$0xFFFFFFD0]  }
0xb0: {  	v13 =	vld [tilespmem:s31+$0xFFFFFFE0]  }
0xb1: {  	v14 =	vld [tilespmem:s31+$0xFFFFFFF0]  }
0xb2: {  	v9 =	vld.idx.msk [tilespmem:v1+s2+$0x0], $0xffff  }
0xb3: {  	v1 =	vld.idx.msk [tilespmem:v2+s2+$0x0], $0xffff  }
0xb4: {  	v3 =	vld.idx.msk [tilespmem:v3+s2+$0x0], $0xffff  }
0xb5: {  	v4 =	vld.idx.msk [tilespmem:v4+s2+$0x0], $0xffff  }
0xb6: {  	v5 =	vld.idx.msk [tilespmem:v5+s2+$0x0], $0xffff  }
0xb7: {  	v6 =	vld.idx.msk [tilespmem:v6+s2+$0x0], $0xffff  }
0xb8: {  	v61 =	vld.idx.msk [tilespmem:v8+s2+$0x0], $0xffff  }
0xb9: {  	v10 =	vld.idx.msk [tilespmem:v10+s2+$0x0], $0xffff  }
0xba: {  	v2 =	vld [tilespmem:s31+$0xFFFFFF90]  }
0xbb: {  	[tilespmem:v7+s23+$0x0] =	vst.idx.add.f32.msk $0xffff, v9  }
0xbc: {  	[tilespmem:v62+s23+$0x0] =	vst.idx.add.f32.msk $0xffff, v3  }
0xbd: {  	[tilespmem:v63+s23+$0x0] =	vst.idx.add.f32.msk $0xffff, v4  }
0xbe: {  	[tilespmem:v11+s23+$0x0] =	vst.idx.add.f32.msk $0xffff, v5  }
0xbf: {  	[tilespmem:v12+s23+$0x0] =	vst.idx.add.f32.msk $0xffff, v6  }
0xc0: {  	[tilespmem:v13+s23+$0x0] =	vst.idx.add.f32.msk $0xffff, v61  }
0xc1: {  	s1 =	simm.s32 $0x0;
	s0 =	simm.s32 $0xC9F0;
	[tilespmem:v14+s23+$0x0] =	vst.idx.add.f32.msk $0xffff, v10  }
.LBB2_18:
0xc2: {  	v3 =	vld [tilespmem:s0+$0x0];
	s1 =	sadd.s32 $0x80, s1  }
0xc3: {  	v4 =	vld [tilespmem:s0+$0xFFFFFF90];
	p0 =	slt.u32 s1, $0xD80  }
0xc4: {  	v5 =	vld [tilespmem:s0+$0xFFFFFFA0]  }
0xc5: {  	v6 =	vld [tilespmem:s0+$0xFFFFFFB0]  }
0xc6: {  	v7 =	vld [tilespmem:s0+$0xFFFFFFC0]  }
0xc7: {  	s31 =	sadd.s32 $0x100, s31;
	v8 =	vld [tilespmem:s0+$0xFFFFFFD0]  }
0xc8: {  	v9 =	vld [tilespmem:s31+$0x0]  }
0xc9: {  	v10 =	vld [tilespmem:s0+$0xFFFFFFE0]  }
0xca: {  	v3 =	vld.idx.msk [tilespmem:v3+s2+$0x0], $0xffff  }
0xcb: {  	v11 =	vld [tilespmem:s0+$0xFFFFFFF0]  }
0xcc: {  	v4 =	vld.idx.msk [tilespmem:v4+s2+$0x0], $0xffff  }
0xcd: {  	v5 =	vld.idx.msk [tilespmem:v5+s2+$0x0], $0xffff  }
0xce: {  	v6 =	vld.idx.msk [tilespmem:v6+s2+$0x0], $0xffff  }
0xcf: {  	v7 =	vld.idx.msk [tilespmem:v7+s2+$0x0], $0xffff  }
0xd0: {  	[tilespmem:v9+s23+$0x0] =	vst.idx.add.f32.msk $0xffff, v3  }
0xd1: {  	v3 =	vld.idx.msk [tilespmem:v8+s2+$0x0], $0xffff  }
0xd2: {  	v8 =	vld.idx.msk [tilespmem:v10+s2+$0x0], $0xffff  }
0xd3: {  	v9 =	vld.idx.msk [tilespmem:v11+s2+$0x0], $0xffff  }
0xd4: {  	v10 =	vld [tilespmem:s31+$0xFFFFFFA0]  }
0xd5: {  	v11 =	vld [tilespmem:s31+$0xFFFFFFB0]  }
0xd6: {  	v12 =	vld [tilespmem:s31+$0xFFFFFFC0]  }
0xd7: {  	v13 =	vld [tilespmem:s31+$0xFFFFFFD0]  }
0xd8: {  	v14 =	vld [tilespmem:s31+$0xFFFFFFE0]  }
0xd9: {  	v15 =	vld [tilespmem:s31+$0xFFFFFFF0]  }
0xda: {  	v16 =	vld [tilespmem:s31+$0xFFFFFF90]  }
0xdb: {  	[tilespmem:v2+s23+$0x0] =	vst.idx.add.f32.msk $0xffff, v1;
	v1 =	vmov v4  }
0xdc: {  	[tilespmem:v10+s23+$0x0] =	vst.idx.add.f32.msk $0xffff, v5  }
.Ltmp8:
0xdd: {  	[tilespmem:v11+s23+$0x0] =	vst.idx.add.f32.msk $0xffff, v6;
	(pc) =	sbr.rel @p0 .LBB2_18-.Ltmp8, $4  }
0xde: {  	[tilespmem:v12+s23+$0x0] =	vst.idx.add.f32.msk $0xffff, v7  }
0xdf: {  	[tilespmem:v13+s23+$0x0] =	vst.idx.add.f32.msk $0xffff, v3;
	v2 =	vmov v16  }
0xe0: {  	[tilespmem:v14+s23+$0x0] =	vst.idx.add.f32.msk $0xffff, v8  }
0xe1: {  	s0 =	sadd.s32 $0x100, s0;
	[tilespmem:v15+s23+$0x0] =	vst.idx.add.f32.msk $0xffff, v9  }
0xe2: {  	_ =	sdelay $0x2  }
0xe3: {  	s0 =	simm.s32 $0xC880  }
0xe4: {  	[tilespmem:v2+s23+$0x0] =	vst.idx.add.f32.msk $0xffff, v1;
	s1 =	simm.s32 $0x10;
	s26 =	sadd.s32 $0x0, s10;
	s31 =	simm.s32 $0xC980  }
.LBB2_20:
0xe5: {  	[tilespmem:s0], [sflag:$0x3] =	stream.linear.gather [hbm4b:s26+s2], $0x80, $0x38;
	[tilespmem:$0x1C800] =	vst v63  }
0xe6: {  	s26 =	smov.u32 s1;
	s0 =	smov.u32 s31;
	p0 =	sne.s32 s1, $0x1B0  }
.Ltmp9:
0xe7: {  	s1 =	sadd.s32 $0x10, s1;
	(pc) =	sbr.rel @p0 .LBB2_20-.Ltmp9, $2  }
0xe8: {  	_ =	sdelay $0x2  }
0xe9: {  	s31 =	sadd.s32 $0x100, s31;
	s26 =	sadd.s32 s26, s10  }
0xea: {  	[tilespmem:s0], [sflag:$0x3] =	stream.linear.gather [hbm4b:s26+s2], $0x80, $0x38;
	[tilespmem:$0x1C800] =	vst v63  }
0xeb: {  	s0 =	simm.s32 $0xE480  }
0xec: {  	s1 =	simm.s32 $0x10;
	s26 =	sadd.s32 $0x0, s11;
	s31 =	simm.s32 $0xE580  }
.LBB2_22:
0xed: {  	[tilespmem:s0], [sflag:$0x5] =	stream.linear.gather [hbm4b:s26+s2], $0x80, $0x38;
	[tilespmem:$0x1C800] =	vst v63  }
0xee: {  	s26 =	smov.u32 s1;
	s0 =	smov.u32 s31;
	p0 =	sne.s32 s1, $0x1B0  }
.Ltmp10:
0xef: {  	s1 =	sadd.s32 $0x10, s1;
	(pc) =	sbr.rel @p0 .LBB2_22-.Ltmp10, $2  }
0xf0: {  	_ =	sdelay $0x2  }
0xf1: {  	s31 =	sadd.s32 $0x100, s31;
	s26 =	sadd.s32 s26, s11  }
0xf2: {  	[tilespmem:s0], [sflag:$0x5] =	stream.linear.gather [hbm4b:s26+s2], $0x80, $0x38;
	[tilespmem:$0x1C800] =	vst v63  }
0xf3: {  	_ =	swait.ge [sflag:s21], $0xE00  }
0xf4: {  	[sflag:s21] =	ssyncset.done $0x0  }
0xf5: {  	[sflag:s21] =	ssyncadd.s32 $0xFFFFF200  }
0xf6: {  	_ =	swait.ge [sflag:s22], $0xE00  }
0xf7: {  	[sflag:s22] =	ssyncset.done $0x0  }
0xf8: {  	s26 =	simm.s32 $0xC840;
	[sflag:s22] =	ssyncadd.s32 $0xFFFFF200  }
0xf9: {  	v1 =	vld [tilespmem:s26+$0x30]  }
0xfa: {  	v2 =	vld [tilespmem:s26+$0xFFFFFFC0]  }
0xfb: {  	v3 =	vld [tilespmem:s26+$0xFFFFFFD0]  }
0xfc: {  	v4 =	vld [tilespmem:s26+$0xFFFFFFE0]  }
0xfd: {  	v5 =	vld [tilespmem:s26+$0xFFFFFFF0]  }
0xfe: {  	s31 =	simm.s32 $0xE440;
	v6 =	vld [tilespmem:s26+$0x0]  }
0xff: {  	v7 =	vld [tilespmem:s31+$0x30]  }
0x100: {  	v8 =	vld [tilespmem:s26+$0x10]  }
0x101: {  	v10 =	vld [tilespmem:s26+$0x20]  }
0x102: {  	v62 =	vld [tilespmem:s31+$0xFFFFFFD0]  }
0x103: {  	v63 =	vld [tilespmem:s31+$0xFFFFFFE0]  }
0x104: {  	v11 =	vld [tilespmem:s31+$0xFFFFFFF0]  }
0x105: {  	v12 =	vld [tilespmem:s31+$0x0]  }
0x106: {  	v13 =	vld [tilespmem:s31+$0x10]  }
0x107: {  	v14 =	vld [tilespmem:s31+$0x20]  }
0x108: {  	v9 =	vld.idx.msk [tilespmem:v1+s2+$0x0], $0xffff  }
0x109: {  	v1 =	vld.idx.msk [tilespmem:v2+s2+$0x0], $0xffff  }
0x10a: {  	v3 =	vld.idx.msk [tilespmem:v3+s2+$0x0], $0xffff  }
0x10b: {  	v4 =	vld.idx.msk [tilespmem:v4+s2+$0x0], $0xffff  }
0x10c: {  	v5 =	vld.idx.msk [tilespmem:v5+s2+$0x0], $0xffff  }
0x10d: {  	v6 =	vld.idx.msk [tilespmem:v6+s2+$0x0], $0xffff  }
0x10e: {  	v61 =	vld.idx.msk [tilespmem:v8+s2+$0x0], $0xffff  }
0x10f: {  	v10 =	vld.idx.msk [tilespmem:v10+s2+$0x0], $0xffff  }
0x110: {  	v2 =	vld [tilespmem:s31+$0xFFFFFFC0]  }
0x111: {  	[tilespmem:v7+s23+$0x0] =	vst.idx.add.f32.msk $0xffff, v9  }
0x112: {  	[tilespmem:v62+s23+$0x0] =	vst.idx.add.f32.msk $0xffff, v3  }
0x113: {  	[tilespmem:v63+s23+$0x0] =	vst.idx.add.f32.msk $0xffff, v4  }
0x114: {  	[tilespmem:v11+s23+$0x0] =	vst.idx.add.f32.msk $0xffff, v5  }
0x115: {  	[tilespmem:v12+s23+$0x0] =	vst.idx.add.f32.msk $0xffff, v6  }
0x116: {  	[tilespmem:v13+s23+$0x0] =	vst.idx.add.f32.msk $0xffff, v61  }
0x117: {  	s1 =	simm.s32 $0x0;
	s0 =	simm.s32 $0xC940;
	[tilespmem:v14+s23+$0x0] =	vst.idx.add.f32.msk $0xffff, v10  }
.LBB2_24:
0x118: {  	v3 =	vld [tilespmem:s0+$0x30];
	s1 =	sadd.s32 $0x80, s1  }
0x119: {  	v4 =	vld [tilespmem:s0+$0xFFFFFFC0];
	p0 =	slt.u32 s1, $0xD80  }
0x11a: {  	v5 =	vld [tilespmem:s0+$0xFFFFFFD0]  }
0x11b: {  	v6 =	vld [tilespmem:s0+$0xFFFFFFE0]  }
0x11c: {  	v7 =	vld [tilespmem:s0+$0xFFFFFFF0]  }
0x11d: {  	s31 =	sadd.s32 $0x100, s31;
	v8 =	vld [tilespmem:s0+$0x0]  }
0x11e: {  	v9 =	vld [tilespmem:s31+$0x30]  }
0x11f: {  	v10 =	vld [tilespmem:s0+$0x10]  }
0x120: {  	v3 =	vld.idx.msk [tilespmem:v3+s2+$0x0], $0xffff  }
0x121: {  	v11 =	vld [tilespmem:s0+$0x20]  }
0x122: {  	v4 =	vld.idx.msk [tilespmem:v4+s2+$0x0], $0xffff  }
0x123: {  	v5 =	vld.idx.msk [tilespmem:v5+s2+$0x0], $0xffff  }
0x124: {  	v6 =	vld.idx.msk [tilespmem:v6+s2+$0x0], $0xffff  }
0x125: {  	v7 =	vld.idx.msk [tilespmem:v7+s2+$0x0], $0xffff  }
0x126: {  	[tilespmem:v9+s23+$0x0] =	vst.idx.add.f32.msk $0xffff, v3  }
0x127: {  	v3 =	vld.idx.msk [tilespmem:v8+s2+$0x0], $0xffff  }
0x128: {  	v8 =	vld.idx.msk [tilespmem:v10+s2+$0x0], $0xffff  }
0x129: {  	v9 =	vld.idx.msk [tilespmem:v11+s2+$0x0], $0xffff  }
0x12a: {  	v10 =	vld [tilespmem:s31+$0xFFFFFFD0]  }
0x12b: {  	v11 =	vld [tilespmem:s31+$0xFFFFFFE0]  }
0x12c: {  	v12 =	vld [tilespmem:s31+$0xFFFFFFF0]  }
0x12d: {  	v13 =	vld [tilespmem:s31+$0x0]  }
0x12e: {  	v14 =	vld [tilespmem:s31+$0x10]  }
0x12f: {  	v15 =	vld [tilespmem:s31+$0x20]  }
0x130: {  	v16 =	vld [tilespmem:s31+$0xFFFFFFC0]  }
0x131: {  	[tilespmem:v2+s23+$0x0] =	vst.idx.add.f32.msk $0xffff, v1;
	v1 =	vmov v4  }
0x132: {  	[tilespmem:v10+s23+$0x0] =	vst.idx.add.f32.msk $0xffff, v5  }
.Ltmp11:
0x133: {  	[tilespmem:v11+s23+$0x0] =	vst.idx.add.f32.msk $0xffff, v6;
	(pc) =	sbr.rel @p0 .LBB2_24-.Ltmp11, $4  }
0x134: {  	[tilespmem:v12+s23+$0x0] =	vst.idx.add.f32.msk $0xffff, v7  }
0x135: {  	[tilespmem:v13+s23+$0x0] =	vst.idx.add.f32.msk $0xffff, v3;
	v2 =	vmov v16  }
0x136: {  	[tilespmem:v14+s23+$0x0] =	vst.idx.add.f32.msk $0xffff, v8  }
0x137: {  	s0 =	sadd.s32 $0x100, s0;
	[tilespmem:v15+s23+$0x0] =	vst.idx.add.f32.msk $0xffff, v9  }
0x138: {  	_ =	sdelay $0x2  }
0x139: {  	s0 =	simm.s32 $0xC800  }
0x13a: {  	[tilespmem:v2+s23+$0x0] =	vst.idx.add.f32.msk $0xffff, v1;
	s1 =	simm.s32 $0x10;
	s26 =	sadd.s32 $0x0, s12;
	s31 =	simm.s32 $0xC900  }
.LBB2_26:
0x13b: {  	[tilespmem:s0], [sflag:$0x2] =	stream.linear.gather [hbm4b:s26+s2], $0x80, $0x38;
	[tilespmem:$0x1C800] =	vst v63  }
0x13c: {  	s26 =	smov.u32 s1;
	s0 =	smov.u32 s31;
	p0 =	sne.s32 s1, $0x1B0  }
.Ltmp12:
0x13d: {  	s1 =	sadd.s32 $0x10, s1;
	(pc) =	sbr.rel @p0 .LBB2_26-.Ltmp12, $2  }
0x13e: {  	_ =	sdelay $0x2  }
0x13f: {  	s31 =	sadd.s32 $0x100, s31;
	s26 =	sadd.s32 s26, s12  }
0x140: {  	[tilespmem:s0], [sflag:$0x2] =	stream.linear.gather [hbm4b:s26+s2], $0x80, $0x38;
	[tilespmem:$0x1C800] =	vst v63  }
0x141: {  	s0 =	simm.s32 $0xE400  }
0x142: {  	s1 =	simm.s32 $0x10;
	s26 =	sadd.s32 $0x0, s13;
	s31 =	simm.s32 $0xE500  }
.LBB2_28:
0x143: {  	[tilespmem:s0], [sflag:$0x4] =	stream.linear.gather [hbm4b:s26+s2], $0x80, $0x38;
	[tilespmem:$0x1C800] =	vst v63  }
0x144: {  	s26 =	smov.u32 s1;
	s0 =	smov.u32 s31;
	p0 =	sne.s32 s1, $0x1B0  }
.Ltmp13:
0x145: {  	s1 =	sadd.s32 $0x10, s1;
	(pc) =	sbr.rel @p0 .LBB2_28-.Ltmp13, $2  }
0x146: {  	_ =	sdelay $0x2  }
0x147: {  	s31 =	sadd.s32 $0x100, s31;
	s26 =	sadd.s32 s26, s13  }
0x148: {  	[tilespmem:s0], [sflag:$0x4] =	stream.linear.gather [hbm4b:s26+s2], $0x80, $0x38;
	[tilespmem:$0x1C800] =	vst v63  }
0x149: {  	_ =	swait.ge [sflag:s24], $0xE00  }
0x14a: {  	[sflag:s24] =	ssyncset.done $0x0  }
0x14b: {  	[sflag:s24] =	ssyncadd.s32 $0xFFFFF200  }
0x14c: {  	_ =	swait.ge [sflag:s25], $0xE00  }
0x14d: {  	[sflag:s25] =	ssyncset.done $0x0  }
0x14e: {  	s26 =	simm.s32 $0xC8F0;
	[sflag:s25] =	ssyncadd.s32 $0xFFFFF200  }
0x14f: {  	v1 =	vld [tilespmem:s26+$0x0]  }
0x150: {  	v2 =	vld [tilespmem:s26+$0xFFFFFF90]  }
0x151: {  	v3 =	vld [tilespmem:s26+$0xFFFFFFA0]  }
0x152: {  	v4 =	vld [tilespmem:s26+$0xFFFFFFB0]  }
0x153: {  	v5 =	vld [tilespmem:s26+$0xFFFFFFC0]  }
0x154: {  	s31 =	simm.s32 $0xE4F0;
	v6 =	vld [tilespmem:s26+$0xFFFFFFD0]  }
0x155: {  	v7 =	vld [tilespmem:s31+$0x0]  }
0x156: {  	v8 =	vld [tilespmem:s26+$0xFFFFFFE0]  }
0x157: {  	v10 =	vld [tilespmem:s26+$0xFFFFFFF0]  }
0x158: {  	v62 =	vld [tilespmem:s31+$0xFFFFFFA0]  }
0x159: {  	v63 =	vld [tilespmem:s31+$0xFFFFFFB0]  }
0x15a: {  	v11 =	vld [tilespmem:s31+$0xFFFFFFC0]  }
0x15b: {  	v12 =	vld [tilespmem:s31+$0xFFFFFFD0]  }
0x15c: {  	v13 =	vld [tilespmem:s31+$0xFFFFFFE0]  }
0x15d: {  	v14 =	vld [tilespmem:s31+$0xFFFFFFF0]  }
0x15e: {  	v9 =	vld.idx.msk [tilespmem:v1+s2+$0x0], $0xffff  }
0x15f: {  	v1 =	vld.idx.msk [tilespmem:v2+s2+$0x0], $0xffff  }
0x160: {  	v3 =	vld.idx.msk [tilespmem:v3+s2+$0x0], $0xffff  }
0x161: {  	v4 =	vld.idx.msk [tilespmem:v4+s2+$0x0], $0xffff  }
0x162: {  	v5 =	vld.idx.msk [tilespmem:v5+s2+$0x0], $0xffff  }
0x163: {  	v6 =	vld.idx.msk [tilespmem:v6+s2+$0x0], $0xffff  }
0x164: {  	v61 =	vld.idx.msk [tilespmem:v8+s2+$0x0], $0xffff  }
0x165: {  	v10 =	vld.idx.msk [tilespmem:v10+s2+$0x0], $0xffff  }
0x166: {  	v2 =	vld [tilespmem:s31+$0xFFFFFF90]  }
0x167: {  	[tilespmem:v7+s23+$0x0] =	vst.idx.add.f32.msk $0xffff, v9  }
0x168: {  	[tilespmem:v62+s23+$0x0] =	vst.idx.add.f32.msk $0xffff, v3  }
0x169: {  	[tilespmem:v63+s23+$0x0] =	vst.idx.add.f32.msk $0xffff, v4  }
0x16a: {  	[tilespmem:v11+s23+$0x0] =	vst.idx.add.f32.msk $0xffff, v5  }
0x16b: {  	[tilespmem:v12+s23+$0x0] =	vst.idx.add.f32.msk $0xffff, v6  }
0x16c: {  	[tilespmem:v13+s23+$0x0] =	vst.idx.add.f32.msk $0xffff, v61  }
0x16d: {  	s1 =	simm.s32 $0x0;
	s0 =	simm.s32 $0xC9F0;
	[tilespmem:v14+s23+$0x0] =	vst.idx.add.f32.msk $0xffff, v10  }
.LBB2_30:
0x16e: {  	v3 =	vld [tilespmem:s0+$0x0];
	s1 =	sadd.s32 $0x80, s1  }
0x16f: {  	v4 =	vld [tilespmem:s0+$0xFFFFFF90];
	p0 =	slt.u32 s1, $0xD80  }
0x170: {  	v5 =	vld [tilespmem:s0+$0xFFFFFFA0]  }
0x171: {  	v6 =	vld [tilespmem:s0+$0xFFFFFFB0]  }
0x172: {  	v7 =	vld [tilespmem:s0+$0xFFFFFFC0]  }
0x173: {  	s31 =	sadd.s32 $0x100, s31;
	v8 =	vld [tilespmem:s0+$0xFFFFFFD0]  }
0x174: {  	v9 =	vld [tilespmem:s31+$0x0]  }
0x175: {  	v10 =	vld [tilespmem:s0+$0xFFFFFFE0]  }
0x176: {  	v3 =	vld.idx.msk [tilespmem:v3+s2+$0x0], $0xffff  }
0x177: {  	v11 =	vld [tilespmem:s0+$0xFFFFFFF0]  }
0x178: {  	v4 =	vld.idx.msk [tilespmem:v4+s2+$0x0], $0xffff  }
0x179: {  	v5 =	vld.idx.msk [tilespmem:v5+s2+$0x0], $0xffff  }
0x17a: {  	v6 =	vld.idx.msk [tilespmem:v6+s2+$0x0], $0xffff  }
0x17b: {  	v7 =	vld.idx.msk [tilespmem:v7+s2+$0x0], $0xffff  }
0x17c: {  	[tilespmem:v9+s23+$0x0] =	vst.idx.add.f32.msk $0xffff, v3  }
0x17d: {  	v3 =	vld.idx.msk [tilespmem:v8+s2+$0x0], $0xffff  }
0x17e: {  	v8 =	vld.idx.msk [tilespmem:v10+s2+$0x0], $0xffff  }
0x17f: {  	v9 =	vld.idx.msk [tilespmem:v11+s2+$0x0], $0xffff  }
0x180: {  	v10 =	vld [tilespmem:s31+$0xFFFFFFA0]  }
0x181: {  	v11 =	vld [tilespmem:s31+$0xFFFFFFB0]  }
0x182: {  	v12 =	vld [tilespmem:s31+$0xFFFFFFC0]  }
0x183: {  	v13 =	vld [tilespmem:s31+$0xFFFFFFD0]  }
0x184: {  	v14 =	vld [tilespmem:s31+$0xFFFFFFE0]  }
0x185: {  	v15 =	vld [tilespmem:s31+$0xFFFFFFF0]  }
0x186: {  	v16 =	vld [tilespmem:s31+$0xFFFFFF90]  }
0x187: {  	[tilespmem:v2+s23+$0x0] =	vst.idx.add.f32.msk $0xffff, v1;
	v1 =	vmov v4  }
0x188: {  	[tilespmem:v10+s23+$0x0] =	vst.idx.add.f32.msk $0xffff, v5  }
.Ltmp14:
0x189: {  	[tilespmem:v11+s23+$0x0] =	vst.idx.add.f32.msk $0xffff, v6;
	(pc) =	sbr.rel @p0 .LBB2_30-.Ltmp14, $4  }
0x18a: {  	[tilespmem:v12+s23+$0x0] =	vst.idx.add.f32.msk $0xffff, v7  }
0x18b: {  	[tilespmem:v13+s23+$0x0] =	vst.idx.add.f32.msk $0xffff, v3;
	v2 =	vmov v16  }
0x18c: {  	[tilespmem:v14+s23+$0x0] =	vst.idx.add.f32.msk $0xffff, v8  }
0x18d: {  	s0 =	sadd.s32 $0x100, s0;
	[tilespmem:v15+s23+$0x0] =	vst.idx.add.f32.msk $0xffff, v9  }
0x18e: {  	_ =	sdelay $0x2  }
0x18f: {  	s0 =	simm.s32 $0xC880  }
0x190: {  	[tilespmem:v2+s23+$0x0] =	vst.idx.add.f32.msk $0xffff, v1;
	s1 =	simm.s32 $0x10;
	s26 =	sadd.s32 $0x0, s14;
	s31 =	simm.s32 $0xC980  }
.LBB2_32:
0x191: {  	[tilespmem:s0], [sflag:$0x3] =	stream.linear.gather [hbm4b:s26+s2], $0x80, $0x38;
	[tilespmem:$0x1C800] =	vst v63  }
0x192: {  	s26 =	smov.u32 s1;
	s0 =	smov.u32 s31;
	p0 =	sne.s32 s1, $0x1B0  }
.Ltmp15:
0x193: {  	s1 =	sadd.s32 $0x10, s1;
	(pc) =	sbr.rel @p0 .LBB2_32-.Ltmp15, $2  }
0x194: {  	_ =	sdelay $0x2  }
0x195: {  	s31 =	sadd.s32 $0x100, s31;
	s26 =	sadd.s32 s26, s14  }
0x196: {  	[tilespmem:s0], [sflag:$0x3] =	stream.linear.gather [hbm4b:s26+s2], $0x80, $0x38;
	[tilespmem:$0x1C800] =	vst v63  }
0x197: {  	s0 =	simm.s32 $0xE480  }
0x198: {  	s1 =	simm.s32 $0x10;
	s26 =	sadd.s32 $0x0, s15;
	s31 =	simm.s32 $0xE580  }
.LBB2_34:
0x199: {  	[tilespmem:s0], [sflag:$0x5] =	stream.linear.gather [hbm4b:s26+s2], $0x80, $0x38;
	[tilespmem:$0x1C800] =	vst v63  }
0x19a: {  	s26 =	smov.u32 s1;
	s0 =	smov.u32 s31;
	p0 =	sne.s32 s1, $0x1B0  }
.Ltmp16:
0x19b: {  	s1 =	sadd.s32 $0x10, s1;
	(pc) =	sbr.rel @p0 .LBB2_34-.Ltmp16, $2  }
0x19c: {  	_ =	sdelay $0x2  }
0x19d: {  	s31 =	sadd.s32 $0x100, s31;
	s26 =	sadd.s32 s26, s15  }
0x19e: {  	[tilespmem:s0], [sflag:$0x5] =	stream.linear.gather [hbm4b:s26+s2], $0x80, $0x38;
	[tilespmem:$0x1C800] =	vst v63  }
0x19f: {  	_ =	swait.ge [sflag:s21], $0xE00  }
0x1a0: {  	[sflag:s21] =	ssyncset.done $0x0  }
0x1a1: {  	[sflag:s21] =	ssyncadd.s32 $0xFFFFF200  }
0x1a2: {  	_ =	swait.ge [sflag:s22], $0xE00  }
0x1a3: {  	[sflag:s22] =	ssyncset.done $0x0  }
0x1a4: {  	s26 =	simm.s32 $0xC840;
	[sflag:s22] =	ssyncadd.s32 $0xFFFFF200  }
0x1a5: {  	v1 =	vld [tilespmem:s26+$0x30]  }
0x1a6: {  	v2 =	vld [tilespmem:s26+$0xFFFFFFC0]  }
0x1a7: {  	v3 =	vld [tilespmem:s26+$0xFFFFFFD0]  }
0x1a8: {  	v4 =	vld [tilespmem:s26+$0xFFFFFFE0]  }
0x1a9: {  	v5 =	vld [tilespmem:s26+$0xFFFFFFF0]  }
0x1aa: {  	s31 =	simm.s32 $0xE440;
	v6 =	vld [tilespmem:s26+$0x0]  }
0x1ab: {  	v7 =	vld [tilespmem:s31+$0x30]  }
0x1ac: {  	v8 =	vld [tilespmem:s26+$0x10]  }
0x1ad: {  	v10 =	vld [tilespmem:s26+$0x20]  }
0x1ae: {  	v62 =	vld [tilespmem:s31+$0xFFFFFFD0]  }
0x1af: {  	v63 =	vld [tilespmem:s31+$0xFFFFFFE0]  }
0x1b0: {  	v11 =	vld [tilespmem:s31+$0xFFFFFFF0]  }
0x1b1: {  	v12 =	vld [tilespmem:s31+$0x0]  }
0x1b2: {  	v13 =	vld [tilespmem:s31+$0x10]  }
0x1b3: {  	v14 =	vld [tilespmem:s31+$0x20]  }
0x1b4: {  	v9 =	vld.idx.msk [tilespmem:v1+s2+$0x0], $0xffff  }
0x1b5: {  	v1 =	vld.idx.msk [tilespmem:v2+s2+$0x0], $0xffff  }
0x1b6: {  	v3 =	vld.idx.msk [tilespmem:v3+s2+$0x0], $0xffff  }
0x1b7: {  	v4 =	vld.idx.msk [tilespmem:v4+s2+$0x0], $0xffff  }
0x1b8: {  	v5 =	vld.idx.msk [tilespmem:v5+s2+$0x0], $0xffff  }
0x1b9: {  	v6 =	vld.idx.msk [tilespmem:v6+s2+$0x0], $0xffff  }
0x1ba: {  	v61 =	vld.idx.msk [tilespmem:v8+s2+$0x0], $0xffff  }
0x1bb: {  	v10 =	vld.idx.msk [tilespmem:v10+s2+$0x0], $0xffff  }
0x1bc: {  	v2 =	vld [tilespmem:s31+$0xFFFFFFC0]  }
0x1bd: {  	[tilespmem:v7+s23+$0x0] =	vst.idx.add.f32.msk $0xffff, v9  }
0x1be: {  	[tilespmem:v62+s23+$0x0] =	vst.idx.add.f32.msk $0xffff, v3  }
0x1bf: {  	[tilespmem:v63+s23+$0x0] =	vst.idx.add.f32.msk $0xffff, v4  }
0x1c0: {  	[tilespmem:v11+s23+$0x0] =	vst.idx.add.f32.msk $0xffff, v5  }
0x1c1: {  	[tilespmem:v12+s23+$0x0] =	vst.idx.add.f32.msk $0xffff, v6  }
0x1c2: {  	[tilespmem:v13+s23+$0x0] =	vst.idx.add.f32.msk $0xffff, v61  }
0x1c3: {  	s1 =	simm.s32 $0x0;
	s0 =	simm.s32 $0xC940;
	[tilespmem:v14+s23+$0x0] =	vst.idx.add.f32.msk $0xffff, v10  }
.LBB2_36:
0x1c4: {  	v3 =	vld [tilespmem:s0+$0x30];
	s1 =	sadd.s32 $0x80, s1  }
0x1c5: {  	v4 =	vld [tilespmem:s0+$0xFFFFFFC0];
	p0 =	slt.u32 s1, $0xD80  }
0x1c6: {  	v5 =	vld [tilespmem:s0+$0xFFFFFFD0]  }
0x1c7: {  	v6 =	vld [tilespmem:s0+$0xFFFFFFE0]  }
0x1c8: {  	v7 =	vld [tilespmem:s0+$0xFFFFFFF0]  }
0x1c9: {  	s31 =	sadd.s32 $0x100, s31;
	v8 =	vld [tilespmem:s0+$0x0]  }
0x1ca: {  	v9 =	vld [tilespmem:s31+$0x30]  }
0x1cb: {  	v10 =	vld [tilespmem:s0+$0x10]  }
0x1cc: {  	v3 =	vld.idx.msk [tilespmem:v3+s2+$0x0], $0xffff  }
0x1cd: {  	v11 =	vld [tilespmem:s0+$0x20]  }
0x1ce: {  	v4 =	vld.idx.msk [tilespmem:v4+s2+$0x0], $0xffff  }
0x1cf: {  	v5 =	vld.idx.msk [tilespmem:v5+s2+$0x0], $0xffff  }
0x1d0: {  	v6 =	vld.idx.msk [tilespmem:v6+s2+$0x0], $0xffff  }
0x1d1: {  	v7 =	vld.idx.msk [tilespmem:v7+s2+$0x0], $0xffff  }
0x1d2: {  	[tilespmem:v9+s23+$0x0] =	vst.idx.add.f32.msk $0xffff, v3  }
0x1d3: {  	v3 =	vld.idx.msk [tilespmem:v8+s2+$0x0], $0xffff  }
0x1d4: {  	v8 =	vld.idx.msk [tilespmem:v10+s2+$0x0], $0xffff  }
0x1d5: {  	v9 =	vld.idx.msk [tilespmem:v11+s2+$0x0], $0xffff  }
0x1d6: {  	v10 =	vld [tilespmem:s31+$0xFFFFFFD0]  }
0x1d7: {  	v11 =	vld [tilespmem:s31+$0xFFFFFFE0]  }
0x1d8: {  	v12 =	vld [tilespmem:s31+$0xFFFFFFF0]  }
0x1d9: {  	v13 =	vld [tilespmem:s31+$0x0]  }
0x1da: {  	v14 =	vld [tilespmem:s31+$0x10]  }
0x1db: {  	v15 =	vld [tilespmem:s31+$0x20]  }
0x1dc: {  	v16 =	vld [tilespmem:s31+$0xFFFFFFC0]  }
0x1dd: {  	[tilespmem:v2+s23+$0x0] =	vst.idx.add.f32.msk $0xffff, v1;
	v1 =	vmov v4  }
0x1de: {  	[tilespmem:v10+s23+$0x0] =	vst.idx.add.f32.msk $0xffff, v5  }
.Ltmp17:
0x1df: {  	[tilespmem:v11+s23+$0x0] =	vst.idx.add.f32.msk $0xffff, v6;
	(pc) =	sbr.rel @p0 .LBB2_36-.Ltmp17, $4  }
0x1e0: {  	[tilespmem:v12+s23+$0x0] =	vst.idx.add.f32.msk $0xffff, v7  }
0x1e1: {  	[tilespmem:v13+s23+$0x0] =	vst.idx.add.f32.msk $0xffff, v3;
	v2 =	vmov v16  }
0x1e2: {  	[tilespmem:v14+s23+$0x0] =	vst.idx.add.f32.msk $0xffff, v8  }
0x1e3: {  	s0 =	sadd.s32 $0x100, s0;
	[tilespmem:v15+s23+$0x0] =	vst.idx.add.f32.msk $0xffff, v9  }
0x1e4: {  	_ =	sdelay $0x2  }
0x1e5: {  	s0 =	simm.s32 $0xC800  }
0x1e6: {  	[tilespmem:v2+s23+$0x0] =	vst.idx.add.f32.msk $0xffff, v1;
	s1 =	simm.s32 $0x10;
	s26 =	sadd.s32 $0x0, s16;
	s31 =	simm.s32 $0xC900  }
.LBB2_38:
0x1e7: {  	[tilespmem:s0], [sflag:$0x2] =	stream.linear.gather [hbm4b:s26+s2], $0x80, $0x38;
	[tilespmem:$0x1C800] =	vst v63  }
0x1e8: {  	s26 =	smov.u32 s1;
	s0 =	smov.u32 s31;
	p0 =	sne.s32 s1, $0x1B0  }
.Ltmp18:
0x1e9: {  	s1 =	sadd.s32 $0x10, s1;
	(pc) =	sbr.rel @p0 .LBB2_38-.Ltmp18, $2  }
0x1ea: {  	_ =	sdelay $0x2  }
0x1eb: {  	s31 =	sadd.s32 $0x100, s31;
	s26 =	sadd.s32 s26, s16  }
0x1ec: {  	[tilespmem:s0], [sflag:$0x2] =	stream.linear.gather [hbm4b:s26+s2], $0x80, $0x38;
	[tilespmem:$0x1C800] =	vst v63  }
0x1ed: {  	s0 =	simm.s32 $0xE400  }
0x1ee: {  	s1 =	simm.s32 $0x10;
	s26 =	sadd.s32 $0x0, s17;
	s31 =	simm.s32 $0xE500  }
.LBB2_40:
0x1ef: {  	[tilespmem:s0], [sflag:$0x4] =	stream.linear.gather [hbm4b:s26+s2], $0x80, $0x38;
	[tilespmem:$0x1C800] =	vst v63  }
0x1f0: {  	s26 =	smov.u32 s1;
	s0 =	smov.u32 s31;
	p0 =	sne.s32 s1, $0x1B0  }
.Ltmp19:
0x1f1: {  	s1 =	sadd.s32 $0x10, s1;
	(pc) =	sbr.rel @p0 .LBB2_40-.Ltmp19, $2  }
0x1f2: {  	_ =	sdelay $0x2  }
0x1f3: {  	s31 =	sadd.s32 $0x100, s31;
	s26 =	sadd.s32 s26, s17  }
0x1f4: {  	[tilespmem:s0], [sflag:$0x4] =	stream.linear.gather [hbm4b:s26+s2], $0x80, $0x38;
	[tilespmem:$0x1C800] =	vst v63  }
0x1f5: {  	_ =	swait.ge [sflag:s24], $0xE00  }
0x1f6: {  	[sflag:s24] =	ssyncset.done $0x0  }
0x1f7: {  	[sflag:s24] =	ssyncadd.s32 $0xFFFFF200  }
0x1f8: {  	_ =	swait.ge [sflag:s25], $0xE00  }
0x1f9: {  	[sflag:s25] =	ssyncset.done $0x0  }
0x1fa: {  	s26 =	simm.s32 $0xC8F0;
	[sflag:s25] =	ssyncadd.s32 $0xFFFFF200  }
0x1fb: {  	v1 =	vld [tilespmem:s26+$0x0]  }
0x1fc: {  	v2 =	vld [tilespmem:s26+$0xFFFFFF90]  }
0x1fd: {  	v3 =	vld [tilespmem:s26+$0xFFFFFFA0]  }
0x1fe: {  	v4 =	vld [tilespmem:s26+$0xFFFFFFB0]  }
0x1ff: {  	v5 =	vld [tilespmem:s26+$0xFFFFFFC0]  }
0x200: {  	s31 =	simm.s32 $0xE4F0;
	v6 =	vld [tilespmem:s26+$0xFFFFFFD0]  }
0x201: {  	v7 =	vld [tilespmem:s31+$0x0]  }
0x202: {  	v8 =	vld [tilespmem:s26+$0xFFFFFFE0]  }
0x203: {  	v10 =	vld [tilespmem:s26+$0xFFFFFFF0]  }
0x204: {  	v62 =	vld [tilespmem:s31+$0xFFFFFFA0]  }
0x205: {  	v63 =	vld [tilespmem:s31+$0xFFFFFFB0]  }
0x206: {  	v11 =	vld [tilespmem:s31+$0xFFFFFFC0]  }
0x207: {  	v12 =	vld [tilespmem:s31+$0xFFFFFFD0]  }
0x208: {  	v13 =	vld [tilespmem:s31+$0xFFFFFFE0]  }
0x209: {  	v14 =	vld [tilespmem:s31+$0xFFFFFFF0]  }
0x20a: {  	v9 =	vld.idx.msk [tilespmem:v1+s2+$0x0], $0xffff  }
0x20b: {  	v1 =	vld.idx.msk [tilespmem:v2+s2+$0x0], $0xffff  }
0x20c: {  	v3 =	vld.idx.msk [tilespmem:v3+s2+$0x0], $0xffff  }
0x20d: {  	v4 =	vld.idx.msk [tilespmem:v4+s2+$0x0], $0xffff  }
0x20e: {  	v5 =	vld.idx.msk [tilespmem:v5+s2+$0x0], $0xffff  }
0x20f: {  	v6 =	vld.idx.msk [tilespmem:v6+s2+$0x0], $0xffff  }
0x210: {  	v61 =	vld.idx.msk [tilespmem:v8+s2+$0x0], $0xffff  }
0x211: {  	v10 =	vld.idx.msk [tilespmem:v10+s2+$0x0], $0xffff  }
0x212: {  	v2 =	vld [tilespmem:s31+$0xFFFFFF90]  }
0x213: {  	[tilespmem:v7+s23+$0x0] =	vst.idx.add.f32.msk $0xffff, v9  }
0x214: {  	[tilespmem:v62+s23+$0x0] =	vst.idx.add.f32.msk $0xffff, v3  }
0x215: {  	[tilespmem:v63+s23+$0x0] =	vst.idx.add.f32.msk $0xffff, v4  }
0x216: {  	[tilespmem:v11+s23+$0x0] =	vst.idx.add.f32.msk $0xffff, v5  }
0x217: {  	[tilespmem:v12+s23+$0x0] =	vst.idx.add.f32.msk $0xffff, v6  }
0x218: {  	[tilespmem:v13+s23+$0x0] =	vst.idx.add.f32.msk $0xffff, v61  }
0x219: {  	s1 =	simm.s32 $0x0;
	s0 =	simm.s32 $0xC9F0;
	[tilespmem:v14+s23+$0x0] =	vst.idx.add.f32.msk $0xffff, v10  }
.LBB2_42:
0x21a: {  	v3 =	vld [tilespmem:s0+$0x0];
	s1 =	sadd.s32 $0x80, s1  }
0x21b: {  	v4 =	vld [tilespmem:s0+$0xFFFFFF90];
	p0 =	slt.u32 s1, $0xD80  }
0x21c: {  	v5 =	vld [tilespmem:s0+$0xFFFFFFA0]  }
0x21d: {  	v6 =	vld [tilespmem:s0+$0xFFFFFFB0]  }
0x21e: {  	v7 =	vld [tilespmem:s0+$0xFFFFFFC0]  }
0x21f: {  	s31 =	sadd.s32 $0x100, s31;
	v8 =	vld [tilespmem:s0+$0xFFFFFFD0]  }
0x220: {  	v9 =	vld [tilespmem:s31+$0x0]  }
0x221: {  	v10 =	vld [tilespmem:s0+$0xFFFFFFE0]  }
0x222: {  	v3 =	vld.idx.msk [tilespmem:v3+s2+$0x0], $0xffff  }
0x223: {  	v11 =	vld [tilespmem:s0+$0xFFFFFFF0]  }
0x224: {  	v4 =	vld.idx.msk [tilespmem:v4+s2+$0x0], $0xffff  }
0x225: {  	v5 =	vld.idx.msk [tilespmem:v5+s2+$0x0], $0xffff  }
0x226: {  	v6 =	vld.idx.msk [tilespmem:v6+s2+$0x0], $0xffff  }
0x227: {  	v7 =	vld.idx.msk [tilespmem:v7+s2+$0x0], $0xffff  }
0x228: {  	[tilespmem:v9+s23+$0x0] =	vst.idx.add.f32.msk $0xffff, v3  }
0x229: {  	v3 =	vld.idx.msk [tilespmem:v8+s2+$0x0], $0xffff  }
0x22a: {  	v8 =	vld.idx.msk [tilespmem:v10+s2+$0x0], $0xffff  }
0x22b: {  	v9 =	vld.idx.msk [tilespmem:v11+s2+$0x0], $0xffff  }
0x22c: {  	v10 =	vld [tilespmem:s31+$0xFFFFFFA0]  }
0x22d: {  	v11 =	vld [tilespmem:s31+$0xFFFFFFB0]  }
0x22e: {  	v12 =	vld [tilespmem:s31+$0xFFFFFFC0]  }
0x22f: {  	v13 =	vld [tilespmem:s31+$0xFFFFFFD0]  }
0x230: {  	v14 =	vld [tilespmem:s31+$0xFFFFFFE0]  }
0x231: {  	v15 =	vld [tilespmem:s31+$0xFFFFFFF0]  }
0x232: {  	v16 =	vld [tilespmem:s31+$0xFFFFFF90]  }
0x233: {  	[tilespmem:v2+s23+$0x0] =	vst.idx.add.f32.msk $0xffff, v1;
	v1 =	vmov v4  }
0x234: {  	[tilespmem:v10+s23+$0x0] =	vst.idx.add.f32.msk $0xffff, v5  }
.Ltmp20:
0x235: {  	[tilespmem:v11+s23+$0x0] =	vst.idx.add.f32.msk $0xffff, v6;
	(pc) =	sbr.rel @p0 .LBB2_42-.Ltmp20, $4  }
0x236: {  	[tilespmem:v12+s23+$0x0] =	vst.idx.add.f32.msk $0xffff, v7  }
0x237: {  	[tilespmem:v13+s23+$0x0] =	vst.idx.add.f32.msk $0xffff, v3;
	v2 =	vmov v16  }
0x238: {  	[tilespmem:v14+s23+$0x0] =	vst.idx.add.f32.msk $0xffff, v8  }
0x239: {  	s0 =	sadd.s32 $0x100, s0;
	[tilespmem:v15+s23+$0x0] =	vst.idx.add.f32.msk $0xffff, v9  }
0x23a: {  	_ =	sdelay $0x3  }
0x23b: {  	[tilespmem:v2+s23+$0x0] =	vst.idx.add.f32.msk $0xffff, v1  }
0x23c: {  	_ =	swait.ge [sflag:s21], $0xE00  }
0x23d: {  	[sflag:s21] =	ssyncset.done $0x0  }
0x23e: {  	[sflag:s21] =	ssyncadd.s32 $0xFFFFF200  }
0x23f: {  	_ =	swait.ge [sflag:s22], $0xE00  }
0x240: {  	[sflag:s22] =	ssyncset.done $0x0  }
0x241: {  	s0 =	simm.s32 $0xC840;
	[sflag:s22] =	ssyncadd.s32 $0xFFFFF200  }
0x242: {  	v1 =	vld [tilespmem:s0+$0x30]  }
0x243: {  	v2 =	vld [tilespmem:s0+$0xFFFFFFC0]  }
0x244: {  	v3 =	vld [tilespmem:s0+$0xFFFFFFD0]  }
0x245: {  	v4 =	vld [tilespmem:s0+$0xFFFFFFE0]  }
0x246: {  	v5 =	vld [tilespmem:s0+$0xFFFFFFF0]  }
0x247: {  	s31 =	simm.s32 $0xE440;
	v6 =	vld [tilespmem:s0+$0x0]  }
0x248: {  	v7 =	vld [tilespmem:s31+$0x30]  }
0x249: {  	v8 =	vld [tilespmem:s0+$0x10]  }
0x24a: {  	v10 =	vld [tilespmem:s0+$0x20]  }
0x24b: {  	v62 =	vld [tilespmem:s31+$0xFFFFFFD0]  }
0x24c: {  	v63 =	vld [tilespmem:s31+$0xFFFFFFE0]  }
0x24d: {  	v11 =	vld [tilespmem:s31+$0xFFFFFFF0]  }
0x24e: {  	v12 =	vld [tilespmem:s31+$0x0]  }
0x24f: {  	v13 =	vld [tilespmem:s31+$0x10]  }
0x250: {  	v14 =	vld [tilespmem:s31+$0x20]  }
0x251: {  	v9 =	vld.idx.msk [tilespmem:v1+s2+$0x0], $0xffff  }
0x252: {  	v1 =	vld.idx.msk [tilespmem:v2+s2+$0x0], $0xffff  }
0x253: {  	v3 =	vld.idx.msk [tilespmem:v3+s2+$0x0], $0xffff  }
0x254: {  	v4 =	vld.idx.msk [tilespmem:v4+s2+$0x0], $0xffff  }
0x255: {  	v5 =	vld.idx.msk [tilespmem:v5+s2+$0x0], $0xffff  }
0x256: {  	v6 =	vld.idx.msk [tilespmem:v6+s2+$0x0], $0xffff  }
0x257: {  	v61 =	vld.idx.msk [tilespmem:v8+s2+$0x0], $0xffff  }
0x258: {  	v10 =	vld.idx.msk [tilespmem:v10+s2+$0x0], $0xffff  }
0x259: {  	v2 =	vld [tilespmem:s31+$0xFFFFFFC0]  }
0x25a: {  	[tilespmem:v7+s23+$0x0] =	vst.idx.add.f32.msk $0xffff, v9  }
0x25b: {  	[tilespmem:v62+s23+$0x0] =	vst.idx.add.f32.msk $0xffff, v3  }
0x25c: {  	[tilespmem:v63+s23+$0x0] =	vst.idx.add.f32.msk $0xffff, v4  }
0x25d: {  	[tilespmem:v11+s23+$0x0] =	vst.idx.add.f32.msk $0xffff, v5  }
0x25e: {  	[tilespmem:v12+s23+$0x0] =	vst.idx.add.f32.msk $0xffff, v6  }
0x25f: {  	[tilespmem:v13+s23+$0x0] =	vst.idx.add.f32.msk $0xffff, v61  }
0x260: {  	s1 =	simm.s32 $0x0;
	s0 =	simm.s32 $0xC940;
	[tilespmem:v14+s23+$0x0] =	vst.idx.add.f32.msk $0xffff, v10  }
.LBB2_44:
0x261: {  	v3 =	vld [tilespmem:s0+$0x30];
	s1 =	sadd.s32 $0x80, s1  }
0x262: {  	v4 =	vld [tilespmem:s0+$0xFFFFFFC0];
	p0 =	slt.u32 s1, $0xD80  }
0x263: {  	v5 =	vld [tilespmem:s0+$0xFFFFFFD0]  }
0x264: {  	v6 =	vld [tilespmem:s0+$0xFFFFFFE0]  }
0x265: {  	v7 =	vld [tilespmem:s0+$0xFFFFFFF0]  }
0x266: {  	s31 =	sadd.s32 $0x100, s31;
	v8 =	vld [tilespmem:s0+$0x0]  }
0x267: {  	v9 =	vld [tilespmem:s31+$0x30]  }
0x268: {  	v10 =	vld [tilespmem:s0+$0x10]  }
0x269: {  	v3 =	vld.idx.msk [tilespmem:v3+s2+$0x0], $0xffff  }
0x26a: {  	v11 =	vld [tilespmem:s0+$0x20]  }
0x26b: {  	v4 =	vld.idx.msk [tilespmem:v4+s2+$0x0], $0xffff  }
0x26c: {  	v5 =	vld.idx.msk [tilespmem:v5+s2+$0x0], $0xffff  }
0x26d: {  	v6 =	vld.idx.msk [tilespmem:v6+s2+$0x0], $0xffff  }
0x26e: {  	v7 =	vld.idx.msk [tilespmem:v7+s2+$0x0], $0xffff  }
0x26f: {  	[tilespmem:v9+s23+$0x0] =	vst.idx.add.f32.msk $0xffff, v3  }
0x270: {  	v3 =	vld.idx.msk [tilespmem:v8+s2+$0x0], $0xffff  }
0x271: {  	v8 =	vld.idx.msk [tilespmem:v10+s2+$0x0], $0xffff  }
0x272: {  	v9 =	vld.idx.msk [tilespmem:v11+s2+$0x0], $0xffff  }
0x273: {  	v10 =	vld [tilespmem:s31+$0xFFFFFFD0]  }
0x274: {  	v11 =	vld [tilespmem:s31+$0xFFFFFFE0]  }
0x275: {  	v12 =	vld [tilespmem:s31+$0xFFFFFFF0]  }
0x276: {  	v13 =	vld [tilespmem:s31+$0x0]  }
0x277: {  	v14 =	vld [tilespmem:s31+$0x10]  }
0x278: {  	v15 =	vld [tilespmem:s31+$0x20]  }
0x279: {  	v16 =	vld [tilespmem:s31+$0xFFFFFFC0]  }
0x27a: {  	[tilespmem:v2+s23+$0x0] =	vst.idx.add.f32.msk $0xffff, v1;
	v1 =	vmov v4  }
0x27b: {  	[tilespmem:v10+s23+$0x0] =	vst.idx.add.f32.msk $0xffff, v5  }
.Ltmp21:
0x27c: {  	[tilespmem:v11+s23+$0x0] =	vst.idx.add.f32.msk $0xffff, v6;
	(pc) =	sbr.rel @p0 .LBB2_44-.Ltmp21, $4  }
0x27d: {  	[tilespmem:v12+s23+$0x0] =	vst.idx.add.f32.msk $0xffff, v7  }
0x27e: {  	[tilespmem:v13+s23+$0x0] =	vst.idx.add.f32.msk $0xffff, v3;
	v2 =	vmov v16  }
0x27f: {  	[tilespmem:v14+s23+$0x0] =	vst.idx.add.f32.msk $0xffff, v8  }
0x280: {  	s0 =	sadd.s32 $0x100, s0;
	[tilespmem:v15+s23+$0x0] =	vst.idx.add.f32.msk $0xffff, v9  }
0x281: {  	_ =	sdelay $0x1  }
0x282: {  	s30 =	sadd.s32 $0x1, s30  }
0x283: {  	p0 =	sne.s32 s30, s19  }
.Ltmp22:
0x284: {  	[tilespmem:v2+s23+$0x0] =	vst.idx.add.f32.msk $0xffff, v1;
	s0 =	simm.s32 $0x80;
	(pc) =	sbr.rel @p0 .LBB2_1-.Ltmp22, $4  }
0x285: {  	[hbm4b:s18+s0] =	stream.strided.scatter [tilespmem:s23], [sflag:$0x6], $0xC800, s28, s0, $0x38;
	[tilespmem:$0x1C800] =	vst v63  }
0x286: {  	_ =	swait.ge [sflag:s29], $0xC800  }
0x287: {  	[sflag:s29] =	ssyncset.done $0x0  }
0x288: {  	[sflag:s29] =	ssyncadd.s32 $0xFFFF3800  }
0x289: {  	_ =	sfence.sel $0x180000  }
0x28a: {  	[bflag:$0x0] =	sbarrier.arrive $0xFFFF  }
0x28b: {  	_ =	strace $0x9000004A  }
0x28c: {  	s0 =	stileid.u32;
	[bflag:$0x2] =	sbarrier.arrive $0xFFFF  }
0x28d: {  	p0 =	sne.s32 s0, $0x0;
	s0 =	rddreg [dreg:$0x1]  }
0x28e: {  	s0 =	sadd.s32 @!p0 $0x100000, s0  }
0x28f: {  	[sflag:s0] =	ssyncadd.tile.s32 @!p0 $0x1;
	_ =	shalt  }
.Lfunc_end2:
_tile_overlayer_lowered:
.L_overlay_start_2:
0x290: {  	(tag) =	ssettag $0x2  }
0x291: {  	s0 =	rddreg [dreg:$0x0];
	s2 =	stileid.u32  }
0x292: {  	s1 =	rddreg [dreg:$0x1];
	p0 =	sne.s32 s2, $0x0  }
0x293: {  	s3 =	rddreg [dreg:$0x2];
	[bflag:$0x3] =	sbarrier.arrive $0xFFFF;
	s2 =	simm.s32 @!p0 $0x1C06  }
0x294: {  	[timem:s3], [sflag:s2] =	dma.local @!p0 [hbm:s0], s1  }
0x295: {  	s0 =	simm.s32 @!p0 $0x6  }
0x296: {  	_ =	swait.ge @!p0 [sflag:s0], s1  }
0x297: {  	s1 =	ssub.s32 @!p0 $0x0, s1;
	[sflag:s0] =	ssyncset.done @!p0 $0x0  }
0x298: {  	[sflag:s0] =	ssyncadd.s32 @!p0 s1  }
0x299: {  	[bflag:$0x3] =	sbarrier.arrive $0xFFFF  }
0x29a: {  	_ =	shalt  }

// kernel: kernel.14.cloned.1.call-start
scs
__scs_entry_jumppad:
0x0: {  	(pc) =	sbr.rel $0x88, $3  }
0x1: {  	(tag) =	ssettag $0x0;
	lr =	simm.s32 $0x1  }
0x2: {  	[smem:$0x3F97] =	sst lr;
	_ =	strace $0xD0000000  }
0x3: {  	_ = 	snop  }
0x4: {  	_ = 	snop  }
0x5: {  	_ = 	snop  }
0x6: {  	_ = 	snop  }
0x7: {  	_ = 	snop  }
__scs_overlays_trampoline_lowered:
0x8: {  	[smem:$0x3FA6] =	sst s0  }
0x9: {  	[smem:$0x3FA7] =	sst s1  }
0xa: {  	[smem:$0x3FA8] =	sst s2  }
0xb: {  	[smem:$0x3FA9] =	sst s3  }
0xc: {  	[smem:$0x3FAA] =	sst s4  }
0xd: {  	[smem:$0x3FAB] =	sst s5  }
0xe: {  	[smem:$0x3FAC] =	sst s6  }
0xf: {  	[smem:$0x3FAD] =	sst s7  }
0x10: {  	[smem:$0x3FAE] =	sst s8  }
0x11: {  	[smem:$0x3FAF] =	sst s9;
	s0 =	simm.s32 @!p0 $0x0  }
0x12: {  	s1 =	sld [smem:$0x3F95];
	s0 =	simm.s32 @p0 $0x1  }
0x13: {  	[smem:$0x3FB0] =	sst s0;
	s0 =	simm.s32 @!p1 $0x0  }
0x14: {  	s2 =	sld [smem:$0x3F94];
	s0 =	simm.s32 @p1 $0x1  }
0x15: {  	[smem:$0x3FB1] =	sst s0;
	s0 =	simm.s32 @!p2 $0x0  }
0x16: {  	s3 =	sld [smem:$0x3FDB];
	s0 =	simm.s32 @p2 $0x1  }
0x17: {  	s4 =	simm.s32 $0x1BF5;
	[smem:$0x3FB3] =	sst s0  }
0x18: {  	s0 =	sld [smem:$0x3F96];
	_ =	swait.ge [sflag:s4], $0x0  }
0x19: {  	s7 =	sld [smem:$0x3F97]  }
0x1a: {  	s8 =	sadd.s32 $0xFFFFE003, lr  }
0x1b: {  	s9 =	sadd.s32 $0xFFFFFEF7, lr;
	s5 =	simm.s32 $0xFFFFFFFF;
	p2 =	slt.u32 s8, $0xFFFFF086  }
0x1c: {  	p1 =	slt.u32 s9, $0xF7A;
	s5 =	simm.s32 @!p2 $0x0  }
0x1d: {  	s5 =	simm.s32 @p1 $0x1;
	p0 =	seq.s32 s7, s2  }
0x1e: {  	s7 =	smul.u32 @!p0 $0xF7A, s2;
	p2 =	seq.s32 @!p0 s5, $0x0  }
0x1f: {  	s9 =	smul.u32 $0xF7A, s1;
	s8 =	simm.s32 @!p0 $0x1BF5;
	p2 =	por !p2, p0  }
0x20: {  	[sflag:s8] =	ssyncset.s32 @!p0 $0xFFFFF086;
	s6 =	sadd.s32 @!p0 s3, s7;
	s7 =	simm.s32 @!p0 $0x108  }
0x21: {  	s3 =	sadd.s32 s3, s9;
	s6 =	sadd.s32 @!p0 $0x88, s6;
	s7 =	simm.s32 @p2 $0x1082  }
0x22: {  	[simem:s7], [sflag:s8] =	dma.local @!p0 [hbm:s6], $0xF7A  }
0x23: {  	s9 =	sor.u32 $0xD0000000, s2;
	s6 =	simm.s32 $0x108;
	_ =	swait.ge @!p0 [sflag:s8], $0x0  }
0x24: {  	s3 =	sadd.s32 $0x88, s3;
	s6 =	simm.s32 @!p1 $0x1082;
	[sflag:s4] =	ssyncset.s32 $0xFFFFF086  }
0x25: {  	[simem:s6], [sflag:s4] =	dma.local [hbm:s3], $0xF7A  }
0x26: {  	[smem:$0x3F97] =	sst s1;
	(tag) =	ssettag s2;
	_ =	strace s9  }
0x27: {  	s1 =	sld [smem:$0x3FA7]  }
0x28: {  	s2 =	sld [smem:$0x3FA8]  }
0x29: {  	s4 =	sld [smem:$0x3FAA]  }
0x2a: {  	p0 =	seq.s32 s5, $0x0;
	s5 =	sld [smem:$0x3FAB]  }
0x2b: {  	s6 =	sld [smem:$0x3FAC]  }
0x2c: {  	s7 =	sld [smem:$0x3FAD]  }
0x2d: {  	s3 =	simm.s32 $0x108;
	s8 =	sld [smem:$0x3FAE]  }
0x2e: {  	s3 =	simm.s32 @!p0 $0x1082;
	s9 =	sld [smem:$0x3FAF]  }
0x2f: {  	lr =	sadd.s32 s0, s3;
	s0 =	sld [smem:$0x3FA6]  }
0x30: {  	s3 =	sld [smem:$0x3FA9]  }
0x31: {  	[smem:$0x3FB2] =	sst s10  }
0x32: {  	s10 =	sld [smem:$0x3FB0];
	_ =	sdelay $0x3  }
0x33: {  	p0 =	seq.s32 s10, $0x1;
	s10 =	sld [smem:$0x3FB2];
	_ =	sdelay $0x3  }
0x34: {  	[smem:$0x3FB2] =	sst s10  }
0x35: {  	s10 =	sld [smem:$0x3FB1];
	_ =	sdelay $0x3  }
0x36: {  	p1 =	seq.s32 s10, $0x1;
	s10 =	sld [smem:$0x3FB2];
	_ =	sdelay $0x3  }
0x37: {  	[smem:$0x3FB2] =	sst s10  }
0x38: {  	s10 =	sld [smem:$0x3FB3]  }
0x39: {  	_ = 	snop;
	(pc) =	sbr.ind lr, $3  }
0x3a: {  	_ = 	snop  }
0x3b: {  	_ = 	snop  }
0x3c: {  	p2 =	seq.s32 s10, $0x1;
	s10 =	sld [smem:$0x3FB2]  }
0x3d: {  	_ =	shalt  }
0x3e: {  	_ =	shalt  }
0x3f: {  	_ =	shalt  }
0x40: {  	_ =	shalt  }
0x41: {  	_ =	shalt  }
0x42: {  	_ =	shalt  }
0x43: {  	_ =	shalt  }
0x44: {  	_ =	shalt  }
0x45: {  	_ =	shalt  }
0x46: {  	_ =	shalt  }
0x47: {  	_ =	shalt  }
0x48: {  	_ =	shalt  }
0x49: {  	_ =	shalt  }
0x4a: {  	_ =	shalt  }
0x4b: {  	_ =	shalt  }
0x4c: {  	_ =	shalt  }
0x4d: {  	_ =	shalt  }
0x4e: {  	_ =	shalt  }
0x4f: {  	_ =	shalt  }
0x50: {  	_ =	shalt  }
0x51: {  	_ =	shalt  }
0x52: {  	_ =	shalt  }
0x53: {  	_ =	shalt  }
0x54: {  	_ =	shalt  }
0x55: {  	_ =	shalt  }
0x56: {  	_ =	shalt  }
0x57: {  	_ =	shalt  }
0x58: {  	_ =	shalt  }
0x59: {  	_ =	shalt  }
0x5a: {  	_ =	shalt  }
0x5b: {  	_ =	shalt  }
0x5c: {  	_ =	shalt  }
0x5d: {  	_ =	shalt  }
0x5e: {  	_ =	shalt  }
0x5f: {  	_ =	shalt  }
0x60: {  	_ =	shalt  }
0x61: {  	_ =	shalt  }
0x62: {  	_ =	shalt  }
0x63: {  	_ =	shalt  }
0x64: {  	_ =	shalt  }
0x65: {  	_ =	shalt  }
0x66: {  	_ =	shalt  }
0x67: {  	_ =	shalt  }
0x68: {  	_ =	shalt  }
0x69: {  	_ =	shalt  }
0x6a: {  	_ =	shalt  }
0x6b: {  	_ =	shalt  }
0x6c: {  	_ =	shalt  }
0x6d: {  	_ =	shalt  }
0x6e: {  	_ =	shalt  }
0x6f: {  	_ =	shalt  }
0x70: {  	_ =	shalt  }
0x71: {  	_ =	shalt  }
0x72: {  	_ =	shalt  }
0x73: {  	_ =	shalt  }
0x74: {  	_ =	shalt  }
0x75: {  	_ =	shalt  }
0x76: {  	_ =	shalt  }
0x77: {  	_ =	shalt  }
0x78: {  	_ =	shalt  }
0x79: {  	_ =	shalt  }
0x7a: {  	_ =	shalt  }
0x7b: {  	_ =	shalt  }
0x7c: {  	_ =	shalt  }
0x7d: {  	_ =	shalt  }
0x7e: {  	_ =	shalt  }
0x7f: {  	_ =	shalt  }
0x80: {  	_ =	shalt  }
0x81: {  	_ =	shalt  }
0x82: {  	_ =	shalt  }
0x83: {  	_ =	shalt  }
0x84: {  	_ =	shalt  }
0x85: {  	_ =	shalt  }
0x86: {  	_ =	shalt  }
0x87: {  	_ =	shalt  }
.Lfunc_end0:
.L_simem_size_0:
called_computation.2_lowered:
.L_overlay_start_0:
0x88: {  	s2 =	sld [smem:$0x3FD9]  }
0x89: {  	s3 =	sld [smem:$0x3FFE];
	_ =	sdelay $0x1  }
0x8a: {  	s1 =	srdreg.scid  }
0x8b: {  	s0 =	sand.u32 $0x1, s1  }
0x8c: {  	s16 =	sshll.u32 s0, $0xA;
	s2 =	sadd.s32 s3, s2  }
0x8d: {  	s2 =	sadd.s32 s2, s16  }
0x8e: {  	[smem:$0x3FBE] =	sst s2  }
0x8f: {  	_ = 	snop  }
0x90: {  	(tm) =	ssettm $0x1  }
0x91: {  	s17 =	sld [smem:$0x3FFB];
	_ =	sdelay $0x3  }
0x92: {  	_ =	strace s17  }
0x93: {  	s2 =	sld [smem:$0x3FFC];
	_ =	sdelay $0x3  }
0x94: {  	_ =	strace s2  }
0x95: {  	s2 =	sld [smem:$0x3FFD];
	_ =	sdelay $0x3  }
0x96: {  	_ =	strace s2  }
0x97: {  	_ =	strace $0x8FFFFFFF  }
0x98: {  	s18 =	sld [smem:$0x3FDB];
	_ =	sdelay $0x1  }
0x99: {  	s19 =	simm.s32 $_scs_section_size  }
0x9a: {  	s4 =	simm.s32 $_size__tile_overlayer_lowered;
	s5 =	simm.s32 $_tile_overlayer_lowered  }
0x9b: {  	s22 =	simm.s32 $0x1BFF;
	s21 =	sshll.u32 s5, $0x1;
	s2 =	sadd.s32 s19, s18  }
0x9c: {  	s6 =	simm.s32 $0x0;
	s20 =	sshll.u32 s4, $0x1;
	s4 =	sadd.s32 s21, s2  }
0x9d: {  	[timem:s6], [sflag:s22] =	dma.local [hbm:s4], s20  }
0x9e: {  	_ =	swait.ge [sflag:s22], s20  }
0x9f: {  	s3 =	ssub.s32 $0x0, s20;
	[sflag:s22] =	ssyncset.done $0x0  }
0xa0: {  	[sflag:s22] =	ssyncadd.s32 s3;
	_ =	sdelay $0x1  }
0xa1: {  	s23 =	simm.s32 $0x1B8B  }
0xa2: {  	_ =	swait.ge [sflag:s23], $0x1  }
0xa3: {  	[sflag:s23] =	ssyncset.done $0x0  }
0xa4: {  	s25 =	simm.s32 $0x1B8E;
	s24 =	sld [smem:$0x3FFE];
	[sflag:s23] =	ssyncadd.s32 $0xFFFFFFFF  }
0xa5: {  	s26 =	simm.s32 $execute0_lowered;
	[smem:$0x3FD2] =	sst s25  }
0xa6: {  	s4 =	sshll.u32 s26, $0x1;
	_ =	strace $0x8000004C;
	[dreg:$0x1] =	wrdreg $0xFFFFFFFF  }
0xa7: {  	s28 =	simm.s32 $_size_execute0_lowered;
	s2 =	sadd.s32 s2, s4;
	[dreg:$0x0] =	wrdreg $0x0  }
0xa8: {  	s4 =	sshll.u32 s28, $0x1;
	[dreg:$0x2] =	wrdreg s2  }
0xa9: {  	[dreg:$0x3] =	wrdreg s4  }
0xaa: {  	[dreg:$0x4] =	wrdreg $0xC0  }
0xab: {  	_ =	task [dreg:s6], $0x5FFFF  }
0xac: {  	[dreg:$0x1] =	wrdreg $0xFFFFFFFF  }
0xad: {  	[dreg:$0x0] =	wrdreg $0x60  }
0xae: {  	[dreg:$0x2] =	wrdreg s24  }
0xaf: {  	[dreg:$0x3] =	wrdreg $0x9  }
0xb0: {  	_ =	task.clear_ibuf [dreg:s6], $0x4FFFF;
	_ =	strace $0x9000004C  }
0xb1: {  	s29 =	simm.s32 $0x9;
	_ =	strace $0x8000004E  }
0xb2: {  	_ =	swait.ge [sflag:s29], $0x1  }
0xb3: {  	[sflag:s29] =	ssyncadd.s32 $0xFFFFFFFF  }
0xb4: {  	_ =	strace $0x9000004E  }
0xb5: {  	_ =	sfence  }
0xb6: {  	s30 =	sld [smem:$0x0];
	_ =	sdelay $0x2  }
0xb7: {  	s31 =	sshll.u32 s1, $0xD;
	s1 =	sshrl.u32 s1, $0x2  }
0xb8: {  	s3 =	sand.u32 $0x4000, s31;
	s1 =	sadd.s32 s1, s30  }
0xb9: {  	s0 =	sor.u32 s3, s0;
	s1 =	sshll.u32 s1, $0x11  }
0xba: {  	s0 =	sor.u32 s1, s0  }
0xbb: {  	s0 =	sadd.s32 $0x8F2B, s0  }
0xbc: {  	[sflag:s0] =	ssyncadd.remote.s32 $0x1  }
0xbd: {  	_ =	sfence.sel $0xFFFF  }
0xbe: {  	[dreg:$0x0] =	wrdreg $0xFFFFFFFF;
	(pc) =	sbr.abs _section_cstart, $3  }
0xbf: {  	[dreg:$0x1] =	wrdreg $0xFFFFFFFF  }
0xc0: {  	_ =	task.clear_ibuf [dreg:s6], $0x2FFFF;
	_ =	strace $0x9FFFFFFF  }
0xc1: {  	(tm) =	ssettm $0x7FFFFFFF  }
tec
execute0_lowered:
.L_overlay_start_1:
0x0: {  	(tag) =	ssettag $0x1  }
0x1: {  	s0 =	srdreg.scid  }
0x2: {  	s6 =	stileid.u32;
	s4 =	rddreg [dreg:$0x0];
	s1 =	simm.s32 $0x0  }
0x3: {  	s0 =	sand.u32 $0x1, s0;
	[smem:$0x7FF] =	sst s1;
	s5 =	sshll.u32 s6, $0x7  }
0x4: {  	s25 =	sadd.s32 $0x4BE00, s4;
	s31 =	sadd.s32 $0x1600, s4;
	s2 =	sshll.u32 s0, $0x4  }
0x5: {  	s5 =	sand.u32 $0x380, s5;
	s0 =	ssub.s32 $0x2, s0;
	s3 =	sor.u32 s6, s2  }
0x6: {  	s6 =	smul.u32 $0xC400, s6;
	s2 =	sadd.s32 s2, s4;
	s15 =	sshrl.u32 s0, $0x1  }
0x7: {  	s3 =	sshrl.u32 s3, $0x3;
	s0 =	ssub.s32 s0, s15;
	s2 =	sadd.s32 $0x19E00, s2  }
0x8: {  	s3 =	smul.u32 $0x64000, s3;
	s30 =	sshrl.u32 s6, $0x3;
	s0 =	smax.u32 s0, $0x1  }
0x9: {  	s16 =	sadd.s32 $0x1C0, s30;
	s18 =	sadd.s32 $0x380, s30;
	s7 =	sadd.s32 $0x540, s30  }
0xa: {  	s21 =	sadd.s32 $0x700, s30;
	s11 =	sadd.s32 $0x8C0, s30;
	s22 =	sadd.s32 $0xA80, s30  }
0xb: {  	s15 =	sadd.s32 $0xC40, s30;
	s23 =	sadd.s32 $0xE00, s30;
	s24 =	sadd.s32 $0x1180, s30  }
0xc: {  	s26 =	sadd.s32 $0x1500, s30;
	s28 =	sadd.s32 s25, s30;
	s29 =	sadd.s32 s31, s30  }
0xd: {  	s3 =	sor.u32 s5, s3;
	s17 =	sadd.s32 s25, s16;
	s5 =	sadd.s32 s31, s16  }
0xe: {  	s19 =	sadd.s32 s25, s18;
	s6 =	sadd.s32 s31, s18;
	s20 =	sadd.s32 s25, s7  }
0xf: {  	s7 =	sadd.s32 s31, s7;
	s8 =	sadd.s32 s25, s21;
	s9 =	sadd.s32 s31, s21  }
0x10: {  	s10 =	sadd.s32 s25, s11;
	s11 =	sadd.s32 s31, s11;
	s12 =	sadd.s32 s25, s22  }
0x11: {  	s13 =	sadd.s32 s31, s22;
	s14 =	sadd.s32 s25, s15;
	[dreg:$0x2] =	wrdreg s17  }
0x12: {  	s15 =	sadd.s32 s31, s15;
	s16 =	sadd.s32 s25, s23;
	[dreg:$0x4] =	wrdreg s19  }
0x13: {  	s21 =	sadd.s32 s31, s24;
	s3 =	sshrl.u32 s3, $0x3;
	[dreg:$0x6] =	wrdreg s20  }
0x14: {  	s19 =	sadd.s32 $0xFC0, s30;
	s17 =	sadd.s32 s31, s23;
	s20 =	sadd.s32 s25, s24  }
0x15: {  	s23 =	sadd.s32 $0x1340, s30;
	_ =	strace $0x8000004D;
	[dreg:$0x8] =	wrdreg s2  }
0x16: {  	s24 =	sadd.s32 s25, s26;
	s26 =	sadd.s32 s31, s26;
	[dreg:$0xa] =	wrdreg s0  }
0x17: {  	s3 =	sadd.s32 s3, s4;
	s18 =	sadd.s32 s25, s19;
	[dreg:$0x3] =	wrdreg s5  }
0x18: {  	s19 =	sadd.s32 s31, s19;
	s22 =	sadd.s32 s25, s23;
	[dreg:$0x5] =	wrdreg s6  }
0x19: {  	s23 =	sadd.s32 s31, s23;
	s4 =	sadd.s32 $0x16C0, s30;
	[dreg:$0x7] =	wrdreg s7  }
0x1a: {  	s30 =	sadd.s32 s25, s4;
	s31 =	sadd.s32 s31, s4;
	s25 =	sadd.s32 $0x64600, s3  }
0x1b: {  	v0 =	vimm.f32 $0.0e+00;
	s3 =	simm.s32 $0x0;
	[dreg:$0x9] =	wrdreg s25;
	s25 =	simm.s32 $0x10000  }
.LBB2_1:
0x1c: {  	[dreg:$0xb] =	wrdreg s3;
	s0 =	simm.s32 $0xC800  }
0x1d: {  	s2 =	simm.s32 $0x10;
	s4 =	sadd.s32 $0x0, s28;
	s3 =	simm.s32 $0xC900  }
.LBB2_2:
0x1e: {  	[tilespmem:s0], [sflag:$0x2] =	stream.linear.gather [hbm4b:s4+s1], $0x80, $0x38;
	[tilespmem:$0x1C800] =	vst v63  }
0x1f: {  	s4 =	smov.u32 s2;
	s0 =	smov.u32 s3;
	p0 =	sne.s32 s2, $0x1B0  }
.Ltmp0:
0x20: {  	s2 =	sadd.s32 $0x10, s2;
	(pc) =	sbr.rel @p0 .LBB2_2-.Ltmp0, $2  }
0x21: {  	_ =	sdelay $0x2  }
0x22: {  	s3 =	sadd.s32 $0x100, s3;
	s4 =	sadd.s32 s4, s28  }
0x23: {  	[tilespmem:s0], [sflag:$0x2] =	stream.linear.gather [hbm4b:s4+s1], $0x80, $0x38;
	[tilespmem:$0x1C800] =	vst v63  }
0x24: {  	s0 =	simm.s32 $0xE400  }
0x25: {  	s2 =	simm.s32 $0x10;
	s4 =	sadd.s32 $0x0, s29;
	s3 =	simm.s32 $0xE500  }
.LBB2_4:
0x26: {  	[tilespmem:s0], [sflag:$0x4] =	stream.linear.gather [hbm4b:s4+s1], $0x80, $0x38;
	[tilespmem:$0x1C800] =	vst v63  }
0x27: {  	s4 =	smov.u32 s2;
	s0 =	smov.u32 s3;
	p0 =	sne.s32 s2, $0x1B0  }
.Ltmp1:
0x28: {  	s2 =	sadd.s32 $0x10, s2;
	(pc) =	sbr.rel @p0 .LBB2_4-.Ltmp1, $2  }
0x29: {  	_ =	sdelay $0x2  }
0x2a: {  	s3 =	sadd.s32 $0x100, s3;
	s4 =	sadd.s32 s4, s29  }
0x2b: {  	[tilespmem:s0], [sflag:$0x4] =	stream.linear.gather [hbm4b:s4+s1], $0x80, $0x38;
	[tilespmem:$0x1C800] =	vst v63  }
0x2c: {  	s7 =	rddreg [dreg:$0x8]  }
0x2d: {  	s2 =	simm.s32 $0x80;
	s3 =	simm.s32 $0x100;
	s0 =	simm.s32 $0x10040  }
0x2e: {  	[tilespmem:s1], [sflag:$0x1] =	stream.strided.gather [hbm4b:s7+s2], $0xC800, s3, s2, $0x38;
	[tilespmem:$0x1C800] =	vst v63  }
0x2f: {  	[tilespmem:s0+$0xFFFFFFC0] =	vst v0  }
0x30: {  	[tilespmem:s0+$0x30] =	vst v0  }
0x31: {  	[tilespmem:s0+$0x20] =	vst v0  }
0x32: {  	[tilespmem:s0+$0x10] =	vst v0  }
0x33: {  	[tilespmem:s0+$0x0] =	vst v0  }
0x34: {  	[tilespmem:s0+$0xFFFFFFF0] =	vst v0  }
0x35: {  	s2 =	simm.s32 $0x0;
	[tilespmem:s0+$0xFFFFFFE0] =	vst v0  }
.LBB2_6:
0x36: {  	s2 =	sadd.s32 $0x80, s2;
	[tilespmem:s0+$0xFFFFFFD0] =	vst v0;
	s0 =	sadd.s32 $0x80, s0  }
0x37: {  	[tilespmem:s0+$0xFFFFFFC0] =	vst v0;
	p0 =	slt.u32 s2, $0xC780  }
0x38: {  	[tilespmem:s0+$0x30] =	vst v0  }
.Ltmp2:
0x39: {  	[tilespmem:s0+$0x20] =	vst v0;
	(pc) =	sbr.rel @p0 .LBB2_6-.Ltmp2, $4  }
0x3a: {  	[tilespmem:s0+$0x10] =	vst v0  }
0x3b: {  	[tilespmem:s0+$0x0] =	vst v0  }
0x3c: {  	[tilespmem:s0+$0xFFFFFFF0] =	vst v0  }
0x3d: {  	[tilespmem:s0+$0xFFFFFFE0] =	vst v0  }
0x3e: {  	[tilespmem:s0+$0xFFFFFFD0] =	vst v0;
	s7 =	simm.s32 $0x1  }
0x3f: {  	s0 =	simm.s32 $0xC880;
	_ =	swait.ge [sflag:s7], $0xC800  }
0x40: {  	s2 =	simm.s32 $0x10;
	[sflag:s7] =	ssyncset.done $0x0;
	s5 =	rddreg [dreg:$0x2]  }
0x41: {  	s3 =	simm.s32 $0xC980;
	[sflag:s7] =	ssyncadd.s32 $0xFFFF3800;
	s4 =	sadd.s32 $0x0, s5  }
.LBB2_8:
0x42: {  	[tilespmem:s0], [sflag:$0x3] =	stream.linear.gather [hbm4b:s4+s1], $0x80, $0x38;
	[tilespmem:$0x1C800] =	vst v63  }
0x43: {  	s4 =	smov.u32 s2;
	s0 =	smov.u32 s3;
	p0 =	sne.s32 s2, $0x1B0  }
.Ltmp3:
0x44: {  	s2 =	sadd.s32 $0x10, s2;
	(pc) =	sbr.rel @p0 .LBB2_8-.Ltmp3, $2  }
0x45: {  	_ =	sdelay $0x2  }
0x46: {  	s3 =	sadd.s32 $0x100, s3;
	s4 =	sadd.s32 s4, s5  }
0x47: {  	[tilespmem:s0], [sflag:$0x3] =	stream.linear.gather [hbm4b:s4+s1], $0x80, $0x38;
	[tilespmem:$0x1C800] =	vst v63  }
0x48: {  	s0 =	simm.s32 $0xE480;
	s5 =	rddreg [dreg:$0x3]  }
0x49: {  	s2 =	simm.s32 $0x10;
	s3 =	simm.s32 $0xE580;
	s4 =	sadd.s32 $0x0, s5  }
.LBB2_10:
0x4a: {  	[tilespmem:s0], [sflag:$0x5] =	stream.linear.gather [hbm4b:s4+s1], $0x80, $0x38;
	[tilespmem:$0x1C800] =	vst v63  }
0x4b: {  	s4 =	smov.u32 s2;
	s0 =	smov.u32 s3;
	p0 =	sne.s32 s2, $0x1B0  }
.Ltmp4:
0x4c: {  	s2 =	sadd.s32 $0x10, s2;
	(pc) =	sbr.rel @p0 .LBB2_10-.Ltmp4, $2  }
0x4d: {  	_ =	sdelay $0x2  }
0x4e: {  	s3 =	sadd.s32 $0x100, s3;
	s4 =	sadd.s32 s4, s5  }
0x4f: {  	[tilespmem:s0], [sflag:$0x5] =	stream.linear.gather [hbm4b:s4+s1], $0x80, $0x38;
	[tilespmem:$0x1C800] =	vst v63  }
0x50: {  	s6 =	simm.s32 $0x2  }
0x51: {  	_ =	swait.ge [sflag:s6], $0xE00  }
0x52: {  	[sflag:s6] =	ssyncset.done $0x0  }
0x53: {  	s7 =	simm.s32 $0x4;
	[sflag:s6] =	ssyncadd.s32 $0xFFFFF200  }
0x54: {  	_ =	swait.ge [sflag:s7], $0xE00  }
0x55: {  	[sflag:s7] =	ssyncset.done $0x0  }
0x56: {  	s2 =	simm.s32 $0xC840;
	[sflag:s7] =	ssyncadd.s32 $0xFFFFF200  }
0x57: {  	v1 =	vld [tilespmem:s2+$0x30]  }
0x58: {  	v2 =	vld [tilespmem:s2+$0xFFFFFFC0]  }
0x59: {  	v3 =	vld [tilespmem:s2+$0xFFFFFFD0]  }
0x5a: {  	v4 =	vld [tilespmem:s2+$0xFFFFFFE0]  }
0x5b: {  	v5 =	vld [tilespmem:s2+$0xFFFFFFF0]  }
0x5c: {  	s0 =	simm.s32 $0xE440;
	v6 =	vld [tilespmem:s2+$0x0]  }
0x5d: {  	v7 =	vld [tilespmem:s0+$0x30]  }
0x5e: {  	v8 =	vld [tilespmem:s2+$0x10]  }
0x5f: {  	v10 =	vld [tilespmem:s2+$0x20]  }
0x60: {  	v62 =	vld [tilespmem:s0+$0xFFFFFFD0]  }
0x61: {  	v63 =	vld [tilespmem:s0+$0xFFFFFFE0]  }
0x62: {  	v11 =	vld [tilespmem:s0+$0xFFFFFFF0]  }
0x63: {  	v12 =	vld [tilespmem:s0+$0x0]  }
0x64: {  	v13 =	vld [tilespmem:s0+$0x10]  }
0x65: {  	v14 =	vld [tilespmem:s0+$0x20]  }
0x66: {  	v9 =	vld.idx.msk [tilespmem:v1+s1+$0x0], $0xffff  }
0x67: {  	v1 =	vld.idx.msk [tilespmem:v2+s1+$0x0], $0xffff  }
0x68: {  	v3 =	vld.idx.msk [tilespmem:v3+s1+$0x0], $0xffff  }
0x69: {  	v4 =	vld.idx.msk [tilespmem:v4+s1+$0x0], $0xffff  }
0x6a: {  	v5 =	vld.idx.msk [tilespmem:v5+s1+$0x0], $0xffff  }
0x6b: {  	v6 =	vld.idx.msk [tilespmem:v6+s1+$0x0], $0xffff  }
0x6c: {  	v61 =	vld.idx.msk [tilespmem:v8+s1+$0x0], $0xffff  }
0x6d: {  	v10 =	vld.idx.msk [tilespmem:v10+s1+$0x0], $0xffff  }
0x6e: {  	v2 =	vld [tilespmem:s0+$0xFFFFFFC0]  }
0x6f: {  	[tilespmem:v7+s25+$0x0] =	vst.idx.add.f32.msk $0xffff, v9  }
0x70: {  	[tilespmem:v62+s25+$0x0] =	vst.idx.add.f32.msk $0xffff, v3  }
0x71: {  	[tilespmem:v63+s25+$0x0] =	vst.idx.add.f32.msk $0xffff, v4  }
0x72: {  	[tilespmem:v11+s25+$0x0] =	vst.idx.add.f32.msk $0xffff, v5  }
0x73: {  	[tilespmem:v12+s25+$0x0] =	vst.idx.add.f32.msk $0xffff, v6  }
0x74: {  	[tilespmem:v13+s25+$0x0] =	vst.idx.add.f32.msk $0xffff, v61  }
0x75: {  	s3 =	simm.s32 $0xC940;
	s2 =	simm.s32 $0x0;
	[tilespmem:v14+s25+$0x0] =	vst.idx.add.f32.msk $0xffff, v10  }
.LBB2_12:
0x76: {  	v3 =	vld [tilespmem:s3+$0x30];
	s2 =	sadd.s32 $0x80, s2  }
0x77: {  	v4 =	vld [tilespmem:s3+$0xFFFFFFC0];
	p0 =	slt.u32 s2, $0xD80  }
0x78: {  	v5 =	vld [tilespmem:s3+$0xFFFFFFD0]  }
0x79: {  	v6 =	vld [tilespmem:s3+$0xFFFFFFE0]  }
0x7a: {  	v7 =	vld [tilespmem:s3+$0xFFFFFFF0]  }
0x7b: {  	s0 =	sadd.s32 $0x100, s0;
	v8 =	vld [tilespmem:s3+$0x0]  }
0x7c: {  	v9 =	vld [tilespmem:s0+$0x30]  }
0x7d: {  	v10 =	vld [tilespmem:s3+$0x10]  }
0x7e: {  	v3 =	vld.idx.msk [tilespmem:v3+s1+$0x0], $0xffff  }
0x7f: {  	v11 =	vld [tilespmem:s3+$0x20]  }
0x80: {  	v4 =	vld.idx.msk [tilespmem:v4+s1+$0x0], $0xffff  }
0x81: {  	v5 =	vld.idx.msk [tilespmem:v5+s1+$0x0], $0xffff  }
0x82: {  	v6 =	vld.idx.msk [tilespmem:v6+s1+$0x0], $0xffff  }
0x83: {  	v7 =	vld.idx.msk [tilespmem:v7+s1+$0x0], $0xffff  }
0x84: {  	[tilespmem:v9+s25+$0x0] =	vst.idx.add.f32.msk $0xffff, v3  }
0x85: {  	v3 =	vld.idx.msk [tilespmem:v8+s1+$0x0], $0xffff  }
0x86: {  	v8 =	vld.idx.msk [tilespmem:v10+s1+$0x0], $0xffff  }
0x87: {  	v9 =	vld.idx.msk [tilespmem:v11+s1+$0x0], $0xffff  }
0x88: {  	v10 =	vld [tilespmem:s0+$0xFFFFFFD0]  }
0x89: {  	v11 =	vld [tilespmem:s0+$0xFFFFFFE0]  }
0x8a: {  	v12 =	vld [tilespmem:s0+$0xFFFFFFF0]  }
0x8b: {  	v13 =	vld [tilespmem:s0+$0x0]  }
0x8c: {  	v14 =	vld [tilespmem:s0+$0x10]  }
0x8d: {  	v15 =	vld [tilespmem:s0+$0x20]  }
0x8e: {  	v16 =	vld [tilespmem:s0+$0xFFFFFFC0]  }
0x8f: {  	[tilespmem:v2+s25+$0x0] =	vst.idx.add.f32.msk $0xffff, v1;
	v1 =	vmov v4  }
0x90: {  	[tilespmem:v10+s25+$0x0] =	vst.idx.add.f32.msk $0xffff, v5  }
.Ltmp5:
0x91: {  	[tilespmem:v11+s25+$0x0] =	vst.idx.add.f32.msk $0xffff, v6;
	(pc) =	sbr.rel @p0 .LBB2_12-.Ltmp5, $4  }
0x92: {  	[tilespmem:v12+s25+$0x0] =	vst.idx.add.f32.msk $0xffff, v7  }
0x93: {  	[tilespmem:v13+s25+$0x0] =	vst.idx.add.f32.msk $0xffff, v3;
	v2 =	vmov v16  }
0x94: {  	[tilespmem:v14+s25+$0x0] =	vst.idx.add.f32.msk $0xffff, v8  }
0x95: {  	s3 =	sadd.s32 $0x100, s3;
	[tilespmem:v15+s25+$0x0] =	vst.idx.add.f32.msk $0xffff, v9  }
0x96: {  	_ =	sdelay $0x3  }
0x97: {  	[tilespmem:v2+s25+$0x0] =	vst.idx.add.f32.msk $0xffff, v1  }
0x98: {  	s0 =	simm.s32 $0xC800;
	s6 =	rddreg [dreg:$0x4]  }
0x99: {  	s2 =	simm.s32 $0x10;
	s3 =	simm.s32 $0xC900;
	s4 =	sadd.s32 $0x0, s6  }
.LBB2_14:
0x9a: {  	[tilespmem:s0], [sflag:$0x2] =	stream.linear.gather [hbm4b:s4+s1], $0x80, $0x38;
	[tilespmem:$0x1C800] =	vst v63  }
0x9b: {  	s4 =	smov.u32 s2;
	s0 =	smov.u32 s3;
	p0 =	sne.s32 s2, $0x1B0  }
.Ltmp6:
0x9c: {  	s2 =	sadd.s32 $0x10, s2;
	(pc) =	sbr.rel @p0 .LBB2_14-.Ltmp6, $2  }
0x9d: {  	_ =	sdelay $0x2  }
0x9e: {  	s3 =	sadd.s32 $0x100, s3;
	s4 =	sadd.s32 s4, s6  }
0x9f: {  	[tilespmem:s0], [sflag:$0x2] =	stream.linear.gather [hbm4b:s4+s1], $0x80, $0x38;
	[tilespmem:$0x1C800] =	vst v63  }
0xa0: {  	s0 =	simm.s32 $0xE400;
	s6 =	rddreg [dreg:$0x5]  }
0xa1: {  	s2 =	simm.s32 $0x10;
	s3 =	simm.s32 $0xE500;
	s4 =	sadd.s32 $0x0, s6  }
.LBB2_16:
0xa2: {  	[tilespmem:s0], [sflag:$0x4] =	stream.linear.gather [hbm4b:s4+s1], $0x80, $0x38;
	[tilespmem:$0x1C800] =	vst v63  }
0xa3: {  	s4 =	smov.u32 s2;
	s0 =	smov.u32 s3;
	p0 =	sne.s32 s2, $0x1B0  }
.Ltmp7:
0xa4: {  	s2 =	sadd.s32 $0x10, s2;
	(pc) =	sbr.rel @p0 .LBB2_16-.Ltmp7, $2  }
0xa5: {  	_ =	sdelay $0x2  }
0xa6: {  	s3 =	sadd.s32 $0x100, s3;
	s4 =	sadd.s32 s4, s6  }
0xa7: {  	[tilespmem:s0], [sflag:$0x4] =	stream.linear.gather [hbm4b:s4+s1], $0x80, $0x38;
	[tilespmem:$0x1C800] =	vst v63  }
0xa8: {  	s6 =	simm.s32 $0x3  }
0xa9: {  	_ =	swait.ge [sflag:s6], $0xE00  }
0xaa: {  	[sflag:s6] =	ssyncset.done $0x0  }
0xab: {  	s7 =	simm.s32 $0x5;
	[sflag:s6] =	ssyncadd.s32 $0xFFFFF200  }
0xac: {  	_ =	swait.ge [sflag:s7], $0xE00  }
0xad: {  	[sflag:s7] =	ssyncset.done $0x0  }
0xae: {  	s2 =	simm.s32 $0xC8F0;
	[sflag:s7] =	ssyncadd.s32 $0xFFFFF200  }
0xaf: {  	v1 =	vld [tilespmem:s2+$0x0]  }
0xb0: {  	v2 =	vld [tilespmem:s2+$0xFFFFFF90]  }
0xb1: {  	v3 =	vld [tilespmem:s2+$0xFFFFFFA0]  }
0xb2: {  	v4 =	vld [tilespmem:s2+$0xFFFFFFB0]  }
0xb3: {  	v5 =	vld [tilespmem:s2+$0xFFFFFFC0]  }
0xb4: {  	s0 =	simm.s32 $0xE4F0;
	v6 =	vld [tilespmem:s2+$0xFFFFFFD0]  }
0xb5: {  	v7 =	vld [tilespmem:s0+$0x0]  }
0xb6: {  	v8 =	vld [tilespmem:s2+$0xFFFFFFE0]  }
0xb7: {  	v10 =	vld [tilespmem:s2+$0xFFFFFFF0]  }
0xb8: {  	v62 =	vld [tilespmem:s0+$0xFFFFFFA0]  }
0xb9: {  	v63 =	vld [tilespmem:s0+$0xFFFFFFB0]  }
0xba: {  	v11 =	vld [tilespmem:s0+$0xFFFFFFC0]  }
0xbb: {  	v12 =	vld [tilespmem:s0+$0xFFFFFFD0]  }
0xbc: {  	v13 =	vld [tilespmem:s0+$0xFFFFFFE0]  }
0xbd: {  	v14 =	vld [tilespmem:s0+$0xFFFFFFF0]  }
0xbe: {  	v9 =	vld.idx.msk [tilespmem:v1+s1+$0x0], $0xffff  }
0xbf: {  	v1 =	vld.idx.msk [tilespmem:v2+s1+$0x0], $0xffff  }
0xc0: {  	v3 =	vld.idx.msk [tilespmem:v3+s1+$0x0], $0xffff  }
0xc1: {  	v4 =	vld.idx.msk [tilespmem:v4+s1+$0x0], $0xffff  }
0xc2: {  	v5 =	vld.idx.msk [tilespmem:v5+s1+$0x0], $0xffff  }
0xc3: {  	v6 =	vld.idx.msk [tilespmem:v6+s1+$0x0], $0xffff  }
0xc4: {  	v61 =	vld.idx.msk [tilespmem:v8+s1+$0x0], $0xffff  }
0xc5: {  	v10 =	vld.idx.msk [tilespmem:v10+s1+$0x0], $0xffff  }
0xc6: {  	v2 =	vld [tilespmem:s0+$0xFFFFFF90]  }
0xc7: {  	[tilespmem:v7+s25+$0x0] =	vst.idx.add.f32.msk $0xffff, v9  }
0xc8: {  	[tilespmem:v62+s25+$0x0] =	vst.idx.add.f32.msk $0xffff, v3  }
0xc9: {  	[tilespmem:v63+s25+$0x0] =	vst.idx.add.f32.msk $0xffff, v4  }
0xca: {  	[tilespmem:v11+s25+$0x0] =	vst.idx.add.f32.msk $0xffff, v5  }
0xcb: {  	[tilespmem:v12+s25+$0x0] =	vst.idx.add.f32.msk $0xffff, v6  }
0xcc: {  	[tilespmem:v13+s25+$0x0] =	vst.idx.add.f32.msk $0xffff, v61  }
0xcd: {  	s3 =	simm.s32 $0xC9F0;
	s2 =	simm.s32 $0x0;
	[tilespmem:v14+s25+$0x0] =	vst.idx.add.f32.msk $0xffff, v10  }
.LBB2_18:
0xce: {  	v3 =	vld [tilespmem:s3+$0x0];
	s2 =	sadd.s32 $0x80, s2  }
0xcf: {  	v4 =	vld [tilespmem:s3+$0xFFFFFF90];
	p0 =	slt.u32 s2, $0xD80  }
0xd0: {  	v5 =	vld [tilespmem:s3+$0xFFFFFFA0]  }
0xd1: {  	v6 =	vld [tilespmem:s3+$0xFFFFFFB0]  }
0xd2: {  	v7 =	vld [tilespmem:s3+$0xFFFFFFC0]  }
0xd3: {  	s0 =	sadd.s32 $0x100, s0;
	v8 =	vld [tilespmem:s3+$0xFFFFFFD0]  }
0xd4: {  	v9 =	vld [tilespmem:s0+$0x0]  }
0xd5: {  	v10 =	vld [tilespmem:s3+$0xFFFFFFE0]  }
0xd6: {  	v3 =	vld.idx.msk [tilespmem:v3+s1+$0x0], $0xffff  }
0xd7: {  	v11 =	vld [tilespmem:s3+$0xFFFFFFF0]  }
0xd8: {  	v4 =	vld.idx.msk [tilespmem:v4+s1+$0x0], $0xffff  }
0xd9: {  	v5 =	vld.idx.msk [tilespmem:v5+s1+$0x0], $0xffff  }
0xda: {  	v6 =	vld.idx.msk [tilespmem:v6+s1+$0x0], $0xffff  }
0xdb: {  	v7 =	vld.idx.msk [tilespmem:v7+s1+$0x0], $0xffff  }
0xdc: {  	[tilespmem:v9+s25+$0x0] =	vst.idx.add.f32.msk $0xffff, v3  }
0xdd: {  	v3 =	vld.idx.msk [tilespmem:v8+s1+$0x0], $0xffff  }
0xde: {  	v8 =	vld.idx.msk [tilespmem:v10+s1+$0x0], $0xffff  }
0xdf: {  	v9 =	vld.idx.msk [tilespmem:v11+s1+$0x0], $0xffff  }
0xe0: {  	v10 =	vld [tilespmem:s0+$0xFFFFFFA0]  }
0xe1: {  	v11 =	vld [tilespmem:s0+$0xFFFFFFB0]  }
0xe2: {  	v12 =	vld [tilespmem:s0+$0xFFFFFFC0]  }
0xe3: {  	v13 =	vld [tilespmem:s0+$0xFFFFFFD0]  }
0xe4: {  	v14 =	vld [tilespmem:s0+$0xFFFFFFE0]  }
0xe5: {  	v15 =	vld [tilespmem:s0+$0xFFFFFFF0]  }
0xe6: {  	v16 =	vld [tilespmem:s0+$0xFFFFFF90]  }
0xe7: {  	[tilespmem:v2+s25+$0x0] =	vst.idx.add.f32.msk $0xffff, v1;
	v1 =	vmov v4  }
0xe8: {  	[tilespmem:v10+s25+$0x0] =	vst.idx.add.f32.msk $0xffff, v5  }
.Ltmp8:
0xe9: {  	[tilespmem:v11+s25+$0x0] =	vst.idx.add.f32.msk $0xffff, v6;
	(pc) =	sbr.rel @p0 .LBB2_18-.Ltmp8, $4  }
0xea: {  	[tilespmem:v12+s25+$0x0] =	vst.idx.add.f32.msk $0xffff, v7  }
0xeb: {  	[tilespmem:v13+s25+$0x0] =	vst.idx.add.f32.msk $0xffff, v3;
	v2 =	vmov v16  }
0xec: {  	[tilespmem:v14+s25+$0x0] =	vst.idx.add.f32.msk $0xffff, v8  }
0xed: {  	s3 =	sadd.s32 $0x100, s3;
	[tilespmem:v15+s25+$0x0] =	vst.idx.add.f32.msk $0xffff, v9  }
0xee: {  	_ =	sdelay $0x3  }
0xef: {  	[tilespmem:v2+s25+$0x0] =	vst.idx.add.f32.msk $0xffff, v1  }
0xf0: {  	s0 =	simm.s32 $0xC880;
	s7 =	rddreg [dreg:$0x6]  }
0xf1: {  	s2 =	simm.s32 $0x10;
	s3 =	simm.s32 $0xC980;
	s4 =	sadd.s32 $0x0, s7  }
.LBB2_20:
0xf2: {  	[tilespmem:s0], [sflag:$0x3] =	stream.linear.gather [hbm4b:s4+s1], $0x80, $0x38;
	[tilespmem:$0x1C800] =	vst v63  }
0xf3: {  	s4 =	smov.u32 s2;
	s0 =	smov.u32 s3;
	p0 =	sne.s32 s2, $0x1B0  }
.Ltmp9:
0xf4: {  	s2 =	sadd.s32 $0x10, s2;
	(pc) =	sbr.rel @p0 .LBB2_20-.Ltmp9, $2  }
0xf5: {  	_ =	sdelay $0x2  }
0xf6: {  	s3 =	sadd.s32 $0x100, s3;
	s4 =	sadd.s32 s4, s7  }
0xf7: {  	[tilespmem:s0], [sflag:$0x3] =	stream.linear.gather [hbm4b:s4+s1], $0x80, $0x38;
	[tilespmem:$0x1C800] =	vst v63  }
0xf8: {  	s0 =	simm.s32 $0xE480;
	s7 =	rddreg [dreg:$0x7]  }
0xf9: {  	s2 =	simm.s32 $0x10;
	s3 =	simm.s32 $0xE580;
	s4 =	sadd.s32 $0x0, s7  }
.LBB2_22:
0xfa: {  	[tilespmem:s0], [sflag:$0x5] =	stream.linear.gather [hbm4b:s4+s1], $0x80, $0x38;
	[tilespmem:$0x1C800] =	vst v63  }
0xfb: {  	s4 =	smov.u32 s2;
	s0 =	smov.u32 s3;
	p0 =	sne.s32 s2, $0x1B0  }
.Ltmp10:
0xfc: {  	s2 =	sadd.s32 $0x10, s2;
	(pc) =	sbr.rel @p0 .LBB2_22-.Ltmp10, $2  }
0xfd: {  	_ =	sdelay $0x2  }
0xfe: {  	s3 =	sadd.s32 $0x100, s3;
	s4 =	sadd.s32 s4, s7  }
0xff: {  	[tilespmem:s0], [sflag:$0x5] =	stream.linear.gather [hbm4b:s4+s1], $0x80, $0x38;
	[tilespmem:$0x1C800] =	vst v63  }
0x100: {  	s6 =	simm.s32 $0x2  }
0x101: {  	_ =	swait.ge [sflag:s6], $0xE00  }
0x102: {  	[sflag:s6] =	ssyncset.done $0x0  }
0x103: {  	s7 =	simm.s32 $0x4;
	[sflag:s6] =	ssyncadd.s32 $0xFFFFF200  }
0x104: {  	_ =	swait.ge [sflag:s7], $0xE00  }
0x105: {  	[sflag:s7] =	ssyncset.done $0x0  }
0x106: {  	s2 =	simm.s32 $0xC840;
	[sflag:s7] =	ssyncadd.s32 $0xFFFFF200  }
0x107: {  	v1 =	vld [tilespmem:s2+$0x30]  }
0x108: {  	v2 =	vld [tilespmem:s2+$0xFFFFFFC0]  }
0x109: {  	v3 =	vld [tilespmem:s2+$0xFFFFFFD0]  }
0x10a: {  	v4 =	vld [tilespmem:s2+$0xFFFFFFE0]  }
0x10b: {  	v5 =	vld [tilespmem:s2+$0xFFFFFFF0]  }
0x10c: {  	s0 =	simm.s32 $0xE440;
	v6 =	vld [tilespmem:s2+$0x0]  }
0x10d: {  	v7 =	vld [tilespmem:s0+$0x30]  }
0x10e: {  	v8 =	vld [tilespmem:s2+$0x10]  }
0x10f: {  	v10 =	vld [tilespmem:s2+$0x20]  }
0x110: {  	v62 =	vld [tilespmem:s0+$0xFFFFFFD0]  }
0x111: {  	v63 =	vld [tilespmem:s0+$0xFFFFFFE0]  }
0x112: {  	v11 =	vld [tilespmem:s0+$0xFFFFFFF0]  }
0x113: {  	v12 =	vld [tilespmem:s0+$0x0]  }
0x114: {  	v13 =	vld [tilespmem:s0+$0x10]  }
0x115: {  	v14 =	vld [tilespmem:s0+$0x20]  }
0x116: {  	v9 =	vld.idx.msk [tilespmem:v1+s1+$0x0], $0xffff  }
0x117: {  	v1 =	vld.idx.msk [tilespmem:v2+s1+$0x0], $0xffff  }
0x118: {  	v3 =	vld.idx.msk [tilespmem:v3+s1+$0x0], $0xffff  }
0x119: {  	v4 =	vld.idx.msk [tilespmem:v4+s1+$0x0], $0xffff  }
0x11a: {  	v5 =	vld.idx.msk [tilespmem:v5+s1+$0x0], $0xffff  }
0x11b: {  	v6 =	vld.idx.msk [tilespmem:v6+s1+$0x0], $0xffff  }
0x11c: {  	v61 =	vld.idx.msk [tilespmem:v8+s1+$0x0], $0xffff  }
0x11d: {  	v10 =	vld.idx.msk [tilespmem:v10+s1+$0x0], $0xffff  }
0x11e: {  	v2 =	vld [tilespmem:s0+$0xFFFFFFC0]  }
0x11f: {  	[tilespmem:v7+s25+$0x0] =	vst.idx.add.f32.msk $0xffff, v9  }
0x120: {  	[tilespmem:v62+s25+$0x0] =	vst.idx.add.f32.msk $0xffff, v3  }
0x121: {  	[tilespmem:v63+s25+$0x0] =	vst.idx.add.f32.msk $0xffff, v4  }
0x122: {  	[tilespmem:v11+s25+$0x0] =	vst.idx.add.f32.msk $0xffff, v5  }
0x123: {  	[tilespmem:v12+s25+$0x0] =	vst.idx.add.f32.msk $0xffff, v6  }
0x124: {  	[tilespmem:v13+s25+$0x0] =	vst.idx.add.f32.msk $0xffff, v61  }
0x125: {  	s3 =	simm.s32 $0xC940;
	s2 =	simm.s32 $0x0;
	[tilespmem:v14+s25+$0x0] =	vst.idx.add.f32.msk $0xffff, v10  }
.LBB2_24:
0x126: {  	v3 =	vld [tilespmem:s3+$0x30];
	s2 =	sadd.s32 $0x80, s2  }
0x127: {  	v4 =	vld [tilespmem:s3+$0xFFFFFFC0];
	p0 =	slt.u32 s2, $0xD80  }
0x128: {  	v5 =	vld [tilespmem:s3+$0xFFFFFFD0]  }
0x129: {  	v6 =	vld [tilespmem:s3+$0xFFFFFFE0]  }
0x12a: {  	v7 =	vld [tilespmem:s3+$0xFFFFFFF0]  }
0x12b: {  	s0 =	sadd.s32 $0x100, s0;
	v8 =	vld [tilespmem:s3+$0x0]  }
0x12c: {  	v9 =	vld [tilespmem:s0+$0x30]  }
0x12d: {  	v10 =	vld [tilespmem:s3+$0x10]  }
0x12e: {  	v3 =	vld.idx.msk [tilespmem:v3+s1+$0x0], $0xffff  }
0x12f: {  	v11 =	vld [tilespmem:s3+$0x20]  }
0x130: {  	v4 =	vld.idx.msk [tilespmem:v4+s1+$0x0], $0xffff  }
0x131: {  	v5 =	vld.idx.msk [tilespmem:v5+s1+$0x0], $0xffff  }
0x132: {  	v6 =	vld.idx.msk [tilespmem:v6+s1+$0x0], $0xffff  }
0x133: {  	v7 =	vld.idx.msk [tilespmem:v7+s1+$0x0], $0xffff  }
0x134: {  	[tilespmem:v9+s25+$0x0] =	vst.idx.add.f32.msk $0xffff, v3  }
0x135: {  	v3 =	vld.idx.msk [tilespmem:v8+s1+$0x0], $0xffff  }
0x136: {  	v8 =	vld.idx.msk [tilespmem:v10+s1+$0x0], $0xffff  }
0x137: {  	v9 =	vld.idx.msk [tilespmem:v11+s1+$0x0], $0xffff  }
0x138: {  	v10 =	vld [tilespmem:s0+$0xFFFFFFD0]  }
0x139: {  	v11 =	vld [tilespmem:s0+$0xFFFFFFE0]  }
0x13a: {  	v12 =	vld [tilespmem:s0+$0xFFFFFFF0]  }
0x13b: {  	v13 =	vld [tilespmem:s0+$0x0]  }
0x13c: {  	v14 =	vld [tilespmem:s0+$0x10]  }
0x13d: {  	v15 =	vld [tilespmem:s0+$0x20]  }
0x13e: {  	v16 =	vld [tilespmem:s0+$0xFFFFFFC0]  }
0x13f: {  	[tilespmem:v2+s25+$0x0] =	vst.idx.add.f32.msk $0xffff, v1;
	v1 =	vmov v4  }
0x140: {  	[tilespmem:v10+s25+$0x0] =	vst.idx.add.f32.msk $0xffff, v5  }
.Ltmp11:
0x141: {  	[tilespmem:v11+s25+$0x0] =	vst.idx.add.f32.msk $0xffff, v6;
	(pc) =	sbr.rel @p0 .LBB2_24-.Ltmp11, $4  }
0x142: {  	[tilespmem:v12+s25+$0x0] =	vst.idx.add.f32.msk $0xffff, v7  }
0x143: {  	[tilespmem:v13+s25+$0x0] =	vst.idx.add.f32.msk $0xffff, v3;
	v2 =	vmov v16  }
0x144: {  	[tilespmem:v14+s25+$0x0] =	vst.idx.add.f32.msk $0xffff, v8  }
0x145: {  	s3 =	sadd.s32 $0x100, s3;
	[tilespmem:v15+s25+$0x0] =	vst.idx.add.f32.msk $0xffff, v9  }
0x146: {  	_ =	sdelay $0x2  }
0x147: {  	s0 =	simm.s32 $0xC800  }
0x148: {  	[tilespmem:v2+s25+$0x0] =	vst.idx.add.f32.msk $0xffff, v1;
	s2 =	simm.s32 $0x10;
	s4 =	sadd.s32 $0x0, s8;
	s3 =	simm.s32 $0xC900  }
.LBB2_26:
0x149: {  	[tilespmem:s0], [sflag:$0x2] =	stream.linear.gather [hbm4b:s4+s1], $0x80, $0x38;
	[tilespmem:$0x1C800] =	vst v63  }
0x14a: {  	s4 =	smov.u32 s2;
	s0 =	smov.u32 s3;
	p0 =	sne.s32 s2, $0x1B0  }
.Ltmp12:
0x14b: {  	s2 =	sadd.s32 $0x10, s2;
	(pc) =	sbr.rel @p0 .LBB2_26-.Ltmp12, $2  }
0x14c: {  	_ =	sdelay $0x2  }
0x14d: {  	s3 =	sadd.s32 $0x100, s3;
	s4 =	sadd.s32 s4, s8  }
0x14e: {  	[tilespmem:s0], [sflag:$0x2] =	stream.linear.gather [hbm4b:s4+s1], $0x80, $0x38;
	[tilespmem:$0x1C800] =	vst v63  }
0x14f: {  	s0 =	simm.s32 $0xE400  }
0x150: {  	s2 =	simm.s32 $0x10;
	s4 =	sadd.s32 $0x0, s9;
	s3 =	simm.s32 $0xE500  }
.LBB2_28:
0x151: {  	[tilespmem:s0], [sflag:$0x4] =	stream.linear.gather [hbm4b:s4+s1], $0x80, $0x38;
	[tilespmem:$0x1C800] =	vst v63  }
0x152: {  	s4 =	smov.u32 s2;
	s0 =	smov.u32 s3;
	p0 =	sne.s32 s2, $0x1B0  }
.Ltmp13:
0x153: {  	s2 =	sadd.s32 $0x10, s2;
	(pc) =	sbr.rel @p0 .LBB2_28-.Ltmp13, $2  }
0x154: {  	_ =	sdelay $0x2  }
0x155: {  	s3 =	sadd.s32 $0x100, s3;
	s4 =	sadd.s32 s4, s9  }
0x156: {  	[tilespmem:s0], [sflag:$0x4] =	stream.linear.gather [hbm4b:s4+s1], $0x80, $0x38;
	[tilespmem:$0x1C800] =	vst v63  }
0x157: {  	s6 =	simm.s32 $0x3  }
0x158: {  	_ =	swait.ge [sflag:s6], $0xE00  }
0x159: {  	[sflag:s6] =	ssyncset.done $0x0  }
0x15a: {  	s7 =	simm.s32 $0x5;
	[sflag:s6] =	ssyncadd.s32 $0xFFFFF200  }
0x15b: {  	_ =	swait.ge [sflag:s7], $0xE00  }
0x15c: {  	[sflag:s7] =	ssyncset.done $0x0  }
0x15d: {  	s2 =	simm.s32 $0xC8F0;
	[sflag:s7] =	ssyncadd.s32 $0xFFFFF200  }
0x15e: {  	v1 =	vld [tilespmem:s2+$0x0]  }
0x15f: {  	v2 =	vld [tilespmem:s2+$0xFFFFFF90]  }
0x160: {  	v3 =	vld [tilespmem:s2+$0xFFFFFFA0]  }
0x161: {  	v4 =	vld [tilespmem:s2+$0xFFFFFFB0]  }
0x162: {  	v5 =	vld [tilespmem:s2+$0xFFFFFFC0]  }
0x163: {  	s0 =	simm.s32 $0xE4F0;
	v6 =	vld [tilespmem:s2+$0xFFFFFFD0]  }
0x164: {  	v7 =	vld [tilespmem:s0+$0x0]  }
0x165: {  	v8 =	vld [tilespmem:s2+$0xFFFFFFE0]  }
0x166: {  	v10 =	vld [tilespmem:s2+$0xFFFFFFF0]  }
0x167: {  	v62 =	vld [tilespmem:s0+$0xFFFFFFA0]  }
0x168: {  	v63 =	vld [tilespmem:s0+$0xFFFFFFB0]  }
0x169: {  	v11 =	vld [tilespmem:s0+$0xFFFFFFC0]  }
0x16a: {  	v12 =	vld [tilespmem:s0+$0xFFFFFFD0]  }
0x16b: {  	v13 =	vld [tilespmem:s0+$0xFFFFFFE0]  }
0x16c: {  	v14 =	vld [tilespmem:s0+$0xFFFFFFF0]  }
0x16d: {  	v9 =	vld.idx.msk [tilespmem:v1+s1+$0x0], $0xffff  }
0x16e: {  	v1 =	vld.idx.msk [tilespmem:v2+s1+$0x0], $0xffff  }
0x16f: {  	v3 =	vld.idx.msk [tilespmem:v3+s1+$0x0], $0xffff  }
0x170: {  	v4 =	vld.idx.msk [tilespmem:v4+s1+$0x0], $0xffff  }
0x171: {  	v5 =	vld.idx.msk [tilespmem:v5+s1+$0x0], $0xffff  }
0x172: {  	v6 =	vld.idx.msk [tilespmem:v6+s1+$0x0], $0xffff  }
0x173: {  	v61 =	vld.idx.msk [tilespmem:v8+s1+$0x0], $0xffff  }
0x174: {  	v10 =	vld.idx.msk [tilespmem:v10+s1+$0x0], $0xffff  }
0x175: {  	v2 =	vld [tilespmem:s0+$0xFFFFFF90]  }
0x176: {  	[tilespmem:v7+s25+$0x0] =	vst.idx.add.f32.msk $0xffff, v9  }
0x177: {  	[tilespmem:v62+s25+$0x0] =	vst.idx.add.f32.msk $0xffff, v3  }
0x178: {  	[tilespmem:v63+s25+$0x0] =	vst.idx.add.f32.msk $0xffff, v4  }
0x179: {  	[tilespmem:v11+s25+$0x0] =	vst.idx.add.f32.msk $0xffff, v5  }
0x17a: {  	[tilespmem:v12+s25+$0x0] =	vst.idx.add.f32.msk $0xffff, v6  }
0x17b: {  	[tilespmem:v13+s25+$0x0] =	vst.idx.add.f32.msk $0xffff, v61  }
0x17c: {  	s3 =	simm.s32 $0xC9F0;
	s2 =	simm.s32 $0x0;
	[tilespmem:v14+s25+$0x0] =	vst.idx.add.f32.msk $0xffff, v10  }
.LBB2_30:
0x17d: {  	v3 =	vld [tilespmem:s3+$0x0];
	s2 =	sadd.s32 $0x80, s2  }
0x17e: {  	v4 =	vld [tilespmem:s3+$0xFFFFFF90];
	p0 =	slt.u32 s2, $0xD80  }
0x17f: {  	v5 =	vld [tilespmem:s3+$0xFFFFFFA0]  }
0x180: {  	v6 =	vld [tilespmem:s3+$0xFFFFFFB0]  }
0x181: {  	v7 =	vld [tilespmem:s3+$0xFFFFFFC0]  }
0x182: {  	s0 =	sadd.s32 $0x100, s0;
	v8 =	vld [tilespmem:s3+$0xFFFFFFD0]  }
0x183: {  	v9 =	vld [tilespmem:s0+$0x0]  }
0x184: {  	v10 =	vld [tilespmem:s3+$0xFFFFFFE0]  }
0x185: {  	v3 =	vld.idx.msk [tilespmem:v3+s1+$0x0], $0xffff  }
0x186: {  	v11 =	vld [tilespmem:s3+$0xFFFFFFF0]  }
0x187: {  	v4 =	vld.idx.msk [tilespmem:v4+s1+$0x0], $0xffff  }
0x188: {  	v5 =	vld.idx.msk [tilespmem:v5+s1+$0x0], $0xffff  }
0x189: {  	v6 =	vld.idx.msk [tilespmem:v6+s1+$0x0], $0xffff  }
0x18a: {  	v7 =	vld.idx.msk [tilespmem:v7+s1+$0x0], $0xffff  }
0x18b: {  	[tilespmem:v9+s25+$0x0] =	vst.idx.add.f32.msk $0xffff, v3  }
0x18c: {  	v3 =	vld.idx.msk [tilespmem:v8+s1+$0x0], $0xffff  }
0x18d: {  	v8 =	vld.idx.msk [tilespmem:v10+s1+$0x0], $0xffff  }
0x18e: {  	v9 =	vld.idx.msk [tilespmem:v11+s1+$0x0], $0xffff  }
0x18f: {  	v10 =	vld [tilespmem:s0+$0xFFFFFFA0]  }
0x190: {  	v11 =	vld [tilespmem:s0+$0xFFFFFFB0]  }
0x191: {  	v12 =	vld [tilespmem:s0+$0xFFFFFFC0]  }
0x192: {  	v13 =	vld [tilespmem:s0+$0xFFFFFFD0]  }
0x193: {  	v14 =	vld [tilespmem:s0+$0xFFFFFFE0]  }
0x194: {  	v15 =	vld [tilespmem:s0+$0xFFFFFFF0]  }
0x195: {  	v16 =	vld [tilespmem:s0+$0xFFFFFF90]  }
0x196: {  	[tilespmem:v2+s25+$0x0] =	vst.idx.add.f32.msk $0xffff, v1;
	v1 =	vmov v4  }
0x197: {  	[tilespmem:v10+s25+$0x0] =	vst.idx.add.f32.msk $0xffff, v5  }
.Ltmp14:
0x198: {  	[tilespmem:v11+s25+$0x0] =	vst.idx.add.f32.msk $0xffff, v6;
	(pc) =	sbr.rel @p0 .LBB2_30-.Ltmp14, $4  }
0x199: {  	[tilespmem:v12+s25+$0x0] =	vst.idx.add.f32.msk $0xffff, v7  }
0x19a: {  	[tilespmem:v13+s25+$0x0] =	vst.idx.add.f32.msk $0xffff, v3;
	v2 =	vmov v16  }
0x19b: {  	[tilespmem:v14+s25+$0x0] =	vst.idx.add.f32.msk $0xffff, v8  }
0x19c: {  	s3 =	sadd.s32 $0x100, s3;
	[tilespmem:v15+s25+$0x0] =	vst.idx.add.f32.msk $0xffff, v9  }
0x19d: {  	_ =	sdelay $0x2  }
0x19e: {  	s0 =	simm.s32 $0xC880  }
0x19f: {  	[tilespmem:v2+s25+$0x0] =	vst.idx.add.f32.msk $0xffff, v1;
	s2 =	simm.s32 $0x10;
	s4 =	sadd.s32 $0x0, s10;
	s3 =	simm.s32 $0xC980  }
.LBB2_32:
0x1a0: {  	[tilespmem:s0], [sflag:$0x3] =	stream.linear.gather [hbm4b:s4+s1], $0x80, $0x38;
	[tilespmem:$0x1C800] =	vst v63  }
0x1a1: {  	s4 =	smov.u32 s2;
	s0 =	smov.u32 s3;
	p0 =	sne.s32 s2, $0x1B0  }
.Ltmp15:
0x1a2: {  	s2 =	sadd.s32 $0x10, s2;
	(pc) =	sbr.rel @p0 .LBB2_32-.Ltmp15, $2  }
0x1a3: {  	_ =	sdelay $0x2  }
0x1a4: {  	s3 =	sadd.s32 $0x100, s3;
	s4 =	sadd.s32 s4, s10  }
0x1a5: {  	[tilespmem:s0], [sflag:$0x3] =	stream.linear.gather [hbm4b:s4+s1], $0x80, $0x38;
	[tilespmem:$0x1C800] =	vst v63  }
0x1a6: {  	s0 =	simm.s32 $0xE480  }
0x1a7: {  	s2 =	simm.s32 $0x10;
	s4 =	sadd.s32 $0x0, s11;
	s3 =	simm.s32 $0xE580  }
.LBB2_34:
0x1a8: {  	[tilespmem:s0], [sflag:$0x5] =	stream.linear.gather [hbm4b:s4+s1], $0x80, $0x38;
	[tilespmem:$0x1C800] =	vst v63  }
0x1a9: {  	s4 =	smov.u32 s2;
	s0 =	smov.u32 s3;
	p0 =	sne.s32 s2, $0x1B0  }
.Ltmp16:
0x1aa: {  	s2 =	sadd.s32 $0x10, s2;
	(pc) =	sbr.rel @p0 .LBB2_34-.Ltmp16, $2  }
0x1ab: {  	_ =	sdelay $0x2  }
0x1ac: {  	s3 =	sadd.s32 $0x100, s3;
	s4 =	sadd.s32 s4, s11  }
0x1ad: {  	[tilespmem:s0], [sflag:$0x5] =	stream.linear.gather [hbm4b:s4+s1], $0x80, $0x38;
	[tilespmem:$0x1C800] =	vst v63  }
0x1ae: {  	s6 =	simm.s32 $0x2  }
0x1af: {  	_ =	swait.ge [sflag:s6], $0xE00  }
0x1b0: {  	[sflag:s6] =	ssyncset.done $0x0  }
0x1b1: {  	s7 =	simm.s32 $0x4;
	[sflag:s6] =	ssyncadd.s32 $0xFFFFF200  }
0x1b2: {  	_ =	swait.ge [sflag:s7], $0xE00  }
0x1b3: {  	[sflag:s7] =	ssyncset.done $0x0  }
0x1b4: {  	s2 =	simm.s32 $0xC840;
	[sflag:s7] =	ssyncadd.s32 $0xFFFFF200  }
0x1b5: {  	v1 =	vld [tilespmem:s2+$0x30]  }
0x1b6: {  	v2 =	vld [tilespmem:s2+$0xFFFFFFC0]  }
0x1b7: {  	v3 =	vld [tilespmem:s2+$0xFFFFFFD0]  }
0x1b8: {  	v4 =	vld [tilespmem:s2+$0xFFFFFFE0]  }
0x1b9: {  	v5 =	vld [tilespmem:s2+$0xFFFFFFF0]  }
0x1ba: {  	s0 =	simm.s32 $0xE440;
	v6 =	vld [tilespmem:s2+$0x0]  }
0x1bb: {  	v7 =	vld [tilespmem:s0+$0x30]  }
0x1bc: {  	v8 =	vld [tilespmem:s2+$0x10]  }
0x1bd: {  	v10 =	vld [tilespmem:s2+$0x20]  }
0x1be: {  	v62 =	vld [tilespmem:s0+$0xFFFFFFD0]  }
0x1bf: {  	v63 =	vld [tilespmem:s0+$0xFFFFFFE0]  }
0x1c0: {  	v11 =	vld [tilespmem:s0+$0xFFFFFFF0]  }
0x1c1: {  	v12 =	vld [tilespmem:s0+$0x0]  }
0x1c2: {  	v13 =	vld [tilespmem:s0+$0x10]  }
0x1c3: {  	v14 =	vld [tilespmem:s0+$0x20]  }
0x1c4: {  	v9 =	vld.idx.msk [tilespmem:v1+s1+$0x0], $0xffff  }
0x1c5: {  	v1 =	vld.idx.msk [tilespmem:v2+s1+$0x0], $0xffff  }
0x1c6: {  	v3 =	vld.idx.msk [tilespmem:v3+s1+$0x0], $0xffff  }
0x1c7: {  	v4 =	vld.idx.msk [tilespmem:v4+s1+$0x0], $0xffff  }
0x1c8: {  	v5 =	vld.idx.msk [tilespmem:v5+s1+$0x0], $0xffff  }
0x1c9: {  	v6 =	vld.idx.msk [tilespmem:v6+s1+$0x0], $0xffff  }
0x1ca: {  	v61 =	vld.idx.msk [tilespmem:v8+s1+$0x0], $0xffff  }
0x1cb: {  	v10 =	vld.idx.msk [tilespmem:v10+s1+$0x0], $0xffff  }
0x1cc: {  	v2 =	vld [tilespmem:s0+$0xFFFFFFC0]  }
0x1cd: {  	[tilespmem:v7+s25+$0x0] =	vst.idx.add.f32.msk $0xffff, v9  }
0x1ce: {  	[tilespmem:v62+s25+$0x0] =	vst.idx.add.f32.msk $0xffff, v3  }
0x1cf: {  	[tilespmem:v63+s25+$0x0] =	vst.idx.add.f32.msk $0xffff, v4  }
0x1d0: {  	[tilespmem:v11+s25+$0x0] =	vst.idx.add.f32.msk $0xffff, v5  }
0x1d1: {  	[tilespmem:v12+s25+$0x0] =	vst.idx.add.f32.msk $0xffff, v6  }
0x1d2: {  	[tilespmem:v13+s25+$0x0] =	vst.idx.add.f32.msk $0xffff, v61  }
0x1d3: {  	s3 =	simm.s32 $0xC940;
	s2 =	simm.s32 $0x0;
	[tilespmem:v14+s25+$0x0] =	vst.idx.add.f32.msk $0xffff, v10  }
.LBB2_36:
0x1d4: {  	v3 =	vld [tilespmem:s3+$0x30];
	s2 =	sadd.s32 $0x80, s2  }
0x1d5: {  	v4 =	vld [tilespmem:s3+$0xFFFFFFC0];
	p0 =	slt.u32 s2, $0xD80  }
0x1d6: {  	v5 =	vld [tilespmem:s3+$0xFFFFFFD0]  }
0x1d7: {  	v6 =	vld [tilespmem:s3+$0xFFFFFFE0]  }
0x1d8: {  	v7 =	vld [tilespmem:s3+$0xFFFFFFF0]  }
0x1d9: {  	s0 =	sadd.s32 $0x100, s0;
	v8 =	vld [tilespmem:s3+$0x0]  }
0x1da: {  	v9 =	vld [tilespmem:s0+$0x30]  }
0x1db: {  	v10 =	vld [tilespmem:s3+$0x10]  }
0x1dc: {  	v3 =	vld.idx.msk [tilespmem:v3+s1+$0x0], $0xffff  }
0x1dd: {  	v11 =	vld [tilespmem:s3+$0x20]  }
0x1de: {  	v4 =	vld.idx.msk [tilespmem:v4+s1+$0x0], $0xffff  }
0x1df: {  	v5 =	vld.idx.msk [tilespmem:v5+s1+$0x0], $0xffff  }
0x1e0: {  	v6 =	vld.idx.msk [tilespmem:v6+s1+$0x0], $0xffff  }
0x1e1: {  	v7 =	vld.idx.msk [tilespmem:v7+s1+$0x0], $0xffff  }
0x1e2: {  	[tilespmem:v9+s25+$0x0] =	vst.idx.add.f32.msk $0xffff, v3  }
0x1e3: {  	v3 =	vld.idx.msk [tilespmem:v8+s1+$0x0], $0xffff  }
0x1e4: {  	v8 =	vld.idx.msk [tilespmem:v10+s1+$0x0], $0xffff  }
0x1e5: {  	v9 =	vld.idx.msk [tilespmem:v11+s1+$0x0], $0xffff  }
0x1e6: {  	v10 =	vld [tilespmem:s0+$0xFFFFFFD0]  }
0x1e7: {  	v11 =	vld [tilespmem:s0+$0xFFFFFFE0]  }
0x1e8: {  	v12 =	vld [tilespmem:s0+$0xFFFFFFF0]  }
0x1e9: {  	v13 =	vld [tilespmem:s0+$0x0]  }
0x1ea: {  	v14 =	vld [tilespmem:s0+$0x10]  }
0x1eb: {  	v15 =	vld [tilespmem:s0+$0x20]  }
0x1ec: {  	v16 =	vld [tilespmem:s0+$0xFFFFFFC0]  }
0x1ed: {  	[tilespmem:v2+s25+$0x0] =	vst.idx.add.f32.msk $0xffff, v1;
	v1 =	vmov v4  }
0x1ee: {  	[tilespmem:v10+s25+$0x0] =	vst.idx.add.f32.msk $0xffff, v5  }
.Ltmp17:
0x1ef: {  	[tilespmem:v11+s25+$0x0] =	vst.idx.add.f32.msk $0xffff, v6;
	(pc) =	sbr.rel @p0 .LBB2_36-.Ltmp17, $4  }
0x1f0: {  	[tilespmem:v12+s25+$0x0] =	vst.idx.add.f32.msk $0xffff, v7  }
0x1f1: {  	[tilespmem:v13+s25+$0x0] =	vst.idx.add.f32.msk $0xffff, v3;
	v2 =	vmov v16  }
0x1f2: {  	[tilespmem:v14+s25+$0x0] =	vst.idx.add.f32.msk $0xffff, v8  }
0x1f3: {  	s3 =	sadd.s32 $0x100, s3;
	[tilespmem:v15+s25+$0x0] =	vst.idx.add.f32.msk $0xffff, v9  }
0x1f4: {  	_ =	sdelay $0x2  }
0x1f5: {  	s0 =	simm.s32 $0xC800  }
0x1f6: {  	[tilespmem:v2+s25+$0x0] =	vst.idx.add.f32.msk $0xffff, v1;
	s2 =	simm.s32 $0x10;
	s4 =	sadd.s32 $0x0, s12;
	s3 =	simm.s32 $0xC900  }
.LBB2_38:
0x1f7: {  	[tilespmem:s0], [sflag:$0x2] =	stream.linear.gather [hbm4b:s4+s1], $0x80, $0x38;
	[tilespmem:$0x1C800] =	vst v63  }
0x1f8: {  	s4 =	smov.u32 s2;
	s0 =	smov.u32 s3;
	p0 =	sne.s32 s2, $0x1B0  }
.Ltmp18:
0x1f9: {  	s2 =	sadd.s32 $0x10, s2;
	(pc) =	sbr.rel @p0 .LBB2_38-.Ltmp18, $2  }
0x1fa: {  	_ =	sdelay $0x2  }
0x1fb: {  	s3 =	sadd.s32 $0x100, s3;
	s4 =	sadd.s32 s4, s12  }
0x1fc: {  	[tilespmem:s0], [sflag:$0x2] =	stream.linear.gather [hbm4b:s4+s1], $0x80, $0x38;
	[tilespmem:$0x1C800] =	vst v63  }
0x1fd: {  	s0 =	simm.s32 $0xE400  }
0x1fe: {  	s2 =	simm.s32 $0x10;
	s4 =	sadd.s32 $0x0, s13;
	s3 =	simm.s32 $0xE500  }
.LBB2_40:
0x1ff: {  	[tilespmem:s0], [sflag:$0x4] =	stream.linear.gather [hbm4b:s4+s1], $0x80, $0x38;
	[tilespmem:$0x1C800] =	vst v63  }
0x200: {  	s4 =	smov.u32 s2;
	s0 =	smov.u32 s3;
	p0 =	sne.s32 s2, $0x1B0  }
.Ltmp19:
0x201: {  	s2 =	sadd.s32 $0x10, s2;
	(pc) =	sbr.rel @p0 .LBB2_40-.Ltmp19, $2  }
0x202: {  	_ =	sdelay $0x2  }
0x203: {  	s3 =	sadd.s32 $0x100, s3;
	s4 =	sadd.s32 s4, s13  }
0x204: {  	[tilespmem:s0], [sflag:$0x4] =	stream.linear.gather [hbm4b:s4+s1], $0x80, $0x38;
	[tilespmem:$0x1C800] =	vst v63  }
0x205: {  	s6 =	simm.s32 $0x3  }
0x206: {  	_ =	swait.ge [sflag:s6], $0xE00  }
0x207: {  	[sflag:s6] =	ssyncset.done $0x0  }
0x208: {  	s7 =	simm.s32 $0x5;
	[sflag:s6] =	ssyncadd.s32 $0xFFFFF200  }
0x209: {  	_ =	swait.ge [sflag:s7], $0xE00  }
0x20a: {  	[sflag:s7] =	ssyncset.done $0x0  }
0x20b: {  	s2 =	simm.s32 $0xC8F0;
	[sflag:s7] =	ssyncadd.s32 $0xFFFFF200  }
0x20c: {  	v1 =	vld [tilespmem:s2+$0x0]  }
0x20d: {  	v2 =	vld [tilespmem:s2+$0xFFFFFF90]  }
0x20e: {  	v3 =	vld [tilespmem:s2+$0xFFFFFFA0]  }
0x20f: {  	v4 =	vld [tilespmem:s2+$0xFFFFFFB0]  }
0x210: {  	v5 =	vld [tilespmem:s2+$0xFFFFFFC0]  }
0x211: {  	s0 =	simm.s32 $0xE4F0;
	v6 =	vld [tilespmem:s2+$0xFFFFFFD0]  }
0x212: {  	v7 =	vld [tilespmem:s0+$0x0]  }
0x213: {  	v8 =	vld [tilespmem:s2+$0xFFFFFFE0]  }
0x214: {  	v10 =	vld [tilespmem:s2+$0xFFFFFFF0]  }
0x215: {  	v62 =	vld [tilespmem:s0+$0xFFFFFFA0]  }
0x216: {  	v63 =	vld [tilespmem:s0+$0xFFFFFFB0]  }
0x217: {  	v11 =	vld [tilespmem:s0+$0xFFFFFFC0]  }
0x218: {  	v12 =	vld [tilespmem:s0+$0xFFFFFFD0]  }
0x219: {  	v13 =	vld [tilespmem:s0+$0xFFFFFFE0]  }
0x21a: {  	v14 =	vld [tilespmem:s0+$0xFFFFFFF0]  }
0x21b: {  	v9 =	vld.idx.msk [tilespmem:v1+s1+$0x0], $0xffff  }
0x21c: {  	v1 =	vld.idx.msk [tilespmem:v2+s1+$0x0], $0xffff  }
0x21d: {  	v3 =	vld.idx.msk [tilespmem:v3+s1+$0x0], $0xffff  }
0x21e: {  	v4 =	vld.idx.msk [tilespmem:v4+s1+$0x0], $0xffff  }
0x21f: {  	v5 =	vld.idx.msk [tilespmem:v5+s1+$0x0], $0xffff  }
0x220: {  	v6 =	vld.idx.msk [tilespmem:v6+s1+$0x0], $0xffff  }
0x221: {  	v61 =	vld.idx.msk [tilespmem:v8+s1+$0x0], $0xffff  }
0x222: {  	v10 =	vld.idx.msk [tilespmem:v10+s1+$0x0], $0xffff  }
0x223: {  	v2 =	vld [tilespmem:s0+$0xFFFFFF90]  }
0x224: {  	[tilespmem:v7+s25+$0x0] =	vst.idx.add.f32.msk $0xffff, v9  }
0x225: {  	[tilespmem:v62+s25+$0x0] =	vst.idx.add.f32.msk $0xffff, v3  }
0x226: {  	[tilespmem:v63+s25+$0x0] =	vst.idx.add.f32.msk $0xffff, v4  }
0x227: {  	[tilespmem:v11+s25+$0x0] =	vst.idx.add.f32.msk $0xffff, v5  }
0x228: {  	[tilespmem:v12+s25+$0x0] =	vst.idx.add.f32.msk $0xffff, v6  }
0x229: {  	[tilespmem:v13+s25+$0x0] =	vst.idx.add.f32.msk $0xffff, v61  }
0x22a: {  	s3 =	simm.s32 $0xC9F0;
	s2 =	simm.s32 $0x0;
	[tilespmem:v14+s25+$0x0] =	vst.idx.add.f32.msk $0xffff, v10  }
.LBB2_42:
0x22b: {  	v3 =	vld [tilespmem:s3+$0x0];
	s2 =	sadd.s32 $0x80, s2  }
0x22c: {  	v4 =	vld [tilespmem:s3+$0xFFFFFF90];
	p0 =	slt.u32 s2, $0xD80  }
0x22d: {  	v5 =	vld [tilespmem:s3+$0xFFFFFFA0]  }
0x22e: {  	v6 =	vld [tilespmem:s3+$0xFFFFFFB0]  }
0x22f: {  	v7 =	vld [tilespmem:s3+$0xFFFFFFC0]  }
0x230: {  	s0 =	sadd.s32 $0x100, s0;
	v8 =	vld [tilespmem:s3+$0xFFFFFFD0]  }
0x231: {  	v9 =	vld [tilespmem:s0+$0x0]  }
0x232: {  	v10 =	vld [tilespmem:s3+$0xFFFFFFE0]  }
0x233: {  	v3 =	vld.idx.msk [tilespmem:v3+s1+$0x0], $0xffff  }
0x234: {  	v11 =	vld [tilespmem:s3+$0xFFFFFFF0]  }
0x235: {  	v4 =	vld.idx.msk [tilespmem:v4+s1+$0x0], $0xffff  }
0x236: {  	v5 =	vld.idx.msk [tilespmem:v5+s1+$0x0], $0xffff  }
0x237: {  	v6 =	vld.idx.msk [tilespmem:v6+s1+$0x0], $0xffff  }
0x238: {  	v7 =	vld.idx.msk [tilespmem:v7+s1+$0x0], $0xffff  }
0x239: {  	[tilespmem:v9+s25+$0x0] =	vst.idx.add.f32.msk $0xffff, v3  }
0x23a: {  	v3 =	vld.idx.msk [tilespmem:v8+s1+$0x0], $0xffff  }
0x23b: {  	v8 =	vld.idx.msk [tilespmem:v10+s1+$0x0], $0xffff  }
0x23c: {  	v9 =	vld.idx.msk [tilespmem:v11+s1+$0x0], $0xffff  }
0x23d: {  	v10 =	vld [tilespmem:s0+$0xFFFFFFA0]  }
0x23e: {  	v11 =	vld [tilespmem:s0+$0xFFFFFFB0]  }
0x23f: {  	v12 =	vld [tilespmem:s0+$0xFFFFFFC0]  }
0x240: {  	v13 =	vld [tilespmem:s0+$0xFFFFFFD0]  }
0x241: {  	v14 =	vld [tilespmem:s0+$0xFFFFFFE0]  }
0x242: {  	v15 =	vld [tilespmem:s0+$0xFFFFFFF0]  }
0x243: {  	v16 =	vld [tilespmem:s0+$0xFFFFFF90]  }
0x244: {  	[tilespmem:v2+s25+$0x0] =	vst.idx.add.f32.msk $0xffff, v1;
	v1 =	vmov v4  }
0x245: {  	[tilespmem:v10+s25+$0x0] =	vst.idx.add.f32.msk $0xffff, v5  }
.Ltmp20:
0x246: {  	[tilespmem:v11+s25+$0x0] =	vst.idx.add.f32.msk $0xffff, v6;
	(pc) =	sbr.rel @p0 .LBB2_42-.Ltmp20, $4  }
0x247: {  	[tilespmem:v12+s25+$0x0] =	vst.idx.add.f32.msk $0xffff, v7  }
0x248: {  	[tilespmem:v13+s25+$0x0] =	vst.idx.add.f32.msk $0xffff, v3;
	v2 =	vmov v16  }
0x249: {  	[tilespmem:v14+s25+$0x0] =	vst.idx.add.f32.msk $0xffff, v8  }
0x24a: {  	s3 =	sadd.s32 $0x100, s3;
	[tilespmem:v15+s25+$0x0] =	vst.idx.add.f32.msk $0xffff, v9  }
0x24b: {  	_ =	sdelay $0x2  }
0x24c: {  	s0 =	simm.s32 $0xC880  }
0x24d: {  	[tilespmem:v2+s25+$0x0] =	vst.idx.add.f32.msk $0xffff, v1;
	s2 =	simm.s32 $0x10;
	s4 =	sadd.s32 $0x0, s14;
	s3 =	simm.s32 $0xC980  }
.LBB2_44:
0x24e: {  	[tilespmem:s0], [sflag:$0x3] =	stream.linear.gather [hbm4b:s4+s1], $0x80, $0x38;
	[tilespmem:$0x1C800] =	vst v63  }
0x24f: {  	s4 =	smov.u32 s2;
	s0 =	smov.u32 s3;
	p0 =	sne.s32 s2, $0x1B0  }
.Ltmp21:
0x250: {  	s2 =	sadd.s32 $0x10, s2;
	(pc) =	sbr.rel @p0 .LBB2_44-.Ltmp21, $2  }
0x251: {  	_ =	sdelay $0x2  }
0x252: {  	s3 =	sadd.s32 $0x100, s3;
	s4 =	sadd.s32 s4, s14  }
0x253: {  	[tilespmem:s0], [sflag:$0x3] =	stream.linear.gather [hbm4b:s4+s1], $0x80, $0x38;
	[tilespmem:$0x1C800] =	vst v63  }
0x254: {  	s0 =	simm.s32 $0xE480  }
0x255: {  	s2 =	simm.s32 $0x10;
	s4 =	sadd.s32 $0x0, s15;
	s3 =	simm.s32 $0xE580  }
.LBB2_46:
0x256: {  	[tilespmem:s0], [sflag:$0x5] =	stream.linear.gather [hbm4b:s4+s1], $0x80, $0x38;
	[tilespmem:$0x1C800] =	vst v63  }
0x257: {  	s4 =	smov.u32 s2;
	s0 =	smov.u32 s3;
	p0 =	sne.s32 s2, $0x1B0  }
.Ltmp22:
0x258: {  	s2 =	sadd.s32 $0x10, s2;
	(pc) =	sbr.rel @p0 .LBB2_46-.Ltmp22, $2  }
0x259: {  	_ =	sdelay $0x2  }
0x25a: {  	s3 =	sadd.s32 $0x100, s3;
	s4 =	sadd.s32 s4, s15  }
0x25b: {  	[tilespmem:s0], [sflag:$0x5] =	stream.linear.gather [hbm4b:s4+s1], $0x80, $0x38;
	[tilespmem:$0x1C800] =	vst v63  }
0x25c: {  	s6 =	simm.s32 $0x2  }
0x25d: {  	_ =	swait.ge [sflag:s6], $0xE00  }
0x25e: {  	[sflag:s6] =	ssyncset.done $0x0  }
0x25f: {  	s7 =	simm.s32 $0x4;
	[sflag:s6] =	ssyncadd.s32 $0xFFFFF200  }
0x260: {  	_ =	swait.ge [sflag:s7], $0xE00  }
0x261: {  	[sflag:s7] =	ssyncset.done $0x0  }
0x262: {  	s2 =	simm.s32 $0xC840;
	[sflag:s7] =	ssyncadd.s32 $0xFFFFF200  }
0x263: {  	v1 =	vld [tilespmem:s2+$0x30]  }
0x264: {  	v2 =	vld [tilespmem:s2+$0xFFFFFFC0]  }
0x265: {  	v3 =	vld [tilespmem:s2+$0xFFFFFFD0]  }
0x266: {  	v4 =	vld [tilespmem:s2+$0xFFFFFFE0]  }
0x267: {  	v5 =	vld [tilespmem:s2+$0xFFFFFFF0]  }
0x268: {  	s0 =	simm.s32 $0xE440;
	v6 =	vld [tilespmem:s2+$0x0]  }
0x269: {  	v7 =	vld [tilespmem:s0+$0x30]  }
0x26a: {  	v8 =	vld [tilespmem:s2+$0x10]  }
0x26b: {  	v10 =	vld [tilespmem:s2+$0x20]  }
0x26c: {  	v62 =	vld [tilespmem:s0+$0xFFFFFFD0]  }
0x26d: {  	v63 =	vld [tilespmem:s0+$0xFFFFFFE0]  }
0x26e: {  	v11 =	vld [tilespmem:s0+$0xFFFFFFF0]  }
0x26f: {  	v12 =	vld [tilespmem:s0+$0x0]  }
0x270: {  	v13 =	vld [tilespmem:s0+$0x10]  }
0x271: {  	v14 =	vld [tilespmem:s0+$0x20]  }
0x272: {  	v9 =	vld.idx.msk [tilespmem:v1+s1+$0x0], $0xffff  }
0x273: {  	v1 =	vld.idx.msk [tilespmem:v2+s1+$0x0], $0xffff  }
0x274: {  	v3 =	vld.idx.msk [tilespmem:v3+s1+$0x0], $0xffff  }
0x275: {  	v4 =	vld.idx.msk [tilespmem:v4+s1+$0x0], $0xffff  }
0x276: {  	v5 =	vld.idx.msk [tilespmem:v5+s1+$0x0], $0xffff  }
0x277: {  	v6 =	vld.idx.msk [tilespmem:v6+s1+$0x0], $0xffff  }
0x278: {  	v61 =	vld.idx.msk [tilespmem:v8+s1+$0x0], $0xffff  }
0x279: {  	v10 =	vld.idx.msk [tilespmem:v10+s1+$0x0], $0xffff  }
0x27a: {  	v2 =	vld [tilespmem:s0+$0xFFFFFFC0]  }
0x27b: {  	[tilespmem:v7+s25+$0x0] =	vst.idx.add.f32.msk $0xffff, v9  }
0x27c: {  	[tilespmem:v62+s25+$0x0] =	vst.idx.add.f32.msk $0xffff, v3  }
0x27d: {  	[tilespmem:v63+s25+$0x0] =	vst.idx.add.f32.msk $0xffff, v4  }
0x27e: {  	[tilespmem:v11+s25+$0x0] =	vst.idx.add.f32.msk $0xffff, v5  }
0x27f: {  	[tilespmem:v12+s25+$0x0] =	vst.idx.add.f32.msk $0xffff, v6  }
0x280: {  	[tilespmem:v13+s25+$0x0] =	vst.idx.add.f32.msk $0xffff, v61  }
0x281: {  	s3 =	simm.s32 $0xC940;
	s2 =	simm.s32 $0x0;
	[tilespmem:v14+s25+$0x0] =	vst.idx.add.f32.msk $0xffff, v10  }
.LBB2_48:
0x282: {  	v3 =	vld [tilespmem:s3+$0x30];
	s2 =	sadd.s32 $0x80, s2  }
0x283: {  	v4 =	vld [tilespmem:s3+$0xFFFFFFC0];
	p0 =	slt.u32 s2, $0xD80  }
0x284: {  	v5 =	vld [tilespmem:s3+$0xFFFFFFD0]  }
0x285: {  	v6 =	vld [tilespmem:s3+$0xFFFFFFE0]  }
0x286: {  	v7 =	vld [tilespmem:s3+$0xFFFFFFF0]  }
0x287: {  	s0 =	sadd.s32 $0x100, s0;
	v8 =	vld [tilespmem:s3+$0x0]  }
0x288: {  	v9 =	vld [tilespmem:s0+$0x30]  }
0x289: {  	v10 =	vld [tilespmem:s3+$0x10]  }
0x28a: {  	v3 =	vld.idx.msk [tilespmem:v3+s1+$0x0], $0xffff  }
0x28b: {  	v11 =	vld [tilespmem:s3+$0x20]  }
0x28c: {  	v4 =	vld.idx.msk [tilespmem:v4+s1+$0x0], $0xffff  }
0x28d: {  	v5 =	vld.idx.msk [tilespmem:v5+s1+$0x0], $0xffff  }
0x28e: {  	v6 =	vld.idx.msk [tilespmem:v6+s1+$0x0], $0xffff  }
0x28f: {  	v7 =	vld.idx.msk [tilespmem:v7+s1+$0x0], $0xffff  }
0x290: {  	[tilespmem:v9+s25+$0x0] =	vst.idx.add.f32.msk $0xffff, v3  }
0x291: {  	v3 =	vld.idx.msk [tilespmem:v8+s1+$0x0], $0xffff  }
0x292: {  	v8 =	vld.idx.msk [tilespmem:v10+s1+$0x0], $0xffff  }
0x293: {  	v9 =	vld.idx.msk [tilespmem:v11+s1+$0x0], $0xffff  }
0x294: {  	v10 =	vld [tilespmem:s0+$0xFFFFFFD0]  }
0x295: {  	v11 =	vld [tilespmem:s0+$0xFFFFFFE0]  }
0x296: {  	v12 =	vld [tilespmem:s0+$0xFFFFFFF0]  }
0x297: {  	v13 =	vld [tilespmem:s0+$0x0]  }
0x298: {  	v14 =	vld [tilespmem:s0+$0x10]  }
0x299: {  	v15 =	vld [tilespmem:s0+$0x20]  }
0x29a: {  	v16 =	vld [tilespmem:s0+$0xFFFFFFC0]  }
0x29b: {  	[tilespmem:v2+s25+$0x0] =	vst.idx.add.f32.msk $0xffff, v1;
	v1 =	vmov v4  }
0x29c: {  	[tilespmem:v10+s25+$0x0] =	vst.idx.add.f32.msk $0xffff, v5  }
.Ltmp23:
0x29d: {  	[tilespmem:v11+s25+$0x0] =	vst.idx.add.f32.msk $0xffff, v6;
	(pc) =	sbr.rel @p0 .LBB2_48-.Ltmp23, $4  }
0x29e: {  	[tilespmem:v12+s25+$0x0] =	vst.idx.add.f32.msk $0xffff, v7  }
0x29f: {  	[tilespmem:v13+s25+$0x0] =	vst.idx.add.f32.msk $0xffff, v3;
	v2 =	vmov v16  }
0x2a0: {  	[tilespmem:v14+s25+$0x0] =	vst.idx.add.f32.msk $0xffff, v8  }
0x2a1: {  	s3 =	sadd.s32 $0x100, s3;
	[tilespmem:v15+s25+$0x0] =	vst.idx.add.f32.msk $0xffff, v9  }
0x2a2: {  	_ =	sdelay $0x2  }
0x2a3: {  	s0 =	simm.s32 $0xC800  }
0x2a4: {  	[tilespmem:v2+s25+$0x0] =	vst.idx.add.f32.msk $0xffff, v1;
	s2 =	simm.s32 $0x10;
	s4 =	sadd.s32 $0x0, s16;
	s3 =	simm.s32 $0xC900  }
.LBB2_50:
0x2a5: {  	[tilespmem:s0], [sflag:$0x2] =	stream.linear.gather [hbm4b:s4+s1], $0x80, $0x38;
	[tilespmem:$0x1C800] =	vst v63  }
0x2a6: {  	s4 =	smov.u32 s2;
	s0 =	smov.u32 s3;
	p0 =	sne.s32 s2, $0x1B0  }
.Ltmp24:
0x2a7: {  	s2 =	sadd.s32 $0x10, s2;
	(pc) =	sbr.rel @p0 .LBB2_50-.Ltmp24, $2  }
0x2a8: {  	_ =	sdelay $0x2  }
0x2a9: {  	s3 =	sadd.s32 $0x100, s3;
	s4 =	sadd.s32 s4, s16  }
0x2aa: {  	[tilespmem:s0], [sflag:$0x2] =	stream.linear.gather [hbm4b:s4+s1], $0x80, $0x38;
	[tilespmem:$0x1C800] =	vst v63  }
0x2ab: {  	s0 =	simm.s32 $0xE400  }
0x2ac: {  	s2 =	simm.s32 $0x10;
	s4 =	sadd.s32 $0x0, s17;
	s3 =	simm.s32 $0xE500  }
.LBB2_52:
0x2ad: {  	[tilespmem:s0], [sflag:$0x4] =	stream.linear.gather [hbm4b:s4+s1], $0x80, $0x38;
	[tilespmem:$0x1C800] =	vst v63  }
0x2ae: {  	s4 =	smov.u32 s2;
	s0 =	smov.u32 s3;
	p0 =	sne.s32 s2, $0x1B0  }
.Ltmp25:
0x2af: {  	s2 =	sadd.s32 $0x10, s2;
	(pc) =	sbr.rel @p0 .LBB2_52-.Ltmp25, $2  }
0x2b0: {  	_ =	sdelay $0x2  }
0x2b1: {  	s3 =	sadd.s32 $0x100, s3;
	s4 =	sadd.s32 s4, s17  }
0x2b2: {  	[tilespmem:s0], [sflag:$0x4] =	stream.linear.gather [hbm4b:s4+s1], $0x80, $0x38;
	[tilespmem:$0x1C800] =	vst v63  }
0x2b3: {  	s6 =	simm.s32 $0x3  }
0x2b4: {  	_ =	swait.ge [sflag:s6], $0xE00  }
0x2b5: {  	[sflag:s6] =	ssyncset.done $0x0  }
0x2b6: {  	s7 =	simm.s32 $0x5;
	[sflag:s6] =	ssyncadd.s32 $0xFFFFF200  }
0x2b7: {  	_ =	swait.ge [sflag:s7], $0xE00  }
0x2b8: {  	[sflag:s7] =	ssyncset.done $0x0  }
0x2b9: {  	s2 =	simm.s32 $0xC8F0;
	[sflag:s7] =	ssyncadd.s32 $0xFFFFF200  }
0x2ba: {  	v1 =	vld [tilespmem:s2+$0x0]  }
0x2bb: {  	v2 =	vld [tilespmem:s2+$0xFFFFFF90]  }
0x2bc: {  	v3 =	vld [tilespmem:s2+$0xFFFFFFA0]  }
0x2bd: {  	v4 =	vld [tilespmem:s2+$0xFFFFFFB0]  }
0x2be: {  	v5 =	vld [tilespmem:s2+$0xFFFFFFC0]  }
0x2bf: {  	s0 =	simm.s32 $0xE4F0;
	v6 =	vld [tilespmem:s2+$0xFFFFFFD0]  }
0x2c0: {  	v7 =	vld [tilespmem:s0+$0x0]  }
0x2c1: {  	v8 =	vld [tilespmem:s2+$0xFFFFFFE0]  }
0x2c2: {  	v10 =	vld [tilespmem:s2+$0xFFFFFFF0]  }
0x2c3: {  	v62 =	vld [tilespmem:s0+$0xFFFFFFA0]  }
0x2c4: {  	v63 =	vld [tilespmem:s0+$0xFFFFFFB0]  }
0x2c5: {  	v11 =	vld [tilespmem:s0+$0xFFFFFFC0]  }
0x2c6: {  	v12 =	vld [tilespmem:s0+$0xFFFFFFD0]  }
0x2c7: {  	v13 =	vld [tilespmem:s0+$0xFFFFFFE0]  }
0x2c8: {  	v14 =	vld [tilespmem:s0+$0xFFFFFFF0]  }
0x2c9: {  	v9 =	vld.idx.msk [tilespmem:v1+s1+$0x0], $0xffff  }
0x2ca: {  	v1 =	vld.idx.msk [tilespmem:v2+s1+$0x0], $0xffff  }
0x2cb: {  	v3 =	vld.idx.msk [tilespmem:v3+s1+$0x0], $0xffff  }
0x2cc: {  	v4 =	vld.idx.msk [tilespmem:v4+s1+$0x0], $0xffff  }
0x2cd: {  	v5 =	vld.idx.msk [tilespmem:v5+s1+$0x0], $0xffff  }
0x2ce: {  	v6 =	vld.idx.msk [tilespmem:v6+s1+$0x0], $0xffff  }
0x2cf: {  	v61 =	vld.idx.msk [tilespmem:v8+s1+$0x0], $0xffff  }
0x2d0: {  	v10 =	vld.idx.msk [tilespmem:v10+s1+$0x0], $0xffff  }
0x2d1: {  	v2 =	vld [tilespmem:s0+$0xFFFFFF90]  }
0x2d2: {  	[tilespmem:v7+s25+$0x0] =	vst.idx.add.f32.msk $0xffff, v9  }
0x2d3: {  	[tilespmem:v62+s25+$0x0] =	vst.idx.add.f32.msk $0xffff, v3  }
0x2d4: {  	[tilespmem:v63+s25+$0x0] =	vst.idx.add.f32.msk $0xffff, v4  }
0x2d5: {  	[tilespmem:v11+s25+$0x0] =	vst.idx.add.f32.msk $0xffff, v5  }
0x2d6: {  	[tilespmem:v12+s25+$0x0] =	vst.idx.add.f32.msk $0xffff, v6  }
0x2d7: {  	[tilespmem:v13+s25+$0x0] =	vst.idx.add.f32.msk $0xffff, v61  }
0x2d8: {  	s3 =	simm.s32 $0xC9F0;
	s2 =	simm.s32 $0x0;
	[tilespmem:v14+s25+$0x0] =	vst.idx.add.f32.msk $0xffff, v10  }
.LBB2_54:
0x2d9: {  	v3 =	vld [tilespmem:s3+$0x0];
	s2 =	sadd.s32 $0x80, s2  }
0x2da: {  	v4 =	vld [tilespmem:s3+$0xFFFFFF90];
	p0 =	slt.u32 s2, $0xD80  }
0x2db: {  	v5 =	vld [tilespmem:s3+$0xFFFFFFA0]  }
0x2dc: {  	v6 =	vld [tilespmem:s3+$0xFFFFFFB0]  }
0x2dd: {  	v7 =	vld [tilespmem:s3+$0xFFFFFFC0]  }
0x2de: {  	s0 =	sadd.s32 $0x100, s0;
	v8 =	vld [tilespmem:s3+$0xFFFFFFD0]  }
0x2df: {  	v9 =	vld [tilespmem:s0+$0x0]  }
0x2e0: {  	v10 =	vld [tilespmem:s3+$0xFFFFFFE0]  }
0x2e1: {  	v3 =	vld.idx.msk [tilespmem:v3+s1+$0x0], $0xffff  }
0x2e2: {  	v11 =	vld [tilespmem:s3+$0xFFFFFFF0]  }
0x2e3: {  	v4 =	vld.idx.msk [tilespmem:v4+s1+$0x0], $0xffff  }
0x2e4: {  	v5 =	vld.idx.msk [tilespmem:v5+s1+$0x0], $0xffff  }
0x2e5: {  	v6 =	vld.idx.msk [tilespmem:v6+s1+$0x0], $0xffff  }
0x2e6: {  	v7 =	vld.idx.msk [tilespmem:v7+s1+$0x0], $0xffff  }
0x2e7: {  	[tilespmem:v9+s25+$0x0] =	vst.idx.add.f32.msk $0xffff, v3  }
0x2e8: {  	v3 =	vld.idx.msk [tilespmem:v8+s1+$0x0], $0xffff  }
0x2e9: {  	v8 =	vld.idx.msk [tilespmem:v10+s1+$0x0], $0xffff  }
0x2ea: {  	v9 =	vld.idx.msk [tilespmem:v11+s1+$0x0], $0xffff  }
0x2eb: {  	v10 =	vld [tilespmem:s0+$0xFFFFFFA0]  }
0x2ec: {  	v11 =	vld [tilespmem:s0+$0xFFFFFFB0]  }
0x2ed: {  	v12 =	vld [tilespmem:s0+$0xFFFFFFC0]  }
0x2ee: {  	v13 =	vld [tilespmem:s0+$0xFFFFFFD0]  }
0x2ef: {  	v14 =	vld [tilespmem:s0+$0xFFFFFFE0]  }
0x2f0: {  	v15 =	vld [tilespmem:s0+$0xFFFFFFF0]  }
0x2f1: {  	v16 =	vld [tilespmem:s0+$0xFFFFFF90]  }
0x2f2: {  	[tilespmem:v2+s25+$0x0] =	vst.idx.add.f32.msk $0xffff, v1;
	v1 =	vmov v4  }
0x2f3: {  	[tilespmem:v10+s25+$0x0] =	vst.idx.add.f32.msk $0xffff, v5  }
.Ltmp26:
0x2f4: {  	[tilespmem:v11+s25+$0x0] =	vst.idx.add.f32.msk $0xffff, v6;
	(pc) =	sbr.rel @p0 .LBB2_54-.Ltmp26, $4  }
0x2f5: {  	[tilespmem:v12+s25+$0x0] =	vst.idx.add.f32.msk $0xffff, v7  }
0x2f6: {  	[tilespmem:v13+s25+$0x0] =	vst.idx.add.f32.msk $0xffff, v3;
	v2 =	vmov v16  }
0x2f7: {  	[tilespmem:v14+s25+$0x0] =	vst.idx.add.f32.msk $0xffff, v8  }
0x2f8: {  	s3 =	sadd.s32 $0x100, s3;
	[tilespmem:v15+s25+$0x0] =	vst.idx.add.f32.msk $0xffff, v9  }
0x2f9: {  	_ =	sdelay $0x2  }
0x2fa: {  	s0 =	simm.s32 $0xC880  }
0x2fb: {  	[tilespmem:v2+s25+$0x0] =	vst.idx.add.f32.msk $0xffff, v1;
	s2 =	simm.s32 $0x10;
	s4 =	sadd.s32 $0x0, s18;
	s3 =	simm.s32 $0xC980  }
.LBB2_56:
0x2fc: {  	[tilespmem:s0], [sflag:$0x3] =	stream.linear.gather [hbm4b:s4+s1], $0x80, $0x38;
	[tilespmem:$0x1C800] =	vst v63  }
0x2fd: {  	s4 =	smov.u32 s2;
	s0 =	smov.u32 s3;
	p0 =	sne.s32 s2, $0x1B0  }
.Ltmp27:
0x2fe: {  	s2 =	sadd.s32 $0x10, s2;
	(pc) =	sbr.rel @p0 .LBB2_56-.Ltmp27, $2  }
0x2ff: {  	_ =	sdelay $0x2  }
0x300: {  	s3 =	sadd.s32 $0x100, s3;
	s4 =	sadd.s32 s4, s18  }
0x301: {  	[tilespmem:s0], [sflag:$0x3] =	stream.linear.gather [hbm4b:s4+s1], $0x80, $0x38;
	[tilespmem:$0x1C800] =	vst v63  }
0x302: {  	s0 =	simm.s32 $0xE480  }
0x303: {  	s2 =	simm.s32 $0x10;
	s4 =	sadd.s32 $0x0, s19;
	s3 =	simm.s32 $0xE580  }
.LBB2_58:
0x304: {  	[tilespmem:s0], [sflag:$0x5] =	stream.linear.gather [hbm4b:s4+s1], $0x80, $0x38;
	[tilespmem:$0x1C800] =	vst v63  }
0x305: {  	s4 =	smov.u32 s2;
	s0 =	smov.u32 s3;
	p0 =	sne.s32 s2, $0x1B0  }
.Ltmp28:
0x306: {  	s2 =	sadd.s32 $0x10, s2;
	(pc) =	sbr.rel @p0 .LBB2_58-.Ltmp28, $2  }
0x307: {  	_ =	sdelay $0x2  }
0x308: {  	s3 =	sadd.s32 $0x100, s3;
	s4 =	sadd.s32 s4, s19  }
0x309: {  	[tilespmem:s0], [sflag:$0x5] =	stream.linear.gather [hbm4b:s4+s1], $0x80, $0x38;
	[tilespmem:$0x1C800] =	vst v63  }
0x30a: {  	s6 =	simm.s32 $0x2  }
0x30b: {  	_ =	swait.ge [sflag:s6], $0xE00  }
0x30c: {  	[sflag:s6] =	ssyncset.done $0x0  }
0x30d: {  	s7 =	simm.s32 $0x4;
	[sflag:s6] =	ssyncadd.s32 $0xFFFFF200  }
0x30e: {  	_ =	swait.ge [sflag:s7], $0xE00  }
0x30f: {  	[sflag:s7] =	ssyncset.done $0x0  }
0x310: {  	s2 =	simm.s32 $0xC840;
	[sflag:s7] =	ssyncadd.s32 $0xFFFFF200  }
0x311: {  	v1 =	vld [tilespmem:s2+$0x30]  }
0x312: {  	v2 =	vld [tilespmem:s2+$0xFFFFFFC0]  }
0x313: {  	v3 =	vld [tilespmem:s2+$0xFFFFFFD0]  }
0x314: {  	v4 =	vld [tilespmem:s2+$0xFFFFFFE0]  }
0x315: {  	v5 =	vld [tilespmem:s2+$0xFFFFFFF0]  }
0x316: {  	s0 =	simm.s32 $0xE440;
	v6 =	vld [tilespmem:s2+$0x0]  }
0x317: {  	v7 =	vld [tilespmem:s0+$0x30]  }
0x318: {  	v8 =	vld [tilespmem:s2+$0x10]  }
0x319: {  	v10 =	vld [tilespmem:s2+$0x20]  }
0x31a: {  	v62 =	vld [tilespmem:s0+$0xFFFFFFD0]  }
0x31b: {  	v63 =	vld [tilespmem:s0+$0xFFFFFFE0]  }
0x31c: {  	v11 =	vld [tilespmem:s0+$0xFFFFFFF0]  }
0x31d: {  	v12 =	vld [tilespmem:s0+$0x0]  }
0x31e: {  	v13 =	vld [tilespmem:s0+$0x10]  }
0x31f: {  	v14 =	vld [tilespmem:s0+$0x20]  }
0x320: {  	v9 =	vld.idx.msk [tilespmem:v1+s1+$0x0], $0xffff  }
0x321: {  	v1 =	vld.idx.msk [tilespmem:v2+s1+$0x0], $0xffff  }
0x322: {  	v3 =	vld.idx.msk [tilespmem:v3+s1+$0x0], $0xffff  }
0x323: {  	v4 =	vld.idx.msk [tilespmem:v4+s1+$0x0], $0xffff  }
0x324: {  	v5 =	vld.idx.msk [tilespmem:v5+s1+$0x0], $0xffff  }
0x325: {  	v6 =	vld.idx.msk [tilespmem:v6+s1+$0x0], $0xffff  }
0x326: {  	v61 =	vld.idx.msk [tilespmem:v8+s1+$0x0], $0xffff  }
0x327: {  	v10 =	vld.idx.msk [tilespmem:v10+s1+$0x0], $0xffff  }
0x328: {  	v2 =	vld [tilespmem:s0+$0xFFFFFFC0]  }
0x329: {  	[tilespmem:v7+s25+$0x0] =	vst.idx.add.f32.msk $0xffff, v9  }
0x32a: {  	[tilespmem:v62+s25+$0x0] =	vst.idx.add.f32.msk $0xffff, v3  }
0x32b: {  	[tilespmem:v63+s25+$0x0] =	vst.idx.add.f32.msk $0xffff, v4  }
0x32c: {  	[tilespmem:v11+s25+$0x0] =	vst.idx.add.f32.msk $0xffff, v5  }
0x32d: {  	[tilespmem:v12+s25+$0x0] =	vst.idx.add.f32.msk $0xffff, v6  }
0x32e: {  	[tilespmem:v13+s25+$0x0] =	vst.idx.add.f32.msk $0xffff, v61  }
0x32f: {  	s3 =	simm.s32 $0xC940;
	s2 =	simm.s32 $0x0;
	[tilespmem:v14+s25+$0x0] =	vst.idx.add.f32.msk $0xffff, v10  }
.LBB2_60:
0x330: {  	v3 =	vld [tilespmem:s3+$0x30];
	s2 =	sadd.s32 $0x80, s2  }
0x331: {  	v4 =	vld [tilespmem:s3+$0xFFFFFFC0];
	p0 =	slt.u32 s2, $0xD80  }
0x332: {  	v5 =	vld [tilespmem:s3+$0xFFFFFFD0]  }
0x333: {  	v6 =	vld [tilespmem:s3+$0xFFFFFFE0]  }
0x334: {  	v7 =	vld [tilespmem:s3+$0xFFFFFFF0]  }
0x335: {  	s0 =	sadd.s32 $0x100, s0;
	v8 =	vld [tilespmem:s3+$0x0]  }
0x336: {  	v9 =	vld [tilespmem:s0+$0x30]  }
0x337: {  	v10 =	vld [tilespmem:s3+$0x10]  }
0x338: {  	v3 =	vld.idx.msk [tilespmem:v3+s1+$0x0], $0xffff  }
0x339: {  	v11 =	vld [tilespmem:s3+$0x20]  }
0x33a: {  	v4 =	vld.idx.msk [tilespmem:v4+s1+$0x0], $0xffff  }
0x33b: {  	v5 =	vld.idx.msk [tilespmem:v5+s1+$0x0], $0xffff  }
0x33c: {  	v6 =	vld.idx.msk [tilespmem:v6+s1+$0x0], $0xffff  }
0x33d: {  	v7 =	vld.idx.msk [tilespmem:v7+s1+$0x0], $0xffff  }
0x33e: {  	[tilespmem:v9+s25+$0x0] =	vst.idx.add.f32.msk $0xffff, v3  }
0x33f: {  	v3 =	vld.idx.msk [tilespmem:v8+s1+$0x0], $0xffff  }
0x340: {  	v8 =	vld.idx.msk [tilespmem:v10+s1+$0x0], $0xffff  }
0x341: {  	v9 =	vld.idx.msk [tilespmem:v11+s1+$0x0], $0xffff  }
0x342: {  	v10 =	vld [tilespmem:s0+$0xFFFFFFD0]  }
0x343: {  	v11 =	vld [tilespmem:s0+$0xFFFFFFE0]  }
0x344: {  	v12 =	vld [tilespmem:s0+$0xFFFFFFF0]  }
0x345: {  	v13 =	vld [tilespmem:s0+$0x0]  }
0x346: {  	v14 =	vld [tilespmem:s0+$0x10]  }
0x347: {  	v15 =	vld [tilespmem:s0+$0x20]  }
0x348: {  	v16 =	vld [tilespmem:s0+$0xFFFFFFC0]  }
0x349: {  	[tilespmem:v2+s25+$0x0] =	vst.idx.add.f32.msk $0xffff, v1;
	v1 =	vmov v4  }
0x34a: {  	[tilespmem:v10+s25+$0x0] =	vst.idx.add.f32.msk $0xffff, v5  }
.Ltmp29:
0x34b: {  	[tilespmem:v11+s25+$0x0] =	vst.idx.add.f32.msk $0xffff, v6;
	(pc) =	sbr.rel @p0 .LBB2_60-.Ltmp29, $4  }
0x34c: {  	[tilespmem:v12+s25+$0x0] =	vst.idx.add.f32.msk $0xffff, v7  }
0x34d: {  	[tilespmem:v13+s25+$0x0] =	vst.idx.add.f32.msk $0xffff, v3;
	v2 =	vmov v16  }
0x34e: {  	[tilespmem:v14+s25+$0x0] =	vst.idx.add.f32.msk $0xffff, v8  }
0x34f: {  	s3 =	sadd.s32 $0x100, s3;
	[tilespmem:v15+s25+$0x0] =	vst.idx.add.f32.msk $0xffff, v9  }
0x350: {  	_ =	sdelay $0x2  }
0x351: {  	s0 =	simm.s32 $0xC800  }
0x352: {  	[tilespmem:v2+s25+$0x0] =	vst.idx.add.f32.msk $0xffff, v1;
	s2 =	simm.s32 $0x10;
	s4 =	sadd.s32 $0x0, s20;
	s3 =	simm.s32 $0xC900  }
.LBB2_62:
0x353: {  	[tilespmem:s0], [sflag:$0x2] =	stream.linear.gather [hbm4b:s4+s1], $0x80, $0x38;
	[tilespmem:$0x1C800] =	vst v63  }
0x354: {  	s4 =	smov.u32 s2;
	s0 =	smov.u32 s3;
	p0 =	sne.s32 s2, $0x1B0  }
.Ltmp30:
0x355: {  	s2 =	sadd.s32 $0x10, s2;
	(pc) =	sbr.rel @p0 .LBB2_62-.Ltmp30, $2  }
0x356: {  	_ =	sdelay $0x2  }
0x357: {  	s3 =	sadd.s32 $0x100, s3;
	s4 =	sadd.s32 s4, s20  }
0x358: {  	[tilespmem:s0], [sflag:$0x2] =	stream.linear.gather [hbm4b:s4+s1], $0x80, $0x38;
	[tilespmem:$0x1C800] =	vst v63  }
0x359: {  	s0 =	simm.s32 $0xE400  }
0x35a: {  	s2 =	simm.s32 $0x10;
	s4 =	sadd.s32 $0x0, s21;
	s3 =	simm.s32 $0xE500  }
.LBB2_64:
0x35b: {  	[tilespmem:s0], [sflag:$0x4] =	stream.linear.gather [hbm4b:s4+s1], $0x80, $0x38;
	[tilespmem:$0x1C800] =	vst v63  }
0x35c: {  	s4 =	smov.u32 s2;
	s0 =	smov.u32 s3;
	p0 =	sne.s32 s2, $0x1B0  }
.Ltmp31:
0x35d: {  	s2 =	sadd.s32 $0x10, s2;
	(pc) =	sbr.rel @p0 .LBB2_64-.Ltmp31, $2  }
0x35e: {  	_ =	sdelay $0x2  }
0x35f: {  	s3 =	sadd.s32 $0x100, s3;
	s4 =	sadd.s32 s4, s21  }
0x360: {  	[tilespmem:s0], [sflag:$0x4] =	stream.linear.gather [hbm4b:s4+s1], $0x80, $0x38;
	[tilespmem:$0x1C800] =	vst v63  }
0x361: {  	s6 =	simm.s32 $0x3  }
0x362: {  	_ =	swait.ge [sflag:s6], $0xE00  }
0x363: {  	[sflag:s6] =	ssyncset.done $0x0  }
0x364: {  	s7 =	simm.s32 $0x5;
	[sflag:s6] =	ssyncadd.s32 $0xFFFFF200  }
0x365: {  	_ =	swait.ge [sflag:s7], $0xE00  }
0x366: {  	[sflag:s7] =	ssyncset.done $0x0  }
0x367: {  	s2 =	simm.s32 $0xC8F0;
	[sflag:s7] =	ssyncadd.s32 $0xFFFFF200  }
0x368: {  	v1 =	vld [tilespmem:s2+$0x0]  }
0x369: {  	v2 =	vld [tilespmem:s2+$0xFFFFFF90]  }
0x36a: {  	v3 =	vld [tilespmem:s2+$0xFFFFFFA0]  }
0x36b: {  	v4 =	vld [tilespmem:s2+$0xFFFFFFB0]  }
0x36c: {  	v5 =	vld [tilespmem:s2+$0xFFFFFFC0]  }
0x36d: {  	s0 =	simm.s32 $0xE4F0;
	v6 =	vld [tilespmem:s2+$0xFFFFFFD0]  }
0x36e: {  	v7 =	vld [tilespmem:s0+$0x0]  }
0x36f: {  	v8 =	vld [tilespmem:s2+$0xFFFFFFE0]  }
0x370: {  	v10 =	vld [tilespmem:s2+$0xFFFFFFF0]  }
0x371: {  	v62 =	vld [tilespmem:s0+$0xFFFFFFA0]  }
0x372: {  	v63 =	vld [tilespmem:s0+$0xFFFFFFB0]  }
0x373: {  	v11 =	vld [tilespmem:s0+$0xFFFFFFC0]  }
0x374: {  	v12 =	vld [tilespmem:s0+$0xFFFFFFD0]  }
0x375: {  	v13 =	vld [tilespmem:s0+$0xFFFFFFE0]  }
0x376: {  	v14 =	vld [tilespmem:s0+$0xFFFFFFF0]  }
0x377: {  	v9 =	vld.idx.msk [tilespmem:v1+s1+$0x0], $0xffff  }
0x378: {  	v1 =	vld.idx.msk [tilespmem:v2+s1+$0x0], $0xffff  }
0x379: {  	v3 =	vld.idx.msk [tilespmem:v3+s1+$0x0], $0xffff  }
0x37a: {  	v4 =	vld.idx.msk [tilespmem:v4+s1+$0x0], $0xffff  }
0x37b: {  	v5 =	vld.idx.msk [tilespmem:v5+s1+$0x0], $0xffff  }
0x37c: {  	v6 =	vld.idx.msk [tilespmem:v6+s1+$0x0], $0xffff  }
0x37d: {  	v61 =	vld.idx.msk [tilespmem:v8+s1+$0x0], $0xffff  }
0x37e: {  	v10 =	vld.idx.msk [tilespmem:v10+s1+$0x0], $0xffff  }
0x37f: {  	v2 =	vld [tilespmem:s0+$0xFFFFFF90]  }
0x380: {  	[tilespmem:v7+s25+$0x0] =	vst.idx.add.f32.msk $0xffff, v9  }
0x381: {  	[tilespmem:v62+s25+$0x0] =	vst.idx.add.f32.msk $0xffff, v3  }
0x382: {  	[tilespmem:v63+s25+$0x0] =	vst.idx.add.f32.msk $0xffff, v4  }
0x383: {  	[tilespmem:v11+s25+$0x0] =	vst.idx.add.f32.msk $0xffff, v5  }
0x384: {  	[tilespmem:v12+s25+$0x0] =	vst.idx.add.f32.msk $0xffff, v6  }
0x385: {  	[tilespmem:v13+s25+$0x0] =	vst.idx.add.f32.msk $0xffff, v61  }
0x386: {  	s3 =	simm.s32 $0xC9F0;
	s2 =	simm.s32 $0x0;
	[tilespmem:v14+s25+$0x0] =	vst.idx.add.f32.msk $0xffff, v10  }
.LBB2_66:
0x387: {  	v3 =	vld [tilespmem:s3+$0x0];
	s2 =	sadd.s32 $0x80, s2  }
0x388: {  	v4 =	vld [tilespmem:s3+$0xFFFFFF90];
	p0 =	slt.u32 s2, $0xD80  }
0x389: {  	v5 =	vld [tilespmem:s3+$0xFFFFFFA0]  }
0x38a: {  	v6 =	vld [tilespmem:s3+$0xFFFFFFB0]  }
0x38b: {  	v7 =	vld [tilespmem:s3+$0xFFFFFFC0]  }
0x38c: {  	s0 =	sadd.s32 $0x100, s0;
	v8 =	vld [tilespmem:s3+$0xFFFFFFD0]  }
0x38d: {  	v9 =	vld [tilespmem:s0+$0x0]  }
0x38e: {  	v10 =	vld [tilespmem:s3+$0xFFFFFFE0]  }
0x38f: {  	v3 =	vld.idx.msk [tilespmem:v3+s1+$0x0], $0xffff  }
0x390: {  	v11 =	vld [tilespmem:s3+$0xFFFFFFF0]  }
0x391: {  	v4 =	vld.idx.msk [tilespmem:v4+s1+$0x0], $0xffff  }
0x392: {  	v5 =	vld.idx.msk [tilespmem:v5+s1+$0x0], $0xffff  }
0x393: {  	v6 =	vld.idx.msk [tilespmem:v6+s1+$0x0], $0xffff  }
0x394: {  	v7 =	vld.idx.msk [tilespmem:v7+s1+$0x0], $0xffff  }
0x395: {  	[tilespmem:v9+s25+$0x0] =	vst.idx.add.f32.msk $0xffff, v3  }
0x396: {  	v3 =	vld.idx.msk [tilespmem:v8+s1+$0x0], $0xffff  }
0x397: {  	v8 =	vld.idx.msk [tilespmem:v10+s1+$0x0], $0xffff  }
0x398: {  	v9 =	vld.idx.msk [tilespmem:v11+s1+$0x0], $0xffff  }
0x399: {  	v10 =	vld [tilespmem:s0+$0xFFFFFFA0]  }
0x39a: {  	v11 =	vld [tilespmem:s0+$0xFFFFFFB0]  }
0x39b: {  	v12 =	vld [tilespmem:s0+$0xFFFFFFC0]  }
0x39c: {  	v13 =	vld [tilespmem:s0+$0xFFFFFFD0]  }
0x39d: {  	v14 =	vld [tilespmem:s0+$0xFFFFFFE0]  }
0x39e: {  	v15 =	vld [tilespmem:s0+$0xFFFFFFF0]  }
0x39f: {  	v16 =	vld [tilespmem:s0+$0xFFFFFF90]  }
0x3a0: {  	[tilespmem:v2+s25+$0x0] =	vst.idx.add.f32.msk $0xffff, v1;
	v1 =	vmov v4  }
0x3a1: {  	[tilespmem:v10+s25+$0x0] =	vst.idx.add.f32.msk $0xffff, v5  }
.Ltmp32:
0x3a2: {  	[tilespmem:v11+s25+$0x0] =	vst.idx.add.f32.msk $0xffff, v6;
	(pc) =	sbr.rel @p0 .LBB2_66-.Ltmp32, $4  }
0x3a3: {  	[tilespmem:v12+s25+$0x0] =	vst.idx.add.f32.msk $0xffff, v7  }
0x3a4: {  	[tilespmem:v13+s25+$0x0] =	vst.idx.add.f32.msk $0xffff, v3;
	v2 =	vmov v16  }
0x3a5: {  	[tilespmem:v14+s25+$0x0] =	vst.idx.add.f32.msk $0xffff, v8  }
0x3a6: {  	s3 =	sadd.s32 $0x100, s3;
	[tilespmem:v15+s25+$0x0] =	vst.idx.add.f32.msk $0xffff, v9  }
0x3a7: {  	_ =	sdelay $0x2  }
0x3a8: {  	s0 =	simm.s32 $0xC880  }
0x3a9: {  	[tilespmem:v2+s25+$0x0] =	vst.idx.add.f32.msk $0xffff, v1;
	s2 =	simm.s32 $0x10;
	s4 =	sadd.s32 $0x0, s22;
	s3 =	simm.s32 $0xC980  }
.LBB2_68:
0x3aa: {  	[tilespmem:s0], [sflag:$0x3] =	stream.linear.gather [hbm4b:s4+s1], $0x80, $0x38;
	[tilespmem:$0x1C800] =	vst v63  }
0x3ab: {  	s4 =	smov.u32 s2;
	s0 =	smov.u32 s3;
	p0 =	sne.s32 s2, $0x1B0  }
.Ltmp33:
0x3ac: {  	s2 =	sadd.s32 $0x10, s2;
	(pc) =	sbr.rel @p0 .LBB2_68-.Ltmp33, $2  }
0x3ad: {  	_ =	sdelay $0x2  }
0x3ae: {  	s3 =	sadd.s32 $0x100, s3;
	s4 =	sadd.s32 s4, s22  }
0x3af: {  	[tilespmem:s0], [sflag:$0x3] =	stream.linear.gather [hbm4b:s4+s1], $0x80, $0x38;
	[tilespmem:$0x1C800] =	vst v63  }
0x3b0: {  	s0 =	simm.s32 $0xE480  }
0x3b1: {  	s2 =	simm.s32 $0x10;
	s4 =	sadd.s32 $0x0, s23;
	s3 =	simm.s32 $0xE580  }
.LBB2_70:
0x3b2: {  	[tilespmem:s0], [sflag:$0x5] =	stream.linear.gather [hbm4b:s4+s1], $0x80, $0x38;
	[tilespmem:$0x1C800] =	vst v63  }
0x3b3: {  	s4 =	smov.u32 s2;
	s0 =	smov.u32 s3;
	p0 =	sne.s32 s2, $0x1B0  }
.Ltmp34:
0x3b4: {  	s2 =	sadd.s32 $0x10, s2;
	(pc) =	sbr.rel @p0 .LBB2_70-.Ltmp34, $2  }
0x3b5: {  	_ =	sdelay $0x2  }
0x3b6: {  	s3 =	sadd.s32 $0x100, s3;
	s4 =	sadd.s32 s4, s23  }
0x3b7: {  	[tilespmem:s0], [sflag:$0x5] =	stream.linear.gather [hbm4b:s4+s1], $0x80, $0x38;
	[tilespmem:$0x1C800] =	vst v63  }
0x3b8: {  	s6 =	simm.s32 $0x2  }
0x3b9: {  	_ =	swait.ge [sflag:s6], $0xE00  }
0x3ba: {  	[sflag:s6] =	ssyncset.done $0x0  }
0x3bb: {  	s7 =	simm.s32 $0x4;
	[sflag:s6] =	ssyncadd.s32 $0xFFFFF200  }
0x3bc: {  	_ =	swait.ge [sflag:s7], $0xE00  }
0x3bd: {  	[sflag:s7] =	ssyncset.done $0x0  }
0x3be: {  	s2 =	simm.s32 $0xC840;
	[sflag:s7] =	ssyncadd.s32 $0xFFFFF200  }
0x3bf: {  	v1 =	vld [tilespmem:s2+$0x30]  }
0x3c0: {  	v2 =	vld [tilespmem:s2+$0xFFFFFFC0]  }
0x3c1: {  	v3 =	vld [tilespmem:s2+$0xFFFFFFD0]  }
0x3c2: {  	v4 =	vld [tilespmem:s2+$0xFFFFFFE0]  }
0x3c3: {  	v5 =	vld [tilespmem:s2+$0xFFFFFFF0]  }
0x3c4: {  	s0 =	simm.s32 $0xE440;
	v6 =	vld [tilespmem:s2+$0x0]  }
0x3c5: {  	v7 =	vld [tilespmem:s0+$0x30]  }
0x3c6: {  	v8 =	vld [tilespmem:s2+$0x10]  }
0x3c7: {  	v10 =	vld [tilespmem:s2+$0x20]  }
0x3c8: {  	v62 =	vld [tilespmem:s0+$0xFFFFFFD0]  }
0x3c9: {  	v63 =	vld [tilespmem:s0+$0xFFFFFFE0]  }
0x3ca: {  	v11 =	vld [tilespmem:s0+$0xFFFFFFF0]  }
0x3cb: {  	v12 =	vld [tilespmem:s0+$0x0]  }
0x3cc: {  	v13 =	vld [tilespmem:s0+$0x10]  }
0x3cd: {  	v14 =	vld [tilespmem:s0+$0x20]  }
0x3ce: {  	v9 =	vld.idx.msk [tilespmem:v1+s1+$0x0], $0xffff  }
0x3cf: {  	v1 =	vld.idx.msk [tilespmem:v2+s1+$0x0], $0xffff  }
0x3d0: {  	v3 =	vld.idx.msk [tilespmem:v3+s1+$0x0], $0xffff  }
0x3d1: {  	v4 =	vld.idx.msk [tilespmem:v4+s1+$0x0], $0xffff  }
0x3d2: {  	v5 =	vld.idx.msk [tilespmem:v5+s1+$0x0], $0xffff  }
0x3d3: {  	v6 =	vld.idx.msk [tilespmem:v6+s1+$0x0], $0xffff  }
0x3d4: {  	v61 =	vld.idx.msk [tilespmem:v8+s1+$0x0], $0xffff  }
0x3d5: {  	v10 =	vld.idx.msk [tilespmem:v10+s1+$0x0], $0xffff  }
0x3d6: {  	v2 =	vld [tilespmem:s0+$0xFFFFFFC0]  }
0x3d7: {  	[tilespmem:v7+s25+$0x0] =	vst.idx.add.f32.msk $0xffff, v9  }
0x3d8: {  	[tilespmem:v62+s25+$0x0] =	vst.idx.add.f32.msk $0xffff, v3  }
0x3d9: {  	[tilespmem:v63+s25+$0x0] =	vst.idx.add.f32.msk $0xffff, v4  }
0x3da: {  	[tilespmem:v11+s25+$0x0] =	vst.idx.add.f32.msk $0xffff, v5  }
0x3db: {  	[tilespmem:v12+s25+$0x0] =	vst.idx.add.f32.msk $0xffff, v6  }
0x3dc: {  	[tilespmem:v13+s25+$0x0] =	vst.idx.add.f32.msk $0xffff, v61  }
0x3dd: {  	s3 =	simm.s32 $0xC940;
	s2 =	simm.s32 $0x0;
	[tilespmem:v14+s25+$0x0] =	vst.idx.add.f32.msk $0xffff, v10  }
.LBB2_72:
0x3de: {  	v3 =	vld [tilespmem:s3+$0x30];
	s2 =	sadd.s32 $0x80, s2  }
0x3df: {  	v4 =	vld [tilespmem:s3+$0xFFFFFFC0];
	p0 =	slt.u32 s2, $0xD80  }
0x3e0: {  	v5 =	vld [tilespmem:s3+$0xFFFFFFD0]  }
0x3e1: {  	v6 =	vld [tilespmem:s3+$0xFFFFFFE0]  }
0x3e2: {  	v7 =	vld [tilespmem:s3+$0xFFFFFFF0]  }
0x3e3: {  	s0 =	sadd.s32 $0x100, s0;
	v8 =	vld [tilespmem:s3+$0x0]  }
0x3e4: {  	v9 =	vld [tilespmem:s0+$0x30]  }
0x3e5: {  	v10 =	vld [tilespmem:s3+$0x10]  }
0x3e6: {  	v3 =	vld.idx.msk [tilespmem:v3+s1+$0x0], $0xffff  }
0x3e7: {  	v11 =	vld [tilespmem:s3+$0x20]  }
0x3e8: {  	v4 =	vld.idx.msk [tilespmem:v4+s1+$0x0], $0xffff  }
0x3e9: {  	v5 =	vld.idx.msk [tilespmem:v5+s1+$0x0], $0xffff  }
0x3ea: {  	v6 =	vld.idx.msk [tilespmem:v6+s1+$0x0], $0xffff  }
0x3eb: {  	v7 =	vld.idx.msk [tilespmem:v7+s1+$0x0], $0xffff  }
0x3ec: {  	[tilespmem:v9+s25+$0x0] =	vst.idx.add.f32.msk $0xffff, v3  }
0x3ed: {  	v3 =	vld.idx.msk [tilespmem:v8+s1+$0x0], $0xffff  }
0x3ee: {  	v8 =	vld.idx.msk [tilespmem:v10+s1+$0x0], $0xffff  }
0x3ef: {  	v9 =	vld.idx.msk [tilespmem:v11+s1+$0x0], $0xffff  }
0x3f0: {  	v10 =	vld [tilespmem:s0+$0xFFFFFFD0]  }
0x3f1: {  	v11 =	vld [tilespmem:s0+$0xFFFFFFE0]  }
0x3f2: {  	v12 =	vld [tilespmem:s0+$0xFFFFFFF0]  }
0x3f3: {  	v13 =	vld [tilespmem:s0+$0x0]  }
0x3f4: {  	v14 =	vld [tilespmem:s0+$0x10]  }
0x3f5: {  	v15 =	vld [tilespmem:s0+$0x20]  }
0x3f6: {  	v16 =	vld [tilespmem:s0+$0xFFFFFFC0]  }
0x3f7: {  	[tilespmem:v2+s25+$0x0] =	vst.idx.add.f32.msk $0xffff, v1;
	v1 =	vmov v4  }
0x3f8: {  	[tilespmem:v10+s25+$0x0] =	vst.idx.add.f32.msk $0xffff, v5  }
.Ltmp35:
0x3f9: {  	[tilespmem:v11+s25+$0x0] =	vst.idx.add.f32.msk $0xffff, v6;
	(pc) =	sbr.rel @p0 .LBB2_72-.Ltmp35, $4  }
0x3fa: {  	[tilespmem:v12+s25+$0x0] =	vst.idx.add.f32.msk $0xffff, v7  }
0x3fb: {  	[tilespmem:v13+s25+$0x0] =	vst.idx.add.f32.msk $0xffff, v3;
	v2 =	vmov v16  }
0x3fc: {  	[tilespmem:v14+s25+$0x0] =	vst.idx.add.f32.msk $0xffff, v8  }
0x3fd: {  	s3 =	sadd.s32 $0x100, s3;
	[tilespmem:v15+s25+$0x0] =	vst.idx.add.f32.msk $0xffff, v9  }
0x3fe: {  	_ =	sdelay $0x2  }
0x3ff: {  	s0 =	simm.s32 $0xC800  }
0x400: {  	[tilespmem:v2+s25+$0x0] =	vst.idx.add.f32.msk $0xffff, v1;
	s2 =	simm.s32 $0x10;
	s4 =	sadd.s32 $0x0, s24;
	s3 =	simm.s32 $0xC900  }
.LBB2_74:
0x401: {  	[tilespmem:s0], [sflag:$0x2] =	stream.linear.gather [hbm4b:s4+s1], $0x80, $0x38;
	[tilespmem:$0x1C800] =	vst v63  }
0x402: {  	s4 =	smov.u32 s2;
	s0 =	smov.u32 s3;
	p0 =	sne.s32 s2, $0x1B0  }
.Ltmp36:
0x403: {  	s2 =	sadd.s32 $0x10, s2;
	(pc) =	sbr.rel @p0 .LBB2_74-.Ltmp36, $2  }
0x404: {  	_ =	sdelay $0x2  }
0x405: {  	s3 =	sadd.s32 $0x100, s3;
	s4 =	sadd.s32 s4, s24  }
0x406: {  	[tilespmem:s0], [sflag:$0x2] =	stream.linear.gather [hbm4b:s4+s1], $0x80, $0x38;
	[tilespmem:$0x1C800] =	vst v63  }
0x407: {  	s0 =	simm.s32 $0xE400  }
0x408: {  	s2 =	simm.s32 $0x10;
	s4 =	sadd.s32 $0x0, s26;
	s3 =	simm.s32 $0xE500  }
.LBB2_76:
0x409: {  	[tilespmem:s0], [sflag:$0x4] =	stream.linear.gather [hbm4b:s4+s1], $0x80, $0x38;
	[tilespmem:$0x1C800] =	vst v63  }
0x40a: {  	s4 =	smov.u32 s2;
	s0 =	smov.u32 s3;
	p0 =	sne.s32 s2, $0x1B0  }
.Ltmp37:
0x40b: {  	s2 =	sadd.s32 $0x10, s2;
	(pc) =	sbr.rel @p0 .LBB2_76-.Ltmp37, $2  }
0x40c: {  	_ =	sdelay $0x2  }
0x40d: {  	s3 =	sadd.s32 $0x100, s3;
	s4 =	sadd.s32 s4, s26  }
0x40e: {  	[tilespmem:s0], [sflag:$0x4] =	stream.linear.gather [hbm4b:s4+s1], $0x80, $0x38;
	[tilespmem:$0x1C800] =	vst v63  }
0x40f: {  	s6 =	simm.s32 $0x3  }
0x410: {  	_ =	swait.ge [sflag:s6], $0xE00  }
0x411: {  	[sflag:s6] =	ssyncset.done $0x0  }
0x412: {  	s7 =	simm.s32 $0x5;
	[sflag:s6] =	ssyncadd.s32 $0xFFFFF200  }
0x413: {  	_ =	swait.ge [sflag:s7], $0xE00  }
0x414: {  	[sflag:s7] =	ssyncset.done $0x0  }
0x415: {  	s2 =	simm.s32 $0xC8F0;
	[sflag:s7] =	ssyncadd.s32 $0xFFFFF200  }
0x416: {  	v1 =	vld [tilespmem:s2+$0x0]  }
0x417: {  	v2 =	vld [tilespmem:s2+$0xFFFFFF90]  }
0x418: {  	v3 =	vld [tilespmem:s2+$0xFFFFFFA0]  }
0x419: {  	v4 =	vld [tilespmem:s2+$0xFFFFFFB0]  }
0x41a: {  	v5 =	vld [tilespmem:s2+$0xFFFFFFC0]  }
0x41b: {  	s0 =	simm.s32 $0xE4F0;
	v6 =	vld [tilespmem:s2+$0xFFFFFFD0]  }
0x41c: {  	v7 =	vld [tilespmem:s0+$0x0]  }
0x41d: {  	v8 =	vld [tilespmem:s2+$0xFFFFFFE0]  }
0x41e: {  	v10 =	vld [tilespmem:s2+$0xFFFFFFF0]  }
0x41f: {  	v62 =	vld [tilespmem:s0+$0xFFFFFFA0]  }
0x420: {  	v63 =	vld [tilespmem:s0+$0xFFFFFFB0]  }
0x421: {  	v11 =	vld [tilespmem:s0+$0xFFFFFFC0]  }
0x422: {  	v12 =	vld [tilespmem:s0+$0xFFFFFFD0]  }
0x423: {  	v13 =	vld [tilespmem:s0+$0xFFFFFFE0]  }
0x424: {  	v14 =	vld [tilespmem:s0+$0xFFFFFFF0]  }
0x425: {  	v9 =	vld.idx.msk [tilespmem:v1+s1+$0x0], $0xffff  }
0x426: {  	v1 =	vld.idx.msk [tilespmem:v2+s1+$0x0], $0xffff  }
0x427: {  	v3 =	vld.idx.msk [tilespmem:v3+s1+$0x0], $0xffff  }
0x428: {  	v4 =	vld.idx.msk [tilespmem:v4+s1+$0x0], $0xffff  }
0x429: {  	v5 =	vld.idx.msk [tilespmem:v5+s1+$0x0], $0xffff  }
0x42a: {  	v6 =	vld.idx.msk [tilespmem:v6+s1+$0x0], $0xffff  }
0x42b: {  	v61 =	vld.idx.msk [tilespmem:v8+s1+$0x0], $0xffff  }
0x42c: {  	v10 =	vld.idx.msk [tilespmem:v10+s1+$0x0], $0xffff  }
0x42d: {  	v2 =	vld [tilespmem:s0+$0xFFFFFF90]  }
0x42e: {  	[tilespmem:v7+s25+$0x0] =	vst.idx.add.f32.msk $0xffff, v9  }
0x42f: {  	[tilespmem:v62+s25+$0x0] =	vst.idx.add.f32.msk $0xffff, v3  }
0x430: {  	[tilespmem:v63+s25+$0x0] =	vst.idx.add.f32.msk $0xffff, v4  }
0x431: {  	[tilespmem:v11+s25+$0x0] =	vst.idx.add.f32.msk $0xffff, v5  }
0x432: {  	[tilespmem:v12+s25+$0x0] =	vst.idx.add.f32.msk $0xffff, v6  }
0x433: {  	[tilespmem:v13+s25+$0x0] =	vst.idx.add.f32.msk $0xffff, v61  }
0x434: {  	s3 =	simm.s32 $0xC9F0;
	s2 =	simm.s32 $0x0;
	[tilespmem:v14+s25+$0x0] =	vst.idx.add.f32.msk $0xffff, v10  }
.LBB2_78:
0x435: {  	v3 =	vld [tilespmem:s3+$0x0];
	s2 =	sadd.s32 $0x80, s2  }
0x436: {  	v4 =	vld [tilespmem:s3+$0xFFFFFF90];
	p0 =	slt.u32 s2, $0xD80  }
0x437: {  	v5 =	vld [tilespmem:s3+$0xFFFFFFA0]  }
0x438: {  	v6 =	vld [tilespmem:s3+$0xFFFFFFB0]  }
0x439: {  	v7 =	vld [tilespmem:s3+$0xFFFFFFC0]  }
0x43a: {  	s0 =	sadd.s32 $0x100, s0;
	v8 =	vld [tilespmem:s3+$0xFFFFFFD0]  }
0x43b: {  	v9 =	vld [tilespmem:s0+$0x0]  }
0x43c: {  	v10 =	vld [tilespmem:s3+$0xFFFFFFE0]  }
0x43d: {  	v3 =	vld.idx.msk [tilespmem:v3+s1+$0x0], $0xffff  }
0x43e: {  	v11 =	vld [tilespmem:s3+$0xFFFFFFF0]  }
0x43f: {  	v4 =	vld.idx.msk [tilespmem:v4+s1+$0x0], $0xffff  }
0x440: {  	v5 =	vld.idx.msk [tilespmem:v5+s1+$0x0], $0xffff  }
0x441: {  	v6 =	vld.idx.msk [tilespmem:v6+s1+$0x0], $0xffff  }
0x442: {  	v7 =	vld.idx.msk [tilespmem:v7+s1+$0x0], $0xffff  }
0x443: {  	[tilespmem:v9+s25+$0x0] =	vst.idx.add.f32.msk $0xffff, v3  }
0x444: {  	v3 =	vld.idx.msk [tilespmem:v8+s1+$0x0], $0xffff  }
0x445: {  	v8 =	vld.idx.msk [tilespmem:v10+s1+$0x0], $0xffff  }
0x446: {  	v9 =	vld.idx.msk [tilespmem:v11+s1+$0x0], $0xffff  }
0x447: {  	v10 =	vld [tilespmem:s0+$0xFFFFFFA0]  }
0x448: {  	v11 =	vld [tilespmem:s0+$0xFFFFFFB0]  }
0x449: {  	v12 =	vld [tilespmem:s0+$0xFFFFFFC0]  }
0x44a: {  	v13 =	vld [tilespmem:s0+$0xFFFFFFD0]  }
0x44b: {  	v14 =	vld [tilespmem:s0+$0xFFFFFFE0]  }
0x44c: {  	v15 =	vld [tilespmem:s0+$0xFFFFFFF0]  }
0x44d: {  	v16 =	vld [tilespmem:s0+$0xFFFFFF90]  }
0x44e: {  	[tilespmem:v2+s25+$0x0] =	vst.idx.add.f32.msk $0xffff, v1;
	v1 =	vmov v4  }
0x44f: {  	[tilespmem:v10+s25+$0x0] =	vst.idx.add.f32.msk $0xffff, v5  }
.Ltmp38:
0x450: {  	[tilespmem:v11+s25+$0x0] =	vst.idx.add.f32.msk $0xffff, v6;
	(pc) =	sbr.rel @p0 .LBB2_78-.Ltmp38, $4  }
0x451: {  	[tilespmem:v12+s25+$0x0] =	vst.idx.add.f32.msk $0xffff, v7  }
0x452: {  	[tilespmem:v13+s25+$0x0] =	vst.idx.add.f32.msk $0xffff, v3;
	v2 =	vmov v16  }
0x453: {  	[tilespmem:v14+s25+$0x0] =	vst.idx.add.f32.msk $0xffff, v8  }
0x454: {  	s3 =	sadd.s32 $0x100, s3;
	[tilespmem:v15+s25+$0x0] =	vst.idx.add.f32.msk $0xffff, v9  }
0x455: {  	_ =	sdelay $0x2  }
0x456: {  	s0 =	simm.s32 $0xC880  }
0x457: {  	[tilespmem:v2+s25+$0x0] =	vst.idx.add.f32.msk $0xffff, v1;
	s2 =	simm.s32 $0x10;
	s4 =	sadd.s32 $0x0, s30;
	s3 =	simm.s32 $0xC980  }
.LBB2_80:
0x458: {  	[tilespmem:s0], [sflag:$0x3] =	stream.linear.gather [hbm4b:s4+s1], $0x80, $0x38;
	[tilespmem:$0x1C800] =	vst v63  }
0x459: {  	s4 =	smov.u32 s2;
	s0 =	smov.u32 s3;
	p0 =	sne.s32 s2, $0x1B0  }
.Ltmp39:
0x45a: {  	s2 =	sadd.s32 $0x10, s2;
	(pc) =	sbr.rel @p0 .LBB2_80-.Ltmp39, $2  }
0x45b: {  	_ =	sdelay $0x2  }
0x45c: {  	s3 =	sadd.s32 $0x100, s3;
	s4 =	sadd.s32 s4, s30  }
0x45d: {  	[tilespmem:s0], [sflag:$0x3] =	stream.linear.gather [hbm4b:s4+s1], $0x80, $0x38;
	[tilespmem:$0x1C800] =	vst v63  }
0x45e: {  	s0 =	simm.s32 $0xE480  }
0x45f: {  	s2 =	simm.s32 $0x10;
	s4 =	sadd.s32 $0x0, s31;
	s3 =	simm.s32 $0xE580  }
.LBB2_82:
0x460: {  	[tilespmem:s0], [sflag:$0x5] =	stream.linear.gather [hbm4b:s4+s1], $0x80, $0x38;
	[tilespmem:$0x1C800] =	vst v63  }
0x461: {  	s4 =	smov.u32 s2;
	s0 =	smov.u32 s3;
	p0 =	sne.s32 s2, $0x1B0  }
.Ltmp40:
0x462: {  	s2 =	sadd.s32 $0x10, s2;
	(pc) =	sbr.rel @p0 .LBB2_82-.Ltmp40, $2  }
0x463: {  	_ =	sdelay $0x2  }
0x464: {  	s3 =	sadd.s32 $0x100, s3;
	s4 =	sadd.s32 s4, s31  }
0x465: {  	[tilespmem:s0], [sflag:$0x5] =	stream.linear.gather [hbm4b:s4+s1], $0x80, $0x38;
	[tilespmem:$0x1C800] =	vst v63  }
0x466: {  	s6 =	simm.s32 $0x2  }
0x467: {  	_ =	swait.ge [sflag:s6], $0xE00  }
0x468: {  	[sflag:s6] =	ssyncset.done $0x0  }
0x469: {  	s7 =	simm.s32 $0x4;
	[sflag:s6] =	ssyncadd.s32 $0xFFFFF200  }
0x46a: {  	_ =	swait.ge [sflag:s7], $0xE00  }
0x46b: {  	[sflag:s7] =	ssyncset.done $0x0  }
0x46c: {  	s2 =	simm.s32 $0xC840;
	[sflag:s7] =	ssyncadd.s32 $0xFFFFF200  }
0x46d: {  	v1 =	vld [tilespmem:s2+$0x30]  }
0x46e: {  	v2 =	vld [tilespmem:s2+$0xFFFFFFC0]  }
0x46f: {  	v3 =	vld [tilespmem:s2+$0xFFFFFFD0]  }
0x470: {  	v4 =	vld [tilespmem:s2+$0xFFFFFFE0]  }
0x471: {  	v5 =	vld [tilespmem:s2+$0xFFFFFFF0]  }
0x472: {  	s0 =	simm.s32 $0xE440;
	v6 =	vld [tilespmem:s2+$0x0]  }
0x473: {  	v7 =	vld [tilespmem:s0+$0x30]  }
0x474: {  	v8 =	vld [tilespmem:s2+$0x10]  }
0x475: {  	v10 =	vld [tilespmem:s2+$0x20]  }
0x476: {  	v62 =	vld [tilespmem:s0+$0xFFFFFFD0]  }
0x477: {  	v63 =	vld [tilespmem:s0+$0xFFFFFFE0]  }
0x478: {  	v11 =	vld [tilespmem:s0+$0xFFFFFFF0]  }
0x479: {  	v12 =	vld [tilespmem:s0+$0x0]  }
0x47a: {  	v13 =	vld [tilespmem:s0+$0x10]  }
0x47b: {  	v14 =	vld [tilespmem:s0+$0x20]  }
0x47c: {  	v9 =	vld.idx.msk [tilespmem:v1+s1+$0x0], $0xffff  }
0x47d: {  	v1 =	vld.idx.msk [tilespmem:v2+s1+$0x0], $0xffff  }
0x47e: {  	v3 =	vld.idx.msk [tilespmem:v3+s1+$0x0], $0xffff  }
0x47f: {  	v4 =	vld.idx.msk [tilespmem:v4+s1+$0x0], $0xffff  }
0x480: {  	v5 =	vld.idx.msk [tilespmem:v5+s1+$0x0], $0xffff  }
0x481: {  	v6 =	vld.idx.msk [tilespmem:v6+s1+$0x0], $0xffff  }
0x482: {  	v61 =	vld.idx.msk [tilespmem:v8+s1+$0x0], $0xffff  }
0x483: {  	v10 =	vld.idx.msk [tilespmem:v10+s1+$0x0], $0xffff  }
0x484: {  	v2 =	vld [tilespmem:s0+$0xFFFFFFC0]  }
0x485: {  	[tilespmem:v7+s25+$0x0] =	vst.idx.add.f32.msk $0xffff, v9  }
0x486: {  	[tilespmem:v62+s25+$0x0] =	vst.idx.add.f32.msk $0xffff, v3  }
0x487: {  	[tilespmem:v63+s25+$0x0] =	vst.idx.add.f32.msk $0xffff, v4  }
0x488: {  	[tilespmem:v11+s25+$0x0] =	vst.idx.add.f32.msk $0xffff, v5  }
0x489: {  	[tilespmem:v12+s25+$0x0] =	vst.idx.add.f32.msk $0xffff, v6  }
0x48a: {  	[tilespmem:v13+s25+$0x0] =	vst.idx.add.f32.msk $0xffff, v61  }
0x48b: {  	s3 =	simm.s32 $0xC940;
	s2 =	simm.s32 $0x0;
	[tilespmem:v14+s25+$0x0] =	vst.idx.add.f32.msk $0xffff, v10  }
.LBB2_84:
0x48c: {  	v3 =	vld [tilespmem:s3+$0x30];
	s2 =	sadd.s32 $0x80, s2  }
0x48d: {  	v4 =	vld [tilespmem:s3+$0xFFFFFFC0];
	p0 =	slt.u32 s2, $0xD80  }
0x48e: {  	v5 =	vld [tilespmem:s3+$0xFFFFFFD0]  }
0x48f: {  	v6 =	vld [tilespmem:s3+$0xFFFFFFE0]  }
0x490: {  	v7 =	vld [tilespmem:s3+$0xFFFFFFF0]  }
0x491: {  	s0 =	sadd.s32 $0x100, s0;
	v8 =	vld [tilespmem:s3+$0x0]  }
0x492: {  	v9 =	vld [tilespmem:s0+$0x30]  }
0x493: {  	v10 =	vld [tilespmem:s3+$0x10]  }
0x494: {  	v3 =	vld.idx.msk [tilespmem:v3+s1+$0x0], $0xffff  }
0x495: {  	v11 =	vld [tilespmem:s3+$0x20]  }
0x496: {  	v4 =	vld.idx.msk [tilespmem:v4+s1+$0x0], $0xffff  }
0x497: {  	v5 =	vld.idx.msk [tilespmem:v5+s1+$0x0], $0xffff  }
0x498: {  	v6 =	vld.idx.msk [tilespmem:v6+s1+$0x0], $0xffff  }
0x499: {  	v7 =	vld.idx.msk [tilespmem:v7+s1+$0x0], $0xffff  }
0x49a: {  	[tilespmem:v9+s25+$0x0] =	vst.idx.add.f32.msk $0xffff, v3  }
0x49b: {  	v3 =	vld.idx.msk [tilespmem:v8+s1+$0x0], $0xffff  }
0x49c: {  	v8 =	vld.idx.msk [tilespmem:v10+s1+$0x0], $0xffff  }
0x49d: {  	v9 =	vld.idx.msk [tilespmem:v11+s1+$0x0], $0xffff  }
0x49e: {  	v10 =	vld [tilespmem:s0+$0xFFFFFFD0]  }
0x49f: {  	v11 =	vld [tilespmem:s0+$0xFFFFFFE0]  }
0x4a0: {  	v12 =	vld [tilespmem:s0+$0xFFFFFFF0]  }
0x4a1: {  	v13 =	vld [tilespmem:s0+$0x0]  }
0x4a2: {  	v14 =	vld [tilespmem:s0+$0x10]  }
0x4a3: {  	v15 =	vld [tilespmem:s0+$0x20]  }
0x4a4: {  	v16 =	vld [tilespmem:s0+$0xFFFFFFC0]  }
0x4a5: {  	[tilespmem:v2+s25+$0x0] =	vst.idx.add.f32.msk $0xffff, v1;
	v1 =	vmov v4  }
0x4a6: {  	[tilespmem:v10+s25+$0x0] =	vst.idx.add.f32.msk $0xffff, v5  }
.Ltmp41:
0x4a7: {  	[tilespmem:v11+s25+$0x0] =	vst.idx.add.f32.msk $0xffff, v6;
	(pc) =	sbr.rel @p0 .LBB2_84-.Ltmp41, $4  }
0x4a8: {  	[tilespmem:v12+s25+$0x0] =	vst.idx.add.f32.msk $0xffff, v7  }
0x4a9: {  	[tilespmem:v13+s25+$0x0] =	vst.idx.add.f32.msk $0xffff, v3;
	v2 =	vmov v16  }
0x4aa: {  	[tilespmem:v14+s25+$0x0] =	vst.idx.add.f32.msk $0xffff, v8  }
0x4ab: {  	s3 =	sadd.s32 $0x100, s3;
	[tilespmem:v15+s25+$0x0] =	vst.idx.add.f32.msk $0xffff, v9  }
0x4ac: {  	_ =	sdelay $0x3  }
0x4ad: {  	[tilespmem:v2+s25+$0x0] =	vst.idx.add.f32.msk $0xffff, v1;
	s0 =	simm.s32 $0x3  }
0x4ae: {  	_ =	swait.ge [sflag:s0], $0xE00  }
0x4af: {  	[sflag:s0] =	ssyncset.done $0x0  }
0x4b0: {  	s7 =	simm.s32 $0x5;
	[sflag:s0] =	ssyncadd.s32 $0xFFFFF200  }
0x4b1: {  	_ =	swait.ge [sflag:s7], $0xE00  }
0x4b2: {  	[sflag:s7] =	ssyncset.done $0x0  }
0x4b3: {  	s2 =	simm.s32 $0xC8F0;
	[sflag:s7] =	ssyncadd.s32 $0xFFFFF200  }
0x4b4: {  	v1 =	vld [tilespmem:s2+$0x0]  }
0x4b5: {  	v2 =	vld [tilespmem:s2+$0xFFFFFF90]  }
0x4b6: {  	v3 =	vld [tilespmem:s2+$0xFFFFFFA0]  }
0x4b7: {  	v4 =	vld [tilespmem:s2+$0xFFFFFFB0]  }
0x4b8: {  	v5 =	vld [tilespmem:s2+$0xFFFFFFC0]  }
0x4b9: {  	s0 =	simm.s32 $0xE4F0;
	v6 =	vld [tilespmem:s2+$0xFFFFFFD0]  }
0x4ba: {  	v7 =	vld [tilespmem:s0+$0x0]  }
0x4bb: {  	v8 =	vld [tilespmem:s2+$0xFFFFFFE0]  }
0x4bc: {  	v10 =	vld [tilespmem:s2+$0xFFFFFFF0]  }
0x4bd: {  	v62 =	vld [tilespmem:s0+$0xFFFFFFA0]  }
0x4be: {  	v63 =	vld [tilespmem:s0+$0xFFFFFFB0]  }
0x4bf: {  	v11 =	vld [tilespmem:s0+$0xFFFFFFC0]  }
0x4c0: {  	v12 =	vld [tilespmem:s0+$0xFFFFFFD0]  }
0x4c1: {  	v13 =	vld [tilespmem:s0+$0xFFFFFFE0]  }
0x4c2: {  	v14 =	vld [tilespmem:s0+$0xFFFFFFF0]  }
0x4c3: {  	v9 =	vld.idx.msk [tilespmem:v1+s1+$0x0], $0xffff  }
0x4c4: {  	v1 =	vld.idx.msk [tilespmem:v2+s1+$0x0], $0xffff  }
0x4c5: {  	v3 =	vld.idx.msk [tilespmem:v3+s1+$0x0], $0xffff  }
0x4c6: {  	v4 =	vld.idx.msk [tilespmem:v4+s1+$0x0], $0xffff  }
0x4c7: {  	v5 =	vld.idx.msk [tilespmem:v5+s1+$0x0], $0xffff  }
0x4c8: {  	v6 =	vld.idx.msk [tilespmem:v6+s1+$0x0], $0xffff  }
0x4c9: {  	v61 =	vld.idx.msk [tilespmem:v8+s1+$0x0], $0xffff  }
0x4ca: {  	v10 =	vld.idx.msk [tilespmem:v10+s1+$0x0], $0xffff  }
0x4cb: {  	v2 =	vld [tilespmem:s0+$0xFFFFFF90]  }
0x4cc: {  	[tilespmem:v7+s25+$0x0] =	vst.idx.add.f32.msk $0xffff, v9  }
0x4cd: {  	[tilespmem:v62+s25+$0x0] =	vst.idx.add.f32.msk $0xffff, v3  }
0x4ce: {  	[tilespmem:v63+s25+$0x0] =	vst.idx.add.f32.msk $0xffff, v4  }
0x4cf: {  	[tilespmem:v11+s25+$0x0] =	vst.idx.add.f32.msk $0xffff, v5  }
0x4d0: {  	[tilespmem:v12+s25+$0x0] =	vst.idx.add.f32.msk $0xffff, v6  }
0x4d1: {  	[tilespmem:v13+s25+$0x0] =	vst.idx.add.f32.msk $0xffff, v61  }
0x4d2: {  	s3 =	simm.s32 $0xC9F0;
	s2 =	simm.s32 $0x0;
	[tilespmem:v14+s25+$0x0] =	vst.idx.add.f32.msk $0xffff, v10  }
.LBB2_86:
0x4d3: {  	v3 =	vld [tilespmem:s3+$0x0];
	s2 =	sadd.s32 $0x80, s2  }
0x4d4: {  	v4 =	vld [tilespmem:s3+$0xFFFFFF90];
	p0 =	slt.u32 s2, $0xD80  }
0x4d5: {  	v5 =	vld [tilespmem:s3+$0xFFFFFFA0]  }
0x4d6: {  	v6 =	vld [tilespmem:s3+$0xFFFFFFB0]  }
0x4d7: {  	v7 =	vld [tilespmem:s3+$0xFFFFFFC0]  }
0x4d8: {  	s0 =	sadd.s32 $0x100, s0;
	v8 =	vld [tilespmem:s3+$0xFFFFFFD0]  }
0x4d9: {  	v9 =	vld [tilespmem:s0+$0x0]  }
0x4da: {  	v10 =	vld [tilespmem:s3+$0xFFFFFFE0]  }
0x4db: {  	v3 =	vld.idx.msk [tilespmem:v3+s1+$0x0], $0xffff  }
0x4dc: {  	v11 =	vld [tilespmem:s3+$0xFFFFFFF0]  }
0x4dd: {  	v4 =	vld.idx.msk [tilespmem:v4+s1+$0x0], $0xffff  }
0x4de: {  	v5 =	vld.idx.msk [tilespmem:v5+s1+$0x0], $0xffff  }
0x4df: {  	v6 =	vld.idx.msk [tilespmem:v6+s1+$0x0], $0xffff  }
0x4e0: {  	v7 =	vld.idx.msk [tilespmem:v7+s1+$0x0], $0xffff  }
0x4e1: {  	[tilespmem:v9+s25+$0x0] =	vst.idx.add.f32.msk $0xffff, v3  }
0x4e2: {  	v3 =	vld.idx.msk [tilespmem:v8+s1+$0x0], $0xffff  }
0x4e3: {  	v8 =	vld.idx.msk [tilespmem:v10+s1+$0x0], $0xffff  }
0x4e4: {  	v9 =	vld.idx.msk [tilespmem:v11+s1+$0x0], $0xffff  }
0x4e5: {  	v10 =	vld [tilespmem:s0+$0xFFFFFFA0]  }
0x4e6: {  	v11 =	vld [tilespmem:s0+$0xFFFFFFB0]  }
0x4e7: {  	v12 =	vld [tilespmem:s0+$0xFFFFFFC0]  }
0x4e8: {  	v13 =	vld [tilespmem:s0+$0xFFFFFFD0]  }
0x4e9: {  	v14 =	vld [tilespmem:s0+$0xFFFFFFE0]  }
0x4ea: {  	v15 =	vld [tilespmem:s0+$0xFFFFFFF0]  }
0x4eb: {  	v16 =	vld [tilespmem:s0+$0xFFFFFF90]  }
0x4ec: {  	[tilespmem:v2+s25+$0x0] =	vst.idx.add.f32.msk $0xffff, v1;
	v1 =	vmov v4  }
0x4ed: {  	[tilespmem:v10+s25+$0x0] =	vst.idx.add.f32.msk $0xffff, v5  }
.Ltmp42:
0x4ee: {  	[tilespmem:v11+s25+$0x0] =	vst.idx.add.f32.msk $0xffff, v6;
	(pc) =	sbr.rel @p0 .LBB2_86-.Ltmp42, $4  }
0x4ef: {  	[tilespmem:v12+s25+$0x0] =	vst.idx.add.f32.msk $0xffff, v7  }
0x4f0: {  	[tilespmem:v13+s25+$0x0] =	vst.idx.add.f32.msk $0xffff, v3;
	v2 =	vmov v16  }
0x4f1: {  	[tilespmem:v14+s25+$0x0] =	vst.idx.add.f32.msk $0xffff, v8  }
0x4f2: {  	s3 =	sadd.s32 $0x100, s3;
	[tilespmem:v15+s25+$0x0] =	vst.idx.add.f32.msk $0xffff, v9  }
0x4f3: {  	_ =	sdelay $0x3  }
0x4f4: {  	[tilespmem:v2+s25+$0x0] =	vst.idx.add.f32.msk $0xffff, v1;
	s2 =	simm.s32 $0x80  }
0x4f5: {  	s3 =	simm.s32 $0x400;
	s5 =	simm.s32 $0x6;
	s0 =	rddreg [dreg:$0x9]  }
0x4f6: {  	[hbm4b:s0+s2] =	stream.strided.scatter [tilespmem:s25], [sflag:$0x6], $0xC800, s3, s2, $0x38;
	[tilespmem:$0x1C800] =	vst v63  }
0x4f7: {  	_ =	swait.ge [sflag:s5], $0xC800  }
0x4f8: {  	s6 =	rddreg [dreg:$0xb]  }
0x4f9: {  	s7 =	rddreg [dreg:$0xa];
	s3 =	sadd.s32 $0x1, s6  }
0x4fa: {  	p0 =	sne.s32 s3, s7  }
.Ltmp43:
0x4fb: {  	_ = 	snop;
	(pc) =	sbr.rel @p0 .LBB2_1-.Ltmp43, $3  }
0x4fc: {  	_ =	sdelay $0x1  }
0x4fd: {  	[sflag:s5] =	ssyncset.done $0x0  }
0x4fe: {  	[sflag:s5] =	ssyncadd.s32 $0xFFFF3800  }
0x4ff: {  	_ =	sfence.sel $0x180000  }
0x500: {  	[bflag:$0x0] =	sbarrier.arrive $0xFFFF  }
0x501: {  	_ =	strace $0x9000004D  }
0x502: {  	s0 =	stileid.u32;
	[bflag:$0x2] =	sbarrier.arrive $0xFFFF  }
0x503: {  	p0 =	sne.s32 s0, $0x0;
	s0 =	rddreg [dreg:$0x1]  }
0x504: {  	s0 =	sadd.s32 @!p0 $0x100000, s0  }
0x505: {  	[sflag:s0] =	ssyncadd.tile.s32 @!p0 $0x1;
	_ =	shalt  }
.Lfunc_end2:
_tile_overlayer_lowered:
.L_overlay_start_2:
0x506: {  	(tag) =	ssettag $0x2  }
0x507: {  	s0 =	rddreg [dreg:$0x0];
	s2 =	stileid.u32  }
0x508: {  	s1 =	rddreg [dreg:$0x1];
	p0 =	sne.s32 s2, $0x0  }
0x509: {  	s3 =	rddreg [dreg:$0x2];
	[bflag:$0x3] =	sbarrier.arrive $0xFFFF;
	s2 =	simm.s32 @!p0 $0x1C06  }
0x50a: {  	[timem:s3], [sflag:s2] =	dma.local @!p0 [hbm:s0], s1  }
0x50b: {  	s0 =	simm.s32 @!p0 $0x6  }
0x50c: {  	_ =	swait.ge @!p0 [sflag:s0], s1  }
0x50d: {  	s1 =	ssub.s32 @!p0 $0x0, s1;
	[sflag:s0] =	ssyncset.done @!p0 $0x0  }
0x50e: {  	[sflag:s0] =	ssyncadd.s32 @!p0 s1  }
0x50f: {  	[bflag:$0x3] =	sbarrier.arrive $0xFFFF  }
0x510: {  	_ =	shalt  }

// kernel: kernel.8.cloned.1.call-start
scs
__scs_entry_jumppad:
0x0: {  	(pc) =	sbr.rel $0x88, $3  }
0x1: {  	(tag) =	ssettag $0x0;
	lr =	simm.s32 $0x1  }
0x2: {  	[smem:$0x3F97] =	sst lr;
	_ =	strace $0xD0000000  }
0x3: {  	_ = 	snop  }
0x4: {  	_ = 	snop  }
0x5: {  	_ = 	snop  }
0x6: {  	_ = 	snop  }
0x7: {  	_ = 	snop  }
__scs_overlays_trampoline_lowered:
0x8: {  	[smem:$0x3FA6] =	sst s0  }
0x9: {  	[smem:$0x3FA7] =	sst s1  }
0xa: {  	[smem:$0x3FA8] =	sst s2  }
0xb: {  	[smem:$0x3FA9] =	sst s3  }
0xc: {  	[smem:$0x3FAA] =	sst s4  }
0xd: {  	[smem:$0x3FAB] =	sst s5  }
0xe: {  	[smem:$0x3FAC] =	sst s6  }
0xf: {  	[smem:$0x3FAD] =	sst s7  }
0x10: {  	[smem:$0x3FAE] =	sst s8  }
0x11: {  	[smem:$0x3FAF] =	sst s9;
	s0 =	simm.s32 @!p0 $0x0  }
0x12: {  	s1 =	sld [smem:$0x3F95];
	s0 =	simm.s32 @p0 $0x1  }
0x13: {  	[smem:$0x3FB0] =	sst s0;
	s0 =	simm.s32 @!p1 $0x0  }
0x14: {  	s2 =	sld [smem:$0x3F94];
	s0 =	simm.s32 @p1 $0x1  }
0x15: {  	[smem:$0x3FB1] =	sst s0;
	s0 =	simm.s32 @!p2 $0x0  }
0x16: {  	s3 =	sld [smem:$0x3FDB];
	s0 =	simm.s32 @p2 $0x1  }
0x17: {  	s4 =	simm.s32 $0x1BF5;
	[smem:$0x3FB3] =	sst s0  }
0x18: {  	s0 =	sld [smem:$0x3F96];
	_ =	swait.ge [sflag:s4], $0x0  }
0x19: {  	s7 =	sld [smem:$0x3F97]  }
0x1a: {  	s8 =	sadd.s32 $0xFFFFE003, lr  }
0x1b: {  	s9 =	sadd.s32 $0xFFFFFEF7, lr;
	s5 =	simm.s32 $0xFFFFFFFF;
	p2 =	slt.u32 s8, $0xFFFFF086  }
0x1c: {  	p1 =	slt.u32 s9, $0xF7A;
	s5 =	simm.s32 @!p2 $0x0  }
0x1d: {  	s5 =	simm.s32 @p1 $0x1;
	p0 =	seq.s32 s7, s2  }
0x1e: {  	s7 =	smul.u32 @!p0 $0xF7A, s2;
	p2 =	seq.s32 @!p0 s5, $0x0  }
0x1f: {  	s9 =	smul.u32 $0xF7A, s1;
	s8 =	simm.s32 @!p0 $0x1BF5;
	p2 =	por !p2, p0  }
0x20: {  	[sflag:s8] =	ssyncset.s32 @!p0 $0xFFFFF086;
	s6 =	sadd.s32 @!p0 s3, s7;
	s7 =	simm.s32 @!p0 $0x108  }
0x21: {  	s3 =	sadd.s32 s3, s9;
	s6 =	sadd.s32 @!p0 $0x88, s6;
	s7 =	simm.s32 @p2 $0x1082  }
0x22: {  	[simem:s7], [sflag:s8] =	dma.local @!p0 [hbm:s6], $0xF7A  }
0x23: {  	s9 =	sor.u32 $0xD0000000, s2;
	s6 =	simm.s32 $0x108;
	_ =	swait.ge @!p0 [sflag:s8], $0x0  }
0x24: {  	s3 =	sadd.s32 $0x88, s3;
	s6 =	simm.s32 @!p1 $0x1082;
	[sflag:s4] =	ssyncset.s32 $0xFFFFF086  }
0x25: {  	[simem:s6], [sflag:s4] =	dma.local [hbm:s3], $0xF7A  }
0x26: {  	[smem:$0x3F97] =	sst s1;
	(tag) =	ssettag s2;
	_ =	strace s9  }
0x27: {  	s1 =	sld [smem:$0x3FA7]  }
0x28: {  	s2 =	sld [smem:$0x3FA8]  }
0x29: {  	s4 =	sld [smem:$0x3FAA]  }
0x2a: {  	p0 =	seq.s32 s5, $0x0;
	s5 =	sld [smem:$0x3FAB]  }
0x2b: {  	s6 =	sld [smem:$0x3FAC]  }
0x2c: {  	s7 =	sld [smem:$0x3FAD]  }
0x2d: {  	s3 =	simm.s32 $0x108;
	s8 =	sld [smem:$0x3FAE]  }
0x2e: {  	s3 =	simm.s32 @!p0 $0x1082;
	s9 =	sld [smem:$0x3FAF]  }
0x2f: {  	lr =	sadd.s32 s0, s3;
	s0 =	sld [smem:$0x3FA6]  }
0x30: {  	s3 =	sld [smem:$0x3FA9]  }
0x31: {  	[smem:$0x3FB2] =	sst s10  }
0x32: {  	s10 =	sld [smem:$0x3FB0];
	_ =	sdelay $0x3  }
0x33: {  	p0 =	seq.s32 s10, $0x1;
	s10 =	sld [smem:$0x3FB2];
	_ =	sdelay $0x3  }
0x34: {  	[smem:$0x3FB2] =	sst s10  }
0x35: {  	s10 =	sld [smem:$0x3FB1];
	_ =	sdelay $0x3  }
0x36: {  	p1 =	seq.s32 s10, $0x1;
	s10 =	sld [smem:$0x3FB2];
	_ =	sdelay $0x3  }
0x37: {  	[smem:$0x3FB2] =	sst s10  }
0x38: {  	s10 =	sld [smem:$0x3FB3]  }
0x39: {  	_ = 	snop;
	(pc) =	sbr.ind lr, $3  }
0x3a: {  	_ = 	snop  }
0x3b: {  	_ = 	snop  }
0x3c: {  	p2 =	seq.s32 s10, $0x1;
	s10 =	sld [smem:$0x3FB2]  }
0x3d: {  	_ =	shalt  }
0x3e: {  	_ =	shalt  }
0x3f: {  	_ =	shalt  }
0x40: {  	_ =	shalt  }
0x41: {  	_ =	shalt  }
0x42: {  	_ =	shalt  }
0x43: {  	_ =	shalt  }
0x44: {  	_ =	shalt  }
0x45: {  	_ =	shalt  }
0x46: {  	_ =	shalt  }
0x47: {  	_ =	shalt  }
0x48: {  	_ =	shalt  }
0x49: {  	_ =	shalt  }
0x4a: {  	_ =	shalt  }
0x4b: {  	_ =	shalt  }
0x4c: {  	_ =	shalt  }
0x4d: {  	_ =	shalt  }
0x4e: {  	_ =	shalt  }
0x4f: {  	_ =	shalt  }
0x50: {  	_ =	shalt  }
0x51: {  	_ =	shalt  }
0x52: {  	_ =	shalt  }
0x53: {  	_ =	shalt  }
0x54: {  	_ =	shalt  }
0x55: {  	_ =	shalt  }
0x56: {  	_ =	shalt  }
0x57: {  	_ =	shalt  }
0x58: {  	_ =	shalt  }
0x59: {  	_ =	shalt  }
0x5a: {  	_ =	shalt  }
0x5b: {  	_ =	shalt  }
0x5c: {  	_ =	shalt  }
0x5d: {  	_ =	shalt  }
0x5e: {  	_ =	shalt  }
0x5f: {  	_ =	shalt  }
0x60: {  	_ =	shalt  }
0x61: {  	_ =	shalt  }
0x62: {  	_ =	shalt  }
0x63: {  	_ =	shalt  }
0x64: {  	_ =	shalt  }
0x65: {  	_ =	shalt  }
0x66: {  	_ =	shalt  }
0x67: {  	_ =	shalt  }
0x68: {  	_ =	shalt  }
0x69: {  	_ =	shalt  }
0x6a: {  	_ =	shalt  }
0x6b: {  	_ =	shalt  }
0x6c: {  	_ =	shalt  }
0x6d: {  	_ =	shalt  }
0x6e: {  	_ =	shalt  }
0x6f: {  	_ =	shalt  }
0x70: {  	_ =	shalt  }
0x71: {  	_ =	shalt  }
0x72: {  	_ =	shalt  }
0x73: {  	_ =	shalt  }
0x74: {  	_ =	shalt  }
0x75: {  	_ =	shalt  }
0x76: {  	_ =	shalt  }
0x77: {  	_ =	shalt  }
0x78: {  	_ =	shalt  }
0x79: {  	_ =	shalt  }
0x7a: {  	_ =	shalt  }
0x7b: {  	_ =	shalt  }
0x7c: {  	_ =	shalt  }
0x7d: {  	_ =	shalt  }
0x7e: {  	_ =	shalt  }
0x7f: {  	_ =	shalt  }
0x80: {  	_ =	shalt  }
0x81: {  	_ =	shalt  }
0x82: {  	_ =	shalt  }
0x83: {  	_ =	shalt  }
0x84: {  	_ =	shalt  }
0x85: {  	_ =	shalt  }
0x86: {  	_ =	shalt  }
0x87: {  	_ =	shalt  }
.Lfunc_end0:
.L_simem_size_0:
called_computation_lowered:
.L_overlay_start_0:
0x88: {  	s2 =	sld [smem:$0x3FD9]  }
0x89: {  	s3 =	sld [smem:$0x3FFE];
	_ =	sdelay $0x1  }
0x8a: {  	s1 =	srdreg.scid  }
0x8b: {  	s0 =	sand.u32 $0x1, s1  }
0x8c: {  	s16 =	sshll.u32 s0, $0xA;
	s2 =	sadd.s32 s3, s2  }
0x8d: {  	s2 =	sadd.s32 s2, s16  }
0x8e: {  	[smem:$0x3FBE] =	sst s2  }
0x8f: {  	_ = 	snop  }
0x90: {  	(tm) =	ssettm $0x1  }
0x91: {  	s17 =	sld [smem:$0x3FFB];
	_ =	sdelay $0x3  }
0x92: {  	_ =	strace s17  }
0x93: {  	s2 =	sld [smem:$0x3FFC];
	_ =	sdelay $0x3  }
0x94: {  	_ =	strace s2  }
0x95: {  	s2 =	sld [smem:$0x3FFD];
	_ =	sdelay $0x3  }
0x96: {  	_ =	strace s2  }
0x97: {  	_ =	strace $0x8FFFFFFF  }
0x98: {  	s18 =	sld [smem:$0x3FDB];
	_ =	sdelay $0x1  }
0x99: {  	s19 =	simm.s32 $_scs_section_size  }
0x9a: {  	s4 =	simm.s32 $_size__tile_overlayer_lowered;
	s5 =	simm.s32 $_tile_overlayer_lowered  }
0x9b: {  	s22 =	simm.s32 $0x1BFF;
	s21 =	sshll.u32 s5, $0x1;
	s2 =	sadd.s32 s19, s18  }
0x9c: {  	s6 =	simm.s32 $0x0;
	s20 =	sshll.u32 s4, $0x1;
	s4 =	sadd.s32 s21, s2  }
0x9d: {  	[timem:s6], [sflag:s22] =	dma.local [hbm:s4], s20  }
0x9e: {  	_ =	swait.ge [sflag:s22], s20  }
0x9f: {  	s3 =	ssub.s32 $0x0, s20;
	[sflag:s22] =	ssyncset.done $0x0  }
0xa0: {  	[sflag:s22] =	ssyncadd.s32 s3;
	_ =	sdelay $0x1  }
0xa1: {  	s23 =	simm.s32 $0x1B8B  }
0xa2: {  	_ =	swait.ge [sflag:s23], $0x1  }
0xa3: {  	[sflag:s23] =	ssyncset.done $0x0  }
0xa4: {  	s25 =	simm.s32 $0x1B8E;
	s24 =	sld [smem:$0x3FFE];
	[sflag:s23] =	ssyncadd.s32 $0xFFFFFFFF  }
0xa5: {  	s26 =	simm.s32 $execute0_lowered;
	[smem:$0x3FD2] =	sst s25  }
0xa6: {  	s4 =	sshll.u32 s26, $0x1;
	_ =	strace $0x80000046;
	[dreg:$0x1] =	wrdreg $0xFFFFFFFF  }
0xa7: {  	s28 =	simm.s32 $_size_execute0_lowered;
	s2 =	sadd.s32 s2, s4;
	[dreg:$0x0] =	wrdreg $0x0  }
0xa8: {  	s4 =	sshll.u32 s28, $0x1;
	[dreg:$0x2] =	wrdreg s2  }
0xa9: {  	[dreg:$0x3] =	wrdreg s4  }
0xaa: {  	[dreg:$0x4] =	wrdreg $0xC0  }
0xab: {  	_ =	task [dreg:s6], $0x5FFFF  }
0xac: {  	[dreg:$0x1] =	wrdreg $0xFFFFFFFF  }
0xad: {  	[dreg:$0x0] =	wrdreg $0x60  }
0xae: {  	[dreg:$0x2] =	wrdreg s24  }
0xaf: {  	[dreg:$0x3] =	wrdreg $0x9  }
0xb0: {  	_ =	task.clear_ibuf [dreg:s6], $0x4FFFF;
	_ =	strace $0x90000046  }
0xb1: {  	s29 =	simm.s32 $0x9;
	_ =	strace $0x80000048  }
0xb2: {  	_ =	swait.ge [sflag:s29], $0x1  }
0xb3: {  	[sflag:s29] =	ssyncadd.s32 $0xFFFFFFFF  }
0xb4: {  	_ =	strace $0x90000048  }
0xb5: {  	_ =	sfence  }
0xb6: {  	s30 =	sld [smem:$0x0];
	_ =	sdelay $0x2  }
0xb7: {  	s31 =	sshll.u32 s1, $0xD;
	s1 =	sshrl.u32 s1, $0x2  }
0xb8: {  	s3 =	sand.u32 $0x4000, s31;
	s1 =	sadd.s32 s1, s30  }
0xb9: {  	s0 =	sor.u32 s3, s0;
	s1 =	sshll.u32 s1, $0x11  }
0xba: {  	s0 =	sor.u32 s1, s0  }
0xbb: {  	s0 =	sadd.s32 $0x8F2B, s0  }
0xbc: {  	[sflag:s0] =	ssyncadd.remote.s32 $0x1  }
0xbd: {  	_ =	sfence.sel $0xFFFF  }
0xbe: {  	[dreg:$0x0] =	wrdreg $0xFFFFFFFF;
	(pc) =	sbr.abs _section_cstart, $3  }
0xbf: {  	[dreg:$0x1] =	wrdreg $0xFFFFFFFF  }
0xc0: {  	_ =	task.clear_ibuf [dreg:s6], $0x2FFFF;
	_ =	strace $0x9FFFFFFF  }
0xc1: {  	(tm) =	ssettm $0x7FFFFFFF  }
tec
execute0_lowered:
.L_overlay_start_1:
0x0: {  	(tag) =	ssettag $0x1  }
0x1: {  	s0 =	srdreg.scid  }
0x2: {  	s4 =	rddreg [dreg:$0x0];
	s1 =	stileid.u32  }
0x3: {  	s12 =	simm.s32 $0x1;
	s13 =	simm.s32 $0x1C00;
	s14 =	simm.s32 $0x2  }
0x4: {  	s15 =	simm.s32 $0x80;
	s16 =	simm.s32 $0x400;
	s3 =	sand.u32 $0x1, s0  }
0x5: {  	s17 =	simm.s32 $0x3;
	s18 =	simm.s32 $0x0;
	s2 =	sshll.u32 s3, $0x4  }
0x6: {  	s0 =	rddreg [dreg:$0x1];
	s7 =	sshll.u32 s1, $0x7;
	s5 =	sor.u32 s1, s2  }
0x7: {  	s3 =	ssub.s32 $0x2, s3;
	s6 =	smul.u32 $0x6200, s5;
	s5 =	sshrl.u32 s5, $0x3  }
0x8: {  	s2 =	simm.s32 $0x0;
	s31 =	sshrl.u32 s3, $0x1;
	s5 =	smul.u32 $0x64000, s5  }
0x9: {  	s7 =	sand.u32 $0x380, s7;
	[smem:$0x7FF] =	sst s2;
	s11 =	ssub.s32 s3, s31  }
0xa: {  	_ =	strace $0x80000047;
	s6 =	sshrl.u32 s6, $0x3;
	s5 =	sor.u32 s7, s5  }
0xb: {  	s11 =	smax.u32 s11, $0x1;
	s9 =	sadd.s32 s6, s4;
	s5 =	sshrl.u32 s5, $0x3  }
0xc: {  	s3 =	sadd.s32 $0x1600, s9;
	s6 =	sadd.s32 $0x1B40, s9;
	s7 =	sadd.s32 $0x1D00, s9  }
0xd: {  	s8 =	sadd.s32 $0x1EC0, s9;
	s10 =	sadd.s32 s5, s4;
	s4 =	sadd.s32 $0x17C0, s9  }
0xe: {  	v0 =	vimm.f32 $0.0e+00;
	v1 =	vimm.f32 $1.000000000e+00;
	s5 =	sadd.s32 $0x1980, s9;
	s9 =	sadd.s32 $0x2080, s9;
	s10 =	sadd.s32 $0x19E00, s10  }
.LBB2_1:
0xf: {  	s19 =	simm.s32 $0x0;
	s20 =	simm.s32 $0x0  }
.LBB2_2:
0x10: {  	p0 =	sne.s32 s20, $0x1B0  }
.Ltmp0:
0x11: {  	_ = 	snop;
	(pc) =	sbr.rel @p0 .LBB2_2-.Ltmp0, $4  }
0x12: {  	_ = 	snop  }
0x13: {  	s21 =	sadd.s32 s20, s3  }
0x14: {  	[tilespmem:s19], [sflag:$0x1] =	stream.linear.gather [hbm4b:s21+s2], $0x80, $0x38;
	[tilespmem:$0xE400] =	vst v63  }
0x15: {  	s20 =	sadd.s32 $0x10, s20;
	s19 =	sadd.s32 $0x100, s19  }
0x16: {  	s19 =	simm.s32 $0x1C40  }
0x17: {  	[tilespmem:s19+$0xFFFFFFC0] =	vst v0  }
0x18: {  	[tilespmem:s19+$0x30] =	vst v0  }
0x19: {  	[tilespmem:s19+$0x20] =	vst v0  }
0x1a: {  	[tilespmem:s19+$0x10] =	vst v0  }
0x1b: {  	[tilespmem:s19+$0x0] =	vst v0  }
0x1c: {  	[tilespmem:s19+$0xFFFFFFF0] =	vst v0  }
0x1d: {  	s20 =	simm.s32 $0x0;
	[tilespmem:s19+$0xFFFFFFE0] =	vst v0  }
.LBB2_4:
0x1e: {  	s20 =	sadd.s32 $0x80, s20;
	[tilespmem:s19+$0xFFFFFFD0] =	vst v0;
	s19 =	sadd.s32 $0x80, s19  }
0x1f: {  	[tilespmem:s19+$0xFFFFFFC0] =	vst v0;
	p0 =	slt.u32 s20, $0xC780  }
0x20: {  	[tilespmem:s19+$0x30] =	vst v0  }
.Ltmp1:
0x21: {  	[tilespmem:s19+$0x20] =	vst v0;
	(pc) =	sbr.rel @p0 .LBB2_4-.Ltmp1, $4  }
0x22: {  	[tilespmem:s19+$0x10] =	vst v0  }
0x23: {  	[tilespmem:s19+$0x0] =	vst v0  }
0x24: {  	[tilespmem:s19+$0xFFFFFFF0] =	vst v0  }
0x25: {  	[tilespmem:s19+$0xFFFFFFE0] =	vst v0  }
0x26: {  	s20 =	simm.s32 $0x80  }
0x27: {  	[tilespmem:s19+$0xFFFFFFD0] =	vst v0;
	s19 =	simm.s32 $0x10;
	s22 =	sadd.s32 $0x0, s4;
	s21 =	simm.s32 $0x180  }
.LBB2_6:
0x28: {  	[tilespmem:s20], [sflag:$0x2] =	stream.linear.gather [hbm4b:s22+s2], $0x80, $0x38;
	[tilespmem:$0xE400] =	vst v63  }
0x29: {  	s22 =	smov.u32 s19;
	s20 =	smov.u32 s21;
	p0 =	sne.s32 s19, $0x1B0  }
.Ltmp2:
0x2a: {  	s19 =	sadd.s32 $0x10, s19;
	(pc) =	sbr.rel @p0 .LBB2_6-.Ltmp2, $2  }
0x2b: {  	_ =	sdelay $0x2  }
0x2c: {  	s21 =	sadd.s32 $0x100, s21;
	s22 =	sadd.s32 s22, s4  }
0x2d: {  	[tilespmem:s20], [sflag:$0x2] =	stream.linear.gather [hbm4b:s22+s2], $0x80, $0x38;
	[tilespmem:$0xE400] =	vst v63  }
0x2e: {  	_ =	swait.ge [sflag:s12], $0xE00  }
0x2f: {  	[sflag:s12] =	ssyncset.done $0x0  }
0x30: {  	s19 =	simm.s32 $0x40;
	[sflag:s12] =	ssyncadd.s32 $0xFFFFF200  }
0x31: {  	v3 =	vld [tilespmem:s19+$0xFFFFFFC0]  }
0x32: {  	v4 =	vld [tilespmem:s19+$0x30]  }
0x33: {  	v5 =	vld [tilespmem:s19+$0x20]  }
0x34: {  	v6 =	vld [tilespmem:s19+$0x10]  }
0x35: {  	v7 =	vld [tilespmem:s19+$0x0]  }
0x36: {  	v8 =	vld [tilespmem:s19+$0xFFFFFFF0]  }
0x37: {  	v9 =	vld [tilespmem:s19+$0xFFFFFFE0]  }
0x38: {  	v2 =	vld [tilespmem:s19+$0xFFFFFFD0]  }
0x39: {  	[tilespmem:v3+s13+$0x0] =	vst.idx.add.f32.msk $0xffff, v1  }
0x3a: {  	[tilespmem:v4+s13+$0x0] =	vst.idx.add.f32.msk $0xffff, v1  }
0x3b: {  	[tilespmem:v5+s13+$0x0] =	vst.idx.add.f32.msk $0xffff, v1  }
0x3c: {  	[tilespmem:v6+s13+$0x0] =	vst.idx.add.f32.msk $0xffff, v1  }
0x3d: {  	[tilespmem:v7+s13+$0x0] =	vst.idx.add.f32.msk $0xffff, v1  }
0x3e: {  	[tilespmem:v8+s13+$0x0] =	vst.idx.add.f32.msk $0xffff, v1  }
0x3f: {  	s20 =	simm.s32 $0x0;
	[tilespmem:v9+s13+$0x0] =	vst.idx.add.f32.msk $0xffff, v1  }
.LBB2_8:
0x40: {  	s20 =	sadd.s32 $0x80, s20;
	[tilespmem:v2+s13+$0x0] =	vst.idx.add.f32.msk $0xffff, v1;
	s19 =	sadd.s32 $0x100, s19  }
0x41: {  	v3 =	vld [tilespmem:s19+$0xFFFFFFC0];
	p0 =	slt.u32 s20, $0xD80  }
0x42: {  	v4 =	vld [tilespmem:s19+$0x30]  }
0x43: {  	v5 =	vld [tilespmem:s19+$0x20]  }
0x44: {  	v6 =	vld [tilespmem:s19+$0x10]  }
0x45: {  	v7 =	vld [tilespmem:s19+$0x0]  }
0x46: {  	v8 =	vld [tilespmem:s19+$0xFFFFFFF0]  }
0x47: {  	v9 =	vld [tilespmem:s19+$0xFFFFFFE0]  }
0x48: {  	v2 =	vld [tilespmem:s19+$0xFFFFFFD0]  }
0x49: {  	[tilespmem:v3+s13+$0x0] =	vst.idx.add.f32.msk $0xffff, v1  }
0x4a: {  	[tilespmem:v4+s13+$0x0] =	vst.idx.add.f32.msk $0xffff, v1  }
.Ltmp3:
0x4b: {  	[tilespmem:v5+s13+$0x0] =	vst.idx.add.f32.msk $0xffff, v1;
	(pc) =	sbr.rel @p0 .LBB2_8-.Ltmp3, $4  }
0x4c: {  	[tilespmem:v6+s13+$0x0] =	vst.idx.add.f32.msk $0xffff, v1  }
0x4d: {  	[tilespmem:v7+s13+$0x0] =	vst.idx.add.f32.msk $0xffff, v1  }
0x4e: {  	[tilespmem:v8+s13+$0x0] =	vst.idx.add.f32.msk $0xffff, v1  }
0x4f: {  	[tilespmem:v9+s13+$0x0] =	vst.idx.add.f32.msk $0xffff, v1  }
0x50: {  	_ =	sdelay $0x2  }
0x51: {  	s19 =	simm.s32 $0x0  }
0x52: {  	[tilespmem:v2+s13+$0x0] =	vst.idx.add.f32.msk $0xffff, v1;
	s20 =	simm.s32 $0x10;
	s22 =	sadd.s32 $0x0, s5;
	s21 =	simm.s32 $0x100  }
.LBB2_10:
0x53: {  	[tilespmem:s19], [sflag:$0x1] =	stream.linear.gather [hbm4b:s22+s2], $0x80, $0x38;
	[tilespmem:$0xE400] =	vst v63  }
0x54: {  	s22 =	smov.u32 s20;
	s19 =	smov.u32 s21;
	p0 =	sne.s32 s20, $0x1B0  }
.Ltmp4:
0x55: {  	s20 =	sadd.s32 $0x10, s20;
	(pc) =	sbr.rel @p0 .LBB2_10-.Ltmp4, $2  }
0x56: {  	_ =	sdelay $0x2  }
0x57: {  	s21 =	sadd.s32 $0x100, s21;
	s22 =	sadd.s32 s22, s5  }
0x58: {  	[tilespmem:s19], [sflag:$0x1] =	stream.linear.gather [hbm4b:s22+s2], $0x80, $0x38;
	[tilespmem:$0xE400] =	vst v63  }
0x59: {  	_ =	swait.ge [sflag:s14], $0xE00  }
0x5a: {  	[sflag:s14] =	ssyncset.done $0x0  }
0x5b: {  	s19 =	simm.s32 $0xF0;
	[sflag:s14] =	ssyncadd.s32 $0xFFFFF200  }
0x5c: {  	v3 =	vld [tilespmem:s19+$0xFFFFFF90]  }
0x5d: {  	v4 =	vld [tilespmem:s19+$0x0]  }
0x5e: {  	v5 =	vld [tilespmem:s19+$0xFFFFFFF0]  }
0x5f: {  	v6 =	vld [tilespmem:s19+$0xFFFFFFE0]  }
0x60: {  	v7 =	vld [tilespmem:s19+$0xFFFFFFD0]  }
0x61: {  	v8 =	vld [tilespmem:s19+$0xFFFFFFC0]  }
0x62: {  	v9 =	vld [tilespmem:s19+$0xFFFFFFB0]  }
0x63: {  	v2 =	vld [tilespmem:s19+$0xFFFFFFA0]  }
0x64: {  	[tilespmem:v3+s13+$0x0] =	vst.idx.add.f32.msk $0xffff, v1  }
0x65: {  	[tilespmem:v4+s13+$0x0] =	vst.idx.add.f32.msk $0xffff, v1  }
0x66: {  	[tilespmem:v5+s13+$0x0] =	vst.idx.add.f32.msk $0xffff, v1  }
0x67: {  	[tilespmem:v6+s13+$0x0] =	vst.idx.add.f32.msk $0xffff, v1  }
0x68: {  	[tilespmem:v7+s13+$0x0] =	vst.idx.add.f32.msk $0xffff, v1  }
0x69: {  	[tilespmem:v8+s13+$0x0] =	vst.idx.add.f32.msk $0xffff, v1  }
0x6a: {  	s20 =	simm.s32 $0x0;
	[tilespmem:v9+s13+$0x0] =	vst.idx.add.f32.msk $0xffff, v1  }
.LBB2_12:
0x6b: {  	s20 =	sadd.s32 $0x80, s20;
	[tilespmem:v2+s13+$0x0] =	vst.idx.add.f32.msk $0xffff, v1;
	s19 =	sadd.s32 $0x100, s19  }
0x6c: {  	v3 =	vld [tilespmem:s19+$0xFFFFFF90];
	p0 =	slt.u32 s20, $0xD80  }
0x6d: {  	v4 =	vld [tilespmem:s19+$0x0]  }
0x6e: {  	v5 =	vld [tilespmem:s19+$0xFFFFFFF0]  }
0x6f: {  	v6 =	vld [tilespmem:s19+$0xFFFFFFE0]  }
0x70: {  	v7 =	vld [tilespmem:s19+$0xFFFFFFD0]  }
0x71: {  	v8 =	vld [tilespmem:s19+$0xFFFFFFC0]  }
0x72: {  	v9 =	vld [tilespmem:s19+$0xFFFFFFB0]  }
0x73: {  	v2 =	vld [tilespmem:s19+$0xFFFFFFA0]  }
0x74: {  	[tilespmem:v3+s13+$0x0] =	vst.idx.add.f32.msk $0xffff, v1  }
0x75: {  	[tilespmem:v4+s13+$0x0] =	vst.idx.add.f32.msk $0xffff, v1  }
.Ltmp5:
0x76: {  	[tilespmem:v5+s13+$0x0] =	vst.idx.add.f32.msk $0xffff, v1;
	(pc) =	sbr.rel @p0 .LBB2_12-.Ltmp5, $4  }
0x77: {  	[tilespmem:v6+s13+$0x0] =	vst.idx.add.f32.msk $0xffff, v1  }
0x78: {  	[tilespmem:v7+s13+$0x0] =	vst.idx.add.f32.msk $0xffff, v1  }
0x79: {  	[tilespmem:v8+s13+$0x0] =	vst.idx.add.f32.msk $0xffff, v1  }
0x7a: {  	[tilespmem:v9+s13+$0x0] =	vst.idx.add.f32.msk $0xffff, v1  }
0x7b: {  	_ =	sdelay $0x2  }
0x7c: {  	s19 =	simm.s32 $0x80  }
0x7d: {  	[tilespmem:v2+s13+$0x0] =	vst.idx.add.f32.msk $0xffff, v1;
	s20 =	simm.s32 $0x10;
	s22 =	sadd.s32 $0x0, s6;
	s21 =	simm.s32 $0x180  }
.LBB2_14:
0x7e: {  	[tilespmem:s19], [sflag:$0x2] =	stream.linear.gather [hbm4b:s22+s2], $0x80, $0x38;
	[tilespmem:$0xE400] =	vst v63  }
0x7f: {  	s22 =	smov.u32 s20;
	s19 =	smov.u32 s21;
	p0 =	sne.s32 s20, $0x1B0  }
.Ltmp6:
0x80: {  	s20 =	sadd.s32 $0x10, s20;
	(pc) =	sbr.rel @p0 .LBB2_14-.Ltmp6, $2  }
0x81: {  	_ =	sdelay $0x2  }
0x82: {  	s21 =	sadd.s32 $0x100, s21;
	s22 =	sadd.s32 s22, s6  }
0x83: {  	[tilespmem:s19], [sflag:$0x2] =	stream.linear.gather [hbm4b:s22+s2], $0x80, $0x38;
	[tilespmem:$0xE400] =	vst v63  }
0x84: {  	_ =	swait.ge [sflag:s12], $0xE00  }
0x85: {  	[sflag:s12] =	ssyncset.done $0x0  }
0x86: {  	s19 =	simm.s32 $0x40;
	[sflag:s12] =	ssyncadd.s32 $0xFFFFF200  }
0x87: {  	v3 =	vld [tilespmem:s19+$0xFFFFFFC0]  }
0x88: {  	v4 =	vld [tilespmem:s19+$0x30]  }
0x89: {  	v5 =	vld [tilespmem:s19+$0x20]  }
0x8a: {  	v6 =	vld [tilespmem:s19+$0x10]  }
0x8b: {  	v7 =	vld [tilespmem:s19+$0x0]  }
0x8c: {  	v8 =	vld [tilespmem:s19+$0xFFFFFFF0]  }
0x8d: {  	v9 =	vld [tilespmem:s19+$0xFFFFFFE0]  }
0x8e: {  	v2 =	vld [tilespmem:s19+$0xFFFFFFD0]  }
0x8f: {  	[tilespmem:v3+s13+$0x0] =	vst.idx.add.f32.msk $0xffff, v1  }
0x90: {  	[tilespmem:v4+s13+$0x0] =	vst.idx.add.f32.msk $0xffff, v1  }
0x91: {  	[tilespmem:v5+s13+$0x0] =	vst.idx.add.f32.msk $0xffff, v1  }
0x92: {  	[tilespmem:v6+s13+$0x0] =	vst.idx.add.f32.msk $0xffff, v1  }
0x93: {  	[tilespmem:v7+s13+$0x0] =	vst.idx.add.f32.msk $0xffff, v1  }
0x94: {  	[tilespmem:v8+s13+$0x0] =	vst.idx.add.f32.msk $0xffff, v1  }
0x95: {  	s20 =	simm.s32 $0x0;
	[tilespmem:v9+s13+$0x0] =	vst.idx.add.f32.msk $0xffff, v1  }
.LBB2_16:
0x96: {  	s20 =	sadd.s32 $0x80, s20;
	[tilespmem:v2+s13+$0x0] =	vst.idx.add.f32.msk $0xffff, v1;
	s19 =	sadd.s32 $0x100, s19  }
0x97: {  	v3 =	vld [tilespmem:s19+$0xFFFFFFC0];
	p0 =	slt.u32 s20, $0xD80  }
0x98: {  	v4 =	vld [tilespmem:s19+$0x30]  }
0x99: {  	v5 =	vld [tilespmem:s19+$0x20]  }
0x9a: {  	v6 =	vld [tilespmem:s19+$0x10]  }
0x9b: {  	v7 =	vld [tilespmem:s19+$0x0]  }
0x9c: {  	v8 =	vld [tilespmem:s19+$0xFFFFFFF0]  }
0x9d: {  	v9 =	vld [tilespmem:s19+$0xFFFFFFE0]  }
0x9e: {  	v2 =	vld [tilespmem:s19+$0xFFFFFFD0]  }
0x9f: {  	[tilespmem:v3+s13+$0x0] =	vst.idx.add.f32.msk $0xffff, v1  }
0xa0: {  	[tilespmem:v4+s13+$0x0] =	vst.idx.add.f32.msk $0xffff, v1  }
.Ltmp7:
0xa1: {  	[tilespmem:v5+s13+$0x0] =	vst.idx.add.f32.msk $0xffff, v1;
	(pc) =	sbr.rel @p0 .LBB2_16-.Ltmp7, $4  }
0xa2: {  	[tilespmem:v6+s13+$0x0] =	vst.idx.add.f32.msk $0xffff, v1  }
0xa3: {  	[tilespmem:v7+s13+$0x0] =	vst.idx.add.f32.msk $0xffff, v1  }
0xa4: {  	[tilespmem:v8+s13+$0x0] =	vst.idx.add.f32.msk $0xffff, v1  }
0xa5: {  	[tilespmem:v9+s13+$0x0] =	vst.idx.add.f32.msk $0xffff, v1  }
0xa6: {  	_ =	sdelay $0x2  }
0xa7: {  	s19 =	simm.s32 $0x0  }
0xa8: {  	[tilespmem:v2+s13+$0x0] =	vst.idx.add.f32.msk $0xffff, v1;
	s20 =	simm.s32 $0x10;
	s22 =	sadd.s32 $0x0, s7;
	s21 =	simm.s32 $0x100  }
.LBB2_18:
0xa9: {  	[tilespmem:s19], [sflag:$0x1] =	stream.linear.gather [hbm4b:s22+s2], $0x80, $0x38;
	[tilespmem:$0xE400] =	vst v63  }
0xaa: {  	s22 =	smov.u32 s20;
	s19 =	smov.u32 s21;
	p0 =	sne.s32 s20, $0x1B0  }
.Ltmp8:
0xab: {  	s20 =	sadd.s32 $0x10, s20;
	(pc) =	sbr.rel @p0 .LBB2_18-.Ltmp8, $2  }
0xac: {  	_ =	sdelay $0x2  }
0xad: {  	s21 =	sadd.s32 $0x100, s21;
	s22 =	sadd.s32 s22, s7  }
0xae: {  	[tilespmem:s19], [sflag:$0x1] =	stream.linear.gather [hbm4b:s22+s2], $0x80, $0x38;
	[tilespmem:$0xE400] =	vst v63  }
0xaf: {  	_ =	swait.ge [sflag:s14], $0xE00  }
0xb0: {  	[sflag:s14] =	ssyncset.done $0x0  }
0xb1: {  	s19 =	simm.s32 $0xF0;
	[sflag:s14] =	ssyncadd.s32 $0xFFFFF200  }
0xb2: {  	v3 =	vld [tilespmem:s19+$0xFFFFFF90]  }
0xb3: {  	v4 =	vld [tilespmem:s19+$0x0]  }
0xb4: {  	v5 =	vld [tilespmem:s19+$0xFFFFFFF0]  }
0xb5: {  	v6 =	vld [tilespmem:s19+$0xFFFFFFE0]  }
0xb6: {  	v7 =	vld [tilespmem:s19+$0xFFFFFFD0]  }
0xb7: {  	v8 =	vld [tilespmem:s19+$0xFFFFFFC0]  }
0xb8: {  	v9 =	vld [tilespmem:s19+$0xFFFFFFB0]  }
0xb9: {  	v2 =	vld [tilespmem:s19+$0xFFFFFFA0]  }
0xba: {  	[tilespmem:v3+s13+$0x0] =	vst.idx.add.f32.msk $0xffff, v1  }
0xbb: {  	[tilespmem:v4+s13+$0x0] =	vst.idx.add.f32.msk $0xffff, v1  }
0xbc: {  	[tilespmem:v5+s13+$0x0] =	vst.idx.add.f32.msk $0xffff, v1  }
0xbd: {  	[tilespmem:v6+s13+$0x0] =	vst.idx.add.f32.msk $0xffff, v1  }
0xbe: {  	[tilespmem:v7+s13+$0x0] =	vst.idx.add.f32.msk $0xffff, v1  }
0xbf: {  	[tilespmem:v8+s13+$0x0] =	vst.idx.add.f32.msk $0xffff, v1  }
0xc0: {  	s20 =	simm.s32 $0x0;
	[tilespmem:v9+s13+$0x0] =	vst.idx.add.f32.msk $0xffff, v1  }
.LBB2_20:
0xc1: {  	s20 =	sadd.s32 $0x80, s20;
	[tilespmem:v2+s13+$0x0] =	vst.idx.add.f32.msk $0xffff, v1;
	s19 =	sadd.s32 $0x100, s19  }
0xc2: {  	v3 =	vld [tilespmem:s19+$0xFFFFFF90];
	p0 =	slt.u32 s20, $0xD80  }
0xc3: {  	v4 =	vld [tilespmem:s19+$0x0]  }
0xc4: {  	v5 =	vld [tilespmem:s19+$0xFFFFFFF0]  }
0xc5: {  	v6 =	vld [tilespmem:s19+$0xFFFFFFE0]  }
0xc6: {  	v7 =	vld [tilespmem:s19+$0xFFFFFFD0]  }
0xc7: {  	v8 =	vld [tilespmem:s19+$0xFFFFFFC0]  }
0xc8: {  	v9 =	vld [tilespmem:s19+$0xFFFFFFB0]  }
0xc9: {  	v2 =	vld [tilespmem:s19+$0xFFFFFFA0]  }
0xca: {  	[tilespmem:v3+s13+$0x0] =	vst.idx.add.f32.msk $0xffff, v1  }
0xcb: {  	[tilespmem:v4+s13+$0x0] =	vst.idx.add.f32.msk $0xffff, v1  }
.Ltmp9:
0xcc: {  	[tilespmem:v5+s13+$0x0] =	vst.idx.add.f32.msk $0xffff, v1;
	(pc) =	sbr.rel @p0 .LBB2_20-.Ltmp9, $4  }
0xcd: {  	[tilespmem:v6+s13+$0x0] =	vst.idx.add.f32.msk $0xffff, v1  }
0xce: {  	[tilespmem:v7+s13+$0x0] =	vst.idx.add.f32.msk $0xffff, v1  }
0xcf: {  	[tilespmem:v8+s13+$0x0] =	vst.idx.add.f32.msk $0xffff, v1  }
0xd0: {  	[tilespmem:v9+s13+$0x0] =	vst.idx.add.f32.msk $0xffff, v1  }
0xd1: {  	_ =	sdelay $0x2  }
0xd2: {  	s19 =	simm.s32 $0x80  }
0xd3: {  	[tilespmem:v2+s13+$0x0] =	vst.idx.add.f32.msk $0xffff, v1;
	s20 =	simm.s32 $0x10;
	s22 =	sadd.s32 $0x0, s8;
	s21 =	simm.s32 $0x180  }
.LBB2_22:
0xd4: {  	[tilespmem:s19], [sflag:$0x2] =	stream.linear.gather [hbm4b:s22+s2], $0x80, $0x38;
	[tilespmem:$0xE400] =	vst v63  }
0xd5: {  	s22 =	smov.u32 s20;
	s19 =	smov.u32 s21;
	p0 =	sne.s32 s20, $0x1B0  }
.Ltmp10:
0xd6: {  	s20 =	sadd.s32 $0x10, s20;
	(pc) =	sbr.rel @p0 .LBB2_22-.Ltmp10, $2  }
0xd7: {  	_ =	sdelay $0x2  }
0xd8: {  	s21 =	sadd.s32 $0x100, s21;
	s22 =	sadd.s32 s22, s8  }
0xd9: {  	[tilespmem:s19], [sflag:$0x2] =	stream.linear.gather [hbm4b:s22+s2], $0x80, $0x38;
	[tilespmem:$0xE400] =	vst v63  }
0xda: {  	_ =	swait.ge [sflag:s12], $0xE00  }
0xdb: {  	[sflag:s12] =	ssyncset.done $0x0  }
0xdc: {  	s19 =	simm.s32 $0x40;
	[sflag:s12] =	ssyncadd.s32 $0xFFFFF200  }
0xdd: {  	v3 =	vld [tilespmem:s19+$0xFFFFFFC0]  }
0xde: {  	v4 =	vld [tilespmem:s19+$0x30]  }
0xdf: {  	v5 =	vld [tilespmem:s19+$0x20]  }
0xe0: {  	v6 =	vld [tilespmem:s19+$0x10]  }
0xe1: {  	v7 =	vld [tilespmem:s19+$0x0]  }
0xe2: {  	v8 =	vld [tilespmem:s19+$0xFFFFFFF0]  }
0xe3: {  	v9 =	vld [tilespmem:s19+$0xFFFFFFE0]  }
0xe4: {  	v2 =	vld [tilespmem:s19+$0xFFFFFFD0]  }
0xe5: {  	[tilespmem:v3+s13+$0x0] =	vst.idx.add.f32.msk $0xffff, v1  }
0xe6: {  	[tilespmem:v4+s13+$0x0] =	vst.idx.add.f32.msk $0xffff, v1  }
0xe7: {  	[tilespmem:v5+s13+$0x0] =	vst.idx.add.f32.msk $0xffff, v1  }
0xe8: {  	[tilespmem:v6+s13+$0x0] =	vst.idx.add.f32.msk $0xffff, v1  }
0xe9: {  	[tilespmem:v7+s13+$0x0] =	vst.idx.add.f32.msk $0xffff, v1  }
0xea: {  	[tilespmem:v8+s13+$0x0] =	vst.idx.add.f32.msk $0xffff, v1  }
0xeb: {  	s20 =	simm.s32 $0x0;
	[tilespmem:v9+s13+$0x0] =	vst.idx.add.f32.msk $0xffff, v1  }
.LBB2_24:
0xec: {  	s20 =	sadd.s32 $0x80, s20;
	[tilespmem:v2+s13+$0x0] =	vst.idx.add.f32.msk $0xffff, v1;
	s19 =	sadd.s32 $0x100, s19  }
0xed: {  	v3 =	vld [tilespmem:s19+$0xFFFFFFC0];
	p0 =	slt.u32 s20, $0xD80  }
0xee: {  	v4 =	vld [tilespmem:s19+$0x30]  }
0xef: {  	v5 =	vld [tilespmem:s19+$0x20]  }
0xf0: {  	v6 =	vld [tilespmem:s19+$0x10]  }
0xf1: {  	v7 =	vld [tilespmem:s19+$0x0]  }
0xf2: {  	v8 =	vld [tilespmem:s19+$0xFFFFFFF0]  }
0xf3: {  	v9 =	vld [tilespmem:s19+$0xFFFFFFE0]  }
0xf4: {  	v2 =	vld [tilespmem:s19+$0xFFFFFFD0]  }
0xf5: {  	[tilespmem:v3+s13+$0x0] =	vst.idx.add.f32.msk $0xffff, v1  }
0xf6: {  	[tilespmem:v4+s13+$0x0] =	vst.idx.add.f32.msk $0xffff, v1  }
.Ltmp11:
0xf7: {  	[tilespmem:v5+s13+$0x0] =	vst.idx.add.f32.msk $0xffff, v1;
	(pc) =	sbr.rel @p0 .LBB2_24-.Ltmp11, $4  }
0xf8: {  	[tilespmem:v6+s13+$0x0] =	vst.idx.add.f32.msk $0xffff, v1  }
0xf9: {  	[tilespmem:v7+s13+$0x0] =	vst.idx.add.f32.msk $0xffff, v1  }
0xfa: {  	[tilespmem:v8+s13+$0x0] =	vst.idx.add.f32.msk $0xffff, v1  }
0xfb: {  	[tilespmem:v9+s13+$0x0] =	vst.idx.add.f32.msk $0xffff, v1  }
0xfc: {  	_ =	sdelay $0x2  }
0xfd: {  	s19 =	simm.s32 $0x0  }
0xfe: {  	[tilespmem:v2+s13+$0x0] =	vst.idx.add.f32.msk $0xffff, v1;
	s20 =	simm.s32 $0x10;
	s22 =	sadd.s32 $0x0, s9;
	s21 =	simm.s32 $0x100  }
.LBB2_26:
0xff: {  	[tilespmem:s19], [sflag:$0x1] =	stream.linear.gather [hbm4b:s22+s2], $0x80, $0x38;
	[tilespmem:$0xE400] =	vst v63  }
0x100: {  	s22 =	smov.u32 s20;
	s19 =	smov.u32 s21;
	p0 =	sne.s32 s20, $0x1B0  }
.Ltmp12:
0x101: {  	s20 =	sadd.s32 $0x10, s20;
	(pc) =	sbr.rel @p0 .LBB2_26-.Ltmp12, $2  }
0x102: {  	_ =	sdelay $0x2  }
0x103: {  	s21 =	sadd.s32 $0x100, s21;
	s22 =	sadd.s32 s22, s9  }
0x104: {  	[tilespmem:s19], [sflag:$0x1] =	stream.linear.gather [hbm4b:s22+s2], $0x80, $0x38;
	[tilespmem:$0xE400] =	vst v63  }
0x105: {  	_ =	swait.ge [sflag:s14], $0xE00  }
0x106: {  	[sflag:s14] =	ssyncset.done $0x0  }
0x107: {  	s19 =	simm.s32 $0xF0;
	[sflag:s14] =	ssyncadd.s32 $0xFFFFF200  }
0x108: {  	v3 =	vld [tilespmem:s19+$0xFFFFFF90]  }
0x109: {  	v4 =	vld [tilespmem:s19+$0x0]  }
0x10a: {  	v5 =	vld [tilespmem:s19+$0xFFFFFFF0]  }
0x10b: {  	v6 =	vld [tilespmem:s19+$0xFFFFFFE0]  }
0x10c: {  	v7 =	vld [tilespmem:s19+$0xFFFFFFD0]  }
0x10d: {  	v8 =	vld [tilespmem:s19+$0xFFFFFFC0]  }
0x10e: {  	v9 =	vld [tilespmem:s19+$0xFFFFFFB0]  }
0x10f: {  	v2 =	vld [tilespmem:s19+$0xFFFFFFA0]  }
0x110: {  	[tilespmem:v3+s13+$0x0] =	vst.idx.add.f32.msk $0xffff, v1  }
0x111: {  	[tilespmem:v4+s13+$0x0] =	vst.idx.add.f32.msk $0xffff, v1  }
0x112: {  	[tilespmem:v5+s13+$0x0] =	vst.idx.add.f32.msk $0xffff, v1  }
0x113: {  	[tilespmem:v6+s13+$0x0] =	vst.idx.add.f32.msk $0xffff, v1  }
0x114: {  	[tilespmem:v7+s13+$0x0] =	vst.idx.add.f32.msk $0xffff, v1  }
0x115: {  	[tilespmem:v8+s13+$0x0] =	vst.idx.add.f32.msk $0xffff, v1  }
0x116: {  	s20 =	simm.s32 $0x0;
	[tilespmem:v9+s13+$0x0] =	vst.idx.add.f32.msk $0xffff, v1  }
.LBB2_28:
0x117: {  	s20 =	sadd.s32 $0x80, s20;
	[tilespmem:v2+s13+$0x0] =	vst.idx.add.f32.msk $0xffff, v1;
	s19 =	sadd.s32 $0x100, s19  }
0x118: {  	v3 =	vld [tilespmem:s19+$0xFFFFFF90];
	p0 =	slt.u32 s20, $0xD80  }
0x119: {  	v4 =	vld [tilespmem:s19+$0x0]  }
0x11a: {  	v5 =	vld [tilespmem:s19+$0xFFFFFFF0]  }
0x11b: {  	v6 =	vld [tilespmem:s19+$0xFFFFFFE0]  }
0x11c: {  	v7 =	vld [tilespmem:s19+$0xFFFFFFD0]  }
0x11d: {  	v8 =	vld [tilespmem:s19+$0xFFFFFFC0]  }
0x11e: {  	v9 =	vld [tilespmem:s19+$0xFFFFFFB0]  }
0x11f: {  	v2 =	vld [tilespmem:s19+$0xFFFFFFA0]  }
0x120: {  	[tilespmem:v3+s13+$0x0] =	vst.idx.add.f32.msk $0xffff, v1  }
0x121: {  	[tilespmem:v4+s13+$0x0] =	vst.idx.add.f32.msk $0xffff, v1  }
.Ltmp13:
0x122: {  	[tilespmem:v5+s13+$0x0] =	vst.idx.add.f32.msk $0xffff, v1;
	(pc) =	sbr.rel @p0 .LBB2_28-.Ltmp13, $4  }
0x123: {  	[tilespmem:v6+s13+$0x0] =	vst.idx.add.f32.msk $0xffff, v1  }
0x124: {  	[tilespmem:v7+s13+$0x0] =	vst.idx.add.f32.msk $0xffff, v1  }
0x125: {  	[tilespmem:v8+s13+$0x0] =	vst.idx.add.f32.msk $0xffff, v1  }
0x126: {  	[tilespmem:v9+s13+$0x0] =	vst.idx.add.f32.msk $0xffff, v1  }
0x127: {  	_ =	sdelay $0x3  }
0x128: {  	[tilespmem:v2+s13+$0x0] =	vst.idx.add.f32.msk $0xffff, v1  }
0x129: {  	_ =	swait.ge [sflag:s12], $0xE00  }
0x12a: {  	[sflag:s12] =	ssyncset.done $0x0  }
0x12b: {  	s19 =	simm.s32 $0x40;
	[sflag:s12] =	ssyncadd.s32 $0xFFFFF200  }
0x12c: {  	v3 =	vld [tilespmem:s19+$0xFFFFFFC0]  }
0x12d: {  	v4 =	vld [tilespmem:s19+$0x30]  }
0x12e: {  	v5 =	vld [tilespmem:s19+$0x20]  }
0x12f: {  	v6 =	vld [tilespmem:s19+$0x10]  }
0x130: {  	v7 =	vld [tilespmem:s19+$0x0]  }
0x131: {  	v8 =	vld [tilespmem:s19+$0xFFFFFFF0]  }
0x132: {  	v9 =	vld [tilespmem:s19+$0xFFFFFFE0]  }
0x133: {  	v2 =	vld [tilespmem:s19+$0xFFFFFFD0]  }
0x134: {  	[tilespmem:v3+s13+$0x0] =	vst.idx.add.f32.msk $0xffff, v1  }
0x135: {  	[tilespmem:v4+s13+$0x0] =	vst.idx.add.f32.msk $0xffff, v1  }
0x136: {  	[tilespmem:v5+s13+$0x0] =	vst.idx.add.f32.msk $0xffff, v1  }
0x137: {  	[tilespmem:v6+s13+$0x0] =	vst.idx.add.f32.msk $0xffff, v1  }
0x138: {  	[tilespmem:v7+s13+$0x0] =	vst.idx.add.f32.msk $0xffff, v1  }
0x139: {  	[tilespmem:v8+s13+$0x0] =	vst.idx.add.f32.msk $0xffff, v1  }
0x13a: {  	s20 =	simm.s32 $0x0;
	[tilespmem:v9+s13+$0x0] =	vst.idx.add.f32.msk $0xffff, v1  }
.LBB2_30:
0x13b: {  	s20 =	sadd.s32 $0x80, s20;
	[tilespmem:v2+s13+$0x0] =	vst.idx.add.f32.msk $0xffff, v1;
	s19 =	sadd.s32 $0x100, s19  }
0x13c: {  	v3 =	vld [tilespmem:s19+$0xFFFFFFC0];
	p0 =	slt.u32 s20, $0xD80  }
0x13d: {  	v4 =	vld [tilespmem:s19+$0x30]  }
0x13e: {  	v5 =	vld [tilespmem:s19+$0x20]  }
0x13f: {  	v6 =	vld [tilespmem:s19+$0x10]  }
0x140: {  	v7 =	vld [tilespmem:s19+$0x0]  }
0x141: {  	v8 =	vld [tilespmem:s19+$0xFFFFFFF0]  }
0x142: {  	v9 =	vld [tilespmem:s19+$0xFFFFFFE0]  }
0x143: {  	v2 =	vld [tilespmem:s19+$0xFFFFFFD0]  }
0x144: {  	[tilespmem:v3+s13+$0x0] =	vst.idx.add.f32.msk $0xffff, v1  }
0x145: {  	[tilespmem:v4+s13+$0x0] =	vst.idx.add.f32.msk $0xffff, v1  }
.Ltmp14:
0x146: {  	[tilespmem:v5+s13+$0x0] =	vst.idx.add.f32.msk $0xffff, v1;
	(pc) =	sbr.rel @p0 .LBB2_30-.Ltmp14, $4  }
0x147: {  	[tilespmem:v6+s13+$0x0] =	vst.idx.add.f32.msk $0xffff, v1  }
0x148: {  	[tilespmem:v7+s13+$0x0] =	vst.idx.add.f32.msk $0xffff, v1  }
0x149: {  	[tilespmem:v8+s13+$0x0] =	vst.idx.add.f32.msk $0xffff, v1  }
0x14a: {  	[tilespmem:v9+s13+$0x0] =	vst.idx.add.f32.msk $0xffff, v1  }
0x14b: {  	_ =	sdelay $0x1  }
0x14c: {  	s18 =	sadd.s32 $0x1, s18  }
0x14d: {  	p0 =	sne.s32 s18, s11  }
.Ltmp15:
0x14e: {  	[tilespmem:v2+s13+$0x0] =	vst.idx.add.f32.msk $0xffff, v1;
	(pc) =	sbr.rel @p0 .LBB2_1-.Ltmp15, $4  }
0x14f: {  	[hbm4b:s10+s15] =	stream.strided.scatter [tilespmem:s13], [sflag:$0x3], $0xC800, s16, s15, $0x38;
	[tilespmem:$0xE400] =	vst v63  }
0x150: {  	_ =	swait.ge [sflag:s17], $0xC800  }
0x151: {  	[sflag:s17] =	ssyncset.done $0x0  }
0x152: {  	[sflag:s17] =	ssyncadd.s32 $0xFFFF3800  }
0x153: {  	_ =	sfence.sel $0x180000  }
0x154: {  	[bflag:$0x0] =	sbarrier.arrive $0xFFFF  }
0x155: {  	p0 =	sne.s32 s1, $0x0;
	_ =	strace $0x90000047  }
0x156: {  	s0 =	sadd.s32 @!p0 $0x100000, s0;
	[bflag:$0x2] =	sbarrier.arrive $0xFFFF  }
0x157: {  	[sflag:s0] =	ssyncadd.tile.s32 @!p0 $0x1;
	_ =	shalt  }
.Lfunc_end2:
_tile_overlayer_lowered:
.L_overlay_start_2:
0x158: {  	(tag) =	ssettag $0x2  }
0x159: {  	s0 =	rddreg [dreg:$0x0];
	s2 =	stileid.u32  }
0x15a: {  	s1 =	rddreg [dreg:$0x1];
	p0 =	sne.s32 s2, $0x0  }
0x15b: {  	s3 =	rddreg [dreg:$0x2];
	[bflag:$0x3] =	sbarrier.arrive $0xFFFF;
	s2 =	simm.s32 @!p0 $0x1C03  }
0x15c: {  	[timem:s3], [sflag:s2] =	dma.local @!p0 [hbm:s0], s1  }
0x15d: {  	s0 =	simm.s32 @!p0 $0x3  }
0x15e: {  	_ =	swait.ge @!p0 [sflag:s0], s1  }
0x15f: {  	s1 =	ssub.s32 @!p0 $0x0, s1;
	[sflag:s0] =	ssyncset.done @!p0 $0x0  }
0x160: {  	[sflag:s0] =	ssyncadd.s32 @!p0 s1  }
0x161: {  	[bflag:$0x3] =	sbarrier.arrive $0xFFFF  }
0x162: {  	_ =	shalt  }

</sc_bundles>
